<compile_context>
chip_gen: v7x
topology: tpu7x:2x2x1
jax: 0.10.2.dev20260603
libtpu: 0.0.44.dev20260713+nightly
codegen_flags: <defaults>
</compile_context>

<pallas_src>
import functools

import jax
import jax.numpy as jnp
from jax import lax
from jax.experimental import pallas as pl
from jax.experimental.pallas import tpu as pltpu
from jax.experimental.pallas import tpu_sc as plsc

NC = 2
NS = 16
LANES = 16
RESERVOIR_HEAD = 50.0


def _build_main(B, N, E, K):
    EQ = E // 4
    assert EQ % K == 0 and K % LANES == 0 and N % LANES == 0

    mesh = plsc.VectorSubcoreMesh(
        core_axis_name="c", subcore_axis_name="s",
        num_cores=NC, num_subcores=NS)

    NB = EQ // K
    assert NB % 2 == 0 and K % 128 == 0
    NO = NB // 2
    NR = K // 128
    BPC = B // NC
    assert NS == 4 * BPC
    NQ4 = N // 4
    CH = 1000
    CHP = 1008
    NCH = NQ4 // CH
    assert NQ4 % CH == 0 and N % 4 == 0

    @functools.partial(
        pl.kernel,
        out_type=[
            jax.ShapeDtypeStruct((B * E,), jnp.float32),
            jax.ShapeDtypeStruct((NC * NS * LANES,), jnp.float32),
            jax.ShapeDtypeStruct((LANES,), jnp.float32),
            jax.ShapeDtypeStruct((NC * NS * N,), jnp.float32),
        ],
        mesh=mesh,
        scratch_types=[
            pltpu.VMEM((N,), jnp.float32),
            pltpu.VMEM((K,), jnp.float32),
            pltpu.VMEM((K,), jnp.float32),
            pltpu.VMEM((K,), jnp.int32),
            pltpu.VMEM((K,), jnp.int32),
            pltpu.VMEM((K,), jnp.int32),
            pltpu.VMEM((K,), jnp.int32),
            pltpu.VMEM((K,), jnp.float32),
            pltpu.VMEM((K,), jnp.float32),
            pltpu.SemaphoreType.DMA,
            pltpu.SemaphoreType.DMA,
            pltpu.SemaphoreType.DMA,
            pltpu.SemaphoreType.DMA,
        ],
        compiler_params=pltpu.CompilerParams(needs_layout_passes=False),
        interpret=False,
    )
    def main(heads_flat, edge_index_flat, gsc, demands_flat,
             flows, cont_out, bound_out, partials,
             big_buf, g0, g1, s0, s1, d0, d1, f0, f1,
             lsem0, lsem1, ssem0, ssem1):
        c = lax.axis_index("c")
        s = lax.axis_index("s")
        lb = s // 4
        b = c * BPC + lb
        q = s % 4
        qbase = q * EQ
        tbase = (qbase // 128) * (B * 128) + b * 128
        bufs = ((s0, d0, g0, f0, lsem0, ssem0),
                (s1, d1, g1, f1, lsem1, ssem1))

        def start_loads1(blk, sb, db, gb, sem):
            off = qbase + blk * K
            pltpu.async_copy(edge_index_flat.at[pl.ds(off, K)], sb, sem)
            pltpu.async_copy(edge_index_flat.at[pl.ds(E + off, K)], db, sem)
            pltpu.async_copy(gsc.at[pl.ds(off, K)], gb, sem)

        def wait_loads(sb, db, gb, sem):
            pltpu.make_async_copy(edge_index_flat.at[pl.ds(0, K)], sb, sem).wait()
            pltpu.make_async_copy(edge_index_flat.at[pl.ds(0, K)], db, sem).wait()
            pltpu.make_async_copy(gsc.at[pl.ds(0, K)], gb, sem).wait()

        def wait_store(fb, sem):
            pltpu.make_async_copy(fb, flows.at[pl.ds(0, K)], sem).wait()

        def flow_run(blk, r):
            return pl.ds(tbase + (blk * NR + r) * (B * 128), 128)

        def compute1(blk, sb, db, gb, fb, sem):
            @plsc.parallel_loop(0, K, step=LANES, unroll=8)
            def _(i):
                sl = pl.ds(i, LANES)
                hi = plsc.load_gather(big_buf, [sb[sl]])
                hj = plsc.load_gather(big_buf, [db[sl]])
                fb[sl] = gb[sl] * (hi - hj)

            for r in range(NR):
                pltpu.async_copy(
                    fb.at[pl.ds(r * 128, 128)], flows.at[flow_run(blk, r)], sem)

        start_loads1(0, s0, d0, g0, lsem0)
        pltpu.sync_copy(heads_flat.at[pl.ds(b * N, N)], big_buf)

        def outer1(o, u):
            for p, (sb, db, gb, fb, lsem, ssem) in enumerate(bufs):
                blk = 2 * o + p
                nsb, ndb, ngb, _, nlsem, _ = bufs[1 - p]

                @pl.when(blk + 1 < NB)
                def _():
                    start_loads1(blk + 1, nsb, ndb, ngb, nlsem)

                wait_loads(sb, db, gb, lsem)

                @pl.when(o > 0)
                def _():
                    wait_store(fb, ssem)

                compute1(blk, sb, db, gb, fb, ssem)
            return u

        lax.fori_loop(0, NO, outer1, 0)
        wait_store(f0, ssem0)
        wait_store(f1, ssem1)

        def start_loads2(blk, sb, db, fb, sem):
            off = blk * K
            pltpu.async_copy(edge_index_flat.at[pl.ds(qbase + off, K)], sb, sem)
            pltpu.async_copy(
                edge_index_flat.at[pl.ds(E + qbase + off, K)], db, sem)
            for r in range(NR):
                pltpu.async_copy(
                    flows.at[flow_run(blk, r)], fb.at[pl.ds(r * 128, 128)], sem)

        def wait_loads2(sb, db, fb, sem):
            pltpu.make_async_copy(edge_index_flat.at[pl.ds(0, K)], sb, sem).wait()
            pltpu.make_async_copy(edge_index_flat.at[pl.ds(0, K)], db, sem).wait()
            pltpu.make_async_copy(flows.at[pl.ds(0, K)], fb, sem).wait()

        start_loads2(0, s0, d0, f0, lsem0)

        zeros16 = jnp.zeros((LANES,), jnp.float32)

        @plsc.parallel_loop(0, N, step=LANES, unroll=8)
        def _(i):
            big_buf[pl.ds(i, LANES)] = zeros16

        def outer2(o, u):
            for p, (sb, db, gb, fb, lsem, ssem) in enumerate(bufs):
                blk = 2 * o + p
                nsb, ndb, _, nfb, nlsem, _ = bufs[1 - p]

                @pl.when(blk + 1 < NB)
                def _():
                    start_loads2(blk + 1, nsb, ndb, nfb, nlsem)

                wait_loads2(sb, db, fb, lsem)

                @plsc.parallel_loop(0, K, step=LANES, unroll=8)
                def _(i):
                    sl = pl.ds(i, LANES)
                    f16 = fb[sl]
                    plsc.addupdate_scatter(big_buf, [sb[sl]], f16)
                    plsc.addupdate_scatter(big_buf, [db[sl]], -f16)
            return u

        lax.fori_loop(0, NO, outer2, 0)

        pltpu.sync_copy(big_buf, partials.at[pl.ds(((c * NS + lb * 4 + q) * N), N)])
        plsc.subcore_barrier()

        nb3 = (s % 4) * NQ4
        ACC = 10 * CHP

        def buf_off(t, r):
            return (2 * t + r) * CHP

        for t in range(5):
            for r in range(2):
                big_buf[pl.ds(buf_off(t, r) + CHP - LANES, LANES)] = zeros16
        big_buf[pl.ds(ACC, LANES)] = zeros16

        def start_loads3(ck, r, sem):
            off = nb3 + ck * CH
            for qi in range(4):
                pltpu.async_copy(
                    partials.at[pl.ds((c * NS + lb * 4 + qi) * N + off, CH)],
                    big_buf.at[pl.ds(buf_off(qi, r), CH)], sem)
            pltpu.async_copy(
                demands_flat.at[pl.ds(b * N + off, CH)],
                big_buf.at[pl.ds(buf_off(4, r), CH)], sem)

        def wait_loads3(r, sem):
            for t in range(5):
                pltpu.make_async_copy(
                    demands_flat.at[pl.ds(0, CH)],
                    big_buf.at[pl.ds(buf_off(t, r), CH)], sem).wait()

        def compute3(r):
            def vec(j, a):
                i = j * LANES
                v = ((big_buf[pl.ds(buf_off(0, r) + i, LANES)]
                      + big_buf[pl.ds(buf_off(1, r) + i, LANES)])
                     + (big_buf[pl.ds(buf_off(2, r) + i, LANES)]
                        + big_buf[pl.ds(buf_off(3, r) + i, LANES)])) \
                    - big_buf[pl.ds(buf_off(4, r) + i, LANES)]
                return a + v * v

            acc = lax.fori_loop(0, CHP // LANES, vec,
                                big_buf[pl.ds(ACC, LANES)])
            big_buf[pl.ds(ACC, LANES)] = acc

        start_loads3(0, 0, lsem0)

        def outer3(o, u):
            for p in (0, 1):
                ck = 2 * o + p
                sem = (lsem0, lsem1)[p]
                nsem = (lsem0, lsem1)[1 - p]

                @pl.when(ck < NCH)
                def _():
                    @pl.when(ck + 1 < NCH)
                    def _():
                        start_loads3(ck + 1, 1 - p, nsem)

                    wait_loads3(p, sem)
                    compute3(p)
            return u

        lax.fori_loop(0, (NCH + 1) // 2, outer3, 0)
        pltpu.sync_copy(big_buf.at[pl.ds(ACC, LANES)],
                        cont_out.at[pl.ds((c * NS + s) * LANES, LANES)])

        @pl.when(c * NS + s == 0)
        def _():
            for bi in range(B):
                pltpu.sync_copy(heads_flat.at[pl.ds(bi * N, LANES)],
                                big_buf.at[pl.ds(bi * LANES, LANES)])
            lane = lax.iota(jnp.int32, LANES)
            m4 = lane < 4
            bacc = zeros16
            for bi in range(B):
                rr = big_buf[pl.ds(bi * LANES, LANES)] - RESERVOIR_HEAD
                bacc = bacc + jnp.where(m4, rr * rr, 0.0)
            big_buf[pl.ds(ACC, LANES)] = bacc
            pltpu.sync_copy(big_buf.at[pl.ds(ACC, LANES)], bound_out)

    return main




def kernel(node_heads, demands, edge_index, edge_attr):
    B, N = node_heads.shape
    E = edge_index.shape[1]
    main = _build_main(B, N, E, K=3200)
    heads_flat = node_heads.reshape(B * N)
    flows_flat, cont_p, bound_p, _ = main(
        heads_flat, edge_index.reshape(2 * E), edge_attr[:, 0],
        demands.reshape(B * N))
    continuity = jnp.sum(cont_p) / (B * N)
    boundary = jnp.sum(bound_p) / (B * 4)
    total = continuity + boundary
    flows = flows_flat.reshape(E // 128, B, 128).transpose(1, 0, 2).reshape(B, E)
    return (continuity, boundary, total, flows)

# --- scband reference (transcript-rebuilt; emitter-appended) ---
"""Pipeline reference for scband-physics-constraint-loss-58909771432750 (READ-ONLY COPY).

The authoritative reference and input builder live on the scoring server;
editing this copy changes nothing except your own understanding.
"""

import jax, jax.numpy as jnp
import numpy as np

B = 8
N = 100000
E = 3200000
EDGE_DIM = 4
LAMBDA_PHYSICS = 1.0
RESERVOIR_NODES = jnp.array([0, 1, 2, 3], dtype=jnp.int32)
RESERVOIR_HEAD = 50.0


def setup_inputs(seed: int = 0) -> dict:
    key = jax.random.key(seed)
    k1, k2, k3, k4 = jax.random.split(key, 4)
    node_heads = jax.random.normal(k1, (B, N), dtype=jnp.float32)
    demands = jax.random.normal(k2, (B, N), dtype=jnp.float32)
    edge_index = jax.random.randint(k3, (2, E), 0, N, dtype=jnp.int32)
    edge_attr = jax.random.uniform(k4, (E, EDGE_DIM), dtype=jnp.float32)
    return {"node_heads": node_heads, "demands": demands, "edge_index": edge_index, "edge_attr": edge_attr}


def reference(node_heads, demands, edge_index, edge_attr):
    src = edge_index[0]
    dst = edge_index[1]
    conductances = edge_attr[:, 0]
    # flow constraint: Q = g * (h_i - h_j), shape [B, E]
    head_i = jnp.take(node_heads, src, axis=1)
    head_j = jnp.take(node_heads, dst, axis=1)
    head_diff = head_i - head_j
    flows = conductances[None, :] * head_diff
    # continuity constraint via scatter-add (vectorized form of the edge loop)
    net_flows = jnp.zeros((node_heads.shape[0], node_heads.shape[1]), dtype=node_heads.dtype)
    net_flows = net_flows.at[:, src].add(flows)
    net_flows = net_flows.at[:, dst].add(-flows)
    violations = net_flows - demands
    continuity_loss = jnp.mean(violations ** 2)
    # boundary condition at reservoir nodes
    predicted_reservoir_heads = jnp.take(node_heads, RESERVOIR_NODES, axis=1)
    boundary_loss = jnp.mean((predicted_reservoir_heads - RESERVOIR_HEAD) ** 2)
    total_physics_loss = (continuity_loss + boundary_loss) * LAMBDA_PHYSICS
    return (continuity_loss, boundary_loss, total_physics_loss, flows)

if __name__ == "__main__":
    import jax
    _d = setup_inputs()
    print(jax.jit(kernel)(*tuple(_d.values())))

</pallas_src>

<mosaic_0001>
#map = affine_map<(d0, d1) -> (0)>
module attributes {stable_mosaic.version = 14 : i64} {
  func.func @main(%arg0: i32, %arg1: i32, %arg2: memref<800000xf32, #tpu.memory_space<hbm>>, %arg3: memref<6400000xi32, #tpu.memory_space<hbm>>, %arg4: memref<3200000xf32, #tpu.memory_space<hbm>>, %arg5: memref<800000xf32, #tpu.memory_space<hbm>>, %arg6: memref<25600000xf32, #tpu.memory_space<hbm>>, %arg7: memref<512xf32, #tpu.memory_space<hbm>>, %arg8: memref<16xf32, #tpu.memory_space<hbm>>, %arg9: memref<3200000xf32, #tpu.memory_space<hbm>>, %arg10: memref<100000xf32, #tpu.memory_space<vmem>>, %arg11: memref<3200xf32, #tpu.memory_space<vmem>>, %arg12: memref<3200xf32, #tpu.memory_space<vmem>>, %arg13: memref<3200xi32, #tpu.memory_space<vmem>>, %arg14: memref<3200xi32, #tpu.memory_space<vmem>>, %arg15: memref<3200xi32, #tpu.memory_space<vmem>>, %arg16: memref<3200xi32, #tpu.memory_space<vmem>>, %arg17: memref<3200xf32, #tpu.memory_space<vmem>>, %arg18: memref<3200xf32, #tpu.memory_space<vmem>>, %arg19: memref<!tpu.dma_semaphore, #tpu.memory_space<semaphore_mem>>, %arg20: memref<!tpu.dma_semaphore, #tpu.memory_space<semaphore_mem>>, %arg21: memref<!tpu.dma_semaphore, #tpu.memory_space<semaphore_mem>>, %arg22: memref<!tpu.dma_semaphore, #tpu.memory_space<semaphore_mem>>) attributes {dimension_semantics = [#tpu.dimension_semantics<core_parallel>, #tpu.dimension_semantics<subcore_parallel>], iteration_bounds = array<i64: 2, 16>, scalar_prefetch = 0 : i64, scratch_operands = 13 : i64, tpu.core_type = #tpu.core_type<sc_vector_subcore>, window_params = [{transform_indices = #map}, {transform_indices = #map}, {transform_indices = #map}, {transform_indices = #map}, {transform_indices = #map}, {transform_indices = #map}, {transform_indices = #map}, {transform_indices = #map}]} {
    %jit3A = arith.constant 4 : i32
    %div3A = arith.divsi %arg1, %jit3A : i32
    %sign3A = arith.constant 0 : i32
    %sign3A_0 = arith.cmpi sgt, %arg1, %sign3A : i32
    %sign3A_1 = arith.extui %sign3A_0 : i1 to i32
    %sign3A_2 = arith.constant 0 : i32
    %sign3A_3 = arith.cmpi slt, %arg1, %sign3A_2 : i32
    %sign3A_4 = arith.extui %sign3A_3 : i1 to i32
    %sign3A_5 = arith.subi %sign3A_1, %sign3A_4 : i32
    %sign3A_6 = arith.constant 0 : i32
    %sign3A_7 = arith.cmpi sgt, %jit3A, %sign3A_6 : i32
    %sign3A_8 = arith.extui %sign3A_7 : i1 to i32
    %sign3A_9 = arith.constant 0 : i32
    %sign3A_10 = arith.cmpi slt, %jit3A, %sign3A_9 : i32
    %sign3A_11 = arith.extui %sign3A_10 : i1 to i32
    %sign3A_12 = arith.subi %sign3A_8, %sign3A_11 : i32
    %ne3A = arith.cmpi ne, %sign3A_5, %sign3A_12 : i32
    %rem3A = arith.remsi %arg1, %jit3A : i32
    %ne3A_13 = arith.constant 0 : i32
    %ne3A_14 = arith.cmpi ne, %rem3A, %ne3A_13 : i32
    %and3A = arith.andi %ne3A, %ne3A_14 : i1
    %sub3A = arith.constant 1 : i32
    %sub3A_15 = arith.subi %div3A, %sub3A : i32
    %select_n3A = arith.select %and3A, %sub3A_15, %div3A : i32
    %mul3A = arith.constant 4 : i32
    %mul3A_16 = arith.muli %arg0, %mul3A : i32
    %add3A = arith.addi %mul3A_16, %select_n3A : i32
    %jit3A_17 = arith.constant 4 : i32
    %eq3A = arith.constant 0 : i32
    %eq3A_18 = arith.cmpi eq, %jit3A_17, %eq3A : i32
    %jit3A_19 = arith.constant 1 : i32
    %select_n3A_20 = arith.select %eq3A_18, %jit3A_19, %jit3A_17 : i32
    %rem3A_21 = arith.remsi %arg1, %select_n3A_20 : i32
    %ne3A_22 = arith.constant 0 : i32
    %ne3A_23 = arith.cmpi ne, %rem3A_21, %ne3A_22 : i32
    %lt3A = arith.constant 0 : i32
    %lt3A_24 = arith.cmpi slt, %rem3A_21, %lt3A : i32
    %lt3A_25 = arith.constant 0 : i32
    %lt3A_26 = arith.cmpi slt, %select_n3A_20, %lt3A_25 : i32
    %ne3A_27 = arith.xori %lt3A_24, %lt3A_26 : i1
    %and3A_28 = arith.andi %ne3A_27, %ne3A_23 : i1
    %add3A_29 = arith.addi %rem3A_21, %select_n3A_20 : i32
    %select_n3A_30 = arith.select %and3A_28, %add3A_29, %rem3A_21 : i32
    %mul3A_31 = arith.constant 800000 : i32
    %mul3A_32 = arith.muli %select_n3A_30, %mul3A_31 : i32
    %jit3A_33 = arith.constant 128 : i32
    %div3A_34 = arith.divsi %mul3A_32, %jit3A_33 : i32
    %sign3A_35 = arith.constant 0 : i32
    %sign3A_36 = arith.cmpi sgt, %mul3A_32, %sign3A_35 : i32
    %sign3A_37 = arith.extui %sign3A_36 : i1 to i32
    %sign3A_38 = arith.constant 0 : i32
    %sign3A_39 = arith.cmpi slt, %mul3A_32, %sign3A_38 : i32
    %sign3A_40 = arith.extui %sign3A_39 : i1 to i32
    %sign3A_41 = arith.subi %sign3A_37, %sign3A_40 : i32
    %sign3A_42 = arith.constant 0 : i32
    %sign3A_43 = arith.cmpi sgt, %jit3A_33, %sign3A_42 : i32
    %sign3A_44 = arith.extui %sign3A_43 : i1 to i32
    %sign3A_45 = arith.constant 0 : i32
    %sign3A_46 = arith.cmpi slt, %jit3A_33, %sign3A_45 : i32
    %sign3A_47 = arith.extui %sign3A_46 : i1 to i32
    %sign3A_48 = arith.subi %sign3A_44, %sign3A_47 : i32
    %ne3A_49 = arith.cmpi ne, %sign3A_41, %sign3A_48 : i32
    %rem3A_50 = arith.remsi %mul3A_32, %jit3A_33 : i32
    %ne3A_51 = arith.constant 0 : i32
    %ne3A_52 = arith.cmpi ne, %rem3A_50, %ne3A_51 : i32
    %and3A_53 = arith.andi %ne3A_49, %ne3A_52 : i1
    %sub3A_54 = arith.constant 1 : i32
    %sub3A_55 = arith.subi %div3A_34, %sub3A_54 : i32
    %select_n3A_56 = arith.select %and3A_53, %sub3A_55, %div3A_34 : i32
    %mul3A_57 = arith.constant 1024 : i32
    %mul3A_58 = arith.muli %select_n3A_56, %mul3A_57 : i32
    %mul3A_59 = arith.constant 128 : i32
    %mul3A_60 = arith.muli %add3A, %mul3A_59 : i32
    %add3A_61 = arith.addi %mul3A_58, %mul3A_60 : i32
    %add3A_62 = arith.constant 0 : i32
    %add3A_63 = arith.addi %mul3A_32, %add3A_62 : i32
    %dma_start3A = tpu.memref_slice %arg3[%add3A_63] : memref<6400000xi32, #tpu.memory_space<hbm>> -> memref<3200xi32, #tpu.memory_space<hbm>>
    %dma_start3A_64 = tpu.memref_slice %arg3[%add3A_63] : memref<6400000xi32, #tpu.memory_space<hbm>> -> memref<3200xi32, #tpu.memory_space<hbm>>
    tpu.enqueue_dma source(%dma_start3A_64 : memref<3200xi32, #tpu.memory_space<hbm>>) target(%arg13 : memref<3200xi32, #tpu.memory_space<vmem>>) target_semaphore(%arg19 : memref<!tpu.dma_semaphore, #tpu.memory_space<semaphore_mem>>)
    %add3A_65 = arith.constant 3200000 : i32
    %add3A_66 = arith.addi %add3A_65, %add3A_63 : i32
    %dma_start3A_67 = tpu.memref_slice %arg3[%add3A_66] : memref<6400000xi32, #tpu.memory_space<hbm>> -> memref<3200xi32, #tpu.memory_space<hbm>>
    %dma_start3A_68 = tpu.memref_slice %arg3[%add3A_66] : memref<6400000xi32, #tpu.memory_space<hbm>> -> memref<3200xi32, #tpu.memory_space<hbm>>
    tpu.enqueue_dma source(%dma_start3A_68 : memref<3200xi32, #tpu.memory_space<hbm>>) target(%arg15 : memref<3200xi32, #tpu.memory_space<vmem>>) target_semaphore(%arg19 : memref<!tpu.dma_semaphore, #tpu.memory_space<semaphore_mem>>)
    %dma_start3A_69 = tpu.memref_slice %arg4[%add3A_63] : memref<3200000xf32, #tpu.memory_space<hbm>> -> memref<3200xf32, #tpu.memory_space<hbm>>
    %dma_start3A_70 = tpu.memref_slice %arg4[%add3A_63] : memref<3200000xf32, #tpu.memory_space<hbm>> -> memref<3200xf32, #tpu.memory_space<hbm>>
    tpu.enqueue_dma source(%dma_start3A_70 : memref<3200xf32, #tpu.memory_space<hbm>>) target(%arg11 : memref<3200xf32, #tpu.memory_space<vmem>>) target_semaphore(%arg19 : memref<!tpu.dma_semaphore, #tpu.memory_space<semaphore_mem>>)
    %mul3A_71 = arith.constant 100000 : i32
    %mul3A_72 = arith.muli %add3A, %mul3A_71 : i32
    "tpu.region"() ({
      %run_scoped3A = tpu.sem_alloc : memref<!tpu.dma_semaphore, #tpu.memory_space<semaphore_mem>>
      %dma_start3A_443 = tpu.memref_slice %arg2[%mul3A_72] : memref<800000xf32, #tpu.memory_space<hbm>> -> memref<100000xf32, #tpu.memory_space<hbm>>
      %dma_start3A_444 = tpu.memref_slice %arg2[%mul3A_72] : memref<800000xf32, #tpu.memory_space<hbm>> -> memref<100000xf32, #tpu.memory_space<hbm>>
      tpu.enqueue_dma source(%dma_start3A_444 : memref<100000xf32, #tpu.memory_space<hbm>>) target(%arg10 : memref<100000xf32, #tpu.memory_space<vmem>>) target_semaphore(%run_scoped3A : memref<!tpu.dma_semaphore, #tpu.memory_space<semaphore_mem>>)
      %dma_wait3A_445 = tpu.memref_slice %arg2[%mul3A_72] : memref<800000xf32, #tpu.memory_space<hbm>> -> memref<100000xf32, #tpu.memory_space<hbm>>
      %dma_wait3A_446 = tpu.memref_slice %arg2[%mul3A_72] : memref<800000xf32, #tpu.memory_space<hbm>> -> memref<100000xf32, #tpu.memory_space<hbm>>
      tpu.wait_dma2 semaphore(%run_scoped3A : memref<!tpu.dma_semaphore, #tpu.memory_space<semaphore_mem>>) src(%dma_wait3A_446 : memref<100000xf32, #tpu.memory_space<hbm>>) dst(%arg10 : memref<100000xf32, #tpu.memory_space<vmem>>)
      tpu.yield
    }) : () -> ()
    %scan3A = arith.constant 0 : i32
    %scan3A_73 = arith.constant 0 : i32
    %scan3A_74 = arith.constant 125 : i32
    %scan3A_75 = arith.addi %scan3A_73, %scan3A_74 : i32
    %scan3A_76 = arith.constant 1 : i32
    scf.for %scan3A_443 = %scan3A_73 to %scan3A_75 step %scan3A_76  : i32 {
      %mul3A_444 = arith.constant 2 : i32
      %mul3A_445 = arith.muli %mul3A_444, %scan3A_443 : i32
      %add3A_446 = arith.constant 0 : i32
      %add3A_447 = arith.addi %mul3A_445, %add3A_446 : i32
      %add3A_448 = arith.constant 1 : i32
      %add3A_449 = arith.addi %add3A_447, %add3A_448 : i32
      %lt3A_450 = arith.constant 250 : i32
      %lt3A_451 = arith.cmpi slt, %add3A_449, %lt3A_450 : i32
      %convert_element_type3A_452 = arith.extui %lt3A_451 : i1 to i32
      %cond3A_453 = arith.constant 0 : i32
      %cond3A_454 = arith.cmpi ne, %convert_element_type3A_452, %cond3A_453 : i32
      scf.if %cond3A_454 {
        %add3A_1155 = arith.constant 1 : i32
        %add3A_1156 = arith.addi %add3A_447, %add3A_1155 : i32
        %mul3A_1157 = arith.constant 3200 : i32
        %mul3A_1158 = arith.muli %add3A_1156, %mul3A_1157 : i32
        %add3A_1159 = arith.addi %mul3A_32, %mul3A_1158 : i32
        %dma_start3A_1160 = tpu.memref_slice %arg3[%add3A_1159] : memref<6400000xi32, #tpu.memory_space<hbm>> -> memref<3200xi32, #tpu.memory_space<hbm>>
        %dma_start3A_1161 = tpu.memref_slice %arg3[%add3A_1159] : memref<6400000xi32, #tpu.memory_space<hbm>> -> memref<3200xi32, #tpu.memory_space<hbm>>
        tpu.enqueue_dma source(%dma_start3A_1161 : memref<3200xi32, #tpu.memory_space<hbm>>) target(%arg14 : memref<3200xi32, #tpu.memory_space<vmem>>) target_semaphore(%arg20 : memref<!tpu.dma_semaphore, #tpu.memory_space<semaphore_mem>>)
        %add3A_1162 = arith.constant 3200000 : i32
        %add3A_1163 = arith.addi %add3A_1162, %add3A_1159 : i32
        %dma_start3A_1164 = tpu.memref_slice %arg3[%add3A_1163] : memref<6400000xi32, #tpu.memory_space<hbm>> -> memref<3200xi32, #tpu.memory_space<hbm>>
        %dma_start3A_1165 = tpu.memref_slice %arg3[%add3A_1163] : memref<6400000xi32, #tpu.memory_space<hbm>> -> memref<3200xi32, #tpu.memory_space<hbm>>
        tpu.enqueue_dma source(%dma_start3A_1165 : memref<3200xi32, #tpu.memory_space<hbm>>) target(%arg16 : memref<3200xi32, #tpu.memory_space<vmem>>) target_semaphore(%arg20 : memref<!tpu.dma_semaphore, #tpu.memory_space<semaphore_mem>>)
        %dma_start3A_1166 = tpu.memref_slice %arg4[%add3A_1159] : memref<3200000xf32, #tpu.memory_space<hbm>> -> memref<3200xf32, #tpu.memory_space<hbm>>
        %dma_start3A_1167 = tpu.memref_slice %arg4[%add3A_1159] : memref<3200000xf32, #tpu.memory_space<hbm>> -> memref<3200xf32, #tpu.memory_space<hbm>>
        tpu.enqueue_dma source(%dma_start3A_1167 : memref<3200xf32, #tpu.memory_space<hbm>>) target(%arg12 : memref<3200xf32, #tpu.memory_space<vmem>>) target_semaphore(%arg20 : memref<!tpu.dma_semaphore, #tpu.memory_space<semaphore_mem>>)
      } else {
      }
      %dma_wait3A_455 = arith.constant 0 : i32
      %dma_wait3A_456 = tpu.memref_slice %arg3[%dma_wait3A_455] : memref<6400000xi32, #tpu.memory_space<hbm>> -> memref<3200xi32, #tpu.memory_space<hbm>>
      %dma_wait3A_457 = arith.constant 0 : i32
      %dma_wait3A_458 = tpu.memref_slice %arg3[%dma_wait3A_457] : memref<6400000xi32, #tpu.memory_space<hbm>> -> memref<3200xi32, #tpu.memory_space<hbm>>
      tpu.wait_dma2 semaphore(%arg19 : memref<!tpu.dma_semaphore, #tpu.memory_space<semaphore_mem>>) src(%dma_wait3A_458 : memref<3200xi32, #tpu.memory_space<hbm>>) dst(%arg13 : memref<3200xi32, #tpu.memory_space<vmem>>)
      %dma_wait3A_459 = arith.constant 0 : i32
      %dma_wait3A_460 = tpu.memref_slice %arg3[%dma_wait3A_459] : memref<6400000xi32, #tpu.memory_space<hbm>> -> memref<3200xi32, #tpu.memory_space<hbm>>
      %dma_wait3A_461 = arith.constant 0 : i32
      %dma_wait3A_462 = tpu.memref_slice %arg3[%dma_wait3A_461] : memref<6400000xi32, #tpu.memory_space<hbm>> -> memref<3200xi32, #tpu.memory_space<hbm>>
      tpu.wait_dma2 semaphore(%arg19 : memref<!tpu.dma_semaphore, #tpu.memory_space<semaphore_mem>>) src(%dma_wait3A_462 : memref<3200xi32, #tpu.memory_space<hbm>>) dst(%arg15 : memref<3200xi32, #tpu.memory_space<vmem>>)
      %dma_wait3A_463 = arith.constant 0 : i32
      %dma_wait3A_464 = tpu.memref_slice %arg4[%dma_wait3A_463] : memref<3200000xf32, #tpu.memory_space<hbm>> -> memref<3200xf32, #tpu.memory_space<hbm>>
      %dma_wait3A_465 = arith.constant 0 : i32
      %dma_wait3A_466 = tpu.memref_slice %arg4[%dma_wait3A_465] : memref<3200000xf32, #tpu.memory_space<hbm>> -> memref<3200xf32, #tpu.memory_space<hbm>>
      tpu.wait_dma2 semaphore(%arg19 : memref<!tpu.dma_semaphore, #tpu.memory_space<semaphore_mem>>) src(%dma_wait3A_466 : memref<3200xf32, #tpu.memory_space<hbm>>) dst(%arg11 : memref<3200xf32, #tpu.memory_space<vmem>>)
      %gt3A = arith.constant 0 : i32
      %gt3A_467 = arith.cmpi sgt, %scan3A_443, %gt3A : i32
      %convert_element_type3A_468 = arith.extui %gt3A_467 : i1 to i32
      %cond3A_469 = arith.constant 0 : i32
      %cond3A_470 = arith.cmpi ne, %convert_element_type3A_468, %cond3A_469 : i32
      scf.if %cond3A_470 {
        %dma_wait3A_1155 = arith.constant 0 : i32
        %dma_wait3A_1156 = tpu.memref_slice %arg6[%dma_wait3A_1155] : memref<25600000xf32, #tpu.memory_space<hbm>> -> memref<3200xf32, #tpu.memory_space<hbm>>
        %dma_wait3A_1157 = arith.constant 0 : i32
        %dma_wait3A_1158 = tpu.memref_slice %arg6[%dma_wait3A_1157] : memref<25600000xf32, #tpu.memory_space<hbm>> -> memref<3200xf32, #tpu.memory_space<hbm>>
        tpu.wait_dma2 semaphore(%arg21 : memref<!tpu.dma_semaphore, #tpu.memory_space<semaphore_mem>>) src(%arg17 : memref<3200xf32, #tpu.memory_space<vmem>>) dst(%dma_wait3A_1158 : memref<3200xf32, #tpu.memory_space<hbm>>)
      } else {
      }
      %parallel_loop3A_471 = arith.constant 0 : i32
      %parallel_loop3A_472 = arith.constant 3200 : i32
      %parallel_loop3A_473 = arith.constant 16 : i32
      scf.for %parallel_loop3A_1155 = %parallel_loop3A_471 to %parallel_loop3A_472 step %parallel_loop3A_473  : i32 {
        %parallel_loop3A_1156 = arith.index_cast %parallel_loop3A_1155 : i32 to index
        %parallel_loop3A_1157 = tpu.vector_load %arg13[%parallel_loop3A_1156] {strides = array<i32>} : memref<3200xi32, #tpu.memory_space<vmem>>, vector<16xi32>,
        %parallel_loop3A_1158 = tpu.vector_load_idx %arg10[%parallel_loop3A_1157] : memref<100000xf32, #tpu.memory_space<vmem>>[vector<16xi32>], vector<16xf32>,
        %parallel_loop3A_1159 = arith.index_cast %parallel_loop3A_1155 : i32 to index
        %parallel_loop3A_1160 = tpu.vector_load %arg15[%parallel_loop3A_1159] {strides = array<i32>} : memref<3200xi32, #tpu.memory_space<vmem>>, vector<16xi32>,
        %parallel_loop3A_1161 = tpu.vector_load_idx %arg10[%parallel_loop3A_1160] : memref<100000xf32, #tpu.memory_space<vmem>>[vector<16xi32>], vector<16xf32>,
        %parallel_loop3A_1162 = arith.index_cast %parallel_loop3A_1155 : i32 to index
        %parallel_loop3A_1163 = tpu.vector_load %arg11[%parallel_loop3A_1162] {strides = array<i32>} : memref<3200xf32, #tpu.memory_space<vmem>>, vector<16xf32>,
        %parallel_loop3A_1164 = arith.subf %parallel_loop3A_1158, %parallel_loop3A_1161 : vector<16xf32>
        %parallel_loop3A_1165 = arith.mulf %parallel_loop3A_1163, %parallel_loop3A_1164 : vector<16xf32>
        %parallel_loop3A_1166 = arith.index_cast %parallel_loop3A_1155 : i32 to index
        %parallel_loop3A_1167 = tpu.vector_load %arg17[%parallel_loop3A_1166] {strides = array<i32>} : memref<3200xf32, #tpu.memory_space<vmem>>, vector<16xf32>,
        tpu.vector_store %arg17[%parallel_loop3A_1166], %parallel_loop3A_1165 {strides = array<i32>} : memref<3200xf32, #tpu.memory_space<vmem>>, vector<16xf32>,
      } {sc.loop_unroll_factor = 8 : i64, sc.parallel_access}
      %mul3A_474 = arith.constant 25 : i32
      %mul3A_475 = arith.muli %add3A_447, %mul3A_474 : i32
      %add3A_476 = arith.constant 0 : i32
      %add3A_477 = arith.addi %mul3A_475, %add3A_476 : i32
      %mul3A_478 = arith.constant 1024 : i32
      %mul3A_479 = arith.muli %add3A_477, %mul3A_478 : i32
      %add3A_480 = arith.addi %add3A_61, %mul3A_479 : i32
      %dma_start3A_481 = arith.constant 0 : i32
      %dma_start3A_482 = tpu.memref_slice %arg17[%dma_start3A_481] : memref<3200xf32, #tpu.memory_space<vmem>> -> memref<128xf32, #tpu.memory_space<vmem>>
      %dma_start3A_483 = tpu.memref_slice %arg6[%add3A_480] : memref<25600000xf32, #tpu.memory_space<hbm>> -> memref<128xf32, #tpu.memory_space<hbm>>
      %dma_start3A_484 = tpu.memref_slice %arg6[%add3A_480] : memref<25600000xf32, #tpu.memory_space<hbm>> -> memref<128xf32, #tpu.memory_space<hbm>>
      %dma_start3A_485 = arith.constant 0 : i32
      %dma_start3A_486 = tpu.memref_slice %arg17[%dma_start3A_485] : memref<3200xf32, #tpu.memory_space<vmem>> -> memref<128xf32, #tpu.memory_space<vmem>>
      tpu.enqueue_dma source(%dma_start3A_486 : memref<128xf32, #tpu.memory_space<vmem>>) target(%dma_start3A_484 : memref<128xf32, #tpu.memory_space<hbm>>) target_semaphore(%arg21 : memref<!tpu.dma_semaphore, #tpu.memory_space<semaphore_mem>>)
      %mul3A_487 = arith.constant 25 : i32
      %mul3A_488 = arith.muli %add3A_447, %mul3A_487 : i32
      %add3A_489 = arith.constant 1 : i32
      %add3A_490 = arith.addi %mul3A_488, %add3A_489 : i32
      %mul3A_491 = arith.constant 1024 : i32
      %mul3A_492 = arith.muli %add3A_490, %mul3A_491 : i32
      %add3A_493 = arith.addi %add3A_61, %mul3A_492 : i32
      %dma_start3A_494 = arith.constant 128 : i32
      %dma_start3A_495 = tpu.memref_slice %arg17[%dma_start3A_494] : memref<3200xf32, #tpu.memory_space<vmem>> -> memref<128xf32, #tpu.memory_space<vmem>>
      %dma_start3A_496 = tpu.memref_slice %arg6[%add3A_493] : memref<25600000xf32, #tpu.memory_space<hbm>> -> memref<128xf32, #tpu.memory_space<hbm>>
      %dma_start3A_497 = tpu.memref_slice %arg6[%add3A_493] : memref<25600000xf32, #tpu.memory_space<hbm>> -> memref<128xf32, #tpu.memory_space<hbm>>
      %dma_start3A_498 = arith.constant 128 : i32
      %dma_start3A_499 = tpu.memref_slice %arg17[%dma_start3A_498] : memref<3200xf32, #tpu.memory_space<vmem>> -> memref<128xf32, #tpu.memory_space<vmem>>
      tpu.enqueue_dma source(%dma_start3A_499 : memref<128xf32, #tpu.memory_space<vmem>>) target(%dma_start3A_497 : memref<128xf32, #tpu.memory_space<hbm>>) target_semaphore(%arg21 : memref<!tpu.dma_semaphore, #tpu.memory_space<semaphore_mem>>)
      %mul3A_500 = arith.constant 25 : i32
      %mul3A_501 = arith.muli %add3A_447, %mul3A_500 : i32
      %add3A_502 = arith.constant 2 : i32
      %add3A_503 = arith.addi %mul3A_501, %add3A_502 : i32
      %mul3A_504 = arith.constant 1024 : i32
      %mul3A_505 = arith.muli %add3A_503, %mul3A_504 : i32
      %add3A_506 = arith.addi %add3A_61, %mul3A_505 : i32
      %dma_start3A_507 = arith.constant 256 : i32
      %dma_start3A_508 = tpu.memref_slice %arg17[%dma_start3A_507] : memref<3200xf32, #tpu.memory_space<vmem>> -> memref<128xf32, #tpu.memory_space<vmem>>
      %dma_start3A_509 = tpu.memref_slice %arg6[%add3A_506] : memref<25600000xf32, #tpu.memory_space<hbm>> -> memref<128xf32, #tpu.memory_space<hbm>>
      %dma_start3A_510 = tpu.memref_slice %arg6[%add3A_506] : memref<25600000xf32, #tpu.memory_space<hbm>> -> memref<128xf32, #tpu.memory_space<hbm>>
      %dma_start3A_511 = arith.constant 256 : i32
      %dma_start3A_512 = tpu.memref_slice %arg17[%dma_start3A_511] : memref<3200xf32, #tpu.memory_space<vmem>> -> memref<128xf32, #tpu.memory_space<vmem>>
      tpu.enqueue_dma source(%dma_start3A_512 : memref<128xf32, #tpu.memory_space<vmem>>) target(%dma_start3A_510 : memref<128xf32, #tpu.memory_space<hbm>>) target_semaphore(%arg21 : memref<!tpu.dma_semaphore, #tpu.memory_space<semaphore_mem>>)
      %mul3A_513 = arith.constant 25 : i32
      %mul3A_514 = arith.muli %add3A_447, %mul3A_513 : i32
      %add3A_515 = arith.constant 3 : i32
      %add3A_516 = arith.addi %mul3A_514, %add3A_515 : i32
      %mul3A_517 = arith.constant 1024 : i32
      %mul3A_518 = arith.muli %add3A_516, %mul3A_517 : i32
      %add3A_519 = arith.addi %add3A_61, %mul3A_518 : i32
      %dma_start3A_520 = arith.constant 384 : i32
      %dma_start3A_521 = tpu.memref_slice %arg17[%dma_start3A_520] : memref<3200xf32, #tpu.memory_space<vmem>> -> memref<128xf32, #tpu.memory_space<vmem>>
      %dma_start3A_522 = tpu.memref_slice %arg6[%add3A_519] : memref<25600000xf32, #tpu.memory_space<hbm>> -> memref<128xf32, #tpu.memory_space<hbm>>
      %dma_start3A_523 = tpu.memref_slice %arg6[%add3A_519] : memref<25600000xf32, #tpu.memory_space<hbm>> -> memref<128xf32, #tpu.memory_space<hbm>>
      %dma_start3A_524 = arith.constant 384 : i32
      %dma_start3A_525 = tpu.memref_slice %arg17[%dma_start3A_524] : memref<3200xf32, #tpu.memory_space<vmem>> -> memref<128xf32, #tpu.memory_space<vmem>>
      tpu.enqueue_dma source(%dma_start3A_525 : memref<128xf32, #tpu.memory_space<vmem>>) target(%dma_start3A_523 : memref<128xf32, #tpu.memory_space<hbm>>) target_semaphore(%arg21 : memref<!tpu.dma_semaphore, #tpu.memory_space<semaphore_mem>>)
      %mul3A_526 = arith.constant 25 : i32
      %mul3A_527 = arith.muli %add3A_447, %mul3A_526 : i32
      %add3A_528 = arith.constant 4 : i32
      %add3A_529 = arith.addi %mul3A_527, %add3A_528 : i32
      %mul3A_530 = arith.constant 1024 : i32
      %mul3A_531 = arith.muli %add3A_529, %mul3A_530 : i32
      %add3A_532 = arith.addi %add3A_61, %mul3A_531 : i32
      %dma_start3A_533 = arith.constant 512 : i32
      %dma_start3A_534 = tpu.memref_slice %arg17[%dma_start3A_533] : memref<3200xf32, #tpu.memory_space<vmem>> -> memref<128xf32, #tpu.memory_space<vmem>>
      %dma_start3A_535 = tpu.memref_slice %arg6[%add3A_532] : memref<25600000xf32, #tpu.memory_space<hbm>> -> memref<128xf32, #tpu.memory_space<hbm>>
      %dma_start3A_536 = tpu.memref_slice %arg6[%add3A_532] : memref<25600000xf32, #tpu.memory_space<hbm>> -> memref<128xf32, #tpu.memory_space<hbm>>
      %dma_start3A_537 = arith.constant 512 : i32
      %dma_start3A_538 = tpu.memref_slice %arg17[%dma_start3A_537] : memref<3200xf32, #tpu.memory_space<vmem>> -> memref<128xf32, #tpu.memory_space<vmem>>
      tpu.enqueue_dma source(%dma_start3A_538 : memref<128xf32, #tpu.memory_space<vmem>>) target(%dma_start3A_536 : memref<128xf32, #tpu.memory_space<hbm>>) target_semaphore(%arg21 : memref<!tpu.dma_semaphore, #tpu.memory_space<semaphore_mem>>)
      %mul3A_539 = arith.constant 25 : i32
      %mul3A_540 = arith.muli %add3A_447, %mul3A_539 : i32
      %add3A_541 = arith.constant 5 : i32
      %add3A_542 = arith.addi %mul3A_540, %add3A_541 : i32
      %mul3A_543 = arith.constant 1024 : i32
      %mul3A_544 = arith.muli %add3A_542, %mul3A_543 : i32
      %add3A_545 = arith.addi %add3A_61, %mul3A_544 : i32
      %dma_start3A_546 = arith.constant 640 : i32
      %dma_start3A_547 = tpu.memref_slice %arg17[%dma_start3A_546] : memref<3200xf32, #tpu.memory_space<vmem>> -> memref<128xf32, #tpu.memory_space<vmem>>
      %dma_start3A_548 = tpu.memref_slice %arg6[%add3A_545] : memref<25600000xf32, #tpu.memory_space<hbm>> -> memref<128xf32, #tpu.memory_space<hbm>>
      %dma_start3A_549 = tpu.memref_slice %arg6[%add3A_545] : memref<25600000xf32, #tpu.memory_space<hbm>> -> memref<128xf32, #tpu.memory_space<hbm>>
      %dma_start3A_550 = arith.constant 640 : i32
      %dma_start3A_551 = tpu.memref_slice %arg17[%dma_start3A_550] : memref<3200xf32, #tpu.memory_space<vmem>> -> memref<128xf32, #tpu.memory_space<vmem>>
      tpu.enqueue_dma source(%dma_start3A_551 : memref<128xf32, #tpu.memory_space<vmem>>) target(%dma_start3A_549 : memref<128xf32, #tpu.memory_space<hbm>>) target_semaphore(%arg21 : memref<!tpu.dma_semaphore, #tpu.memory_space<semaphore_mem>>)
      %mul3A_552 = arith.constant 25 : i32
      %mul3A_553 = arith.muli %add3A_447, %mul3A_552 : i32
      %add3A_554 = arith.constant 6 : i32
      %add3A_555 = arith.addi %mul3A_553, %add3A_554 : i32
      %mul3A_556 = arith.constant 1024 : i32
      %mul3A_557 = arith.muli %add3A_555, %mul3A_556 : i32
      %add3A_558 = arith.addi %add3A_61, %mul3A_557 : i32
      %dma_start3A_559 = arith.constant 768 : i32
      %dma_start3A_560 = tpu.memref_slice %arg17[%dma_start3A_559] : memref<3200xf32, #tpu.memory_space<vmem>> -> memref<128xf32, #tpu.memory_space<vmem>>
      %dma_start3A_561 = tpu.memref_slice %arg6[%add3A_558] : memref<25600000xf32, #tpu.memory_space<hbm>> -> memref<128xf32, #tpu.memory_space<hbm>>
      %dma_start3A_562 = tpu.memref_slice %arg6[%add3A_558] : memref<25600000xf32, #tpu.memory_space<hbm>> -> memref<128xf32, #tpu.memory_space<hbm>>
      %dma_start3A_563 = arith.constant 768 : i32
      %dma_start3A_564 = tpu.memref_slice %arg17[%dma_start3A_563] : memref<3200xf32, #tpu.memory_space<vmem>> -> memref<128xf32, #tpu.memory_space<vmem>>
      tpu.enqueue_dma source(%dma_start3A_564 : memref<128xf32, #tpu.memory_space<vmem>>) target(%dma_start3A_562 : memref<128xf32, #tpu.memory_space<hbm>>) target_semaphore(%arg21 : memref<!tpu.dma_semaphore, #tpu.memory_space<semaphore_mem>>)
      %mul3A_565 = arith.constant 25 : i32
      %mul3A_566 = arith.muli %add3A_447, %mul3A_565 : i32
      %add3A_567 = arith.constant 7 : i32
      %add3A_568 = arith.addi %mul3A_566, %add3A_567 : i32
      %mul3A_569 = arith.constant 1024 : i32
      %mul3A_570 = arith.muli %add3A_568, %mul3A_569 : i32
      %add3A_571 = arith.addi %add3A_61, %mul3A_570 : i32
      %dma_start3A_572 = arith.constant 896 : i32
      %dma_start3A_573 = tpu.memref_slice %arg17[%dma_start3A_572] : memref<3200xf32, #tpu.memory_space<vmem>> -> memref<128xf32, #tpu.memory_space<vmem>>
      %dma_start3A_574 = tpu.memref_slice %arg6[%add3A_571] : memref<25600000xf32, #tpu.memory_space<hbm>> -> memref<128xf32, #tpu.memory_space<hbm>>
      %dma_start3A_575 = tpu.memref_slice %arg6[%add3A_571] : memref<25600000xf32, #tpu.memory_space<hbm>> -> memref<128xf32, #tpu.memory_space<hbm>>
      %dma_start3A_576 = arith.constant 896 : i32
      %dma_start3A_577 = tpu.memref_slice %arg17[%dma_start3A_576] : memref<3200xf32, #tpu.memory_space<vmem>> -> memref<128xf32, #tpu.memory_space<vmem>>
      tpu.enqueue_dma source(%dma_start3A_577 : memref<128xf32, #tpu.memory_space<vmem>>) target(%dma_start3A_575 : memref<128xf32, #tpu.memory_space<hbm>>) target_semaphore(%arg21 : memref<!tpu.dma_semaphore, #tpu.memory_space<semaphore_mem>>)
      %mul3A_578 = arith.constant 25 : i32
      %mul3A_579 = arith.muli %add3A_447, %mul3A_578 : i32
      %add3A_580 = arith.constant 8 : i32
      %add3A_581 = arith.addi %mul3A_579, %add3A_580 : i32
      %mul3A_582 = arith.constant 1024 : i32
      %mul3A_583 = arith.muli %add3A_581, %mul3A_582 : i32
      %add3A_584 = arith.addi %add3A_61, %mul3A_583 : i32
      %dma_start3A_585 = arith.constant 1024 : i32
      %dma_start3A_586 = tpu.memref_slice %arg17[%dma_start3A_585] : memref<3200xf32, #tpu.memory_space<vmem>> -> memref<128xf32, #tpu.memory_space<vmem>>
      %dma_start3A_587 = tpu.memref_slice %arg6[%add3A_584] : memref<25600000xf32, #tpu.memory_space<hbm>> -> memref<128xf32, #tpu.memory_space<hbm>>
      %dma_start3A_588 = tpu.memref_slice %arg6[%add3A_584] : memref<25600000xf32, #tpu.memory_space<hbm>> -> memref<128xf32, #tpu.memory_space<hbm>>
      %dma_start3A_589 = arith.constant 1024 : i32
      %dma_start3A_590 = tpu.memref_slice %arg17[%dma_start3A_589] : memref<3200xf32, #tpu.memory_space<vmem>> -> memref<128xf32, #tpu.memory_space<vmem>>
      tpu.enqueue_dma source(%dma_start3A_590 : memref<128xf32, #tpu.memory_space<vmem>>) target(%dma_start3A_588 : memref<128xf32, #tpu.memory_space<hbm>>) target_semaphore(%arg21 : memref<!tpu.dma_semaphore, #tpu.memory_space<semaphore_mem>>)
      %mul3A_591 = arith.constant 25 : i32
      %mul3A_592 = arith.muli %add3A_447, %mul3A_591 : i32
      %add3A_593 = arith.constant 9 : i32
      %add3A_594 = arith.addi %mul3A_592, %add3A_593 : i32
      %mul3A_595 = arith.constant 1024 : i32
      %mul3A_596 = arith.muli %add3A_594, %mul3A_595 : i32
      %add3A_597 = arith.addi %add3A_61, %mul3A_596 : i32
      %dma_start3A_598 = arith.constant 1152 : i32
      %dma_start3A_599 = tpu.memref_slice %arg17[%dma_start3A_598] : memref<3200xf32, #tpu.memory_space<vmem>> -> memref<128xf32, #tpu.memory_space<vmem>>
      %dma_start3A_600 = tpu.memref_slice %arg6[%add3A_597] : memref<25600000xf32, #tpu.memory_space<hbm>> -> memref<128xf32, #tpu.memory_space<hbm>>
      %dma_start3A_601 = tpu.memref_slice %arg6[%add3A_597] : memref<25600000xf32, #tpu.memory_space<hbm>> -> memref<128xf32, #tpu.memory_space<hbm>>
      %dma_start3A_602 = arith.constant 1152 : i32
      %dma_start3A_603 = tpu.memref_slice %arg17[%dma_start3A_602] : memref<3200xf32, #tpu.memory_space<vmem>> -> memref<128xf32, #tpu.memory_space<vmem>>
      tpu.enqueue_dma source(%dma_start3A_603 : memref<128xf32, #tpu.memory_space<vmem>>) target(%dma_start3A_601 : memref<128xf32, #tpu.memory_space<hbm>>) target_semaphore(%arg21 : memref<!tpu.dma_semaphore, #tpu.memory_space<semaphore_mem>>)
      %mul3A_604 = arith.constant 25 : i32
      %mul3A_605 = arith.muli %add3A_447, %mul3A_604 : i32
      %add3A_606 = arith.constant 10 : i32
      %add3A_607 = arith.addi %mul3A_605, %add3A_606 : i32
      %mul3A_608 = arith.constant 1024 : i32
      %mul3A_609 = arith.muli %add3A_607, %mul3A_608 : i32
      %add3A_610 = arith.addi %add3A_61, %mul3A_609 : i32
      %dma_start3A_611 = arith.constant 1280 : i32
      %dma_start3A_612 = tpu.memref_slice %arg17[%dma_start3A_611] : memref<3200xf32, #tpu.memory_space<vmem>> -> memref<128xf32, #tpu.memory_space<vmem>>
      %dma_start3A_613 = tpu.memref_slice %arg6[%add3A_610] : memref<25600000xf32, #tpu.memory_space<hbm>> -> memref<128xf32, #tpu.memory_space<hbm>>
      %dma_start3A_614 = tpu.memref_slice %arg6[%add3A_610] : memref<25600000xf32, #tpu.memory_space<hbm>> -> memref<128xf32, #tpu.memory_space<hbm>>
      %dma_start3A_615 = arith.constant 1280 : i32
      %dma_start3A_616 = tpu.memref_slice %arg17[%dma_start3A_615] : memref<3200xf32, #tpu.memory_space<vmem>> -> memref<128xf32, #tpu.memory_space<vmem>>
      tpu.enqueue_dma source(%dma_start3A_616 : memref<128xf32, #tpu.memory_space<vmem>>) target(%dma_start3A_614 : memref<128xf32, #tpu.memory_space<hbm>>) target_semaphore(%arg21 : memref<!tpu.dma_semaphore, #tpu.memory_space<semaphore_mem>>)
      %mul3A_617 = arith.constant 25 : i32
      %mul3A_618 = arith.muli %add3A_447, %mul3A_617 : i32
      %add3A_619 = arith.constant 11 : i32
      %add3A_620 = arith.addi %mul3A_618, %add3A_619 : i32
      %mul3A_621 = arith.constant 1024 : i32
      %mul3A_622 = arith.muli %add3A_620, %mul3A_621 : i32
      %add3A_623 = arith.addi %add3A_61, %mul3A_622 : i32
      %dma_start3A_624 = arith.constant 1408 : i32
      %dma_start3A_625 = tpu.memref_slice %arg17[%dma_start3A_624] : memref<3200xf32, #tpu.memory_space<vmem>> -> memref<128xf32, #tpu.memory_space<vmem>>
      %dma_start3A_626 = tpu.memref_slice %arg6[%add3A_623] : memref<25600000xf32, #tpu.memory_space<hbm>> -> memref<128xf32, #tpu.memory_space<hbm>>
      %dma_start3A_627 = tpu.memref_slice %arg6[%add3A_623] : memref<25600000xf32, #tpu.memory_space<hbm>> -> memref<128xf32, #tpu.memory_space<hbm>>
      %dma_start3A_628 = arith.constant 1408 : i32
      %dma_start3A_629 = tpu.memref_slice %arg17[%dma_start3A_628] : memref<3200xf32, #tpu.memory_space<vmem>> -> memref<128xf32, #tpu.memory_space<vmem>>
      tpu.enqueue_dma source(%dma_start3A_629 : memref<128xf32, #tpu.memory_space<vmem>>) target(%dma_start3A_627 : memref<128xf32, #tpu.memory_space<hbm>>) target_semaphore(%arg21 : memref<!tpu.dma_semaphore, #tpu.memory_space<semaphore_mem>>)
      %mul3A_630 = arith.constant 25 : i32
      %mul3A_631 = arith.muli %add3A_447, %mul3A_630 : i32
      %add3A_632 = arith.constant 12 : i32
      %add3A_633 = arith.addi %mul3A_631, %add3A_632 : i32
      %mul3A_634 = arith.constant 1024 : i32
      %mul3A_635 = arith.muli %add3A_633, %mul3A_634 : i32
      %add3A_636 = arith.addi %add3A_61, %mul3A_635 : i32
      %dma_start3A_637 = arith.constant 1536 : i32
      %dma_start3A_638 = tpu.memref_slice %arg17[%dma_start3A_637] : memref<3200xf32, #tpu.memory_space<vmem>> -> memref<128xf32, #tpu.memory_space<vmem>>
      %dma_start3A_639 = tpu.memref_slice %arg6[%add3A_636] : memref<25600000xf32, #tpu.memory_space<hbm>> -> memref<128xf32, #tpu.memory_space<hbm>>
      %dma_start3A_640 = tpu.memref_slice %arg6[%add3A_636] : memref<25600000xf32, #tpu.memory_space<hbm>> -> memref<128xf32, #tpu.memory_space<hbm>>
      %dma_start3A_641 = arith.constant 1536 : i32
      %dma_start3A_642 = tpu.memref_slice %arg17[%dma_start3A_641] : memref<3200xf32, #tpu.memory_space<vmem>> -> memref<128xf32, #tpu.memory_space<vmem>>
      tpu.enqueue_dma source(%dma_start3A_642 : memref<128xf32, #tpu.memory_space<vmem>>) target(%dma_start3A_640 : memref<128xf32, #tpu.memory_space<hbm>>) target_semaphore(%arg21 : memref<!tpu.dma_semaphore, #tpu.memory_space<semaphore_mem>>)
      %mul3A_643 = arith.constant 25 : i32
      %mul3A_644 = arith.muli %add3A_447, %mul3A_643 : i32
      %add3A_645 = arith.constant 13 : i32
      %add3A_646 = arith.addi %mul3A_644, %add3A_645 : i32
      %mul3A_647 = arith.constant 1024 : i32
      %mul3A_648 = arith.muli %add3A_646, %mul3A_647 : i32
      %add3A_649 = arith.addi %add3A_61, %mul3A_648 : i32
      %dma_start3A_650 = arith.constant 1664 : i32
      %dma_start3A_651 = tpu.memref_slice %arg17[%dma_start3A_650] : memref<3200xf32, #tpu.memory_space<vmem>> -> memref<128xf32, #tpu.memory_space<vmem>>
      %dma_start3A_652 = tpu.memref_slice %arg6[%add3A_649] : memref<25600000xf32, #tpu.memory_space<hbm>> -> memref<128xf32, #tpu.memory_space<hbm>>
      %dma_start3A_653 = tpu.memref_slice %arg6[%add3A_649] : memref<25600000xf32, #tpu.memory_space<hbm>> -> memref<128xf32, #tpu.memory_space<hbm>>
      %dma_start3A_654 = arith.constant 1664 : i32
      %dma_start3A_655 = tpu.memref_slice %arg17[%dma_start3A_654] : memref<3200xf32, #tpu.memory_space<vmem>> -> memref<128xf32, #tpu.memory_space<vmem>>
      tpu.enqueue_dma source(%dma_start3A_655 : memref<128xf32, #tpu.memory_space<vmem>>) target(%dma_start3A_653 : memref<128xf32, #tpu.memory_space<hbm>>) target_semaphore(%arg21 : memref<!tpu.dma_semaphore, #tpu.memory_space<semaphore_mem>>)
      %mul3A_656 = arith.constant 25 : i32
      %mul3A_657 = arith.muli %add3A_447, %mul3A_656 : i32
      %add3A_658 = arith.constant 14 : i32
      %add3A_659 = arith.addi %mul3A_657, %add3A_658 : i32
      %mul3A_660 = arith.constant 1024 : i32
      %mul3A_661 = arith.muli %add3A_659, %mul3A_660 : i32
      %add3A_662 = arith.addi %add3A_61, %mul3A_661 : i32
      %dma_start3A_663 = arith.constant 1792 : i32
      %dma_start3A_664 = tpu.memref_slice %arg17[%dma_start3A_663] : memref<3200xf32, #tpu.memory_space<vmem>> -> memref<128xf32, #tpu.memory_space<vmem>>
      %dma_start3A_665 = tpu.memref_slice %arg6[%add3A_662] : memref<25600000xf32, #tpu.memory_space<hbm>> -> memref<128xf32, #tpu.memory_space<hbm>>
      %dma_start3A_666 = tpu.memref_slice %arg6[%add3A_662] : memref<25600000xf32, #tpu.memory_space<hbm>> -> memref<128xf32, #tpu.memory_space<hbm>>
      %dma_start3A_667 = arith.constant 1792 : i32
      %dma_start3A_668 = tpu.memref_slice %arg17[%dma_start3A_667] : memref<3200xf32, #tpu.memory_space<vmem>> -> memref<128xf32, #tpu.memory_space<vmem>>
      tpu.enqueue_dma source(%dma_start3A_668 : memref<128xf32, #tpu.memory_space<vmem>>) target(%dma_start3A_666 : memref<128xf32, #tpu.memory_space<hbm>>) target_semaphore(%arg21 : memref<!tpu.dma_semaphore, #tpu.memory_space<semaphore_mem>>)
      %mul3A_669 = arith.constant 25 : i32
      %mul3A_670 = arith.muli %add3A_447, %mul3A_669 : i32
      %add3A_671 = arith.constant 15 : i32
      %add3A_672 = arith.addi %mul3A_670, %add3A_671 : i32
      %mul3A_673 = arith.constant 1024 : i32
      %mul3A_674 = arith.muli %add3A_672, %mul3A_673 : i32
      %add3A_675 = arith.addi %add3A_61, %mul3A_674 : i32
      %dma_start3A_676 = arith.constant 1920 : i32
      %dma_start3A_677 = tpu.memref_slice %arg17[%dma_start3A_676] : memref<3200xf32, #tpu.memory_space<vmem>> -> memref<128xf32, #tpu.memory_space<vmem>>
      %dma_start3A_678 = tpu.memref_slice %arg6[%add3A_675] : memref<25600000xf32, #tpu.memory_space<hbm>> -> memref<128xf32, #tpu.memory_space<hbm>>
      %dma_start3A_679 = tpu.memref_slice %arg6[%add3A_675] : memref<25600000xf32, #tpu.memory_space<hbm>> -> memref<128xf32, #tpu.memory_space<hbm>>
      %dma_start3A_680 = arith.constant 1920 : i32
      %dma_start3A_681 = tpu.memref_slice %arg17[%dma_start3A_680] : memref<3200xf32, #tpu.memory_space<vmem>> -> memref<128xf32, #tpu.memory_space<vmem>>
      tpu.enqueue_dma source(%dma_start3A_681 : memref<128xf32, #tpu.memory_space<vmem>>) target(%dma_start3A_679 : memref<128xf32, #tpu.memory_space<hbm>>) target_semaphore(%arg21 : memref<!tpu.dma_semaphore, #tpu.memory_space<semaphore_mem>>)
      %mul3A_682 = arith.constant 25 : i32
      %mul3A_683 = arith.muli %add3A_447, %mul3A_682 : i32
      %add3A_684 = arith.constant 16 : i32
      %add3A_685 = arith.addi %mul3A_683, %add3A_684 : i32
      %mul3A_686 = arith.constant 1024 : i32
      %mul3A_687 = arith.muli %add3A_685, %mul3A_686 : i32
      %add3A_688 = arith.addi %add3A_61, %mul3A_687 : i32
      %dma_start3A_689 = arith.constant 2048 : i32
      %dma_start3A_690 = tpu.memref_slice %arg17[%dma_start3A_689] : memref<3200xf32, #tpu.memory_space<vmem>> -> memref<128xf32, #tpu.memory_space<vmem>>
      %dma_start3A_691 = tpu.memref_slice %arg6[%add3A_688] : memref<25600000xf32, #tpu.memory_space<hbm>> -> memref<128xf32, #tpu.memory_space<hbm>>
      %dma_start3A_692 = tpu.memref_slice %arg6[%add3A_688] : memref<25600000xf32, #tpu.memory_space<hbm>> -> memref<128xf32, #tpu.memory_space<hbm>>
      %dma_start3A_693 = arith.constant 2048 : i32
      %dma_start3A_694 = tpu.memref_slice %arg17[%dma_start3A_693] : memref<3200xf32, #tpu.memory_space<vmem>> -> memref<128xf32, #tpu.memory_space<vmem>>
      tpu.enqueue_dma source(%dma_start3A_694 : memref<128xf32, #tpu.memory_space<vmem>>) target(%dma_start3A_692 : memref<128xf32, #tpu.memory_space<hbm>>) target_semaphore(%arg21 : memref<!tpu.dma_semaphore, #tpu.memory_space<semaphore_mem>>)
      %mul3A_695 = arith.constant 25 : i32
      %mul3A_696 = arith.muli %add3A_447, %mul3A_695 : i32
      %add3A_697 = arith.constant 17 : i32
      %add3A_698 = arith.addi %mul3A_696, %add3A_697 : i32
      %mul3A_699 = arith.constant 1024 : i32
      %mul3A_700 = arith.muli %add3A_698, %mul3A_699 : i32
      %add3A_701 = arith.addi %add3A_61, %mul3A_700 : i32
      %dma_start3A_702 = arith.constant 2176 : i32
      %dma_start3A_703 = tpu.memref_slice %arg17[%dma_start3A_702] : memref<3200xf32, #tpu.memory_space<vmem>> -> memref<128xf32, #tpu.memory_space<vmem>>
      %dma_start3A_704 = tpu.memref_slice %arg6[%add3A_701] : memref<25600000xf32, #tpu.memory_space<hbm>> -> memref<128xf32, #tpu.memory_space<hbm>>
      %dma_start3A_705 = tpu.memref_slice %arg6[%add3A_701] : memref<25600000xf32, #tpu.memory_space<hbm>> -> memref<128xf32, #tpu.memory_space<hbm>>
      %dma_start3A_706 = arith.constant 2176 : i32
      %dma_start3A_707 = tpu.memref_slice %arg17[%dma_start3A_706] : memref<3200xf32, #tpu.memory_space<vmem>> -> memref<128xf32, #tpu.memory_space<vmem>>
      tpu.enqueue_dma source(%dma_start3A_707 : memref<128xf32, #tpu.memory_space<vmem>>) target(%dma_start3A_705 : memref<128xf32, #tpu.memory_space<hbm>>) target_semaphore(%arg21 : memref<!tpu.dma_semaphore, #tpu.memory_space<semaphore_mem>>)
      %mul3A_708 = arith.constant 25 : i32
      %mul3A_709 = arith.muli %add3A_447, %mul3A_708 : i32
      %add3A_710 = arith.constant 18 : i32
      %add3A_711 = arith.addi %mul3A_709, %add3A_710 : i32
      %mul3A_712 = arith.constant 1024 : i32
      %mul3A_713 = arith.muli %add3A_711, %mul3A_712 : i32
      %add3A_714 = arith.addi %add3A_61, %mul3A_713 : i32
      %dma_start3A_715 = arith.constant 2304 : i32
      %dma_start3A_716 = tpu.memref_slice %arg17[%dma_start3A_715] : memref<3200xf32, #tpu.memory_space<vmem>> -> memref<128xf32, #tpu.memory_space<vmem>>
      %dma_start3A_717 = tpu.memref_slice %arg6[%add3A_714] : memref<25600000xf32, #tpu.memory_space<hbm>> -> memref<128xf32, #tpu.memory_space<hbm>>
      %dma_start3A_718 = tpu.memref_slice %arg6[%add3A_714] : memref<25600000xf32, #tpu.memory_space<hbm>> -> memref<128xf32, #tpu.memory_space<hbm>>
      %dma_start3A_719 = arith.constant 2304 : i32
      %dma_start3A_720 = tpu.memref_slice %arg17[%dma_start3A_719] : memref<3200xf32, #tpu.memory_space<vmem>> -> memref<128xf32, #tpu.memory_space<vmem>>
      tpu.enqueue_dma source(%dma_start3A_720 : memref<128xf32, #tpu.memory_space<vmem>>) target(%dma_start3A_718 : memref<128xf32, #tpu.memory_space<hbm>>) target_semaphore(%arg21 : memref<!tpu.dma_semaphore, #tpu.memory_space<semaphore_mem>>)
      %mul3A_721 = arith.constant 25 : i32
      %mul3A_722 = arith.muli %add3A_447, %mul3A_721 : i32
      %add3A_723 = arith.constant 19 : i32
      %add3A_724 = arith.addi %mul3A_722, %add3A_723 : i32
      %mul3A_725 = arith.constant 1024 : i32
      %mul3A_726 = arith.muli %add3A_724, %mul3A_725 : i32
      %add3A_727 = arith.addi %add3A_61, %mul3A_726 : i32
      %dma_start3A_728 = arith.constant 2432 : i32
      %dma_start3A_729 = tpu.memref_slice %arg17[%dma_start3A_728] : memref<3200xf32, #tpu.memory_space<vmem>> -> memref<128xf32, #tpu.memory_space<vmem>>
      %dma_start3A_730 = tpu.memref_slice %arg6[%add3A_727] : memref<25600000xf32, #tpu.memory_space<hbm>> -> memref<128xf32, #tpu.memory_space<hbm>>
      %dma_start3A_731 = tpu.memref_slice %arg6[%add3A_727] : memref<25600000xf32, #tpu.memory_space<hbm>> -> memref<128xf32, #tpu.memory_space<hbm>>
      %dma_start3A_732 = arith.constant 2432 : i32
      %dma_start3A_733 = tpu.memref_slice %arg17[%dma_start3A_732] : memref<3200xf32, #tpu.memory_space<vmem>> -> memref<128xf32, #tpu.memory_space<vmem>>
      tpu.enqueue_dma source(%dma_start3A_733 : memref<128xf32, #tpu.memory_space<vmem>>) target(%dma_start3A_731 : memref<128xf32, #tpu.memory_space<hbm>>) target_semaphore(%arg21 : memref<!tpu.dma_semaphore, #tpu.memory_space<semaphore_mem>>)
      %mul3A_734 = arith.constant 25 : i32
      %mul3A_735 = arith.muli %add3A_447, %mul3A_734 : i32
      %add3A_736 = arith.constant 20 : i32
      %add3A_737 = arith.addi %mul3A_735, %add3A_736 : i32
      %mul3A_738 = arith.constant 1024 : i32
      %mul3A_739 = arith.muli %add3A_737, %mul3A_738 : i32
      %add3A_740 = arith.addi %add3A_61, %mul3A_739 : i32
      %dma_start3A_741 = arith.constant 2560 : i32
      %dma_start3A_742 = tpu.memref_slice %arg17[%dma_start3A_741] : memref<3200xf32, #tpu.memory_space<vmem>> -> memref<128xf32, #tpu.memory_space<vmem>>
      %dma_start3A_743 = tpu.memref_slice %arg6[%add3A_740] : memref<25600000xf32, #tpu.memory_space<hbm>> -> memref<128xf32, #tpu.memory_space<hbm>>
      %dma_start3A_744 = tpu.memref_slice %arg6[%add3A_740] : memref<25600000xf32, #tpu.memory_space<hbm>> -> memref<128xf32, #tpu.memory_space<hbm>>
      %dma_start3A_745 = arith.constant 2560 : i32
      %dma_start3A_746 = tpu.memref_slice %arg17[%dma_start3A_745] : memref<3200xf32, #tpu.memory_space<vmem>> -> memref<128xf32, #tpu.memory_space<vmem>>
      tpu.enqueue_dma source(%dma_start3A_746 : memref<128xf32, #tpu.memory_space<vmem>>) target(%dma_start3A_744 : memref<128xf32, #tpu.memory_space<hbm>>) target_semaphore(%arg21 : memref<!tpu.dma_semaphore, #tpu.memory_space<semaphore_mem>>)
      %mul3A_747 = arith.constant 25 : i32
      %mul3A_748 = arith.muli %add3A_447, %mul3A_747 : i32
      %add3A_749 = arith.constant 21 : i32
      %add3A_750 = arith.addi %mul3A_748, %add3A_749 : i32
      %mul3A_751 = arith.constant 1024 : i32
      %mul3A_752 = arith.muli %add3A_750, %mul3A_751 : i32
      %add3A_753 = arith.addi %add3A_61, %mul3A_752 : i32
      %dma_start3A_754 = arith.constant 2688 : i32
      %dma_start3A_755 = tpu.memref_slice %arg17[%dma_start3A_754] : memref<3200xf32, #tpu.memory_space<vmem>> -> memref<128xf32, #tpu.memory_space<vmem>>
      %dma_start3A_756 = tpu.memref_slice %arg6[%add3A_753] : memref<25600000xf32, #tpu.memory_space<hbm>> -> memref<128xf32, #tpu.memory_space<hbm>>
      %dma_start3A_757 = tpu.memref_slice %arg6[%add3A_753] : memref<25600000xf32, #tpu.memory_space<hbm>> -> memref<128xf32, #tpu.memory_space<hbm>>
      %dma_start3A_758 = arith.constant 2688 : i32
      %dma_start3A_759 = tpu.memref_slice %arg17[%dma_start3A_758] : memref<3200xf32, #tpu.memory_space<vmem>> -> memref<128xf32, #tpu.memory_space<vmem>>
      tpu.enqueue_dma source(%dma_start3A_759 : memref<128xf32, #tpu.memory_space<vmem>>) target(%dma_start3A_757 : memref<128xf32, #tpu.memory_space<hbm>>) target_semaphore(%arg21 : memref<!tpu.dma_semaphore, #tpu.memory_space<semaphore_mem>>)
      %mul3A_760 = arith.constant 25 : i32
      %mul3A_761 = arith.muli %add3A_447, %mul3A_760 : i32
      %add3A_762 = arith.constant 22 : i32
      %add3A_763 = arith.addi %mul3A_761, %add3A_762 : i32
      %mul3A_764 = arith.constant 1024 : i32
      %mul3A_765 = arith.muli %add3A_763, %mul3A_764 : i32
      %add3A_766 = arith.addi %add3A_61, %mul3A_765 : i32
      %dma_start3A_767 = arith.constant 2816 : i32
      %dma_start3A_768 = tpu.memref_slice %arg17[%dma_start3A_767] : memref<3200xf32, #tpu.memory_space<vmem>> -> memref<128xf32, #tpu.memory_space<vmem>>
      %dma_start3A_769 = tpu.memref_slice %arg6[%add3A_766] : memref<25600000xf32, #tpu.memory_space<hbm>> -> memref<128xf32, #tpu.memory_space<hbm>>
      %dma_start3A_770 = tpu.memref_slice %arg6[%add3A_766] : memref<25600000xf32, #tpu.memory_space<hbm>> -> memref<128xf32, #tpu.memory_space<hbm>>
      %dma_start3A_771 = arith.constant 2816 : i32
      %dma_start3A_772 = tpu.memref_slice %arg17[%dma_start3A_771] : memref<3200xf32, #tpu.memory_space<vmem>> -> memref<128xf32, #tpu.memory_space<vmem>>
      tpu.enqueue_dma source(%dma_start3A_772 : memref<128xf32, #tpu.memory_space<vmem>>) target(%dma_start3A_770 : memref<128xf32, #tpu.memory_space<hbm>>) target_semaphore(%arg21 : memref<!tpu.dma_semaphore, #tpu.memory_space<semaphore_mem>>)
      %mul3A_773 = arith.constant 25 : i32
      %mul3A_774 = arith.muli %add3A_447, %mul3A_773 : i32
      %add3A_775 = arith.constant 23 : i32
      %add3A_776 = arith.addi %mul3A_774, %add3A_775 : i32
      %mul3A_777 = arith.constant 1024 : i32
      %mul3A_778 = arith.muli %add3A_776, %mul3A_777 : i32
      %add3A_779 = arith.addi %add3A_61, %mul3A_778 : i32
      %dma_start3A_780 = arith.constant 2944 : i32
      %dma_start3A_781 = tpu.memref_slice %arg17[%dma_start3A_780] : memref<3200xf32, #tpu.memory_space<vmem>> -> memref<128xf32, #tpu.memory_space<vmem>>
      %dma_start3A_782 = tpu.memref_slice %arg6[%add3A_779] : memref<25600000xf32, #tpu.memory_space<hbm>> -> memref<128xf32, #tpu.memory_space<hbm>>
      %dma_start3A_783 = tpu.memref_slice %arg6[%add3A_779] : memref<25600000xf32, #tpu.memory_space<hbm>> -> memref<128xf32, #tpu.memory_space<hbm>>
      %dma_start3A_784 = arith.constant 2944 : i32
      %dma_start3A_785 = tpu.memref_slice %arg17[%dma_start3A_784] : memref<3200xf32, #tpu.memory_space<vmem>> -> memref<128xf32, #tpu.memory_space<vmem>>
      tpu.enqueue_dma source(%dma_start3A_785 : memref<128xf32, #tpu.memory_space<vmem>>) target(%dma_start3A_783 : memref<128xf32, #tpu.memory_space<hbm>>) target_semaphore(%arg21 : memref<!tpu.dma_semaphore, #tpu.memory_space<semaphore_mem>>)
      %mul3A_786 = arith.constant 25 : i32
      %mul3A_787 = arith.muli %add3A_447, %mul3A_786 : i32
      %add3A_788 = arith.constant 24 : i32
      %add3A_789 = arith.addi %mul3A_787, %add3A_788 : i32
      %mul3A_790 = arith.constant 1024 : i32
      %mul3A_791 = arith.muli %add3A_789, %mul3A_790 : i32
      %add3A_792 = arith.addi %add3A_61, %mul3A_791 : i32
      %dma_start3A_793 = arith.constant 3072 : i32
      %dma_start3A_794 = tpu.memref_slice %arg17[%dma_start3A_793] : memref<3200xf32, #tpu.memory_space<vmem>> -> memref<128xf32, #tpu.memory_space<vmem>>
      %dma_start3A_795 = tpu.memref_slice %arg6[%add3A_792] : memref<25600000xf32, #tpu.memory_space<hbm>> -> memref<128xf32, #tpu.memory_space<hbm>>
      %dma_start3A_796 = tpu.memref_slice %arg6[%add3A_792] : memref<25600000xf32, #tpu.memory_space<hbm>> -> memref<128xf32, #tpu.memory_space<hbm>>
      %dma_start3A_797 = arith.constant 3072 : i32
      %dma_start3A_798 = tpu.memref_slice %arg17[%dma_start3A_797] : memref<3200xf32, #tpu.memory_space<vmem>> -> memref<128xf32, #tpu.memory_space<vmem>>
      tpu.enqueue_dma source(%dma_start3A_798 : memref<128xf32, #tpu.memory_space<vmem>>) target(%dma_start3A_796 : memref<128xf32, #tpu.memory_space<hbm>>) target_semaphore(%arg21 : memref<!tpu.dma_semaphore, #tpu.memory_space<semaphore_mem>>)
      %mul3A_799 = arith.constant 2 : i32
      %mul3A_800 = arith.muli %mul3A_799, %scan3A_443 : i32
      %add3A_801 = arith.constant 1 : i32
      %add3A_802 = arith.addi %mul3A_800, %add3A_801 : i32
      %add3A_803 = arith.constant 1 : i32
      %add3A_804 = arith.addi %add3A_802, %add3A_803 : i32
      %lt3A_805 = arith.constant 250 : i32
      %lt3A_806 = arith.cmpi slt, %add3A_804, %lt3A_805 : i32
      %convert_element_type3A_807 = arith.extui %lt3A_806 : i1 to i32
      %cond3A_808 = arith.constant 0 : i32
      %cond3A_809 = arith.cmpi ne, %convert_element_type3A_807, %cond3A_808 : i32
      scf.if %cond3A_809 {
        %add3A_1155 = arith.constant 1 : i32
        %add3A_1156 = arith.addi %add3A_802, %add3A_1155 : i32
        %mul3A_1157 = arith.constant 3200 : i32
        %mul3A_1158 = arith.muli %add3A_1156, %mul3A_1157 : i32
        %add3A_1159 = arith.addi %mul3A_32, %mul3A_1158 : i32
        %dma_start3A_1160 = tpu.memref_slice %arg3[%add3A_1159] : memref<6400000xi32, #tpu.memory_space<hbm>> -> memref<3200xi32, #tpu.memory_space<hbm>>
        %dma_start3A_1161 = tpu.memref_slice %arg3[%add3A_1159] : memref<6400000xi32, #tpu.memory_space<hbm>> -> memref<3200xi32, #tpu.memory_space<hbm>>
        tpu.enqueue_dma source(%dma_start3A_1161 : memref<3200xi32, #tpu.memory_space<hbm>>) target(%arg13 : memref<3200xi32, #tpu.memory_space<vmem>>) target_semaphore(%arg19 : memref<!tpu.dma_semaphore, #tpu.memory_space<semaphore_mem>>)
        %add3A_1162 = arith.constant 3200000 : i32
        %add3A_1163 = arith.addi %add3A_1162, %add3A_1159 : i32
        %dma_start3A_1164 = tpu.memref_slice %arg3[%add3A_1163] : memref<6400000xi32, #tpu.memory_space<hbm>> -> memref<3200xi32, #tpu.memory_space<hbm>>
        %dma_start3A_1165 = tpu.memref_slice %arg3[%add3A_1163] : memref<6400000xi32, #tpu.memory_space<hbm>> -> memref<3200xi32, #tpu.memory_space<hbm>>
        tpu.enqueue_dma source(%dma_start3A_1165 : memref<3200xi32, #tpu.memory_space<hbm>>) target(%arg15 : memref<3200xi32, #tpu.memory_space<vmem>>) target_semaphore(%arg19 : memref<!tpu.dma_semaphore, #tpu.memory_space<semaphore_mem>>)
        %dma_start3A_1166 = tpu.memref_slice %arg4[%add3A_1159] : memref<3200000xf32, #tpu.memory_space<hbm>> -> memref<3200xf32, #tpu.memory_space<hbm>>
        %dma_start3A_1167 = tpu.memref_slice %arg4[%add3A_1159] : memref<3200000xf32, #tpu.memory_space<hbm>> -> memref<3200xf32, #tpu.memory_space<hbm>>
        tpu.enqueue_dma source(%dma_start3A_1167 : memref<3200xf32, #tpu.memory_space<hbm>>) target(%arg11 : memref<3200xf32, #tpu.memory_space<vmem>>) target_semaphore(%arg19 : memref<!tpu.dma_semaphore, #tpu.memory_space<semaphore_mem>>)
      } else {
      }
      %dma_wait3A_810 = arith.constant 0 : i32
      %dma_wait3A_811 = tpu.memref_slice %arg3[%dma_wait3A_810] : memref<6400000xi32, #tpu.memory_space<hbm>> -> memref<3200xi32, #tpu.memory_space<hbm>>
      %dma_wait3A_812 = arith.constant 0 : i32
      %dma_wait3A_813 = tpu.memref_slice %arg3[%dma_wait3A_812] : memref<6400000xi32, #tpu.memory_space<hbm>> -> memref<3200xi32, #tpu.memory_space<hbm>>
      tpu.wait_dma2 semaphore(%arg20 : memref<!tpu.dma_semaphore, #tpu.memory_space<semaphore_mem>>) src(%dma_wait3A_813 : memref<3200xi32, #tpu.memory_space<hbm>>) dst(%arg14 : memref<3200xi32, #tpu.memory_space<vmem>>)
      %dma_wait3A_814 = arith.constant 0 : i32
      %dma_wait3A_815 = tpu.memref_slice %arg3[%dma_wait3A_814] : memref<6400000xi32, #tpu.memory_space<hbm>> -> memref<3200xi32, #tpu.memory_space<hbm>>
      %dma_wait3A_816 = arith.constant 0 : i32
      %dma_wait3A_817 = tpu.memref_slice %arg3[%dma_wait3A_816] : memref<6400000xi32, #tpu.memory_space<hbm>> -> memref<3200xi32, #tpu.memory_space<hbm>>
      tpu.wait_dma2 semaphore(%arg20 : memref<!tpu.dma_semaphore, #tpu.memory_space<semaphore_mem>>) src(%dma_wait3A_817 : memref<3200xi32, #tpu.memory_space<hbm>>) dst(%arg16 : memref<3200xi32, #tpu.memory_space<vmem>>)
      %dma_wait3A_818 = arith.constant 0 : i32
      %dma_wait3A_819 = tpu.memref_slice %arg4[%dma_wait3A_818] : memref<3200000xf32, #tpu.memory_space<hbm>> -> memref<3200xf32, #tpu.memory_space<hbm>>
      %dma_wait3A_820 = arith.constant 0 : i32
      %dma_wait3A_821 = tpu.memref_slice %arg4[%dma_wait3A_820] : memref<3200000xf32, #tpu.memory_space<hbm>> -> memref<3200xf32, #tpu.memory_space<hbm>>
      tpu.wait_dma2 semaphore(%arg20 : memref<!tpu.dma_semaphore, #tpu.memory_space<semaphore_mem>>) src(%dma_wait3A_821 : memref<3200xf32, #tpu.memory_space<hbm>>) dst(%arg12 : memref<3200xf32, #tpu.memory_space<vmem>>)
      %gt3A_822 = arith.constant 0 : i32
      %gt3A_823 = arith.cmpi sgt, %scan3A_443, %gt3A_822 : i32
      %convert_element_type3A_824 = arith.extui %gt3A_823 : i1 to i32
      %cond3A_825 = arith.constant 0 : i32
      %cond3A_826 = arith.cmpi ne, %convert_element_type3A_824, %cond3A_825 : i32
      scf.if %cond3A_826 {
        %dma_wait3A_1155 = arith.constant 0 : i32
        %dma_wait3A_1156 = tpu.memref_slice %arg6[%dma_wait3A_1155] : memref<25600000xf32, #tpu.memory_space<hbm>> -> memref<3200xf32, #tpu.memory_space<hbm>>
        %dma_wait3A_1157 = arith.constant 0 : i32
        %dma_wait3A_1158 = tpu.memref_slice %arg6[%dma_wait3A_1157] : memref<25600000xf32, #tpu.memory_space<hbm>> -> memref<3200xf32, #tpu.memory_space<hbm>>
        tpu.wait_dma2 semaphore(%arg22 : memref<!tpu.dma_semaphore, #tpu.memory_space<semaphore_mem>>) src(%arg18 : memref<3200xf32, #tpu.memory_space<vmem>>) dst(%dma_wait3A_1158 : memref<3200xf32, #tpu.memory_space<hbm>>)
      } else {
      }
      %parallel_loop3A_827 = arith.constant 0 : i32
      %parallel_loop3A_828 = arith.constant 3200 : i32
      %parallel_loop3A_829 = arith.constant 16 : i32
      scf.for %parallel_loop3A_1155 = %parallel_loop3A_827 to %parallel_loop3A_828 step %parallel_loop3A_829  : i32 {
        %parallel_loop3A_1156 = arith.index_cast %parallel_loop3A_1155 : i32 to index
        %parallel_loop3A_1157 = tpu.vector_load %arg14[%parallel_loop3A_1156] {strides = array<i32>} : memref<3200xi32, #tpu.memory_space<vmem>>, vector<16xi32>,
        %parallel_loop3A_1158 = tpu.vector_load_idx %arg10[%parallel_loop3A_1157] : memref<100000xf32, #tpu.memory_space<vmem>>[vector<16xi32>], vector<16xf32>,
        %parallel_loop3A_1159 = arith.index_cast %parallel_loop3A_1155 : i32 to index
        %parallel_loop3A_1160 = tpu.vector_load %arg16[%parallel_loop3A_1159] {strides = array<i32>} : memref<3200xi32, #tpu.memory_space<vmem>>, vector<16xi32>,
        %parallel_loop3A_1161 = tpu.vector_load_idx %arg10[%parallel_loop3A_1160] : memref<100000xf32, #tpu.memory_space<vmem>>[vector<16xi32>], vector<16xf32>,
        %parallel_loop3A_1162 = arith.index_cast %parallel_loop3A_1155 : i32 to index
        %parallel_loop3A_1163 = tpu.vector_load %arg12[%parallel_loop3A_1162] {strides = array<i32>} : memref<3200xf32, #tpu.memory_space<vmem>>, vector<16xf32>,
        %parallel_loop3A_1164 = arith.subf %parallel_loop3A_1158, %parallel_loop3A_1161 : vector<16xf32>
        %parallel_loop3A_1165 = arith.mulf %parallel_loop3A_1163, %parallel_loop3A_1164 : vector<16xf32>
        %parallel_loop3A_1166 = arith.index_cast %parallel_loop3A_1155 : i32 to index
        %parallel_loop3A_1167 = tpu.vector_load %arg18[%parallel_loop3A_1166] {strides = array<i32>} : memref<3200xf32, #tpu.memory_space<vmem>>, vector<16xf32>,
        tpu.vector_store %arg18[%parallel_loop3A_1166], %parallel_loop3A_1165 {strides = array<i32>} : memref<3200xf32, #tpu.memory_space<vmem>>, vector<16xf32>,
      } {sc.loop_unroll_factor = 8 : i64, sc.parallel_access}
      %mul3A_830 = arith.constant 25 : i32
      %mul3A_831 = arith.muli %add3A_802, %mul3A_830 : i32
      %add3A_832 = arith.constant 0 : i32
      %add3A_833 = arith.addi %mul3A_831, %add3A_832 : i32
      %mul3A_834 = arith.constant 1024 : i32
      %mul3A_835 = arith.muli %add3A_833, %mul3A_834 : i32
      %add3A_836 = arith.addi %add3A_61, %mul3A_835 : i32
      %dma_start3A_837 = arith.constant 0 : i32
      %dma_start3A_838 = tpu.memref_slice %arg18[%dma_start3A_837] : memref<3200xf32, #tpu.memory_space<vmem>> -> memref<128xf32, #tpu.memory_space<vmem>>
      %dma_start3A_839 = tpu.memref_slice %arg6[%add3A_836] : memref<25600000xf32, #tpu.memory_space<hbm>> -> memref<128xf32, #tpu.memory_space<hbm>>
      %dma_start3A_840 = tpu.memref_slice %arg6[%add3A_836] : memref<25600000xf32, #tpu.memory_space<hbm>> -> memref<128xf32, #tpu.memory_space<hbm>>
      %dma_start3A_841 = arith.constant 0 : i32
      %dma_start3A_842 = tpu.memref_slice %arg18[%dma_start3A_841] : memref<3200xf32, #tpu.memory_space<vmem>> -> memref<128xf32, #tpu.memory_space<vmem>>
      tpu.enqueue_dma source(%dma_start3A_842 : memref<128xf32, #tpu.memory_space<vmem>>) target(%dma_start3A_840 : memref<128xf32, #tpu.memory_space<hbm>>) target_semaphore(%arg22 : memref<!tpu.dma_semaphore, #tpu.memory_space<semaphore_mem>>)
      %mul3A_843 = arith.constant 25 : i32
      %mul3A_844 = arith.muli %add3A_802, %mul3A_843 : i32
      %add3A_845 = arith.constant 1 : i32
      %add3A_846 = arith.addi %mul3A_844, %add3A_845 : i32
      %mul3A_847 = arith.constant 1024 : i32
      %mul3A_848 = arith.muli %add3A_846, %mul3A_847 : i32
      %add3A_849 = arith.addi %add3A_61, %mul3A_848 : i32
      %dma_start3A_850 = arith.constant 128 : i32
      %dma_start3A_851 = tpu.memref_slice %arg18[%dma_start3A_850] : memref<3200xf32, #tpu.memory_space<vmem>> -> memref<128xf32, #tpu.memory_space<vmem>>
      %dma_start3A_852 = tpu.memref_slice %arg6[%add3A_849] : memref<25600000xf32, #tpu.memory_space<hbm>> -> memref<128xf32, #tpu.memory_space<hbm>>
      %dma_start3A_853 = tpu.memref_slice %arg6[%add3A_849] : memref<25600000xf32, #tpu.memory_space<hbm>> -> memref<128xf32, #tpu.memory_space<hbm>>
      %dma_start3A_854 = arith.constant 128 : i32
      %dma_start3A_855 = tpu.memref_slice %arg18[%dma_start3A_854] : memref<3200xf32, #tpu.memory_space<vmem>> -> memref<128xf32, #tpu.memory_space<vmem>>
      tpu.enqueue_dma source(%dma_start3A_855 : memref<128xf32, #tpu.memory_space<vmem>>) target(%dma_start3A_853 : memref<128xf32, #tpu.memory_space<hbm>>) target_semaphore(%arg22 : memref<!tpu.dma_semaphore, #tpu.memory_space<semaphore_mem>>)
      %mul3A_856 = arith.constant 25 : i32
      %mul3A_857 = arith.muli %add3A_802, %mul3A_856 : i32
      %add3A_858 = arith.constant 2 : i32
      %add3A_859 = arith.addi %mul3A_857, %add3A_858 : i32
      %mul3A_860 = arith.constant 1024 : i32
      %mul3A_861 = arith.muli %add3A_859, %mul3A_860 : i32
      %add3A_862 = arith.addi %add3A_61, %mul3A_861 : i32
      %dma_start3A_863 = arith.constant 256 : i32
      %dma_start3A_864 = tpu.memref_slice %arg18[%dma_start3A_863] : memref<3200xf32, #tpu.memory_space<vmem>> -> memref<128xf32, #tpu.memory_space<vmem>>
      %dma_start3A_865 = tpu.memref_slice %arg6[%add3A_862] : memref<25600000xf32, #tpu.memory_space<hbm>> -> memref<128xf32, #tpu.memory_space<hbm>>
      %dma_start3A_866 = tpu.memref_slice %arg6[%add3A_862] : memref<25600000xf32, #tpu.memory_space<hbm>> -> memref<128xf32, #tpu.memory_space<hbm>>
      %dma_start3A_867 = arith.constant 256 : i32
      %dma_start3A_868 = tpu.memref_slice %arg18[%dma_start3A_867] : memref<3200xf32, #tpu.memory_space<vmem>> -> memref<128xf32, #tpu.memory_space<vmem>>
      tpu.enqueue_dma source(%dma_start3A_868 : memref<128xf32, #tpu.memory_space<vmem>>) target(%dma_start3A_866 : memref<128xf32, #tpu.memory_space<hbm>>) target_semaphore(%arg22 : memref<!tpu.dma_semaphore, #tpu.memory_space<semaphore_mem>>)
      %mul3A_869 = arith.constant 25 : i32
      %mul3A_870 = arith.muli %add3A_802, %mul3A_869 : i32
      %add3A_871 = arith.constant 3 : i32
      %add3A_872 = arith.addi %mul3A_870, %add3A_871 : i32
      %mul3A_873 = arith.constant 1024 : i32
      %mul3A_874 = arith.muli %add3A_872, %mul3A_873 : i32
      %add3A_875 = arith.addi %add3A_61, %mul3A_874 : i32
      %dma_start3A_876 = arith.constant 384 : i32
      %dma_start3A_877 = tpu.memref_slice %arg18[%dma_start3A_876] : memref<3200xf32, #tpu.memory_space<vmem>> -> memref<128xf32, #tpu.memory_space<vmem>>
      %dma_start3A_878 = tpu.memref_slice %arg6[%add3A_875] : memref<25600000xf32, #tpu.memory_space<hbm>> -> memref<128xf32, #tpu.memory_space<hbm>>
      %dma_start3A_879 = tpu.memref_slice %arg6[%add3A_875] : memref<25600000xf32, #tpu.memory_space<hbm>> -> memref<128xf32, #tpu.memory_space<hbm>>
      %dma_start3A_880 = arith.constant 384 : i32
      %dma_start3A_881 = tpu.memref_slice %arg18[%dma_start3A_880] : memref<3200xf32, #tpu.memory_space<vmem>> -> memref<128xf32, #tpu.memory_space<vmem>>
      tpu.enqueue_dma source(%dma_start3A_881 : memref<128xf32, #tpu.memory_space<vmem>>) target(%dma_start3A_879 : memref<128xf32, #tpu.memory_space<hbm>>) target_semaphore(%arg22 : memref<!tpu.dma_semaphore, #tpu.memory_space<semaphore_mem>>)
      %mul3A_882 = arith.constant 25 : i32
      %mul3A_883 = arith.muli %add3A_802, %mul3A_882 : i32
      %add3A_884 = arith.constant 4 : i32
      %add3A_885 = arith.addi %mul3A_883, %add3A_884 : i32
      %mul3A_886 = arith.constant 1024 : i32
      %mul3A_887 = arith.muli %add3A_885, %mul3A_886 : i32
      %add3A_888 = arith.addi %add3A_61, %mul3A_887 : i32
      %dma_start3A_889 = arith.constant 512 : i32
      %dma_start3A_890 = tpu.memref_slice %arg18[%dma_start3A_889] : memref<3200xf32, #tpu.memory_space<vmem>> -> memref<128xf32, #tpu.memory_space<vmem>>
      %dma_start3A_891 = tpu.memref_slice %arg6[%add3A_888] : memref<25600000xf32, #tpu.memory_space<hbm>> -> memref<128xf32, #tpu.memory_space<hbm>>
      %dma_start3A_892 = tpu.memref_slice %arg6[%add3A_888] : memref<25600000xf32, #tpu.memory_space<hbm>> -> memref<128xf32, #tpu.memory_space<hbm>>
      %dma_start3A_893 = arith.constant 512 : i32
      %dma_start3A_894 = tpu.memref_slice %arg18[%dma_start3A_893] : memref<3200xf32, #tpu.memory_space<vmem>> -> memref<128xf32, #tpu.memory_space<vmem>>
      tpu.enqueue_dma source(%dma_start3A_894 : memref<128xf32, #tpu.memory_space<vmem>>) target(%dma_start3A_892 : memref<128xf32, #tpu.memory_space<hbm>>) target_semaphore(%arg22 : memref<!tpu.dma_semaphore, #tpu.memory_space<semaphore_mem>>)
      %mul3A_895 = arith.constant 25 : i32
      %mul3A_896 = arith.muli %add3A_802, %mul3A_895 : i32
      %add3A_897 = arith.constant 5 : i32
      %add3A_898 = arith.addi %mul3A_896, %add3A_897 : i32
      %mul3A_899 = arith.constant 1024 : i32
      %mul3A_900 = arith.muli %add3A_898, %mul3A_899 : i32
      %add3A_901 = arith.addi %add3A_61, %mul3A_900 : i32
      %dma_start3A_902 = arith.constant 640 : i32
      %dma_start3A_903 = tpu.memref_slice %arg18[%dma_start3A_902] : memref<3200xf32, #tpu.memory_space<vmem>> -> memref<128xf32, #tpu.memory_space<vmem>>
      %dma_start3A_904 = tpu.memref_slice %arg6[%add3A_901] : memref<25600000xf32, #tpu.memory_space<hbm>> -> memref<128xf32, #tpu.memory_space<hbm>>
      %dma_start3A_905 = tpu.memref_slice %arg6[%add3A_901] : memref<25600000xf32, #tpu.memory_space<hbm>> -> memref<128xf32, #tpu.memory_space<hbm>>
      %dma_start3A_906 = arith.constant 640 : i32
      %dma_start3A_907 = tpu.memref_slice %arg18[%dma_start3A_906] : memref<3200xf32, #tpu.memory_space<vmem>> -> memref<128xf32, #tpu.memory_space<vmem>>
      tpu.enqueue_dma source(%dma_start3A_907 : memref<128xf32, #tpu.memory_space<vmem>>) target(%dma_start3A_905 : memref<128xf32, #tpu.memory_space<hbm>>) target_semaphore(%arg22 : memref<!tpu.dma_semaphore, #tpu.memory_space<semaphore_mem>>)
      %mul3A_908 = arith.constant 25 : i32
      %mul3A_909 = arith.muli %add3A_802, %mul3A_908 : i32
      %add3A_910 = arith.constant 6 : i32
      %add3A_911 = arith.addi %mul3A_909, %add3A_910 : i32
      %mul3A_912 = arith.constant 1024 : i32
      %mul3A_913 = arith.muli %add3A_911, %mul3A_912 : i32
      %add3A_914 = arith.addi %add3A_61, %mul3A_913 : i32
      %dma_start3A_915 = arith.constant 768 : i32
      %dma_start3A_916 = tpu.memref_slice %arg18[%dma_start3A_915] : memref<3200xf32, #tpu.memory_space<vmem>> -> memref<128xf32, #tpu.memory_space<vmem>>
      %dma_start3A_917 = tpu.memref_slice %arg6[%add3A_914] : memref<25600000xf32, #tpu.memory_space<hbm>> -> memref<128xf32, #tpu.memory_space<hbm>>
      %dma_start3A_918 = tpu.memref_slice %arg6[%add3A_914] : memref<25600000xf32, #tpu.memory_space<hbm>> -> memref<128xf32, #tpu.memory_space<hbm>>
      %dma_start3A_919 = arith.constant 768 : i32
      %dma_start3A_920 = tpu.memref_slice %arg18[%dma_start3A_919] : memref<3200xf32, #tpu.memory_space<vmem>> -> memref<128xf32, #tpu.memory_space<vmem>>
      tpu.enqueue_dma source(%dma_start3A_920 : memref<128xf32, #tpu.memory_space<vmem>>) target(%dma_start3A_918 : memref<128xf32, #tpu.memory_space<hbm>>) target_semaphore(%arg22 : memref<!tpu.dma_semaphore, #tpu.memory_space<semaphore_mem>>)
      %mul3A_921 = arith.constant 25 : i32
      %mul3A_922 = arith.muli %add3A_802, %mul3A_921 : i32
      %add3A_923 = arith.constant 7 : i32
      %add3A_924 = arith.addi %mul3A_922, %add3A_923 : i32
      %mul3A_925 = arith.constant 1024 : i32
      %mul3A_926 = arith.muli %add3A_924, %mul3A_925 : i32
      %add3A_927 = arith.addi %add3A_61, %mul3A_926 : i32
      %dma_start3A_928 = arith.constant 896 : i32
      %dma_start3A_929 = tpu.memref_slice %arg18[%dma_start3A_928] : memref<3200xf32, #tpu.memory_space<vmem>> -> memref<128xf32, #tpu.memory_space<vmem>>
      %dma_start3A_930 = tpu.memref_slice %arg6[%add3A_927] : memref<25600000xf32, #tpu.memory_space<hbm>> -> memref<128xf32, #tpu.memory_space<hbm>>
      %dma_start3A_931 = tpu.memref_slice %arg6[%add3A_927] : memref<25600000xf32, #tpu.memory_space<hbm>> -> memref<128xf32, #tpu.memory_space<hbm>>
      %dma_start3A_932 = arith.constant 896 : i32
      %dma_start3A_933 = tpu.memref_slice %arg18[%dma_start3A_932] : memref<3200xf32, #tpu.memory_space<vmem>> -> memref<128xf32, #tpu.memory_space<vmem>>
      tpu.enqueue_dma source(%dma_start3A_933 : memref<128xf32, #tpu.memory_space<vmem>>) target(%dma_start3A_931 : memref<128xf32, #tpu.memory_space<hbm>>) target_semaphore(%arg22 : memref<!tpu.dma_semaphore, #tpu.memory_space<semaphore_mem>>)
      %mul3A_934 = arith.constant 25 : i32
      %mul3A_935 = arith.muli %add3A_802, %mul3A_934 : i32
      %add3A_936 = arith.constant 8 : i32
      %add3A_937 = arith.addi %mul3A_935, %add3A_936 : i32
      %mul3A_938 = arith.constant 1024 : i32
      %mul3A_939 = arith.muli %add3A_937, %mul3A_938 : i32
      %add3A_940 = arith.addi %add3A_61, %mul3A_939 : i32
      %dma_start3A_941 = arith.constant 1024 : i32
      %dma_start3A_942 = tpu.memref_slice %arg18[%dma_start3A_941] : memref<3200xf32, #tpu.memory_space<vmem>> -> memref<128xf32, #tpu.memory_space<vmem>>
      %dma_start3A_943 = tpu.memref_slice %arg6[%add3A_940] : memref<25600000xf32, #tpu.memory_space<hbm>> -> memref<128xf32, #tpu.memory_space<hbm>>
      %dma_start3A_944 = tpu.memref_slice %arg6[%add3A_940] : memref<25600000xf32, #tpu.memory_space<hbm>> -> memref<128xf32, #tpu.memory_space<hbm>>
      %dma_start3A_945 = arith.constant 1024 : i32
      %dma_start3A_946 = tpu.memref_slice %arg18[%dma_start3A_945] : memref<3200xf32, #tpu.memory_space<vmem>> -> memref<128xf32, #tpu.memory_space<vmem>>
      tpu.enqueue_dma source(%dma_start3A_946 : memref<128xf32, #tpu.memory_space<vmem>>) target(%dma_start3A_944 : memref<128xf32, #tpu.memory_space<hbm>>) target_semaphore(%arg22 : memref<!tpu.dma_semaphore, #tpu.memory_space<semaphore_mem>>)
      %mul3A_947 = arith.constant 25 : i32
      %mul3A_948 = arith.muli %add3A_802, %mul3A_947 : i32
      %add3A_949 = arith.constant 9 : i32
      %add3A_950 = arith.addi %mul3A_948, %add3A_949 : i32
      %mul3A_951 = arith.constant 1024 : i32
      %mul3A_952 = arith.muli %add3A_950, %mul3A_951 : i32
      %add3A_953 = arith.addi %add3A_61, %mul3A_952 : i32
      %dma_start3A_954 = arith.constant 1152 : i32
      %dma_start3A_955 = tpu.memref_slice %arg18[%dma_start3A_954] : memref<3200xf32, #tpu.memory_space<vmem>> -> memref<128xf32, #tpu.memory_space<vmem>>
      %dma_start3A_956 = tpu.memref_slice %arg6[%add3A_953] : memref<25600000xf32, #tpu.memory_space<hbm>> -> memref<128xf32, #tpu.memory_space<hbm>>
      %dma_start3A_957 = tpu.memref_slice %arg6[%add3A_953] : memref<25600000xf32, #tpu.memory_space<hbm>> -> memref<128xf32, #tpu.memory_space<hbm>>
      %dma_start3A_958 = arith.constant 1152 : i32
      %dma_start3A_959 = tpu.memref_slice %arg18[%dma_start3A_958] : memref<3200xf32, #tpu.memory_space<vmem>> -> memref<128xf32, #tpu.memory_space<vmem>>
      tpu.enqueue_dma source(%dma_start3A_959 : memref<128xf32, #tpu.memory_space<vmem>>) target(%dma_start3A_957 : memref<128xf32, #tpu.memory_space<hbm>>) target_semaphore(%arg22 : memref<!tpu.dma_semaphore, #tpu.memory_space<semaphore_mem>>)
      %mul3A_960 = arith.constant 25 : i32
      %mul3A_961 = arith.muli %add3A_802, %mul3A_960 : i32
      %add3A_962 = arith.constant 10 : i32
      %add3A_963 = arith.addi %mul3A_961, %add3A_962 : i32
      %mul3A_964 = arith.constant 1024 : i32
      %mul3A_965 = arith.muli %add3A_963, %mul3A_964 : i32
      %add3A_966 = arith.addi %add3A_61, %mul3A_965 : i32
      %dma_start3A_967 = arith.constant 1280 : i32
      %dma_start3A_968 = tpu.memref_slice %arg18[%dma_start3A_967] : memref<3200xf32, #tpu.memory_space<vmem>> -> memref<128xf32, #tpu.memory_space<vmem>>
      %dma_start3A_969 = tpu.memref_slice %arg6[%add3A_966] : memref<25600000xf32, #tpu.memory_space<hbm>> -> memref<128xf32, #tpu.memory_space<hbm>>
      %dma_start3A_970 = tpu.memref_slice %arg6[%add3A_966] : memref<25600000xf32, #tpu.memory_space<hbm>> -> memref<128xf32, #tpu.memory_space<hbm>>
      %dma_start3A_971 = arith.constant 1280 : i32
      %dma_start3A_972 = tpu.memref_slice %arg18[%dma_start3A_971] : memref<3200xf32, #tpu.memory_space<vmem>> -> memref<128xf32, #tpu.memory_space<vmem>>
      tpu.enqueue_dma source(%dma_start3A_972 : memref<128xf32, #tpu.memory_space<vmem>>) target(%dma_start3A_970 : memref<128xf32, #tpu.memory_space<hbm>>) target_semaphore(%arg22 : memref<!tpu.dma_semaphore, #tpu.memory_space<semaphore_mem>>)
      %mul3A_973 = arith.constant 25 : i32
      %mul3A_974 = arith.muli %add3A_802, %mul3A_973 : i32
      %add3A_975 = arith.constant 11 : i32
      %add3A_976 = arith.addi %mul3A_974, %add3A_975 : i32
      %mul3A_977 = arith.constant 1024 : i32
      %mul3A_978 = arith.muli %add3A_976, %mul3A_977 : i32
      %add3A_979 = arith.addi %add3A_61, %mul3A_978 : i32
      %dma_start3A_980 = arith.constant 1408 : i32
      %dma_start3A_981 = tpu.memref_slice %arg18[%dma_start3A_980] : memref<3200xf32, #tpu.memory_space<vmem>> -> memref<128xf32, #tpu.memory_space<vmem>>
      %dma_start3A_982 = tpu.memref_slice %arg6[%add3A_979] : memref<25600000xf32, #tpu.memory_space<hbm>> -> memref<128xf32, #tpu.memory_space<hbm>>
      %dma_start3A_983 = tpu.memref_slice %arg6[%add3A_979] : memref<25600000xf32, #tpu.memory_space<hbm>> -> memref<128xf32, #tpu.memory_space<hbm>>
      %dma_start3A_984 = arith.constant 1408 : i32
      %dma_start3A_985 = tpu.memref_slice %arg18[%dma_start3A_984] : memref<3200xf32, #tpu.memory_space<vmem>> -> memref<128xf32, #tpu.memory_space<vmem>>
      tpu.enqueue_dma source(%dma_start3A_985 : memref<128xf32, #tpu.memory_space<vmem>>) target(%dma_start3A_983 : memref<128xf32, #tpu.memory_space<hbm>>) target_semaphore(%arg22 : memref<!tpu.dma_semaphore, #tpu.memory_space<semaphore_mem>>)
      %mul3A_986 = arith.constant 25 : i32
      %mul3A_987 = arith.muli %add3A_802, %mul3A_986 : i32
      %add3A_988 = arith.constant 12 : i32
      %add3A_989 = arith.addi %mul3A_987, %add3A_988 : i32
      %mul3A_990 = arith.constant 1024 : i32
      %mul3A_991 = arith.muli %add3A_989, %mul3A_990 : i32
      %add3A_992 = arith.addi %add3A_61, %mul3A_991 : i32
      %dma_start3A_993 = arith.constant 1536 : i32
      %dma_start3A_994 = tpu.memref_slice %arg18[%dma_start3A_993] : memref<3200xf32, #tpu.memory_space<vmem>> -> memref<128xf32, #tpu.memory_space<vmem>>
      %dma_start3A_995 = tpu.memref_slice %arg6[%add3A_992] : memref<25600000xf32, #tpu.memory_space<hbm>> -> memref<128xf32, #tpu.memory_space<hbm>>
      %dma_start3A_996 = tpu.memref_slice %arg6[%add3A_992] : memref<25600000xf32, #tpu.memory_space<hbm>> -> memref<128xf32, #tpu.memory_space<hbm>>
      %dma_start3A_997 = arith.constant 1536 : i32
      %dma_start3A_998 = tpu.memref_slice %arg18[%dma_start3A_997] : memref<3200xf32, #tpu.memory_space<vmem>> -> memref<128xf32, #tpu.memory_space<vmem>>
      tpu.enqueue_dma source(%dma_start3A_998 : memref<128xf32, #tpu.memory_space<vmem>>) target(%dma_start3A_996 : memref<128xf32, #tpu.memory_space<hbm>>) target_semaphore(%arg22 : memref<!tpu.dma_semaphore, #tpu.memory_space<semaphore_mem>>)
      %mul3A_999 = arith.constant 25 : i32
      %mul3A_1000 = arith.muli %add3A_802, %mul3A_999 : i32
      %add3A_1001 = arith.constant 13 : i32
      %add3A_1002 = arith.addi %mul3A_1000, %add3A_1001 : i32
      %mul3A_1003 = arith.constant 1024 : i32
      %mul3A_1004 = arith.muli %add3A_1002, %mul3A_1003 : i32
      %add3A_1005 = arith.addi %add3A_61, %mul3A_1004 : i32
      %dma_start3A_1006 = arith.constant 1664 : i32
      %dma_start3A_1007 = tpu.memref_slice %arg18[%dma_start3A_1006] : memref<3200xf32, #tpu.memory_space<vmem>> -> memref<128xf32, #tpu.memory_space<vmem>>
      %dma_start3A_1008 = tpu.memref_slice %arg6[%add3A_1005] : memref<25600000xf32, #tpu.memory_space<hbm>> -> memref<128xf32, #tpu.memory_space<hbm>>
      %dma_start3A_1009 = tpu.memref_slice %arg6[%add3A_1005] : memref<25600000xf32, #tpu.memory_space<hbm>> -> memref<128xf32, #tpu.memory_space<hbm>>
      %dma_start3A_1010 = arith.constant 1664 : i32
      %dma_start3A_1011 = tpu.memref_slice %arg18[%dma_start3A_1010] : memref<3200xf32, #tpu.memory_space<vmem>> -> memref<128xf32, #tpu.memory_space<vmem>>
      tpu.enqueue_dma source(%dma_start3A_1011 : memref<128xf32, #tpu.memory_space<vmem>>) target(%dma_start3A_1009 : memref<128xf32, #tpu.memory_space<hbm>>) target_semaphore(%arg22 : memref<!tpu.dma_semaphore, #tpu.memory_space<semaphore_mem>>)
      %mul3A_1012 = arith.constant 25 : i32
      %mul3A_1013 = arith.muli %add3A_802, %mul3A_1012 : i32
      %add3A_1014 = arith.constant 14 : i32
      %add3A_1015 = arith.addi %mul3A_1013, %add3A_1014 : i32
      %mul3A_1016 = arith.constant 1024 : i32
      %mul3A_1017 = arith.muli %add3A_1015, %mul3A_1016 : i32
      %add3A_1018 = arith.addi %add3A_61, %mul3A_1017 : i32
      %dma_start3A_1019 = arith.constant 1792 : i32
      %dma_start3A_1020 = tpu.memref_slice %arg18[%dma_start3A_1019] : memref<3200xf32, #tpu.memory_space<vmem>> -> memref<128xf32, #tpu.memory_space<vmem>>
      %dma_start3A_1021 = tpu.memref_slice %arg6[%add3A_1018] : memref<25600000xf32, #tpu.memory_space<hbm>> -> memref<128xf32, #tpu.memory_space<hbm>>
      %dma_start3A_1022 = tpu.memref_slice %arg6[%add3A_1018] : memref<25600000xf32, #tpu.memory_space<hbm>> -> memref<128xf32, #tpu.memory_space<hbm>>
      %dma_start3A_1023 = arith.constant 1792 : i32
      %dma_start3A_1024 = tpu.memref_slice %arg18[%dma_start3A_1023] : memref<3200xf32, #tpu.memory_space<vmem>> -> memref<128xf32, #tpu.memory_space<vmem>>
      tpu.enqueue_dma source(%dma_start3A_1024 : memref<128xf32, #tpu.memory_space<vmem>>) target(%dma_start3A_1022 : memref<128xf32, #tpu.memory_space<hbm>>) target_semaphore(%arg22 : memref<!tpu.dma_semaphore, #tpu.memory_space<semaphore_mem>>)
      %mul3A_1025 = arith.constant 25 : i32
      %mul3A_1026 = arith.muli %add3A_802, %mul3A_1025 : i32
      %add3A_1027 = arith.constant 15 : i32
      %add3A_1028 = arith.addi %mul3A_1026, %add3A_1027 : i32
      %mul3A_1029 = arith.constant 1024 : i32
      %mul3A_1030 = arith.muli %add3A_1028, %mul3A_1029 : i32
      %add3A_1031 = arith.addi %add3A_61, %mul3A_1030 : i32
      %dma_start3A_1032 = arith.constant 1920 : i32
      %dma_start3A_1033 = tpu.memref_slice %arg18[%dma_start3A_1032] : memref<3200xf32, #tpu.memory_space<vmem>> -> memref<128xf32, #tpu.memory_space<vmem>>
      %dma_start3A_1034 = tpu.memref_slice %arg6[%add3A_1031] : memref<25600000xf32, #tpu.memory_space<hbm>> -> memref<128xf32, #tpu.memory_space<hbm>>
      %dma_start3A_1035 = tpu.memref_slice %arg6[%add3A_1031] : memref<25600000xf32, #tpu.memory_space<hbm>> -> memref<128xf32, #tpu.memory_space<hbm>>
      %dma_start3A_1036 = arith.constant 1920 : i32
      %dma_start3A_1037 = tpu.memref_slice %arg18[%dma_start3A_1036] : memref<3200xf32, #tpu.memory_space<vmem>> -> memref<128xf32, #tpu.memory_space<vmem>>
      tpu.enqueue_dma source(%dma_start3A_1037 : memref<128xf32, #tpu.memory_space<vmem>>) target(%dma_start3A_1035 : memref<128xf32, #tpu.memory_space<hbm>>) target_semaphore(%arg22 : memref<!tpu.dma_semaphore, #tpu.memory_space<semaphore_mem>>)
      %mul3A_1038 = arith.constant 25 : i32
      %mul3A_1039 = arith.muli %add3A_802, %mul3A_1038 : i32
      %add3A_1040 = arith.constant 16 : i32
      %add3A_1041 = arith.addi %mul3A_1039, %add3A_1040 : i32
      %mul3A_1042 = arith.constant 1024 : i32
      %mul3A_1043 = arith.muli %add3A_1041, %mul3A_1042 : i32
      %add3A_1044 = arith.addi %add3A_61, %mul3A_1043 : i32
      %dma_start3A_1045 = arith.constant 2048 : i32
      %dma_start3A_1046 = tpu.memref_slice %arg18[%dma_start3A_1045] : memref<3200xf32, #tpu.memory_space<vmem>> -> memref<128xf32, #tpu.memory_space<vmem>>
      %dma_start3A_1047 = tpu.memref_slice %arg6[%add3A_1044] : memref<25600000xf32, #tpu.memory_space<hbm>> -> memref<128xf32, #tpu.memory_space<hbm>>
      %dma_start3A_1048 = tpu.memref_slice %arg6[%add3A_1044] : memref<25600000xf32, #tpu.memory_space<hbm>> -> memref<128xf32, #tpu.memory_space<hbm>>
      %dma_start3A_1049 = arith.constant 2048 : i32
      %dma_start3A_1050 = tpu.memref_slice %arg18[%dma_start3A_1049] : memref<3200xf32, #tpu.memory_space<vmem>> -> memref<128xf32, #tpu.memory_space<vmem>>
      tpu.enqueue_dma source(%dma_start3A_1050 : memref<128xf32, #tpu.memory_space<vmem>>) target(%dma_start3A_1048 : memref<128xf32, #tpu.memory_space<hbm>>) target_semaphore(%arg22 : memref<!tpu.dma_semaphore, #tpu.memory_space<semaphore_mem>>)
      %mul3A_1051 = arith.constant 25 : i32
      %mul3A_1052 = arith.muli %add3A_802, %mul3A_1051 : i32
      %add3A_1053 = arith.constant 17 : i32
      %add3A_1054 = arith.addi %mul3A_1052, %add3A_1053 : i32
      %mul3A_1055 = arith.constant 1024 : i32
      %mul3A_1056 = arith.muli %add3A_1054, %mul3A_1055 : i32
      %add3A_1057 = arith.addi %add3A_61, %mul3A_1056 : i32
      %dma_start3A_1058 = arith.constant 2176 : i32
      %dma_start3A_1059 = tpu.memref_slice %arg18[%dma_start3A_1058] : memref<3200xf32, #tpu.memory_space<vmem>> -> memref<128xf32, #tpu.memory_space<vmem>>
      %dma_start3A_1060 = tpu.memref_slice %arg6[%add3A_1057] : memref<25600000xf32, #tpu.memory_space<hbm>> -> memref<128xf32, #tpu.memory_space<hbm>>
      %dma_start3A_1061 = tpu.memref_slice %arg6[%add3A_1057] : memref<25600000xf32, #tpu.memory_space<hbm>> -> memref<128xf32, #tpu.memory_space<hbm>>
      %dma_start3A_1062 = arith.constant 2176 : i32
      %dma_start3A_1063 = tpu.memref_slice %arg18[%dma_start3A_1062] : memref<3200xf32, #tpu.memory_space<vmem>> -> memref<128xf32, #tpu.memory_space<vmem>>
      tpu.enqueue_dma source(%dma_start3A_1063 : memref<128xf32, #tpu.memory_space<vmem>>) target(%dma_start3A_1061 : memref<128xf32, #tpu.memory_space<hbm>>) target_semaphore(%arg22 : memref<!tpu.dma_semaphore, #tpu.memory_space<semaphore_mem>>)
      %mul3A_1064 = arith.constant 25 : i32
      %mul3A_1065 = arith.muli %add3A_802, %mul3A_1064 : i32
      %add3A_1066 = arith.constant 18 : i32
      %add3A_1067 = arith.addi %mul3A_1065, %add3A_1066 : i32
      %mul3A_1068 = arith.constant 1024 : i32
      %mul3A_1069 = arith.muli %add3A_1067, %mul3A_1068 : i32
      %add3A_1070 = arith.addi %add3A_61, %mul3A_1069 : i32
      %dma_start3A_1071 = arith.constant 2304 : i32
      %dma_start3A_1072 = tpu.memref_slice %arg18[%dma_start3A_1071] : memref<3200xf32, #tpu.memory_space<vmem>> -> memref<128xf32, #tpu.memory_space<vmem>>
      %dma_start3A_1073 = tpu.memref_slice %arg6[%add3A_1070] : memref<25600000xf32, #tpu.memory_space<hbm>> -> memref<128xf32, #tpu.memory_space<hbm>>
      %dma_start3A_1074 = tpu.memref_slice %arg6[%add3A_1070] : memref<25600000xf32, #tpu.memory_space<hbm>> -> memref<128xf32, #tpu.memory_space<hbm>>
      %dma_start3A_1075 = arith.constant 2304 : i32
      %dma_start3A_1076 = tpu.memref_slice %arg18[%dma_start3A_1075] : memref<3200xf32, #tpu.memory_space<vmem>> -> memref<128xf32, #tpu.memory_space<vmem>>
      tpu.enqueue_dma source(%dma_start3A_1076 : memref<128xf32, #tpu.memory_space<vmem>>) target(%dma_start3A_1074 : memref<128xf32, #tpu.memory_space<hbm>>) target_semaphore(%arg22 : memref<!tpu.dma_semaphore, #tpu.memory_space<semaphore_mem>>)
      %mul3A_1077 = arith.constant 25 : i32
      %mul3A_1078 = arith.muli %add3A_802, %mul3A_1077 : i32
      %add3A_1079 = arith.constant 19 : i32
      %add3A_1080 = arith.addi %mul3A_1078, %add3A_1079 : i32
      %mul3A_1081 = arith.constant 1024 : i32
      %mul3A_1082 = arith.muli %add3A_1080, %mul3A_1081 : i32
      %add3A_1083 = arith.addi %add3A_61, %mul3A_1082 : i32
      %dma_start3A_1084 = arith.constant 2432 : i32
      %dma_start3A_1085 = tpu.memref_slice %arg18[%dma_start3A_1084] : memref<3200xf32, #tpu.memory_space<vmem>> -> memref<128xf32, #tpu.memory_space<vmem>>
      %dma_start3A_1086 = tpu.memref_slice %arg6[%add3A_1083] : memref<25600000xf32, #tpu.memory_space<hbm>> -> memref<128xf32, #tpu.memory_space<hbm>>
      %dma_start3A_1087 = tpu.memref_slice %arg6[%add3A_1083] : memref<25600000xf32, #tpu.memory_space<hbm>> -> memref<128xf32, #tpu.memory_space<hbm>>
      %dma_start3A_1088 = arith.constant 2432 : i32
      %dma_start3A_1089 = tpu.memref_slice %arg18[%dma_start3A_1088] : memref<3200xf32, #tpu.memory_space<vmem>> -> memref<128xf32, #tpu.memory_space<vmem>>
      tpu.enqueue_dma source(%dma_start3A_1089 : memref<128xf32, #tpu.memory_space<vmem>>) target(%dma_start3A_1087 : memref<128xf32, #tpu.memory_space<hbm>>) target_semaphore(%arg22 : memref<!tpu.dma_semaphore, #tpu.memory_space<semaphore_mem>>)
      %mul3A_1090 = arith.constant 25 : i32
      %mul3A_1091 = arith.muli %add3A_802, %mul3A_1090 : i32
      %add3A_1092 = arith.constant 20 : i32
      %add3A_1093 = arith.addi %mul3A_1091, %add3A_1092 : i32
      %mul3A_1094 = arith.constant 1024 : i32
      %mul3A_1095 = arith.muli %add3A_1093, %mul3A_1094 : i32
      %add3A_1096 = arith.addi %add3A_61, %mul3A_1095 : i32
      %dma_start3A_1097 = arith.constant 2560 : i32
      %dma_start3A_1098 = tpu.memref_slice %arg18[%dma_start3A_1097] : memref<3200xf32, #tpu.memory_space<vmem>> -> memref<128xf32, #tpu.memory_space<vmem>>
      %dma_start3A_1099 = tpu.memref_slice %arg6[%add3A_1096] : memref<25600000xf32, #tpu.memory_space<hbm>> -> memref<128xf32, #tpu.memory_space<hbm>>
      %dma_start3A_1100 = tpu.memref_slice %arg6[%add3A_1096] : memref<25600000xf32, #tpu.memory_space<hbm>> -> memref<128xf32, #tpu.memory_space<hbm>>
      %dma_start3A_1101 = arith.constant 2560 : i32
      %dma_start3A_1102 = tpu.memref_slice %arg18[%dma_start3A_1101] : memref<3200xf32, #tpu.memory_space<vmem>> -> memref<128xf32, #tpu.memory_space<vmem>>
      tpu.enqueue_dma source(%dma_start3A_1102 : memref<128xf32, #tpu.memory_space<vmem>>) target(%dma_start3A_1100 : memref<128xf32, #tpu.memory_space<hbm>>) target_semaphore(%arg22 : memref<!tpu.dma_semaphore, #tpu.memory_space<semaphore_mem>>)
      %mul3A_1103 = arith.constant 25 : i32
      %mul3A_1104 = arith.muli %add3A_802, %mul3A_1103 : i32
      %add3A_1105 = arith.constant 21 : i32
      %add3A_1106 = arith.addi %mul3A_1104, %add3A_1105 : i32
      %mul3A_1107 = arith.constant 1024 : i32
      %mul3A_1108 = arith.muli %add3A_1106, %mul3A_1107 : i32
      %add3A_1109 = arith.addi %add3A_61, %mul3A_1108 : i32
      %dma_start3A_1110 = arith.constant 2688 : i32
      %dma_start3A_1111 = tpu.memref_slice %arg18[%dma_start3A_1110] : memref<3200xf32, #tpu.memory_space<vmem>> -> memref<128xf32, #tpu.memory_space<vmem>>
      %dma_start3A_1112 = tpu.memref_slice %arg6[%add3A_1109] : memref<25600000xf32, #tpu.memory_space<hbm>> -> memref<128xf32, #tpu.memory_space<hbm>>
      %dma_start3A_1113 = tpu.memref_slice %arg6[%add3A_1109] : memref<25600000xf32, #tpu.memory_space<hbm>> -> memref<128xf32, #tpu.memory_space<hbm>>
      %dma_start3A_1114 = arith.constant 2688 : i32
      %dma_start3A_1115 = tpu.memref_slice %arg18[%dma_start3A_1114] : memref<3200xf32, #tpu.memory_space<vmem>> -> memref<128xf32, #tpu.memory_space<vmem>>
      tpu.enqueue_dma source(%dma_start3A_1115 : memref<128xf32, #tpu.memory_space<vmem>>) target(%dma_start3A_1113 : memref<128xf32, #tpu.memory_space<hbm>>) target_semaphore(%arg22 : memref<!tpu.dma_semaphore, #tpu.memory_space<semaphore_mem>>)
      %mul3A_1116 = arith.constant 25 : i32
      %mul3A_1117 = arith.muli %add3A_802, %mul3A_1116 : i32
      %add3A_1118 = arith.constant 22 : i32
      %add3A_1119 = arith.addi %mul3A_1117, %add3A_1118 : i32
      %mul3A_1120 = arith.constant 1024 : i32
      %mul3A_1121 = arith.muli %add3A_1119, %mul3A_1120 : i32
      %add3A_1122 = arith.addi %add3A_61, %mul3A_1121 : i32
      %dma_start3A_1123 = arith.constant 2816 : i32
      %dma_start3A_1124 = tpu.memref_slice %arg18[%dma_start3A_1123] : memref<3200xf32, #tpu.memory_space<vmem>> -> memref<128xf32, #tpu.memory_space<vmem>>
      %dma_start3A_1125 = tpu.memref_slice %arg6[%add3A_1122] : memref<25600000xf32, #tpu.memory_space<hbm>> -> memref<128xf32, #tpu.memory_space<hbm>>
      %dma_start3A_1126 = tpu.memref_slice %arg6[%add3A_1122] : memref<25600000xf32, #tpu.memory_space<hbm>> -> memref<128xf32, #tpu.memory_space<hbm>>
      %dma_start3A_1127 = arith.constant 2816 : i32
      %dma_start3A_1128 = tpu.memref_slice %arg18[%dma_start3A_1127] : memref<3200xf32, #tpu.memory_space<vmem>> -> memref<128xf32, #tpu.memory_space<vmem>>
      tpu.enqueue_dma source(%dma_start3A_1128 : memref<128xf32, #tpu.memory_space<vmem>>) target(%dma_start3A_1126 : memref<128xf32, #tpu.memory_space<hbm>>) target_semaphore(%arg22 : memref<!tpu.dma_semaphore, #tpu.memory_space<semaphore_mem>>)
      %mul3A_1129 = arith.constant 25 : i32
      %mul3A_1130 = arith.muli %add3A_802, %mul3A_1129 : i32
      %add3A_1131 = arith.constant 23 : i32
      %add3A_1132 = arith.addi %mul3A_1130, %add3A_1131 : i32
      %mul3A_1133 = arith.constant 1024 : i32
      %mul3A_1134 = arith.muli %add3A_1132, %mul3A_1133 : i32
      %add3A_1135 = arith.addi %add3A_61, %mul3A_1134 : i32
      %dma_start3A_1136 = arith.constant 2944 : i32
      %dma_start3A_1137 = tpu.memref_slice %arg18[%dma_start3A_1136] : memref<3200xf32, #tpu.memory_space<vmem>> -> memref<128xf32, #tpu.memory_space<vmem>>
      %dma_start3A_1138 = tpu.memref_slice %arg6[%add3A_1135] : memref<25600000xf32, #tpu.memory_space<hbm>> -> memref<128xf32, #tpu.memory_space<hbm>>
      %dma_start3A_1139 = tpu.memref_slice %arg6[%add3A_1135] : memref<25600000xf32, #tpu.memory_space<hbm>> -> memref<128xf32, #tpu.memory_space<hbm>>
      %dma_start3A_1140 = arith.constant 2944 : i32
      %dma_start3A_1141 = tpu.memref_slice %arg18[%dma_start3A_1140] : memref<3200xf32, #tpu.memory_space<vmem>> -> memref<128xf32, #tpu.memory_space<vmem>>
      tpu.enqueue_dma source(%dma_start3A_1141 : memref<128xf32, #tpu.memory_space<vmem>>) target(%dma_start3A_1139 : memref<128xf32, #tpu.memory_space<hbm>>) target_semaphore(%arg22 : memref<!tpu.dma_semaphore, #tpu.memory_space<semaphore_mem>>)
      %mul3A_1142 = arith.constant 25 : i32
      %mul3A_1143 = arith.muli %add3A_802, %mul3A_1142 : i32
      %add3A_1144 = arith.constant 24 : i32
      %add3A_1145 = arith.addi %mul3A_1143, %add3A_1144 : i32
      %mul3A_1146 = arith.constant 1024 : i32
      %mul3A_1147 = arith.muli %add3A_1145, %mul3A_1146 : i32
      %add3A_1148 = arith.addi %add3A_61, %mul3A_1147 : i32
      %dma_start3A_1149 = arith.constant 3072 : i32
      %dma_start3A_1150 = tpu.memref_slice %arg18[%dma_start3A_1149] : memref<3200xf32, #tpu.memory_space<vmem>> -> memref<128xf32, #tpu.memory_space<vmem>>
      %dma_start3A_1151 = tpu.memref_slice %arg6[%add3A_1148] : memref<25600000xf32, #tpu.memory_space<hbm>> -> memref<128xf32, #tpu.memory_space<hbm>>
      %dma_start3A_1152 = tpu.memref_slice %arg6[%add3A_1148] : memref<25600000xf32, #tpu.memory_space<hbm>> -> memref<128xf32, #tpu.memory_space<hbm>>
      %dma_start3A_1153 = arith.constant 3072 : i32
      %dma_start3A_1154 = tpu.memref_slice %arg18[%dma_start3A_1153] : memref<3200xf32, #tpu.memory_space<vmem>> -> memref<128xf32, #tpu.memory_space<vmem>>
      tpu.enqueue_dma source(%dma_start3A_1154 : memref<128xf32, #tpu.memory_space<vmem>>) target(%dma_start3A_1152 : memref<128xf32, #tpu.memory_space<hbm>>) target_semaphore(%arg22 : memref<!tpu.dma_semaphore, #tpu.memory_space<semaphore_mem>>)
    }
    %scan3A_77 = arith.constant 125 : i32
    %dma_wait3A = arith.constant 0 : i32
    %dma_wait3A_78 = tpu.memref_slice %arg6[%dma_wait3A] : memref<25600000xf32, #tpu.memory_space<hbm>> -> memref<3200xf32, #tpu.memory_space<hbm>>
    %dma_wait3A_79 = arith.constant 0 : i32
    %dma_wait3A_80 = tpu.memref_slice %arg6[%dma_wait3A_79] : memref<25600000xf32, #tpu.memory_space<hbm>> -> memref<3200xf32, #tpu.memory_space<hbm>>
    tpu.wait_dma2 semaphore(%arg21 : memref<!tpu.dma_semaphore, #tpu.memory_space<semaphore_mem>>) src(%arg17 : memref<3200xf32, #tpu.memory_space<vmem>>) dst(%dma_wait3A_80 : memref<3200xf32, #tpu.memory_space<hbm>>)
    %dma_wait3A_81 = arith.constant 0 : i32
    %dma_wait3A_82 = tpu.memref_slice %arg6[%dma_wait3A_81] : memref<25600000xf32, #tpu.memory_space<hbm>> -> memref<3200xf32, #tpu.memory_space<hbm>>
    %dma_wait3A_83 = arith.constant 0 : i32
    %dma_wait3A_84 = tpu.memref_slice %arg6[%dma_wait3A_83] : memref<25600000xf32, #tpu.memory_space<hbm>> -> memref<3200xf32, #tpu.memory_space<hbm>>
    tpu.wait_dma2 semaphore(%arg22 : memref<!tpu.dma_semaphore, #tpu.memory_space<semaphore_mem>>) src(%arg18 : memref<3200xf32, #tpu.memory_space<vmem>>) dst(%dma_wait3A_84 : memref<3200xf32, #tpu.memory_space<hbm>>)
    %add3A_85 = arith.constant 0 : i32
    %add3A_86 = arith.addi %mul3A_32, %add3A_85 : i32
    %dma_start3A_87 = tpu.memref_slice %arg3[%add3A_86] : memref<6400000xi32, #tpu.memory_space<hbm>> -> memref<3200xi32, #tpu.memory_space<hbm>>
    %dma_start3A_88 = tpu.memref_slice %arg3[%add3A_86] : memref<6400000xi32, #tpu.memory_space<hbm>> -> memref<3200xi32, #tpu.memory_space<hbm>>
    tpu.enqueue_dma source(%dma_start3A_88 : memref<3200xi32, #tpu.memory_space<hbm>>) target(%arg13 : memref<3200xi32, #tpu.memory_space<vmem>>) target_semaphore(%arg19 : memref<!tpu.dma_semaphore, #tpu.memory_space<semaphore_mem>>)
    %add3A_89 = arith.constant 3200000 : i32
    %add3A_90 = arith.addi %add3A_89, %mul3A_32 : i32
    %add3A_91 = arith.constant 0 : i32
    %add3A_92 = arith.addi %add3A_90, %add3A_91 : i32
    %dma_start3A_93 = tpu.memref_slice %arg3[%add3A_92] : memref<6400000xi32, #tpu.memory_space<hbm>> -> memref<3200xi32, #tpu.memory_space<hbm>>
    %dma_start3A_94 = tpu.memref_slice %arg3[%add3A_92] : memref<6400000xi32, #tpu.memory_space<hbm>> -> memref<3200xi32, #tpu.memory_space<hbm>>
    tpu.enqueue_dma source(%dma_start3A_94 : memref<3200xi32, #tpu.memory_space<hbm>>) target(%arg15 : memref<3200xi32, #tpu.memory_space<vmem>>) target_semaphore(%arg19 : memref<!tpu.dma_semaphore, #tpu.memory_space<semaphore_mem>>)
    %add3A_95 = arith.constant 0 : i32
    %add3A_96 = arith.addi %add3A_61, %add3A_95 : i32
    %dma_start3A_97 = arith.constant 0 : i32
    %dma_start3A_98 = tpu.memref_slice %arg17[%dma_start3A_97] : memref<3200xf32, #tpu.memory_space<vmem>> -> memref<128xf32, #tpu.memory_space<vmem>>
    %dma_start3A_99 = tpu.memref_slice %arg6[%add3A_96] : memref<25600000xf32, #tpu.memory_space<hbm>> -> memref<128xf32, #tpu.memory_space<hbm>>
    %dma_start3A_100 = arith.constant 0 : i32
    %dma_start3A_101 = tpu.memref_slice %arg17[%dma_start3A_100] : memref<3200xf32, #tpu.memory_space<vmem>> -> memref<128xf32, #tpu.memory_space<vmem>>
    %dma_start3A_102 = tpu.memref_slice %arg6[%add3A_96] : memref<25600000xf32, #tpu.memory_space<hbm>> -> memref<128xf32, #tpu.memory_space<hbm>>
    tpu.enqueue_dma source(%dma_start3A_102 : memref<128xf32, #tpu.memory_space<hbm>>) target(%dma_start3A_101 : memref<128xf32, #tpu.memory_space<vmem>>) target_semaphore(%arg19 : memref<!tpu.dma_semaphore, #tpu.memory_space<semaphore_mem>>)
    %add3A_103 = arith.constant 1024 : i32
    %add3A_104 = arith.addi %add3A_61, %add3A_103 : i32
    %dma_start3A_105 = arith.constant 128 : i32
    %dma_start3A_106 = tpu.memref_slice %arg17[%dma_start3A_105] : memref<3200xf32, #tpu.memory_space<vmem>> -> memref<128xf32, #tpu.memory_space<vmem>>
    %dma_start3A_107 = tpu.memref_slice %arg6[%add3A_104] : memref<25600000xf32, #tpu.memory_space<hbm>> -> memref<128xf32, #tpu.memory_space<hbm>>
    %dma_start3A_108 = arith.constant 128 : i32
    %dma_start3A_109 = tpu.memref_slice %arg17[%dma_start3A_108] : memref<3200xf32, #tpu.memory_space<vmem>> -> memref<128xf32, #tpu.memory_space<vmem>>
    %dma_start3A_110 = tpu.memref_slice %arg6[%add3A_104] : memref<25600000xf32, #tpu.memory_space<hbm>> -> memref<128xf32, #tpu.memory_space<hbm>>
    tpu.enqueue_dma source(%dma_start3A_110 : memref<128xf32, #tpu.memory_space<hbm>>) target(%dma_start3A_109 : memref<128xf32, #tpu.memory_space<vmem>>) target_semaphore(%arg19 : memref<!tpu.dma_semaphore, #tpu.memory_space<semaphore_mem>>)
    %add3A_111 = arith.constant 2048 : i32
    %add3A_112 = arith.addi %add3A_61, %add3A_111 : i32
    %dma_start3A_113 = arith.constant 256 : i32
    %dma_start3A_114 = tpu.memref_slice %arg17[%dma_start3A_113] : memref<3200xf32, #tpu.memory_space<vmem>> -> memref<128xf32, #tpu.memory_space<vmem>>
    %dma_start3A_115 = tpu.memref_slice %arg6[%add3A_112] : memref<25600000xf32, #tpu.memory_space<hbm>> -> memref<128xf32, #tpu.memory_space<hbm>>
    %dma_start3A_116 = arith.constant 256 : i32
    %dma_start3A_117 = tpu.memref_slice %arg17[%dma_start3A_116] : memref<3200xf32, #tpu.memory_space<vmem>> -> memref<128xf32, #tpu.memory_space<vmem>>
    %dma_start3A_118 = tpu.memref_slice %arg6[%add3A_112] : memref<25600000xf32, #tpu.memory_space<hbm>> -> memref<128xf32, #tpu.memory_space<hbm>>
    tpu.enqueue_dma source(%dma_start3A_118 : memref<128xf32, #tpu.memory_space<hbm>>) target(%dma_start3A_117 : memref<128xf32, #tpu.memory_space<vmem>>) target_semaphore(%arg19 : memref<!tpu.dma_semaphore, #tpu.memory_space<semaphore_mem>>)
    %add3A_119 = arith.constant 3072 : i32
    %add3A_120 = arith.addi %add3A_61, %add3A_119 : i32
    %dma_start3A_121 = arith.constant 384 : i32
    %dma_start3A_122 = tpu.memref_slice %arg17[%dma_start3A_121] : memref<3200xf32, #tpu.memory_space<vmem>> -> memref<128xf32, #tpu.memory_space<vmem>>
    %dma_start3A_123 = tpu.memref_slice %arg6[%add3A_120] : memref<25600000xf32, #tpu.memory_space<hbm>> -> memref<128xf32, #tpu.memory_space<hbm>>
    %dma_start3A_124 = arith.constant 384 : i32
    %dma_start3A_125 = tpu.memref_slice %arg17[%dma_start3A_124] : memref<3200xf32, #tpu.memory_space<vmem>> -> memref<128xf32, #tpu.memory_space<vmem>>
    %dma_start3A_126 = tpu.memref_slice %arg6[%add3A_120] : memref<25600000xf32, #tpu.memory_space<hbm>> -> memref<128xf32, #tpu.memory_space<hbm>>
    tpu.enqueue_dma source(%dma_start3A_126 : memref<128xf32, #tpu.memory_space<hbm>>) target(%dma_start3A_125 : memref<128xf32, #tpu.memory_space<vmem>>) target_semaphore(%arg19 : memref<!tpu.dma_semaphore, #tpu.memory_space<semaphore_mem>>)
    %add3A_127 = arith.constant 4096 : i32
    %add3A_128 = arith.addi %add3A_61, %add3A_127 : i32
    %dma_start3A_129 = arith.constant 512 : i32
    %dma_start3A_130 = tpu.memref_slice %arg17[%dma_start3A_129] : memref<3200xf32, #tpu.memory_space<vmem>> -> memref<128xf32, #tpu.memory_space<vmem>>
    %dma_start3A_131 = tpu.memref_slice %arg6[%add3A_128] : memref<25600000xf32, #tpu.memory_space<hbm>> -> memref<128xf32, #tpu.memory_space<hbm>>
    %dma_start3A_132 = arith.constant 512 : i32
    %dma_start3A_133 = tpu.memref_slice %arg17[%dma_start3A_132] : memref<3200xf32, #tpu.memory_space<vmem>> -> memref<128xf32, #tpu.memory_space<vmem>>
    %dma_start3A_134 = tpu.memref_slice %arg6[%add3A_128] : memref<25600000xf32, #tpu.memory_space<hbm>> -> memref<128xf32, #tpu.memory_space<hbm>>
    tpu.enqueue_dma source(%dma_start3A_134 : memref<128xf32, #tpu.memory_space<hbm>>) target(%dma_start3A_133 : memref<128xf32, #tpu.memory_space<vmem>>) target_semaphore(%arg19 : memref<!tpu.dma_semaphore, #tpu.memory_space<semaphore_mem>>)
    %add3A_135 = arith.constant 5120 : i32
    %add3A_136 = arith.addi %add3A_61, %add3A_135 : i32
    %dma_start3A_137 = arith.constant 640 : i32
    %dma_start3A_138 = tpu.memref_slice %arg17[%dma_start3A_137] : memref<3200xf32, #tpu.memory_space<vmem>> -> memref<128xf32, #tpu.memory_space<vmem>>
    %dma_start3A_139 = tpu.memref_slice %arg6[%add3A_136] : memref<25600000xf32, #tpu.memory_space<hbm>> -> memref<128xf32, #tpu.memory_space<hbm>>
    %dma_start3A_140 = arith.constant 640 : i32
    %dma_start3A_141 = tpu.memref_slice %arg17[%dma_start3A_140] : memref<3200xf32, #tpu.memory_space<vmem>> -> memref<128xf32, #tpu.memory_space<vmem>>
    %dma_start3A_142 = tpu.memref_slice %arg6[%add3A_136] : memref<25600000xf32, #tpu.memory_space<hbm>> -> memref<128xf32, #tpu.memory_space<hbm>>
    tpu.enqueue_dma source(%dma_start3A_142 : memref<128xf32, #tpu.memory_space<hbm>>) target(%dma_start3A_141 : memref<128xf32, #tpu.memory_space<vmem>>) target_semaphore(%arg19 : memref<!tpu.dma_semaphore, #tpu.memory_space<semaphore_mem>>)
    %add3A_143 = arith.constant 6144 : i32
    %add3A_144 = arith.addi %add3A_61, %add3A_143 : i32
    %dma_start3A_145 = arith.constant 768 : i32
    %dma_start3A_146 = tpu.memref_slice %arg17[%dma_start3A_145] : memref<3200xf32, #tpu.memory_space<vmem>> -> memref<128xf32, #tpu.memory_space<vmem>>
    %dma_start3A_147 = tpu.memref_slice %arg6[%add3A_144] : memref<25600000xf32, #tpu.memory_space<hbm>> -> memref<128xf32, #tpu.memory_space<hbm>>
    %dma_start3A_148 = arith.constant 768 : i32
    %dma_start3A_149 = tpu.memref_slice %arg17[%dma_start3A_148] : memref<3200xf32, #tpu.memory_space<vmem>> -> memref<128xf32, #tpu.memory_space<vmem>>
    %dma_start3A_150 = tpu.memref_slice %arg6[%add3A_144] : memref<25600000xf32, #tpu.memory_space<hbm>> -> memref<128xf32, #tpu.memory_space<hbm>>
    tpu.enqueue_dma source(%dma_start3A_150 : memref<128xf32, #tpu.memory_space<hbm>>) target(%dma_start3A_149 : memref<128xf32, #tpu.memory_space<vmem>>) target_semaphore(%arg19 : memref<!tpu.dma_semaphore, #tpu.memory_space<semaphore_mem>>)
    %add3A_151 = arith.constant 7168 : i32
    %add3A_152 = arith.addi %add3A_61, %add3A_151 : i32
    %dma_start3A_153 = arith.constant 896 : i32
    %dma_start3A_154 = tpu.memref_slice %arg17[%dma_start3A_153] : memref<3200xf32, #tpu.memory_space<vmem>> -> memref<128xf32, #tpu.memory_space<vmem>>
    %dma_start3A_155 = tpu.memref_slice %arg6[%add3A_152] : memref<25600000xf32, #tpu.memory_space<hbm>> -> memref<128xf32, #tpu.memory_space<hbm>>
    %dma_start3A_156 = arith.constant 896 : i32
    %dma_start3A_157 = tpu.memref_slice %arg17[%dma_start3A_156] : memref<3200xf32, #tpu.memory_space<vmem>> -> memref<128xf32, #tpu.memory_space<vmem>>
    %dma_start3A_158 = tpu.memref_slice %arg6[%add3A_152] : memref<25600000xf32, #tpu.memory_space<hbm>> -> memref<128xf32, #tpu.memory_space<hbm>>
    tpu.enqueue_dma source(%dma_start3A_158 : memref<128xf32, #tpu.memory_space<hbm>>) target(%dma_start3A_157 : memref<128xf32, #tpu.memory_space<vmem>>) target_semaphore(%arg19 : memref<!tpu.dma_semaphore, #tpu.memory_space<semaphore_mem>>)
    %add3A_159 = arith.constant 8192 : i32
    %add3A_160 = arith.addi %add3A_61, %add3A_159 : i32
    %dma_start3A_161 = arith.constant 1024 : i32
    %dma_start3A_162 = tpu.memref_slice %arg17[%dma_start3A_161] : memref<3200xf32, #tpu.memory_space<vmem>> -> memref<128xf32, #tpu.memory_space<vmem>>
    %dma_start3A_163 = tpu.memref_slice %arg6[%add3A_160] : memref<25600000xf32, #tpu.memory_space<hbm>> -> memref<128xf32, #tpu.memory_space<hbm>>
    %dma_start3A_164 = arith.constant 1024 : i32
    %dma_start3A_165 = tpu.memref_slice %arg17[%dma_start3A_164] : memref<3200xf32, #tpu.memory_space<vmem>> -> memref<128xf32, #tpu.memory_space<vmem>>
    %dma_start3A_166 = tpu.memref_slice %arg6[%add3A_160] : memref<25600000xf32, #tpu.memory_space<hbm>> -> memref<128xf32, #tpu.memory_space<hbm>>
    tpu.enqueue_dma source(%dma_start3A_166 : memref<128xf32, #tpu.memory_space<hbm>>) target(%dma_start3A_165 : memref<128xf32, #tpu.memory_space<vmem>>) target_semaphore(%arg19 : memref<!tpu.dma_semaphore, #tpu.memory_space<semaphore_mem>>)
    %add3A_167 = arith.constant 9216 : i32
    %add3A_168 = arith.addi %add3A_61, %add3A_167 : i32
    %dma_start3A_169 = arith.constant 1152 : i32
    %dma_start3A_170 = tpu.memref_slice %arg17[%dma_start3A_169] : memref<3200xf32, #tpu.memory_space<vmem>> -> memref<128xf32, #tpu.memory_space<vmem>>
    %dma_start3A_171 = tpu.memref_slice %arg6[%add3A_168] : memref<25600000xf32, #tpu.memory_space<hbm>> -> memref<128xf32, #tpu.memory_space<hbm>>
    %dma_start3A_172 = arith.constant 1152 : i32
    %dma_start3A_173 = tpu.memref_slice %arg17[%dma_start3A_172] : memref<3200xf32, #tpu.memory_space<vmem>> -> memref<128xf32, #tpu.memory_space<vmem>>
    %dma_start3A_174 = tpu.memref_slice %arg6[%add3A_168] : memref<25600000xf32, #tpu.memory_space<hbm>> -> memref<128xf32, #tpu.memory_space<hbm>>
    tpu.enqueue_dma source(%dma_start3A_174 : memref<128xf32, #tpu.memory_space<hbm>>) target(%dma_start3A_173 : memref<128xf32, #tpu.memory_space<vmem>>) target_semaphore(%arg19 : memref<!tpu.dma_semaphore, #tpu.memory_space<semaphore_mem>>)
    %add3A_175 = arith.constant 10240 : i32
    %add3A_176 = arith.addi %add3A_61, %add3A_175 : i32
    %dma_start3A_177 = arith.constant 1280 : i32
    %dma_start3A_178 = tpu.memref_slice %arg17[%dma_start3A_177] : memref<3200xf32, #tpu.memory_space<vmem>> -> memref<128xf32, #tpu.memory_space<vmem>>
    %dma_start3A_179 = tpu.memref_slice %arg6[%add3A_176] : memref<25600000xf32, #tpu.memory_space<hbm>> -> memref<128xf32, #tpu.memory_space<hbm>>
    %dma_start3A_180 = arith.constant 1280 : i32
    %dma_start3A_181 = tpu.memref_slice %arg17[%dma_start3A_180] : memref<3200xf32, #tpu.memory_space<vmem>> -> memref<128xf32, #tpu.memory_space<vmem>>
    %dma_start3A_182 = tpu.memref_slice %arg6[%add3A_176] : memref<25600000xf32, #tpu.memory_space<hbm>> -> memref<128xf32, #tpu.memory_space<hbm>>
    tpu.enqueue_dma source(%dma_start3A_182 : memref<128xf32, #tpu.memory_space<hbm>>) target(%dma_start3A_181 : memref<128xf32, #tpu.memory_space<vmem>>) target_semaphore(%arg19 : memref<!tpu.dma_semaphore, #tpu.memory_space<semaphore_mem>>)
    %add3A_183 = arith.constant 11264 : i32
    %add3A_184 = arith.addi %add3A_61, %add3A_183 : i32
    %dma_start3A_185 = arith.constant 1408 : i32
    %dma_start3A_186 = tpu.memref_slice %arg17[%dma_start3A_185] : memref<3200xf32, #tpu.memory_space<vmem>> -> memref<128xf32, #tpu.memory_space<vmem>>
    %dma_start3A_187 = tpu.memref_slice %arg6[%add3A_184] : memref<25600000xf32, #tpu.memory_space<hbm>> -> memref<128xf32, #tpu.memory_space<hbm>>
    %dma_start3A_188 = arith.constant 1408 : i32
    %dma_start3A_189 = tpu.memref_slice %arg17[%dma_start3A_188] : memref<3200xf32, #tpu.memory_space<vmem>> -> memref<128xf32, #tpu.memory_space<vmem>>
    %dma_start3A_190 = tpu.memref_slice %arg6[%add3A_184] : memref<25600000xf32, #tpu.memory_space<hbm>> -> memref<128xf32, #tpu.memory_space<hbm>>
    tpu.enqueue_dma source(%dma_start3A_190 : memref<128xf32, #tpu.memory_space<hbm>>) target(%dma_start3A_189 : memref<128xf32, #tpu.memory_space<vmem>>) target_semaphore(%arg19 : memref<!tpu.dma_semaphore, #tpu.memory_space<semaphore_mem>>)
    %add3A_191 = arith.constant 12288 : i32
    %add3A_192 = arith.addi %add3A_61, %add3A_191 : i32
    %dma_start3A_193 = arith.constant 1536 : i32
    %dma_start3A_194 = tpu.memref_slice %arg17[%dma_start3A_193] : memref<3200xf32, #tpu.memory_space<vmem>> -> memref<128xf32, #tpu.memory_space<vmem>>
    %dma_start3A_195 = tpu.memref_slice %arg6[%add3A_192] : memref<25600000xf32, #tpu.memory_space<hbm>> -> memref<128xf32, #tpu.memory_space<hbm>>
    %dma_start3A_196 = arith.constant 1536 : i32
    %dma_start3A_197 = tpu.memref_slice %arg17[%dma_start3A_196] : memref<3200xf32, #tpu.memory_space<vmem>> -> memref<128xf32, #tpu.memory_space<vmem>>
    %dma_start3A_198 = tpu.memref_slice %arg6[%add3A_192] : memref<25600000xf32, #tpu.memory_space<hbm>> -> memref<128xf32, #tpu.memory_space<hbm>>
    tpu.enqueue_dma source(%dma_start3A_198 : memref<128xf32, #tpu.memory_space<hbm>>) target(%dma_start3A_197 : memref<128xf32, #tpu.memory_space<vmem>>) target_semaphore(%arg19 : memref<!tpu.dma_semaphore, #tpu.memory_space<semaphore_mem>>)
    %add3A_199 = arith.constant 13312 : i32
    %add3A_200 = arith.addi %add3A_61, %add3A_199 : i32
    %dma_start3A_201 = arith.constant 1664 : i32
    %dma_start3A_202 = tpu.memref_slice %arg17[%dma_start3A_201] : memref<3200xf32, #tpu.memory_space<vmem>> -> memref<128xf32, #tpu.memory_space<vmem>>
    %dma_start3A_203 = tpu.memref_slice %arg6[%add3A_200] : memref<25600000xf32, #tpu.memory_space<hbm>> -> memref<128xf32, #tpu.memory_space<hbm>>
    %dma_start3A_204 = arith.constant 1664 : i32
    %dma_start3A_205 = tpu.memref_slice %arg17[%dma_start3A_204] : memref<3200xf32, #tpu.memory_space<vmem>> -> memref<128xf32, #tpu.memory_space<vmem>>
    %dma_start3A_206 = tpu.memref_slice %arg6[%add3A_200] : memref<25600000xf32, #tpu.memory_space<hbm>> -> memref<128xf32, #tpu.memory_space<hbm>>
    tpu.enqueue_dma source(%dma_start3A_206 : memref<128xf32, #tpu.memory_space<hbm>>) target(%dma_start3A_205 : memref<128xf32, #tpu.memory_space<vmem>>) target_semaphore(%arg19 : memref<!tpu.dma_semaphore, #tpu.memory_space<semaphore_mem>>)
    %add3A_207 = arith.constant 14336 : i32
    %add3A_208 = arith.addi %add3A_61, %add3A_207 : i32
    %dma_start3A_209 = arith.constant 1792 : i32
    %dma_start3A_210 = tpu.memref_slice %arg17[%dma_start3A_209] : memref<3200xf32, #tpu.memory_space<vmem>> -> memref<128xf32, #tpu.memory_space<vmem>>
    %dma_start3A_211 = tpu.memref_slice %arg6[%add3A_208] : memref<25600000xf32, #tpu.memory_space<hbm>> -> memref<128xf32, #tpu.memory_space<hbm>>
    %dma_start3A_212 = arith.constant 1792 : i32
    %dma_start3A_213 = tpu.memref_slice %arg17[%dma_start3A_212] : memref<3200xf32, #tpu.memory_space<vmem>> -> memref<128xf32, #tpu.memory_space<vmem>>
    %dma_start3A_214 = tpu.memref_slice %arg6[%add3A_208] : memref<25600000xf32, #tpu.memory_space<hbm>> -> memref<128xf32, #tpu.memory_space<hbm>>
    tpu.enqueue_dma source(%dma_start3A_214 : memref<128xf32, #tpu.memory_space<hbm>>) target(%dma_start3A_213 : memref<128xf32, #tpu.memory_space<vmem>>) target_semaphore(%arg19 : memref<!tpu.dma_semaphore, #tpu.memory_space<semaphore_mem>>)
    %add3A_215 = arith.constant 15360 : i32
    %add3A_216 = arith.addi %add3A_61, %add3A_215 : i32
    %dma_start3A_217 = arith.constant 1920 : i32
    %dma_start3A_218 = tpu.memref_slice %arg17[%dma_start3A_217] : memref<3200xf32, #tpu.memory_space<vmem>> -> memref<128xf32, #tpu.memory_space<vmem>>
    %dma_start3A_219 = tpu.memref_slice %arg6[%add3A_216] : memref<25600000xf32, #tpu.memory_space<hbm>> -> memref<128xf32, #tpu.memory_space<hbm>>
    %dma_start3A_220 = arith.constant 1920 : i32
    %dma_start3A_221 = tpu.memref_slice %arg17[%dma_start3A_220] : memref<3200xf32, #tpu.memory_space<vmem>> -> memref<128xf32, #tpu.memory_space<vmem>>
    %dma_start3A_222 = tpu.memref_slice %arg6[%add3A_216] : memref<25600000xf32, #tpu.memory_space<hbm>> -> memref<128xf32, #tpu.memory_space<hbm>>
    tpu.enqueue_dma source(%dma_start3A_222 : memref<128xf32, #tpu.memory_space<hbm>>) target(%dma_start3A_221 : memref<128xf32, #tpu.memory_space<vmem>>) target_semaphore(%arg19 : memref<!tpu.dma_semaphore, #tpu.memory_space<semaphore_mem>>)
    %add3A_223 = arith.constant 16384 : i32
    %add3A_224 = arith.addi %add3A_61, %add3A_223 : i32
    %dma_start3A_225 = arith.constant 2048 : i32
    %dma_start3A_226 = tpu.memref_slice %arg17[%dma_start3A_225] : memref<3200xf32, #tpu.memory_space<vmem>> -> memref<128xf32, #tpu.memory_space<vmem>>
    %dma_start3A_227 = tpu.memref_slice %arg6[%add3A_224] : memref<25600000xf32, #tpu.memory_space<hbm>> -> memref<128xf32, #tpu.memory_space<hbm>>
    %dma_start3A_228 = arith.constant 2048 : i32
    %dma_start3A_229 = tpu.memref_slice %arg17[%dma_start3A_228] : memref<3200xf32, #tpu.memory_space<vmem>> -> memref<128xf32, #tpu.memory_space<vmem>>
    %dma_start3A_230 = tpu.memref_slice %arg6[%add3A_224] : memref<25600000xf32, #tpu.memory_space<hbm>> -> memref<128xf32, #tpu.memory_space<hbm>>
    tpu.enqueue_dma source(%dma_start3A_230 : memref<128xf32, #tpu.memory_space<hbm>>) target(%dma_start3A_229 : memref<128xf32, #tpu.memory_space<vmem>>) target_semaphore(%arg19 : memref<!tpu.dma_semaphore, #tpu.memory_space<semaphore_mem>>)
    %add3A_231 = arith.constant 17408 : i32
    %add3A_232 = arith.addi %add3A_61, %add3A_231 : i32
    %dma_start3A_233 = arith.constant 2176 : i32
    %dma_start3A_234 = tpu.memref_slice %arg17[%dma_start3A_233] : memref<3200xf32, #tpu.memory_space<vmem>> -> memref<128xf32, #tpu.memory_space<vmem>>
    %dma_start3A_235 = tpu.memref_slice %arg6[%add3A_232] : memref<25600000xf32, #tpu.memory_space<hbm>> -> memref<128xf32, #tpu.memory_space<hbm>>
    %dma_start3A_236 = arith.constant 2176 : i32
    %dma_start3A_237 = tpu.memref_slice %arg17[%dma_start3A_236] : memref<3200xf32, #tpu.memory_space<vmem>> -> memref<128xf32, #tpu.memory_space<vmem>>
    %dma_start3A_238 = tpu.memref_slice %arg6[%add3A_232] : memref<25600000xf32, #tpu.memory_space<hbm>> -> memref<128xf32, #tpu.memory_space<hbm>>
    tpu.enqueue_dma source(%dma_start3A_238 : memref<128xf32, #tpu.memory_space<hbm>>) target(%dma_start3A_237 : memref<128xf32, #tpu.memory_space<vmem>>) target_semaphore(%arg19 : memref<!tpu.dma_semaphore, #tpu.memory_space<semaphore_mem>>)
    %add3A_239 = arith.constant 18432 : i32
    %add3A_240 = arith.addi %add3A_61, %add3A_239 : i32
    %dma_start3A_241 = arith.constant 2304 : i32
    %dma_start3A_242 = tpu.memref_slice %arg17[%dma_start3A_241] : memref<3200xf32, #tpu.memory_space<vmem>> -> memref<128xf32, #tpu.memory_space<vmem>>
    %dma_start3A_243 = tpu.memref_slice %arg6[%add3A_240] : memref<25600000xf32, #tpu.memory_space<hbm>> -> memref<128xf32, #tpu.memory_space<hbm>>
    %dma_start3A_244 = arith.constant 2304 : i32
    %dma_start3A_245 = tpu.memref_slice %arg17[%dma_start3A_244] : memref<3200xf32, #tpu.memory_space<vmem>> -> memref<128xf32, #tpu.memory_space<vmem>>
    %dma_start3A_246 = tpu.memref_slice %arg6[%add3A_240] : memref<25600000xf32, #tpu.memory_space<hbm>> -> memref<128xf32, #tpu.memory_space<hbm>>
    tpu.enqueue_dma source(%dma_start3A_246 : memref<128xf32, #tpu.memory_space<hbm>>) target(%dma_start3A_245 : memref<128xf32, #tpu.memory_space<vmem>>) target_semaphore(%arg19 : memref<!tpu.dma_semaphore, #tpu.memory_space<semaphore_mem>>)
    %add3A_247 = arith.constant 19456 : i32
    %add3A_248 = arith.addi %add3A_61, %add3A_247 : i32
    %dma_start3A_249 = arith.constant 2432 : i32
    %dma_start3A_250 = tpu.memref_slice %arg17[%dma_start3A_249] : memref<3200xf32, #tpu.memory_space<vmem>> -> memref<128xf32, #tpu.memory_space<vmem>>
    %dma_start3A_251 = tpu.memref_slice %arg6[%add3A_248] : memref<25600000xf32, #tpu.memory_space<hbm>> -> memref<128xf32, #tpu.memory_space<hbm>>
    %dma_start3A_252 = arith.constant 2432 : i32
    %dma_start3A_253 = tpu.memref_slice %arg17[%dma_start3A_252] : memref<3200xf32, #tpu.memory_space<vmem>> -> memref<128xf32, #tpu.memory_space<vmem>>
    %dma_start3A_254 = tpu.memref_slice %arg6[%add3A_248] : memref<25600000xf32, #tpu.memory_space<hbm>> -> memref<128xf32, #tpu.memory_space<hbm>>
    tpu.enqueue_dma source(%dma_start3A_254 : memref<128xf32, #tpu.memory_space<hbm>>) target(%dma_start3A_253 : memref<128xf32, #tpu.memory_space<vmem>>) target_semaphore(%arg19 : memref<!tpu.dma_semaphore, #tpu.memory_space<semaphore_mem>>)
    %add3A_255 = arith.constant 20480 : i32
    %add3A_256 = arith.addi %add3A_61, %add3A_255 : i32
    %dma_start3A_257 = arith.constant 2560 : i32
    %dma_start3A_258 = tpu.memref_slice %arg17[%dma_start3A_257] : memref<3200xf32, #tpu.memory_space<vmem>> -> memref<128xf32, #tpu.memory_space<vmem>>
    %dma_start3A_259 = tpu.memref_slice %arg6[%add3A_256] : memref<25600000xf32, #tpu.memory_space<hbm>> -> memref<128xf32, #tpu.memory_space<hbm>>
    %dma_start3A_260 = arith.constant 2560 : i32
    %dma_start3A_261 = tpu.memref_slice %arg17[%dma_start3A_260] : memref<3200xf32, #tpu.memory_space<vmem>> -> memref<128xf32, #tpu.memory_space<vmem>>
    %dma_start3A_262 = tpu.memref_slice %arg6[%add3A_256] : memref<25600000xf32, #tpu.memory_space<hbm>> -> memref<128xf32, #tpu.memory_space<hbm>>
    tpu.enqueue_dma source(%dma_start3A_262 : memref<128xf32, #tpu.memory_space<hbm>>) target(%dma_start3A_261 : memref<128xf32, #tpu.memory_space<vmem>>) target_semaphore(%arg19 : memref<!tpu.dma_semaphore, #tpu.memory_space<semaphore_mem>>)
    %add3A_263 = arith.constant 21504 : i32
    %add3A_264 = arith.addi %add3A_61, %add3A_263 : i32
    %dma_start3A_265 = arith.constant 2688 : i32
    %dma_start3A_266 = tpu.memref_slice %arg17[%dma_start3A_265] : memref<3200xf32, #tpu.memory_space<vmem>> -> memref<128xf32, #tpu.memory_space<vmem>>
    %dma_start3A_267 = tpu.memref_slice %arg6[%add3A_264] : memref<25600000xf32, #tpu.memory_space<hbm>> -> memref<128xf32, #tpu.memory_space<hbm>>
    %dma_start3A_268 = arith.constant 2688 : i32
    %dma_start3A_269 = tpu.memref_slice %arg17[%dma_start3A_268] : memref<3200xf32, #tpu.memory_space<vmem>> -> memref<128xf32, #tpu.memory_space<vmem>>
    %dma_start3A_270 = tpu.memref_slice %arg6[%add3A_264] : memref<25600000xf32, #tpu.memory_space<hbm>> -> memref<128xf32, #tpu.memory_space<hbm>>
    tpu.enqueue_dma source(%dma_start3A_270 : memref<128xf32, #tpu.memory_space<hbm>>) target(%dma_start3A_269 : memref<128xf32, #tpu.memory_space<vmem>>) target_semaphore(%arg19 : memref<!tpu.dma_semaphore, #tpu.memory_space<semaphore_mem>>)
    %add3A_271 = arith.constant 22528 : i32
    %add3A_272 = arith.addi %add3A_61, %add3A_271 : i32
    %dma_start3A_273 = arith.constant 2816 : i32
    %dma_start3A_274 = tpu.memref_slice %arg17[%dma_start3A_273] : memref<3200xf32, #tpu.memory_space<vmem>> -> memref<128xf32, #tpu.memory_space<vmem>>
    %dma_start3A_275 = tpu.memref_slice %arg6[%add3A_272] : memref<25600000xf32, #tpu.memory_space<hbm>> -> memref<128xf32, #tpu.memory_space<hbm>>
    %dma_start3A_276 = arith.constant 2816 : i32
    %dma_start3A_277 = tpu.memref_slice %arg17[%dma_start3A_276] : memref<3200xf32, #tpu.memory_space<vmem>> -> memref<128xf32, #tpu.memory_space<vmem>>
    %dma_start3A_278 = tpu.memref_slice %arg6[%add3A_272] : memref<25600000xf32, #tpu.memory_space<hbm>> -> memref<128xf32, #tpu.memory_space<hbm>>
    tpu.enqueue_dma source(%dma_start3A_278 : memref<128xf32, #tpu.memory_space<hbm>>) target(%dma_start3A_277 : memref<128xf32, #tpu.memory_space<vmem>>) target_semaphore(%arg19 : memref<!tpu.dma_semaphore, #tpu.memory_space<semaphore_mem>>)
    %add3A_279 = arith.constant 23552 : i32
    %add3A_280 = arith.addi %add3A_61, %add3A_279 : i32
    %dma_start3A_281 = arith.constant 2944 : i32
    %dma_start3A_282 = tpu.memref_slice %arg17[%dma_start3A_281] : memref<3200xf32, #tpu.memory_space<vmem>> -> memref<128xf32, #tpu.memory_space<vmem>>
    %dma_start3A_283 = tpu.memref_slice %arg6[%add3A_280] : memref<25600000xf32, #tpu.memory_space<hbm>> -> memref<128xf32, #tpu.memory_space<hbm>>
    %dma_start3A_284 = arith.constant 2944 : i32
    %dma_start3A_285 = tpu.memref_slice %arg17[%dma_start3A_284] : memref<3200xf32, #tpu.memory_space<vmem>> -> memref<128xf32, #tpu.memory_space<vmem>>
    %dma_start3A_286 = tpu.memref_slice %arg6[%add3A_280] : memref<25600000xf32, #tpu.memory_space<hbm>> -> memref<128xf32, #tpu.memory_space<hbm>>
    tpu.enqueue_dma source(%dma_start3A_286 : memref<128xf32, #tpu.memory_space<hbm>>) target(%dma_start3A_285 : memref<128xf32, #tpu.memory_space<vmem>>) target_semaphore(%arg19 : memref<!tpu.dma_semaphore, #tpu.memory_space<semaphore_mem>>)
    %add3A_287 = arith.constant 24576 : i32
    %add3A_288 = arith.addi %add3A_61, %add3A_287 : i32
    %dma_start3A_289 = arith.constant 3072 : i32
    %dma_start3A_290 = tpu.memref_slice %arg17[%dma_start3A_289] : memref<3200xf32, #tpu.memory_space<vmem>> -> memref<128xf32, #tpu.memory_space<vmem>>
    %dma_start3A_291 = tpu.memref_slice %arg6[%add3A_288] : memref<25600000xf32, #tpu.memory_space<hbm>> -> memref<128xf32, #tpu.memory_space<hbm>>
    %dma_start3A_292 = arith.constant 3072 : i32
    %dma_start3A_293 = tpu.memref_slice %arg17[%dma_start3A_292] : memref<3200xf32, #tpu.memory_space<vmem>> -> memref<128xf32, #tpu.memory_space<vmem>>
    %dma_start3A_294 = tpu.memref_slice %arg6[%add3A_288] : memref<25600000xf32, #tpu.memory_space<hbm>> -> memref<128xf32, #tpu.memory_space<hbm>>
    tpu.enqueue_dma source(%dma_start3A_294 : memref<128xf32, #tpu.memory_space<hbm>>) target(%dma_start3A_293 : memref<128xf32, #tpu.memory_space<vmem>>) target_semaphore(%arg19 : memref<!tpu.dma_semaphore, #tpu.memory_space<semaphore_mem>>)
    %broadcast_in_dim3A = arith.constant 0.000000e+00 : f32
    %broadcast_in_dim3A_295 = vector.broadcast %broadcast_in_dim3A : f32 to vector<16xf32>
    %parallel_loop3A = arith.constant 0 : i32
    %parallel_loop3A_296 = arith.constant 100000 : i32
    %parallel_loop3A_297 = arith.constant 16 : i32
    scf.for %parallel_loop3A_443 = %parallel_loop3A to %parallel_loop3A_296 step %parallel_loop3A_297  : i32 {
      %parallel_loop3A_444 = arith.index_cast %parallel_loop3A_443 : i32 to index
      %parallel_loop3A_445 = tpu.vector_load %arg10[%parallel_loop3A_444] {strides = array<i32>} : memref<100000xf32, #tpu.memory_space<vmem>>, vector<16xf32>,
      tpu.vector_store %arg10[%parallel_loop3A_444], %broadcast_in_dim3A_295 {strides = array<i32>} : memref<100000xf32, #tpu.memory_space<vmem>>, vector<16xf32>,
    } {sc.loop_unroll_factor = 8 : i64, sc.parallel_access}
    %scan3A_298 = arith.constant 0 : i32
    %scan3A_299 = arith.constant 0 : i32
    %scan3A_300 = arith.constant 125 : i32
    %scan3A_301 = arith.addi %scan3A_299, %scan3A_300 : i32
    %scan3A_302 = arith.constant 1 : i32
    scf.for %scan3A_443 = %scan3A_299 to %scan3A_301 step %scan3A_302  : i32 {
      %mul3A_444 = arith.constant 2 : i32
      %mul3A_445 = arith.muli %mul3A_444, %scan3A_443 : i32
      %add3A_446 = arith.constant 0 : i32
      %add3A_447 = arith.addi %mul3A_445, %add3A_446 : i32
      %add3A_448 = arith.constant 1 : i32
      %add3A_449 = arith.addi %add3A_447, %add3A_448 : i32
      %lt3A_450 = arith.constant 250 : i32
      %lt3A_451 = arith.cmpi slt, %add3A_449, %lt3A_450 : i32
      %convert_element_type3A_452 = arith.extui %lt3A_451 : i1 to i32
      %cond3A_453 = arith.constant 0 : i32
      %cond3A_454 = arith.cmpi ne, %convert_element_type3A_452, %cond3A_453 : i32
      scf.if %cond3A_454 {
        %add3A_496 = arith.constant 1 : i32
        %add3A_497 = arith.addi %add3A_447, %add3A_496 : i32
        %mul3A_498 = arith.constant 3200 : i32
        %mul3A_499 = arith.muli %add3A_497, %mul3A_498 : i32
        %add3A_500 = arith.addi %mul3A_32, %mul3A_499 : i32
        %dma_start3A_501 = tpu.memref_slice %arg3[%add3A_500] : memref<6400000xi32, #tpu.memory_space<hbm>> -> memref<3200xi32, #tpu.memory_space<hbm>>
        %dma_start3A_502 = tpu.memref_slice %arg3[%add3A_500] : memref<6400000xi32, #tpu.memory_space<hbm>> -> memref<3200xi32, #tpu.memory_space<hbm>>
        tpu.enqueue_dma source(%dma_start3A_502 : memref<3200xi32, #tpu.memory_space<hbm>>) target(%arg14 : memref<3200xi32, #tpu.memory_space<vmem>>) target_semaphore(%arg20 : memref<!tpu.dma_semaphore, #tpu.memory_space<semaphore_mem>>)
        %add3A_503 = arith.constant 3200000 : i32
        %add3A_504 = arith.addi %add3A_503, %mul3A_32 : i32
        %add3A_505 = arith.addi %add3A_504, %mul3A_499 : i32
        %dma_start3A_506 = tpu.memref_slice %arg3[%add3A_505] : memref<6400000xi32, #tpu.memory_space<hbm>> -> memref<3200xi32, #tpu.memory_space<hbm>>
        %dma_start3A_507 = tpu.memref_slice %arg3[%add3A_505] : memref<6400000xi32, #tpu.memory_space<hbm>> -> memref<3200xi32, #tpu.memory_space<hbm>>
        tpu.enqueue_dma source(%dma_start3A_507 : memref<3200xi32, #tpu.memory_space<hbm>>) target(%arg16 : memref<3200xi32, #tpu.memory_space<vmem>>) target_semaphore(%arg20 : memref<!tpu.dma_semaphore, #tpu.memory_space<semaphore_mem>>)
        %mul3A_508 = arith.constant 25 : i32
        %mul3A_509 = arith.muli %add3A_497, %mul3A_508 : i32
        %add3A_510 = arith.constant 0 : i32
        %add3A_511 = arith.addi %mul3A_509, %add3A_510 : i32
        %mul3A_512 = arith.constant 1024 : i32
        %mul3A_513 = arith.muli %add3A_511, %mul3A_512 : i32
        %add3A_514 = arith.addi %add3A_61, %mul3A_513 : i32
        %dma_start3A_515 = arith.constant 0 : i32
        %dma_start3A_516 = tpu.memref_slice %arg18[%dma_start3A_515] : memref<3200xf32, #tpu.memory_space<vmem>> -> memref<128xf32, #tpu.memory_space<vmem>>
        %dma_start3A_517 = tpu.memref_slice %arg6[%add3A_514] : memref<25600000xf32, #tpu.memory_space<hbm>> -> memref<128xf32, #tpu.memory_space<hbm>>
        %dma_start3A_518 = arith.constant 0 : i32
        %dma_start3A_519 = tpu.memref_slice %arg18[%dma_start3A_518] : memref<3200xf32, #tpu.memory_space<vmem>> -> memref<128xf32, #tpu.memory_space<vmem>>
        %dma_start3A_520 = tpu.memref_slice %arg6[%add3A_514] : memref<25600000xf32, #tpu.memory_space<hbm>> -> memref<128xf32, #tpu.memory_space<hbm>>
        tpu.enqueue_dma source(%dma_start3A_520 : memref<128xf32, #tpu.memory_space<hbm>>) target(%dma_start3A_519 : memref<128xf32, #tpu.memory_space<vmem>>) target_semaphore(%arg20 : memref<!tpu.dma_semaphore, #tpu.memory_space<semaphore_mem>>)
        %mul3A_521 = arith.constant 25 : i32
        %mul3A_522 = arith.muli %add3A_497, %mul3A_521 : i32
        %add3A_523 = arith.constant 1 : i32
        %add3A_524 = arith.addi %mul3A_522, %add3A_523 : i32
        %mul3A_525 = arith.constant 1024 : i32
        %mul3A_526 = arith.muli %add3A_524, %mul3A_525 : i32
        %add3A_527 = arith.addi %add3A_61, %mul3A_526 : i32
        %dma_start3A_528 = arith.constant 128 : i32
        %dma_start3A_529 = tpu.memref_slice %arg18[%dma_start3A_528] : memref<3200xf32, #tpu.memory_space<vmem>> -> memref<128xf32, #tpu.memory_space<vmem>>
        %dma_start3A_530 = tpu.memref_slice %arg6[%add3A_527] : memref<25600000xf32, #tpu.memory_space<hbm>> -> memref<128xf32, #tpu.memory_space<hbm>>
        %dma_start3A_531 = arith.constant 128 : i32
        %dma_start3A_532 = tpu.memref_slice %arg18[%dma_start3A_531] : memref<3200xf32, #tpu.memory_space<vmem>> -> memref<128xf32, #tpu.memory_space<vmem>>
        %dma_start3A_533 = tpu.memref_slice %arg6[%add3A_527] : memref<25600000xf32, #tpu.memory_space<hbm>> -> memref<128xf32, #tpu.memory_space<hbm>>
        tpu.enqueue_dma source(%dma_start3A_533 : memref<128xf32, #tpu.memory_space<hbm>>) target(%dma_start3A_532 : memref<128xf32, #tpu.memory_space<vmem>>) target_semaphore(%arg20 : memref<!tpu.dma_semaphore, #tpu.memory_space<semaphore_mem>>)
        %mul3A_534 = arith.constant 25 : i32
        %mul3A_535 = arith.muli %add3A_497, %mul3A_534 : i32
        %add3A_536 = arith.constant 2 : i32
        %add3A_537 = arith.addi %mul3A_535, %add3A_536 : i32
        %mul3A_538 = arith.constant 1024 : i32
        %mul3A_539 = arith.muli %add3A_537, %mul3A_538 : i32
        %add3A_540 = arith.addi %add3A_61, %mul3A_539 : i32
        %dma_start3A_541 = arith.constant 256 : i32
        %dma_start3A_542 = tpu.memref_slice %arg18[%dma_start3A_541] : memref<3200xf32, #tpu.memory_space<vmem>> -> memref<128xf32, #tpu.memory_space<vmem>>
        %dma_start3A_543 = tpu.memref_slice %arg6[%add3A_540] : memref<25600000xf32, #tpu.memory_space<hbm>> -> memref<128xf32, #tpu.memory_space<hbm>>
        %dma_start3A_544 = arith.constant 256 : i32
        %dma_start3A_545 = tpu.memref_slice %arg18[%dma_start3A_544] : memref<3200xf32, #tpu.memory_space<vmem>> -> memref<128xf32, #tpu.memory_space<vmem>>
        %dma_start3A_546 = tpu.memref_slice %arg6[%add3A_540] : memref<25600000xf32, #tpu.memory_space<hbm>> -> memref<128xf32, #tpu.memory_space<hbm>>
        tpu.enqueue_dma source(%dma_start3A_546 : memref<128xf32, #tpu.memory_space<hbm>>) target(%dma_start3A_545 : memref<128xf32, #tpu.memory_space<vmem>>) target_semaphore(%arg20 : memref<!tpu.dma_semaphore, #tpu.memory_space<semaphore_mem>>)
        %mul3A_547 = arith.constant 25 : i32
        %mul3A_548 = arith.muli %add3A_497, %mul3A_547 : i32
        %add3A_549 = arith.constant 3 : i32
        %add3A_550 = arith.addi %mul3A_548, %add3A_549 : i32
        %mul3A_551 = arith.constant 1024 : i32
        %mul3A_552 = arith.muli %add3A_550, %mul3A_551 : i32
        %add3A_553 = arith.addi %add3A_61, %mul3A_552 : i32
        %dma_start3A_554 = arith.constant 384 : i32
        %dma_start3A_555 = tpu.memref_slice %arg18[%dma_start3A_554] : memref<3200xf32, #tpu.memory_space<vmem>> -> memref<128xf32, #tpu.memory_space<vmem>>
        %dma_start3A_556 = tpu.memref_slice %arg6[%add3A_553] : memref<25600000xf32, #tpu.memory_space<hbm>> -> memref<128xf32, #tpu.memory_space<hbm>>
        %dma_start3A_557 = arith.constant 384 : i32
        %dma_start3A_558 = tpu.memref_slice %arg18[%dma_start3A_557] : memref<3200xf32, #tpu.memory_space<vmem>> -> memref<128xf32, #tpu.memory_space<vmem>>
        %dma_start3A_559 = tpu.memref_slice %arg6[%add3A_553] : memref<25600000xf32, #tpu.memory_space<hbm>> -> memref<128xf32, #tpu.memory_space<hbm>>
        tpu.enqueue_dma source(%dma_start3A_559 : memref<128xf32, #tpu.memory_space<hbm>>) target(%dma_start3A_558 : memref<128xf32, #tpu.memory_space<vmem>>) target_semaphore(%arg20 : memref<!tpu.dma_semaphore, #tpu.memory_space<semaphore_mem>>)
        %mul3A_560 = arith.constant 25 : i32
        %mul3A_561 = arith.muli %add3A_497, %mul3A_560 : i32
        %add3A_562 = arith.constant 4 : i32
        %add3A_563 = arith.addi %mul3A_561, %add3A_562 : i32
        %mul3A_564 = arith.constant 1024 : i32
        %mul3A_565 = arith.muli %add3A_563, %mul3A_564 : i32
        %add3A_566 = arith.addi %add3A_61, %mul3A_565 : i32
        %dma_start3A_567 = arith.constant 512 : i32
        %dma_start3A_568 = tpu.memref_slice %arg18[%dma_start3A_567] : memref<3200xf32, #tpu.memory_space<vmem>> -> memref<128xf32, #tpu.memory_space<vmem>>
        %dma_start3A_569 = tpu.memref_slice %arg6[%add3A_566] : memref<25600000xf32, #tpu.memory_space<hbm>> -> memref<128xf32, #tpu.memory_space<hbm>>
        %dma_start3A_570 = arith.constant 512 : i32
        %dma_start3A_571 = tpu.memref_slice %arg18[%dma_start3A_570] : memref<3200xf32, #tpu.memory_space<vmem>> -> memref<128xf32, #tpu.memory_space<vmem>>
        %dma_start3A_572 = tpu.memref_slice %arg6[%add3A_566] : memref<25600000xf32, #tpu.memory_space<hbm>> -> memref<128xf32, #tpu.memory_space<hbm>>
        tpu.enqueue_dma source(%dma_start3A_572 : memref<128xf32, #tpu.memory_space<hbm>>) target(%dma_start3A_571 : memref<128xf32, #tpu.memory_space<vmem>>) target_semaphore(%arg20 : memref<!tpu.dma_semaphore, #tpu.memory_space<semaphore_mem>>)
        %mul3A_573 = arith.constant 25 : i32
        %mul3A_574 = arith.muli %add3A_497, %mul3A_573 : i32
        %add3A_575 = arith.constant 5 : i32
        %add3A_576 = arith.addi %mul3A_574, %add3A_575 : i32
        %mul3A_577 = arith.constant 1024 : i32
        %mul3A_578 = arith.muli %add3A_576, %mul3A_577 : i32
        %add3A_579 = arith.addi %add3A_61, %mul3A_578 : i32
        %dma_start3A_580 = arith.constant 640 : i32
        %dma_start3A_581 = tpu.memref_slice %arg18[%dma_start3A_580] : memref<3200xf32, #tpu.memory_space<vmem>> -> memref<128xf32, #tpu.memory_space<vmem>>
        %dma_start3A_582 = tpu.memref_slice %arg6[%add3A_579] : memref<25600000xf32, #tpu.memory_space<hbm>> -> memref<128xf32, #tpu.memory_space<hbm>>
        %dma_start3A_583 = arith.constant 640 : i32
        %dma_start3A_584 = tpu.memref_slice %arg18[%dma_start3A_583] : memref<3200xf32, #tpu.memory_space<vmem>> -> memref<128xf32, #tpu.memory_space<vmem>>
        %dma_start3A_585 = tpu.memref_slice %arg6[%add3A_579] : memref<25600000xf32, #tpu.memory_space<hbm>> -> memref<128xf32, #tpu.memory_space<hbm>>
        tpu.enqueue_dma source(%dma_start3A_585 : memref<128xf32, #tpu.memory_space<hbm>>) target(%dma_start3A_584 : memref<128xf32, #tpu.memory_space<vmem>>) target_semaphore(%arg20 : memref<!tpu.dma_semaphore, #tpu.memory_space<semaphore_mem>>)
        %mul3A_586 = arith.constant 25 : i32
        %mul3A_587 = arith.muli %add3A_497, %mul3A_586 : i32
        %add3A_588 = arith.constant 6 : i32
        %add3A_589 = arith.addi %mul3A_587, %add3A_588 : i32
        %mul3A_590 = arith.constant 1024 : i32
        %mul3A_591 = arith.muli %add3A_589, %mul3A_590 : i32
        %add3A_592 = arith.addi %add3A_61, %mul3A_591 : i32
        %dma_start3A_593 = arith.constant 768 : i32
        %dma_start3A_594 = tpu.memref_slice %arg18[%dma_start3A_593] : memref<3200xf32, #tpu.memory_space<vmem>> -> memref<128xf32, #tpu.memory_space<vmem>>
        %dma_start3A_595 = tpu.memref_slice %arg6[%add3A_592] : memref<25600000xf32, #tpu.memory_space<hbm>> -> memref<128xf32, #tpu.memory_space<hbm>>
        %dma_start3A_596 = arith.constant 768 : i32
        %dma_start3A_597 = tpu.memref_slice %arg18[%dma_start3A_596] : memref<3200xf32, #tpu.memory_space<vmem>> -> memref<128xf32, #tpu.memory_space<vmem>>
        %dma_start3A_598 = tpu.memref_slice %arg6[%add3A_592] : memref<25600000xf32, #tpu.memory_space<hbm>> -> memref<128xf32, #tpu.memory_space<hbm>>
        tpu.enqueue_dma source(%dma_start3A_598 : memref<128xf32, #tpu.memory_space<hbm>>) target(%dma_start3A_597 : memref<128xf32, #tpu.memory_space<vmem>>) target_semaphore(%arg20 : memref<!tpu.dma_semaphore, #tpu.memory_space<semaphore_mem>>)
        %mul3A_599 = arith.constant 25 : i32
        %mul3A_600 = arith.muli %add3A_497, %mul3A_599 : i32
        %add3A_601 = arith.constant 7 : i32
        %add3A_602 = arith.addi %mul3A_600, %add3A_601 : i32
        %mul3A_603 = arith.constant 1024 : i32
        %mul3A_604 = arith.muli %add3A_602, %mul3A_603 : i32
        %add3A_605 = arith.addi %add3A_61, %mul3A_604 : i32
        %dma_start3A_606 = arith.constant 896 : i32
        %dma_start3A_607 = tpu.memref_slice %arg18[%dma_start3A_606] : memref<3200xf32, #tpu.memory_space<vmem>> -> memref<128xf32, #tpu.memory_space<vmem>>
        %dma_start3A_608 = tpu.memref_slice %arg6[%add3A_605] : memref<25600000xf32, #tpu.memory_space<hbm>> -> memref<128xf32, #tpu.memory_space<hbm>>
        %dma_start3A_609 = arith.constant 896 : i32
        %dma_start3A_610 = tpu.memref_slice %arg18[%dma_start3A_609] : memref<3200xf32, #tpu.memory_space<vmem>> -> memref<128xf32, #tpu.memory_space<vmem>>
        %dma_start3A_611 = tpu.memref_slice %arg6[%add3A_605] : memref<25600000xf32, #tpu.memory_space<hbm>> -> memref<128xf32, #tpu.memory_space<hbm>>
        tpu.enqueue_dma source(%dma_start3A_611 : memref<128xf32, #tpu.memory_space<hbm>>) target(%dma_start3A_610 : memref<128xf32, #tpu.memory_space<vmem>>) target_semaphore(%arg20 : memref<!tpu.dma_semaphore, #tpu.memory_space<semaphore_mem>>)
        %mul3A_612 = arith.constant 25 : i32
        %mul3A_613 = arith.muli %add3A_497, %mul3A_612 : i32
        %add3A_614 = arith.constant 8 : i32
        %add3A_615 = arith.addi %mul3A_613, %add3A_614 : i32
        %mul3A_616 = arith.constant 1024 : i32
        %mul3A_617 = arith.muli %add3A_615, %mul3A_616 : i32
        %add3A_618 = arith.addi %add3A_61, %mul3A_617 : i32
        %dma_start3A_619 = arith.constant 1024 : i32
        %dma_start3A_620 = tpu.memref_slice %arg18[%dma_start3A_619] : memref<3200xf32, #tpu.memory_space<vmem>> -> memref<128xf32, #tpu.memory_space<vmem>>
        %dma_start3A_621 = tpu.memref_slice %arg6[%add3A_618] : memref<25600000xf32, #tpu.memory_space<hbm>> -> memref<128xf32, #tpu.memory_space<hbm>>
        %dma_start3A_622 = arith.constant 1024 : i32
        %dma_start3A_623 = tpu.memref_slice %arg18[%dma_start3A_622] : memref<3200xf32, #tpu.memory_space<vmem>> -> memref<128xf32, #tpu.memory_space<vmem>>
        %dma_start3A_624 = tpu.memref_slice %arg6[%add3A_618] : memref<25600000xf32, #tpu.memory_space<hbm>> -> memref<128xf32, #tpu.memory_space<hbm>>
        tpu.enqueue_dma source(%dma_start3A_624 : memref<128xf32, #tpu.memory_space<hbm>>) target(%dma_start3A_623 : memref<128xf32, #tpu.memory_space<vmem>>) target_semaphore(%arg20 : memref<!tpu.dma_semaphore, #tpu.memory_space<semaphore_mem>>)
        %mul3A_625 = arith.constant 25 : i32
        %mul3A_626 = arith.muli %add3A_497, %mul3A_625 : i32
        %add3A_627 = arith.constant 9 : i32
        %add3A_628 = arith.addi %mul3A_626, %add3A_627 : i32
        %mul3A_629 = arith.constant 1024 : i32
        %mul3A_630 = arith.muli %add3A_628, %mul3A_629 : i32
        %add3A_631 = arith.addi %add3A_61, %mul3A_630 : i32
        %dma_start3A_632 = arith.constant 1152 : i32
        %dma_start3A_633 = tpu.memref_slice %arg18[%dma_start3A_632] : memref<3200xf32, #tpu.memory_space<vmem>> -> memref<128xf32, #tpu.memory_space<vmem>>
        %dma_start3A_634 = tpu.memref_slice %arg6[%add3A_631] : memref<25600000xf32, #tpu.memory_space<hbm>> -> memref<128xf32, #tpu.memory_space<hbm>>
        %dma_start3A_635 = arith.constant 1152 : i32
        %dma_start3A_636 = tpu.memref_slice %arg18[%dma_start3A_635] : memref<3200xf32, #tpu.memory_space<vmem>> -> memref<128xf32, #tpu.memory_space<vmem>>
        %dma_start3A_637 = tpu.memref_slice %arg6[%add3A_631] : memref<25600000xf32, #tpu.memory_space<hbm>> -> memref<128xf32, #tpu.memory_space<hbm>>
        tpu.enqueue_dma source(%dma_start3A_637 : memref<128xf32, #tpu.memory_space<hbm>>) target(%dma_start3A_636 : memref<128xf32, #tpu.memory_space<vmem>>) target_semaphore(%arg20 : memref<!tpu.dma_semaphore, #tpu.memory_space<semaphore_mem>>)
        %mul3A_638 = arith.constant 25 : i32
        %mul3A_639 = arith.muli %add3A_497, %mul3A_638 : i32
        %add3A_640 = arith.constant 10 : i32
        %add3A_641 = arith.addi %mul3A_639, %add3A_640 : i32
        %mul3A_642 = arith.constant 1024 : i32
        %mul3A_643 = arith.muli %add3A_641, %mul3A_642 : i32
        %add3A_644 = arith.addi %add3A_61, %mul3A_643 : i32
        %dma_start3A_645 = arith.constant 1280 : i32
        %dma_start3A_646 = tpu.memref_slice %arg18[%dma_start3A_645] : memref<3200xf32, #tpu.memory_space<vmem>> -> memref<128xf32, #tpu.memory_space<vmem>>
        %dma_start3A_647 = tpu.memref_slice %arg6[%add3A_644] : memref<25600000xf32, #tpu.memory_space<hbm>> -> memref<128xf32, #tpu.memory_space<hbm>>
        %dma_start3A_648 = arith.constant 1280 : i32
        %dma_start3A_649 = tpu.memref_slice %arg18[%dma_start3A_648] : memref<3200xf32, #tpu.memory_space<vmem>> -> memref<128xf32, #tpu.memory_space<vmem>>
        %dma_start3A_650 = tpu.memref_slice %arg6[%add3A_644] : memref<25600000xf32, #tpu.memory_space<hbm>> -> memref<128xf32, #tpu.memory_space<hbm>>
        tpu.enqueue_dma source(%dma_start3A_650 : memref<128xf32, #tpu.memory_space<hbm>>) target(%dma_start3A_649 : memref<128xf32, #tpu.memory_space<vmem>>) target_semaphore(%arg20 : memref<!tpu.dma_semaphore, #tpu.memory_space<semaphore_mem>>)
        %mul3A_651 = arith.constant 25 : i32
        %mul3A_652 = arith.muli %add3A_497, %mul3A_651 : i32
        %add3A_653 = arith.constant 11 : i32
        %add3A_654 = arith.addi %mul3A_652, %add3A_653 : i32
        %mul3A_655 = arith.constant 1024 : i32
        %mul3A_656 = arith.muli %add3A_654, %mul3A_655 : i32
        %add3A_657 = arith.addi %add3A_61, %mul3A_656 : i32
        %dma_start3A_658 = arith.constant 1408 : i32
        %dma_start3A_659 = tpu.memref_slice %arg18[%dma_start3A_658] : memref<3200xf32, #tpu.memory_space<vmem>> -> memref<128xf32, #tpu.memory_space<vmem>>
        %dma_start3A_660 = tpu.memref_slice %arg6[%add3A_657] : memref<25600000xf32, #tpu.memory_space<hbm>> -> memref<128xf32, #tpu.memory_space<hbm>>
        %dma_start3A_661 = arith.constant 1408 : i32
        %dma_start3A_662 = tpu.memref_slice %arg18[%dma_start3A_661] : memref<3200xf32, #tpu.memory_space<vmem>> -> memref<128xf32, #tpu.memory_space<vmem>>
        %dma_start3A_663 = tpu.memref_slice %arg6[%add3A_657] : memref<25600000xf32, #tpu.memory_space<hbm>> -> memref<128xf32, #tpu.memory_space<hbm>>
        tpu.enqueue_dma source(%dma_start3A_663 : memref<128xf32, #tpu.memory_space<hbm>>) target(%dma_start3A_662 : memref<128xf32, #tpu.memory_space<vmem>>) target_semaphore(%arg20 : memref<!tpu.dma_semaphore, #tpu.memory_space<semaphore_mem>>)
        %mul3A_664 = arith.constant 25 : i32
        %mul3A_665 = arith.muli %add3A_497, %mul3A_664 : i32
        %add3A_666 = arith.constant 12 : i32
        %add3A_667 = arith.addi %mul3A_665, %add3A_666 : i32
        %mul3A_668 = arith.constant 1024 : i32
        %mul3A_669 = arith.muli %add3A_667, %mul3A_668 : i32
        %add3A_670 = arith.addi %add3A_61, %mul3A_669 : i32
        %dma_start3A_671 = arith.constant 1536 : i32
        %dma_start3A_672 = tpu.memref_slice %arg18[%dma_start3A_671] : memref<3200xf32, #tpu.memory_space<vmem>> -> memref<128xf32, #tpu.memory_space<vmem>>
        %dma_start3A_673 = tpu.memref_slice %arg6[%add3A_670] : memref<25600000xf32, #tpu.memory_space<hbm>> -> memref<128xf32, #tpu.memory_space<hbm>>
        %dma_start3A_674 = arith.constant 1536 : i32
        %dma_start3A_675 = tpu.memref_slice %arg18[%dma_start3A_674] : memref<3200xf32, #tpu.memory_space<vmem>> -> memref<128xf32, #tpu.memory_space<vmem>>
        %dma_start3A_676 = tpu.memref_slice %arg6[%add3A_670] : memref<25600000xf32, #tpu.memory_space<hbm>> -> memref<128xf32, #tpu.memory_space<hbm>>
        tpu.enqueue_dma source(%dma_start3A_676 : memref<128xf32, #tpu.memory_space<hbm>>) target(%dma_start3A_675 : memref<128xf32, #tpu.memory_space<vmem>>) target_semaphore(%arg20 : memref<!tpu.dma_semaphore, #tpu.memory_space<semaphore_mem>>)
        %mul3A_677 = arith.constant 25 : i32
        %mul3A_678 = arith.muli %add3A_497, %mul3A_677 : i32
        %add3A_679 = arith.constant 13 : i32
        %add3A_680 = arith.addi %mul3A_678, %add3A_679 : i32
        %mul3A_681 = arith.constant 1024 : i32
        %mul3A_682 = arith.muli %add3A_680, %mul3A_681 : i32
        %add3A_683 = arith.addi %add3A_61, %mul3A_682 : i32
        %dma_start3A_684 = arith.constant 1664 : i32
        %dma_start3A_685 = tpu.memref_slice %arg18[%dma_start3A_684] : memref<3200xf32, #tpu.memory_space<vmem>> -> memref<128xf32, #tpu.memory_space<vmem>>
        %dma_start3A_686 = tpu.memref_slice %arg6[%add3A_683] : memref<25600000xf32, #tpu.memory_space<hbm>> -> memref<128xf32, #tpu.memory_space<hbm>>
        %dma_start3A_687 = arith.constant 1664 : i32
        %dma_start3A_688 = tpu.memref_slice %arg18[%dma_start3A_687] : memref<3200xf32, #tpu.memory_space<vmem>> -> memref<128xf32, #tpu.memory_space<vmem>>
        %dma_start3A_689 = tpu.memref_slice %arg6[%add3A_683] : memref<25600000xf32, #tpu.memory_space<hbm>> -> memref<128xf32, #tpu.memory_space<hbm>>
        tpu.enqueue_dma source(%dma_start3A_689 : memref<128xf32, #tpu.memory_space<hbm>>) target(%dma_start3A_688 : memref<128xf32, #tpu.memory_space<vmem>>) target_semaphore(%arg20 : memref<!tpu.dma_semaphore, #tpu.memory_space<semaphore_mem>>)
        %mul3A_690 = arith.constant 25 : i32
        %mul3A_691 = arith.muli %add3A_497, %mul3A_690 : i32
        %add3A_692 = arith.constant 14 : i32
        %add3A_693 = arith.addi %mul3A_691, %add3A_692 : i32
        %mul3A_694 = arith.constant 1024 : i32
        %mul3A_695 = arith.muli %add3A_693, %mul3A_694 : i32
        %add3A_696 = arith.addi %add3A_61, %mul3A_695 : i32
        %dma_start3A_697 = arith.constant 1792 : i32
        %dma_start3A_698 = tpu.memref_slice %arg18[%dma_start3A_697] : memref<3200xf32, #tpu.memory_space<vmem>> -> memref<128xf32, #tpu.memory_space<vmem>>
        %dma_start3A_699 = tpu.memref_slice %arg6[%add3A_696] : memref<25600000xf32, #tpu.memory_space<hbm>> -> memref<128xf32, #tpu.memory_space<hbm>>
        %dma_start3A_700 = arith.constant 1792 : i32
        %dma_start3A_701 = tpu.memref_slice %arg18[%dma_start3A_700] : memref<3200xf32, #tpu.memory_space<vmem>> -> memref<128xf32, #tpu.memory_space<vmem>>
        %dma_start3A_702 = tpu.memref_slice %arg6[%add3A_696] : memref<25600000xf32, #tpu.memory_space<hbm>> -> memref<128xf32, #tpu.memory_space<hbm>>
        tpu.enqueue_dma source(%dma_start3A_702 : memref<128xf32, #tpu.memory_space<hbm>>) target(%dma_start3A_701 : memref<128xf32, #tpu.memory_space<vmem>>) target_semaphore(%arg20 : memref<!tpu.dma_semaphore, #tpu.memory_space<semaphore_mem>>)
        %mul3A_703 = arith.constant 25 : i32
        %mul3A_704 = arith.muli %add3A_497, %mul3A_703 : i32
        %add3A_705 = arith.constant 15 : i32
        %add3A_706 = arith.addi %mul3A_704, %add3A_705 : i32
        %mul3A_707 = arith.constant 1024 : i32
        %mul3A_708 = arith.muli %add3A_706, %mul3A_707 : i32
        %add3A_709 = arith.addi %add3A_61, %mul3A_708 : i32
        %dma_start3A_710 = arith.constant 1920 : i32
        %dma_start3A_711 = tpu.memref_slice %arg18[%dma_start3A_710] : memref<3200xf32, #tpu.memory_space<vmem>> -> memref<128xf32, #tpu.memory_space<vmem>>
        %dma_start3A_712 = tpu.memref_slice %arg6[%add3A_709] : memref<25600000xf32, #tpu.memory_space<hbm>> -> memref<128xf32, #tpu.memory_space<hbm>>
        %dma_start3A_713 = arith.constant 1920 : i32
        %dma_start3A_714 = tpu.memref_slice %arg18[%dma_start3A_713] : memref<3200xf32, #tpu.memory_space<vmem>> -> memref<128xf32, #tpu.memory_space<vmem>>
        %dma_start3A_715 = tpu.memref_slice %arg6[%add3A_709] : memref<25600000xf32, #tpu.memory_space<hbm>> -> memref<128xf32, #tpu.memory_space<hbm>>
        tpu.enqueue_dma source(%dma_start3A_715 : memref<128xf32, #tpu.memory_space<hbm>>) target(%dma_start3A_714 : memref<128xf32, #tpu.memory_space<vmem>>) target_semaphore(%arg20 : memref<!tpu.dma_semaphore, #tpu.memory_space<semaphore_mem>>)
        %mul3A_716 = arith.constant 25 : i32
        %mul3A_717 = arith.muli %add3A_497, %mul3A_716 : i32
        %add3A_718 = arith.constant 16 : i32
        %add3A_719 = arith.addi %mul3A_717, %add3A_718 : i32
        %mul3A_720 = arith.constant 1024 : i32
        %mul3A_721 = arith.muli %add3A_719, %mul3A_720 : i32
        %add3A_722 = arith.addi %add3A_61, %mul3A_721 : i32
        %dma_start3A_723 = arith.constant 2048 : i32
        %dma_start3A_724 = tpu.memref_slice %arg18[%dma_start3A_723] : memref<3200xf32, #tpu.memory_space<vmem>> -> memref<128xf32, #tpu.memory_space<vmem>>
        %dma_start3A_725 = tpu.memref_slice %arg6[%add3A_722] : memref<25600000xf32, #tpu.memory_space<hbm>> -> memref<128xf32, #tpu.memory_space<hbm>>
        %dma_start3A_726 = arith.constant 2048 : i32
        %dma_start3A_727 = tpu.memref_slice %arg18[%dma_start3A_726] : memref<3200xf32, #tpu.memory_space<vmem>> -> memref<128xf32, #tpu.memory_space<vmem>>
        %dma_start3A_728 = tpu.memref_slice %arg6[%add3A_722] : memref<25600000xf32, #tpu.memory_space<hbm>> -> memref<128xf32, #tpu.memory_space<hbm>>
        tpu.enqueue_dma source(%dma_start3A_728 : memref<128xf32, #tpu.memory_space<hbm>>) target(%dma_start3A_727 : memref<128xf32, #tpu.memory_space<vmem>>) target_semaphore(%arg20 : memref<!tpu.dma_semaphore, #tpu.memory_space<semaphore_mem>>)
        %mul3A_729 = arith.constant 25 : i32
        %mul3A_730 = arith.muli %add3A_497, %mul3A_729 : i32
        %add3A_731 = arith.constant 17 : i32
        %add3A_732 = arith.addi %mul3A_730, %add3A_731 : i32
        %mul3A_733 = arith.constant 1024 : i32
        %mul3A_734 = arith.muli %add3A_732, %mul3A_733 : i32
        %add3A_735 = arith.addi %add3A_61, %mul3A_734 : i32
        %dma_start3A_736 = arith.constant 2176 : i32
        %dma_start3A_737 = tpu.memref_slice %arg18[%dma_start3A_736] : memref<3200xf32, #tpu.memory_space<vmem>> -> memref<128xf32, #tpu.memory_space<vmem>>
        %dma_start3A_738 = tpu.memref_slice %arg6[%add3A_735] : memref<25600000xf32, #tpu.memory_space<hbm>> -> memref<128xf32, #tpu.memory_space<hbm>>
        %dma_start3A_739 = arith.constant 2176 : i32
        %dma_start3A_740 = tpu.memref_slice %arg18[%dma_start3A_739] : memref<3200xf32, #tpu.memory_space<vmem>> -> memref<128xf32, #tpu.memory_space<vmem>>
        %dma_start3A_741 = tpu.memref_slice %arg6[%add3A_735] : memref<25600000xf32, #tpu.memory_space<hbm>> -> memref<128xf32, #tpu.memory_space<hbm>>
        tpu.enqueue_dma source(%dma_start3A_741 : memref<128xf32, #tpu.memory_space<hbm>>) target(%dma_start3A_740 : memref<128xf32, #tpu.memory_space<vmem>>) target_semaphore(%arg20 : memref<!tpu.dma_semaphore, #tpu.memory_space<semaphore_mem>>)
        %mul3A_742 = arith.constant 25 : i32
        %mul3A_743 = arith.muli %add3A_497, %mul3A_742 : i32
        %add3A_744 = arith.constant 18 : i32
        %add3A_745 = arith.addi %mul3A_743, %add3A_744 : i32
        %mul3A_746 = arith.constant 1024 : i32
        %mul3A_747 = arith.muli %add3A_745, %mul3A_746 : i32
        %add3A_748 = arith.addi %add3A_61, %mul3A_747 : i32
        %dma_start3A_749 = arith.constant 2304 : i32
        %dma_start3A_750 = tpu.memref_slice %arg18[%dma_start3A_749] : memref<3200xf32, #tpu.memory_space<vmem>> -> memref<128xf32, #tpu.memory_space<vmem>>
        %dma_start3A_751 = tpu.memref_slice %arg6[%add3A_748] : memref<25600000xf32, #tpu.memory_space<hbm>> -> memref<128xf32, #tpu.memory_space<hbm>>
        %dma_start3A_752 = arith.constant 2304 : i32
        %dma_start3A_753 = tpu.memref_slice %arg18[%dma_start3A_752] : memref<3200xf32, #tpu.memory_space<vmem>> -> memref<128xf32, #tpu.memory_space<vmem>>
        %dma_start3A_754 = tpu.memref_slice %arg6[%add3A_748] : memref<25600000xf32, #tpu.memory_space<hbm>> -> memref<128xf32, #tpu.memory_space<hbm>>
        tpu.enqueue_dma source(%dma_start3A_754 : memref<128xf32, #tpu.memory_space<hbm>>) target(%dma_start3A_753 : memref<128xf32, #tpu.memory_space<vmem>>) target_semaphore(%arg20 : memref<!tpu.dma_semaphore, #tpu.memory_space<semaphore_mem>>)
        %mul3A_755 = arith.constant 25 : i32
        %mul3A_756 = arith.muli %add3A_497, %mul3A_755 : i32
        %add3A_757 = arith.constant 19 : i32
        %add3A_758 = arith.addi %mul3A_756, %add3A_757 : i32
        %mul3A_759 = arith.constant 1024 : i32
        %mul3A_760 = arith.muli %add3A_758, %mul3A_759 : i32
        %add3A_761 = arith.addi %add3A_61, %mul3A_760 : i32
        %dma_start3A_762 = arith.constant 2432 : i32
        %dma_start3A_763 = tpu.memref_slice %arg18[%dma_start3A_762] : memref<3200xf32, #tpu.memory_space<vmem>> -> memref<128xf32, #tpu.memory_space<vmem>>
        %dma_start3A_764 = tpu.memref_slice %arg6[%add3A_761] : memref<25600000xf32, #tpu.memory_space<hbm>> -> memref<128xf32, #tpu.memory_space<hbm>>
        %dma_start3A_765 = arith.constant 2432 : i32
        %dma_start3A_766 = tpu.memref_slice %arg18[%dma_start3A_765] : memref<3200xf32, #tpu.memory_space<vmem>> -> memref<128xf32, #tpu.memory_space<vmem>>
        %dma_start3A_767 = tpu.memref_slice %arg6[%add3A_761] : memref<25600000xf32, #tpu.memory_space<hbm>> -> memref<128xf32, #tpu.memory_space<hbm>>
        tpu.enqueue_dma source(%dma_start3A_767 : memref<128xf32, #tpu.memory_space<hbm>>) target(%dma_start3A_766 : memref<128xf32, #tpu.memory_space<vmem>>) target_semaphore(%arg20 : memref<!tpu.dma_semaphore, #tpu.memory_space<semaphore_mem>>)
        %mul3A_768 = arith.constant 25 : i32
        %mul3A_769 = arith.muli %add3A_497, %mul3A_768 : i32
        %add3A_770 = arith.constant 20 : i32
        %add3A_771 = arith.addi %mul3A_769, %add3A_770 : i32
        %mul3A_772 = arith.constant 1024 : i32
        %mul3A_773 = arith.muli %add3A_771, %mul3A_772 : i32
        %add3A_774 = arith.addi %add3A_61, %mul3A_773 : i32
        %dma_start3A_775 = arith.constant 2560 : i32
        %dma_start3A_776 = tpu.memref_slice %arg18[%dma_start3A_775] : memref<3200xf32, #tpu.memory_space<vmem>> -> memref<128xf32, #tpu.memory_space<vmem>>
        %dma_start3A_777 = tpu.memref_slice %arg6[%add3A_774] : memref<25600000xf32, #tpu.memory_space<hbm>> -> memref<128xf32, #tpu.memory_space<hbm>>
        %dma_start3A_778 = arith.constant 2560 : i32
        %dma_start3A_779 = tpu.memref_slice %arg18[%dma_start3A_778] : memref<3200xf32, #tpu.memory_space<vmem>> -> memref<128xf32, #tpu.memory_space<vmem>>
        %dma_start3A_780 = tpu.memref_slice %arg6[%add3A_774] : memref<25600000xf32, #tpu.memory_space<hbm>> -> memref<128xf32, #tpu.memory_space<hbm>>
        tpu.enqueue_dma source(%dma_start3A_780 : memref<128xf32, #tpu.memory_space<hbm>>) target(%dma_start3A_779 : memref<128xf32, #tpu.memory_space<vmem>>) target_semaphore(%arg20 : memref<!tpu.dma_semaphore, #tpu.memory_space<semaphore_mem>>)
        %mul3A_781 = arith.constant 25 : i32
        %mul3A_782 = arith.muli %add3A_497, %mul3A_781 : i32
        %add3A_783 = arith.constant 21 : i32
        %add3A_784 = arith.addi %mul3A_782, %add3A_783 : i32
        %mul3A_785 = arith.constant 1024 : i32
        %mul3A_786 = arith.muli %add3A_784, %mul3A_785 : i32
        %add3A_787 = arith.addi %add3A_61, %mul3A_786 : i32
        %dma_start3A_788 = arith.constant 2688 : i32
        %dma_start3A_789 = tpu.memref_slice %arg18[%dma_start3A_788] : memref<3200xf32, #tpu.memory_space<vmem>> -> memref<128xf32, #tpu.memory_space<vmem>>
        %dma_start3A_790 = tpu.memref_slice %arg6[%add3A_787] : memref<25600000xf32, #tpu.memory_space<hbm>> -> memref<128xf32, #tpu.memory_space<hbm>>
        %dma_start3A_791 = arith.constant 2688 : i32
        %dma_start3A_792 = tpu.memref_slice %arg18[%dma_start3A_791] : memref<3200xf32, #tpu.memory_space<vmem>> -> memref<128xf32, #tpu.memory_space<vmem>>
        %dma_start3A_793 = tpu.memref_slice %arg6[%add3A_787] : memref<25600000xf32, #tpu.memory_space<hbm>> -> memref<128xf32, #tpu.memory_space<hbm>>
        tpu.enqueue_dma source(%dma_start3A_793 : memref<128xf32, #tpu.memory_space<hbm>>) target(%dma_start3A_792 : memref<128xf32, #tpu.memory_space<vmem>>) target_semaphore(%arg20 : memref<!tpu.dma_semaphore, #tpu.memory_space<semaphore_mem>>)
        %mul3A_794 = arith.constant 25 : i32
        %mul3A_795 = arith.muli %add3A_497, %mul3A_794 : i32
        %add3A_796 = arith.constant 22 : i32
        %add3A_797 = arith.addi %mul3A_795, %add3A_796 : i32
        %mul3A_798 = arith.constant 1024 : i32
        %mul3A_799 = arith.muli %add3A_797, %mul3A_798 : i32
        %add3A_800 = arith.addi %add3A_61, %mul3A_799 : i32
        %dma_start3A_801 = arith.constant 2816 : i32
        %dma_start3A_802 = tpu.memref_slice %arg18[%dma_start3A_801] : memref<3200xf32, #tpu.memory_space<vmem>> -> memref<128xf32, #tpu.memory_space<vmem>>
        %dma_start3A_803 = tpu.memref_slice %arg6[%add3A_800] : memref<25600000xf32, #tpu.memory_space<hbm>> -> memref<128xf32, #tpu.memory_space<hbm>>
        %dma_start3A_804 = arith.constant 2816 : i32
        %dma_start3A_805 = tpu.memref_slice %arg18[%dma_start3A_804] : memref<3200xf32, #tpu.memory_space<vmem>> -> memref<128xf32, #tpu.memory_space<vmem>>
        %dma_start3A_806 = tpu.memref_slice %arg6[%add3A_800] : memref<25600000xf32, #tpu.memory_space<hbm>> -> memref<128xf32, #tpu.memory_space<hbm>>
        tpu.enqueue_dma source(%dma_start3A_806 : memref<128xf32, #tpu.memory_space<hbm>>) target(%dma_start3A_805 : memref<128xf32, #tpu.memory_space<vmem>>) target_semaphore(%arg20 : memref<!tpu.dma_semaphore, #tpu.memory_space<semaphore_mem>>)
        %mul3A_807 = arith.constant 25 : i32
        %mul3A_808 = arith.muli %add3A_497, %mul3A_807 : i32
        %add3A_809 = arith.constant 23 : i32
        %add3A_810 = arith.addi %mul3A_808, %add3A_809 : i32
        %mul3A_811 = arith.constant 1024 : i32
        %mul3A_812 = arith.muli %add3A_810, %mul3A_811 : i32
        %add3A_813 = arith.addi %add3A_61, %mul3A_812 : i32
        %dma_start3A_814 = arith.constant 2944 : i32
        %dma_start3A_815 = tpu.memref_slice %arg18[%dma_start3A_814] : memref<3200xf32, #tpu.memory_space<vmem>> -> memref<128xf32, #tpu.memory_space<vmem>>
        %dma_start3A_816 = tpu.memref_slice %arg6[%add3A_813] : memref<25600000xf32, #tpu.memory_space<hbm>> -> memref<128xf32, #tpu.memory_space<hbm>>
        %dma_start3A_817 = arith.constant 2944 : i32
        %dma_start3A_818 = tpu.memref_slice %arg18[%dma_start3A_817] : memref<3200xf32, #tpu.memory_space<vmem>> -> memref<128xf32, #tpu.memory_space<vmem>>
        %dma_start3A_819 = tpu.memref_slice %arg6[%add3A_813] : memref<25600000xf32, #tpu.memory_space<hbm>> -> memref<128xf32, #tpu.memory_space<hbm>>
        tpu.enqueue_dma source(%dma_start3A_819 : memref<128xf32, #tpu.memory_space<hbm>>) target(%dma_start3A_818 : memref<128xf32, #tpu.memory_space<vmem>>) target_semaphore(%arg20 : memref<!tpu.dma_semaphore, #tpu.memory_space<semaphore_mem>>)
        %mul3A_820 = arith.constant 25 : i32
        %mul3A_821 = arith.muli %add3A_497, %mul3A_820 : i32
        %add3A_822 = arith.constant 24 : i32
        %add3A_823 = arith.addi %mul3A_821, %add3A_822 : i32
        %mul3A_824 = arith.constant 1024 : i32
        %mul3A_825 = arith.muli %add3A_823, %mul3A_824 : i32
        %add3A_826 = arith.addi %add3A_61, %mul3A_825 : i32
        %dma_start3A_827 = arith.constant 3072 : i32
        %dma_start3A_828 = tpu.memref_slice %arg18[%dma_start3A_827] : memref<3200xf32, #tpu.memory_space<vmem>> -> memref<128xf32, #tpu.memory_space<vmem>>
        %dma_start3A_829 = tpu.memref_slice %arg6[%add3A_826] : memref<25600000xf32, #tpu.memory_space<hbm>> -> memref<128xf32, #tpu.memory_space<hbm>>
        %dma_start3A_830 = arith.constant 3072 : i32
        %dma_start3A_831 = tpu.memref_slice %arg18[%dma_start3A_830] : memref<3200xf32, #tpu.memory_space<vmem>> -> memref<128xf32, #tpu.memory_space<vmem>>
        %dma_start3A_832 = tpu.memref_slice %arg6[%add3A_826] : memref<25600000xf32, #tpu.memory_space<hbm>> -> memref<128xf32, #tpu.memory_space<hbm>>
        tpu.enqueue_dma source(%dma_start3A_832 : memref<128xf32, #tpu.memory_space<hbm>>) target(%dma_start3A_831 : memref<128xf32, #tpu.memory_space<vmem>>) target_semaphore(%arg20 : memref<!tpu.dma_semaphore, #tpu.memory_space<semaphore_mem>>)
      } else {
      }
      %dma_wait3A_455 = arith.constant 0 : i32
      %dma_wait3A_456 = tpu.memref_slice %arg3[%dma_wait3A_455] : memref<6400000xi32, #tpu.memory_space<hbm>> -> memref<3200xi32, #tpu.memory_space<hbm>>
      %dma_wait3A_457 = arith.constant 0 : i32
      %dma_wait3A_458 = tpu.memref_slice %arg3[%dma_wait3A_457] : memref<6400000xi32, #tpu.memory_space<hbm>> -> memref<3200xi32, #tpu.memory_space<hbm>>
      tpu.wait_dma2 semaphore(%arg19 : memref<!tpu.dma_semaphore, #tpu.memory_space<semaphore_mem>>) src(%dma_wait3A_458 : memref<3200xi32, #tpu.memory_space<hbm>>) dst(%arg13 : memref<3200xi32, #tpu.memory_space<vmem>>)
      %dma_wait3A_459 = arith.constant 0 : i32
      %dma_wait3A_460 = tpu.memref_slice %arg3[%dma_wait3A_459] : memref<6400000xi32, #tpu.memory_space<hbm>> -> memref<3200xi32, #tpu.memory_space<hbm>>
      %dma_wait3A_461 = arith.constant 0 : i32
      %dma_wait3A_462 = tpu.memref_slice %arg3[%dma_wait3A_461] : memref<6400000xi32, #tpu.memory_space<hbm>> -> memref<3200xi32, #tpu.memory_space<hbm>>
      tpu.wait_dma2 semaphore(%arg19 : memref<!tpu.dma_semaphore, #tpu.memory_space<semaphore_mem>>) src(%dma_wait3A_462 : memref<3200xi32, #tpu.memory_space<hbm>>) dst(%arg15 : memref<3200xi32, #tpu.memory_space<vmem>>)
      %dma_wait3A_463 = arith.constant 0 : i32
      %dma_wait3A_464 = tpu.memref_slice %arg6[%dma_wait3A_463] : memref<25600000xf32, #tpu.memory_space<hbm>> -> memref<3200xf32, #tpu.memory_space<hbm>>
      %dma_wait3A_465 = arith.constant 0 : i32
      %dma_wait3A_466 = tpu.memref_slice %arg6[%dma_wait3A_465] : memref<25600000xf32, #tpu.memory_space<hbm>> -> memref<3200xf32, #tpu.memory_space<hbm>>
      tpu.wait_dma2 semaphore(%arg19 : memref<!tpu.dma_semaphore, #tpu.memory_space<semaphore_mem>>) src(%dma_wait3A_466 : memref<3200xf32, #tpu.memory_space<hbm>>) dst(%arg17 : memref<3200xf32, #tpu.memory_space<vmem>>)
      %parallel_loop3A_467 = arith.constant 0 : i32
      %parallel_loop3A_468 = arith.constant 3200 : i32
      %parallel_loop3A_469 = arith.constant 16 : i32
      scf.for %parallel_loop3A_496 = %parallel_loop3A_467 to %parallel_loop3A_468 step %parallel_loop3A_469  : i32 {
        %parallel_loop3A_497 = arith.index_cast %parallel_loop3A_496 : i32 to index
        %parallel_loop3A_498 = tpu.vector_load %arg17[%parallel_loop3A_497] {strides = array<i32>} : memref<3200xf32, #tpu.memory_space<vmem>>, vector<16xf32>,
        %parallel_loop3A_499 = arith.index_cast %parallel_loop3A_496 : i32 to index
        %parallel_loop3A_500 = tpu.vector_load %arg13[%parallel_loop3A_499] {strides = array<i32>} : memref<3200xi32, #tpu.memory_space<vmem>>, vector<16xi32>,
        tpu.vector_store_idx %arg10[%parallel_loop3A_500], %parallel_loop3A_498 {add = true} : memref<100000xf32, #tpu.memory_space<vmem>>[vector<16xi32>], vector<16xf32>,
        %parallel_loop3A_501 = arith.index_cast %parallel_loop3A_496 : i32 to index
        %parallel_loop3A_502 = tpu.vector_load %arg15[%parallel_loop3A_501] {strides = array<i32>} : memref<3200xi32, #tpu.memory_space<vmem>>, vector<16xi32>,
        %parallel_loop3A_503 = arith.constant 0.000000e+00 : f32
        %parallel_loop3A_504 = vector.broadcast %parallel_loop3A_503 : f32 to vector<16xf32>
        %parallel_loop3A_505 = arith.subf %parallel_loop3A_504, %parallel_loop3A_498 : vector<16xf32>
        tpu.vector_store_idx %arg10[%parallel_loop3A_502], %parallel_loop3A_505 {add = true} : memref<100000xf32, #tpu.memory_space<vmem>>[vector<16xi32>], vector<16xf32>,
      } {sc.loop_unroll_factor = 8 : i64, sc.parallel_access}
      %mul3A_470 = arith.constant 2 : i32
      %mul3A_471 = arith.muli %mul3A_470, %scan3A_443 : i32
      %add3A_472 = arith.constant 1 : i32
      %add3A_473 = arith.addi %mul3A_471, %add3A_472 : i32
      %add3A_474 = arith.constant 1 : i32
      %add3A_475 = arith.addi %add3A_473, %add3A_474 : i32
      %lt3A_476 = arith.constant 250 : i32
      %lt3A_477 = arith.cmpi slt, %add3A_475, %lt3A_476 : i32
      %convert_element_type3A_478 = arith.extui %lt3A_477 : i1 to i32
      %cond3A_479 = arith.constant 0 : i32
      %cond3A_480 = arith.cmpi ne, %convert_element_type3A_478, %cond3A_479 : i32
      scf.if %cond3A_480 {
        %add3A_496 = arith.constant 1 : i32
        %add3A_497 = arith.addi %add3A_473, %add3A_496 : i32
        %mul3A_498 = arith.constant 3200 : i32
        %mul3A_499 = arith.muli %add3A_497, %mul3A_498 : i32
        %add3A_500 = arith.addi %mul3A_32, %mul3A_499 : i32
        %dma_start3A_501 = tpu.memref_slice %arg3[%add3A_500] : memref<6400000xi32, #tpu.memory_space<hbm>> -> memref<3200xi32, #tpu.memory_space<hbm>>
        %dma_start3A_502 = tpu.memref_slice %arg3[%add3A_500] : memref<6400000xi32, #tpu.memory_space<hbm>> -> memref<3200xi32, #tpu.memory_space<hbm>>
        tpu.enqueue_dma source(%dma_start3A_502 : memref<3200xi32, #tpu.memory_space<hbm>>) target(%arg13 : memref<3200xi32, #tpu.memory_space<vmem>>) target_semaphore(%arg19 : memref<!tpu.dma_semaphore, #tpu.memory_space<semaphore_mem>>)
        %add3A_503 = arith.constant 3200000 : i32
        %add3A_504 = arith.addi %add3A_503, %mul3A_32 : i32
        %add3A_505 = arith.addi %add3A_504, %mul3A_499 : i32
        %dma_start3A_506 = tpu.memref_slice %arg3[%add3A_505] : memref<6400000xi32, #tpu.memory_space<hbm>> -> memref<3200xi32, #tpu.memory_space<hbm>>
        %dma_start3A_507 = tpu.memref_slice %arg3[%add3A_505] : memref<6400000xi32, #tpu.memory_space<hbm>> -> memref<3200xi32, #tpu.memory_space<hbm>>
        tpu.enqueue_dma source(%dma_start3A_507 : memref<3200xi32, #tpu.memory_space<hbm>>) target(%arg15 : memref<3200xi32, #tpu.memory_space<vmem>>) target_semaphore(%arg19 : memref<!tpu.dma_semaphore, #tpu.memory_space<semaphore_mem>>)
        %mul3A_508 = arith.constant 25 : i32
        %mul3A_509 = arith.muli %add3A_497, %mul3A_508 : i32
        %add3A_510 = arith.constant 0 : i32
        %add3A_511 = arith.addi %mul3A_509, %add3A_510 : i32
        %mul3A_512 = arith.constant 1024 : i32
        %mul3A_513 = arith.muli %add3A_511, %mul3A_512 : i32
        %add3A_514 = arith.addi %add3A_61, %mul3A_513 : i32
        %dma_start3A_515 = arith.constant 0 : i32
        %dma_start3A_516 = tpu.memref_slice %arg17[%dma_start3A_515] : memref<3200xf32, #tpu.memory_space<vmem>> -> memref<128xf32, #tpu.memory_space<vmem>>
        %dma_start3A_517 = tpu.memref_slice %arg6[%add3A_514] : memref<25600000xf32, #tpu.memory_space<hbm>> -> memref<128xf32, #tpu.memory_space<hbm>>
        %dma_start3A_518 = arith.constant 0 : i32
        %dma_start3A_519 = tpu.memref_slice %arg17[%dma_start3A_518] : memref<3200xf32, #tpu.memory_space<vmem>> -> memref<128xf32, #tpu.memory_space<vmem>>
        %dma_start3A_520 = tpu.memref_slice %arg6[%add3A_514] : memref<25600000xf32, #tpu.memory_space<hbm>> -> memref<128xf32, #tpu.memory_space<hbm>>
        tpu.enqueue_dma source(%dma_start3A_520 : memref<128xf32, #tpu.memory_space<hbm>>) target(%dma_start3A_519 : memref<128xf32, #tpu.memory_space<vmem>>) target_semaphore(%arg19 : memref<!tpu.dma_semaphore, #tpu.memory_space<semaphore_mem>>)
        %mul3A_521 = arith.constant 25 : i32
        %mul3A_522 = arith.muli %add3A_497, %mul3A_521 : i32
        %add3A_523 = arith.constant 1 : i32
        %add3A_524 = arith.addi %mul3A_522, %add3A_523 : i32
        %mul3A_525 = arith.constant 1024 : i32
        %mul3A_526 = arith.muli %add3A_524, %mul3A_525 : i32
        %add3A_527 = arith.addi %add3A_61, %mul3A_526 : i32
        %dma_start3A_528 = arith.constant 128 : i32
        %dma_start3A_529 = tpu.memref_slice %arg17[%dma_start3A_528] : memref<3200xf32, #tpu.memory_space<vmem>> -> memref<128xf32, #tpu.memory_space<vmem>>
        %dma_start3A_530 = tpu.memref_slice %arg6[%add3A_527] : memref<25600000xf32, #tpu.memory_space<hbm>> -> memref<128xf32, #tpu.memory_space<hbm>>
        %dma_start3A_531 = arith.constant 128 : i32
        %dma_start3A_532 = tpu.memref_slice %arg17[%dma_start3A_531] : memref<3200xf32, #tpu.memory_space<vmem>> -> memref<128xf32, #tpu.memory_space<vmem>>
        %dma_start3A_533 = tpu.memref_slice %arg6[%add3A_527] : memref<25600000xf32, #tpu.memory_space<hbm>> -> memref<128xf32, #tpu.memory_space<hbm>>
        tpu.enqueue_dma source(%dma_start3A_533 : memref<128xf32, #tpu.memory_space<hbm>>) target(%dma_start3A_532 : memref<128xf32, #tpu.memory_space<vmem>>) target_semaphore(%arg19 : memref<!tpu.dma_semaphore, #tpu.memory_space<semaphore_mem>>)
        %mul3A_534 = arith.constant 25 : i32
        %mul3A_535 = arith.muli %add3A_497, %mul3A_534 : i32
        %add3A_536 = arith.constant 2 : i32
        %add3A_537 = arith.addi %mul3A_535, %add3A_536 : i32
        %mul3A_538 = arith.constant 1024 : i32
        %mul3A_539 = arith.muli %add3A_537, %mul3A_538 : i32
        %add3A_540 = arith.addi %add3A_61, %mul3A_539 : i32
        %dma_start3A_541 = arith.constant 256 : i32
        %dma_start3A_542 = tpu.memref_slice %arg17[%dma_start3A_541] : memref<3200xf32, #tpu.memory_space<vmem>> -> memref<128xf32, #tpu.memory_space<vmem>>
        %dma_start3A_543 = tpu.memref_slice %arg6[%add3A_540] : memref<25600000xf32, #tpu.memory_space<hbm>> -> memref<128xf32, #tpu.memory_space<hbm>>
        %dma_start3A_544 = arith.constant 256 : i32
        %dma_start3A_545 = tpu.memref_slice %arg17[%dma_start3A_544] : memref<3200xf32, #tpu.memory_space<vmem>> -> memref<128xf32, #tpu.memory_space<vmem>>
        %dma_start3A_546 = tpu.memref_slice %arg6[%add3A_540] : memref<25600000xf32, #tpu.memory_space<hbm>> -> memref<128xf32, #tpu.memory_space<hbm>>
        tpu.enqueue_dma source(%dma_start3A_546 : memref<128xf32, #tpu.memory_space<hbm>>) target(%dma_start3A_545 : memref<128xf32, #tpu.memory_space<vmem>>) target_semaphore(%arg19 : memref<!tpu.dma_semaphore, #tpu.memory_space<semaphore_mem>>)
        %mul3A_547 = arith.constant 25 : i32
        %mul3A_548 = arith.muli %add3A_497, %mul3A_547 : i32
        %add3A_549 = arith.constant 3 : i32
        %add3A_550 = arith.addi %mul3A_548, %add3A_549 : i32
        %mul3A_551 = arith.constant 1024 : i32
        %mul3A_552 = arith.muli %add3A_550, %mul3A_551 : i32
        %add3A_553 = arith.addi %add3A_61, %mul3A_552 : i32
        %dma_start3A_554 = arith.constant 384 : i32
        %dma_start3A_555 = tpu.memref_slice %arg17[%dma_start3A_554] : memref<3200xf32, #tpu.memory_space<vmem>> -> memref<128xf32, #tpu.memory_space<vmem>>
        %dma_start3A_556 = tpu.memref_slice %arg6[%add3A_553] : memref<25600000xf32, #tpu.memory_space<hbm>> -> memref<128xf32, #tpu.memory_space<hbm>>
        %dma_start3A_557 = arith.constant 384 : i32
        %dma_start3A_558 = tpu.memref_slice %arg17[%dma_start3A_557] : memref<3200xf32, #tpu.memory_space<vmem>> -> memref<128xf32, #tpu.memory_space<vmem>>
        %dma_start3A_559 = tpu.memref_slice %arg6[%add3A_553] : memref<25600000xf32, #tpu.memory_space<hbm>> -> memref<128xf32, #tpu.memory_space<hbm>>
        tpu.enqueue_dma source(%dma_start3A_559 : memref<128xf32, #tpu.memory_space<hbm>>) target(%dma_start3A_558 : memref<128xf32, #tpu.memory_space<vmem>>) target_semaphore(%arg19 : memref<!tpu.dma_semaphore, #tpu.memory_space<semaphore_mem>>)
        %mul3A_560 = arith.constant 25 : i32
        %mul3A_561 = arith.muli %add3A_497, %mul3A_560 : i32
        %add3A_562 = arith.constant 4 : i32
        %add3A_563 = arith.addi %mul3A_561, %add3A_562 : i32
        %mul3A_564 = arith.constant 1024 : i32
        %mul3A_565 = arith.muli %add3A_563, %mul3A_564 : i32
        %add3A_566 = arith.addi %add3A_61, %mul3A_565 : i32
        %dma_start3A_567 = arith.constant 512 : i32
        %dma_start3A_568 = tpu.memref_slice %arg17[%dma_start3A_567] : memref<3200xf32, #tpu.memory_space<vmem>> -> memref<128xf32, #tpu.memory_space<vmem>>
        %dma_start3A_569 = tpu.memref_slice %arg6[%add3A_566] : memref<25600000xf32, #tpu.memory_space<hbm>> -> memref<128xf32, #tpu.memory_space<hbm>>
        %dma_start3A_570 = arith.constant 512 : i32
        %dma_start3A_571 = tpu.memref_slice %arg17[%dma_start3A_570] : memref<3200xf32, #tpu.memory_space<vmem>> -> memref<128xf32, #tpu.memory_space<vmem>>
        %dma_start3A_572 = tpu.memref_slice %arg6[%add3A_566] : memref<25600000xf32, #tpu.memory_space<hbm>> -> memref<128xf32, #tpu.memory_space<hbm>>
        tpu.enqueue_dma source(%dma_start3A_572 : memref<128xf32, #tpu.memory_space<hbm>>) target(%dma_start3A_571 : memref<128xf32, #tpu.memory_space<vmem>>) target_semaphore(%arg19 : memref<!tpu.dma_semaphore, #tpu.memory_space<semaphore_mem>>)
        %mul3A_573 = arith.constant 25 : i32
        %mul3A_574 = arith.muli %add3A_497, %mul3A_573 : i32
        %add3A_575 = arith.constant 5 : i32
        %add3A_576 = arith.addi %mul3A_574, %add3A_575 : i32
        %mul3A_577 = arith.constant 1024 : i32
        %mul3A_578 = arith.muli %add3A_576, %mul3A_577 : i32
        %add3A_579 = arith.addi %add3A_61, %mul3A_578 : i32
        %dma_start3A_580 = arith.constant 640 : i32
        %dma_start3A_581 = tpu.memref_slice %arg17[%dma_start3A_580] : memref<3200xf32, #tpu.memory_space<vmem>> -> memref<128xf32, #tpu.memory_space<vmem>>
        %dma_start3A_582 = tpu.memref_slice %arg6[%add3A_579] : memref<25600000xf32, #tpu.memory_space<hbm>> -> memref<128xf32, #tpu.memory_space<hbm>>
        %dma_start3A_583 = arith.constant 640 : i32
        %dma_start3A_584 = tpu.memref_slice %arg17[%dma_start3A_583] : memref<3200xf32, #tpu.memory_space<vmem>> -> memref<128xf32, #tpu.memory_space<vmem>>
        %dma_start3A_585 = tpu.memref_slice %arg6[%add3A_579] : memref<25600000xf32, #tpu.memory_space<hbm>> -> memref<128xf32, #tpu.memory_space<hbm>>
        tpu.enqueue_dma source(%dma_start3A_585 : memref<128xf32, #tpu.memory_space<hbm>>) target(%dma_start3A_584 : memref<128xf32, #tpu.memory_space<vmem>>) target_semaphore(%arg19 : memref<!tpu.dma_semaphore, #tpu.memory_space<semaphore_mem>>)
        %mul3A_586 = arith.constant 25 : i32
        %mul3A_587 = arith.muli %add3A_497, %mul3A_586 : i32
        %add3A_588 = arith.constant 6 : i32
        %add3A_589 = arith.addi %mul3A_587, %add3A_588 : i32
        %mul3A_590 = arith.constant 1024 : i32
        %mul3A_591 = arith.muli %add3A_589, %mul3A_590 : i32
        %add3A_592 = arith.addi %add3A_61, %mul3A_591 : i32
        %dma_start3A_593 = arith.constant 768 : i32
        %dma_start3A_594 = tpu.memref_slice %arg17[%dma_start3A_593] : memref<3200xf32, #tpu.memory_space<vmem>> -> memref<128xf32, #tpu.memory_space<vmem>>
        %dma_start3A_595 = tpu.memref_slice %arg6[%add3A_592] : memref<25600000xf32, #tpu.memory_space<hbm>> -> memref<128xf32, #tpu.memory_space<hbm>>
        %dma_start3A_596 = arith.constant 768 : i32
        %dma_start3A_597 = tpu.memref_slice %arg17[%dma_start3A_596] : memref<3200xf32, #tpu.memory_space<vmem>> -> memref<128xf32, #tpu.memory_space<vmem>>
        %dma_start3A_598 = tpu.memref_slice %arg6[%add3A_592] : memref<25600000xf32, #tpu.memory_space<hbm>> -> memref<128xf32, #tpu.memory_space<hbm>>
        tpu.enqueue_dma source(%dma_start3A_598 : memref<128xf32, #tpu.memory_space<hbm>>) target(%dma_start3A_597 : memref<128xf32, #tpu.memory_space<vmem>>) target_semaphore(%arg19 : memref<!tpu.dma_semaphore, #tpu.memory_space<semaphore_mem>>)
        %mul3A_599 = arith.constant 25 : i32
        %mul3A_600 = arith.muli %add3A_497, %mul3A_599 : i32
        %add3A_601 = arith.constant 7 : i32
        %add3A_602 = arith.addi %mul3A_600, %add3A_601 : i32
        %mul3A_603 = arith.constant 1024 : i32
        %mul3A_604 = arith.muli %add3A_602, %mul3A_603 : i32
        %add3A_605 = arith.addi %add3A_61, %mul3A_604 : i32
        %dma_start3A_606 = arith.constant 896 : i32
        %dma_start3A_607 = tpu.memref_slice %arg17[%dma_start3A_606] : memref<3200xf32, #tpu.memory_space<vmem>> -> memref<128xf32, #tpu.memory_space<vmem>>
        %dma_start3A_608 = tpu.memref_slice %arg6[%add3A_605] : memref<25600000xf32, #tpu.memory_space<hbm>> -> memref<128xf32, #tpu.memory_space<hbm>>
        %dma_start3A_609 = arith.constant 896 : i32
        %dma_start3A_610 = tpu.memref_slice %arg17[%dma_start3A_609] : memref<3200xf32, #tpu.memory_space<vmem>> -> memref<128xf32, #tpu.memory_space<vmem>>
        %dma_start3A_611 = tpu.memref_slice %arg6[%add3A_605] : memref<25600000xf32, #tpu.memory_space<hbm>> -> memref<128xf32, #tpu.memory_space<hbm>>
        tpu.enqueue_dma source(%dma_start3A_611 : memref<128xf32, #tpu.memory_space<hbm>>) target(%dma_start3A_610 : memref<128xf32, #tpu.memory_space<vmem>>) target_semaphore(%arg19 : memref<!tpu.dma_semaphore, #tpu.memory_space<semaphore_mem>>)
        %mul3A_612 = arith.constant 25 : i32
        %mul3A_613 = arith.muli %add3A_497, %mul3A_612 : i32
        %add3A_614 = arith.constant 8 : i32
        %add3A_615 = arith.addi %mul3A_613, %add3A_614 : i32
        %mul3A_616 = arith.constant 1024 : i32
        %mul3A_617 = arith.muli %add3A_615, %mul3A_616 : i32
        %add3A_618 = arith.addi %add3A_61, %mul3A_617 : i32
        %dma_start3A_619 = arith.constant 1024 : i32
        %dma_start3A_620 = tpu.memref_slice %arg17[%dma_start3A_619] : memref<3200xf32, #tpu.memory_space<vmem>> -> memref<128xf32, #tpu.memory_space<vmem>>
        %dma_start3A_621 = tpu.memref_slice %arg6[%add3A_618] : memref<25600000xf32, #tpu.memory_space<hbm>> -> memref<128xf32, #tpu.memory_space<hbm>>
        %dma_start3A_622 = arith.constant 1024 : i32
        %dma_start3A_623 = tpu.memref_slice %arg17[%dma_start3A_622] : memref<3200xf32, #tpu.memory_space<vmem>> -> memref<128xf32, #tpu.memory_space<vmem>>
        %dma_start3A_624 = tpu.memref_slice %arg6[%add3A_618] : memref<25600000xf32, #tpu.memory_space<hbm>> -> memref<128xf32, #tpu.memory_space<hbm>>
        tpu.enqueue_dma source(%dma_start3A_624 : memref<128xf32, #tpu.memory_space<hbm>>) target(%dma_start3A_623 : memref<128xf32, #tpu.memory_space<vmem>>) target_semaphore(%arg19 : memref<!tpu.dma_semaphore, #tpu.memory_space<semaphore_mem>>)
        %mul3A_625 = arith.constant 25 : i32
        %mul3A_626 = arith.muli %add3A_497, %mul3A_625 : i32
        %add3A_627 = arith.constant 9 : i32
        %add3A_628 = arith.addi %mul3A_626, %add3A_627 : i32
        %mul3A_629 = arith.constant 1024 : i32
        %mul3A_630 = arith.muli %add3A_628, %mul3A_629 : i32
        %add3A_631 = arith.addi %add3A_61, %mul3A_630 : i32
        %dma_start3A_632 = arith.constant 1152 : i32
        %dma_start3A_633 = tpu.memref_slice %arg17[%dma_start3A_632] : memref<3200xf32, #tpu.memory_space<vmem>> -> memref<128xf32, #tpu.memory_space<vmem>>
        %dma_start3A_634 = tpu.memref_slice %arg6[%add3A_631] : memref<25600000xf32, #tpu.memory_space<hbm>> -> memref<128xf32, #tpu.memory_space<hbm>>
        %dma_start3A_635 = arith.constant 1152 : i32
        %dma_start3A_636 = tpu.memref_slice %arg17[%dma_start3A_635] : memref<3200xf32, #tpu.memory_space<vmem>> -> memref<128xf32, #tpu.memory_space<vmem>>
        %dma_start3A_637 = tpu.memref_slice %arg6[%add3A_631] : memref<25600000xf32, #tpu.memory_space<hbm>> -> memref<128xf32, #tpu.memory_space<hbm>>
        tpu.enqueue_dma source(%dma_start3A_637 : memref<128xf32, #tpu.memory_space<hbm>>) target(%dma_start3A_636 : memref<128xf32, #tpu.memory_space<vmem>>) target_semaphore(%arg19 : memref<!tpu.dma_semaphore, #tpu.memory_space<semaphore_mem>>)
        %mul3A_638 = arith.constant 25 : i32
        %mul3A_639 = arith.muli %add3A_497, %mul3A_638 : i32
        %add3A_640 = arith.constant 10 : i32
        %add3A_641 = arith.addi %mul3A_639, %add3A_640 : i32
        %mul3A_642 = arith.constant 1024 : i32
        %mul3A_643 = arith.muli %add3A_641, %mul3A_642 : i32
        %add3A_644 = arith.addi %add3A_61, %mul3A_643 : i32
        %dma_start3A_645 = arith.constant 1280 : i32
        %dma_start3A_646 = tpu.memref_slice %arg17[%dma_start3A_645] : memref<3200xf32, #tpu.memory_space<vmem>> -> memref<128xf32, #tpu.memory_space<vmem>>
        %dma_start3A_647 = tpu.memref_slice %arg6[%add3A_644] : memref<25600000xf32, #tpu.memory_space<hbm>> -> memref<128xf32, #tpu.memory_space<hbm>>
        %dma_start3A_648 = arith.constant 1280 : i32
        %dma_start3A_649 = tpu.memref_slice %arg17[%dma_start3A_648] : memref<3200xf32, #tpu.memory_space<vmem>> -> memref<128xf32, #tpu.memory_space<vmem>>
        %dma_start3A_650 = tpu.memref_slice %arg6[%add3A_644] : memref<25600000xf32, #tpu.memory_space<hbm>> -> memref<128xf32, #tpu.memory_space<hbm>>
        tpu.enqueue_dma source(%dma_start3A_650 : memref<128xf32, #tpu.memory_space<hbm>>) target(%dma_start3A_649 : memref<128xf32, #tpu.memory_space<vmem>>) target_semaphore(%arg19 : memref<!tpu.dma_semaphore, #tpu.memory_space<semaphore_mem>>)
        %mul3A_651 = arith.constant 25 : i32
        %mul3A_652 = arith.muli %add3A_497, %mul3A_651 : i32
        %add3A_653 = arith.constant 11 : i32
        %add3A_654 = arith.addi %mul3A_652, %add3A_653 : i32
        %mul3A_655 = arith.constant 1024 : i32
        %mul3A_656 = arith.muli %add3A_654, %mul3A_655 : i32
        %add3A_657 = arith.addi %add3A_61, %mul3A_656 : i32
        %dma_start3A_658 = arith.constant 1408 : i32
        %dma_start3A_659 = tpu.memref_slice %arg17[%dma_start3A_658] : memref<3200xf32, #tpu.memory_space<vmem>> -> memref<128xf32, #tpu.memory_space<vmem>>
        %dma_start3A_660 = tpu.memref_slice %arg6[%add3A_657] : memref<25600000xf32, #tpu.memory_space<hbm>> -> memref<128xf32, #tpu.memory_space<hbm>>
        %dma_start3A_661 = arith.constant 1408 : i32
        %dma_start3A_662 = tpu.memref_slice %arg17[%dma_start3A_661] : memref<3200xf32, #tpu.memory_space<vmem>> -> memref<128xf32, #tpu.memory_space<vmem>>
        %dma_start3A_663 = tpu.memref_slice %arg6[%add3A_657] : memref<25600000xf32, #tpu.memory_space<hbm>> -> memref<128xf32, #tpu.memory_space<hbm>>
        tpu.enqueue_dma source(%dma_start3A_663 : memref<128xf32, #tpu.memory_space<hbm>>) target(%dma_start3A_662 : memref<128xf32, #tpu.memory_space<vmem>>) target_semaphore(%arg19 : memref<!tpu.dma_semaphore, #tpu.memory_space<semaphore_mem>>)
        %mul3A_664 = arith.constant 25 : i32
        %mul3A_665 = arith.muli %add3A_497, %mul3A_664 : i32
        %add3A_666 = arith.constant 12 : i32
        %add3A_667 = arith.addi %mul3A_665, %add3A_666 : i32
        %mul3A_668 = arith.constant 1024 : i32
        %mul3A_669 = arith.muli %add3A_667, %mul3A_668 : i32
        %add3A_670 = arith.addi %add3A_61, %mul3A_669 : i32
        %dma_start3A_671 = arith.constant 1536 : i32
        %dma_start3A_672 = tpu.memref_slice %arg17[%dma_start3A_671] : memref<3200xf32, #tpu.memory_space<vmem>> -> memref<128xf32, #tpu.memory_space<vmem>>
        %dma_start3A_673 = tpu.memref_slice %arg6[%add3A_670] : memref<25600000xf32, #tpu.memory_space<hbm>> -> memref<128xf32, #tpu.memory_space<hbm>>
        %dma_start3A_674 = arith.constant 1536 : i32
        %dma_start3A_675 = tpu.memref_slice %arg17[%dma_start3A_674] : memref<3200xf32, #tpu.memory_space<vmem>> -> memref<128xf32, #tpu.memory_space<vmem>>
        %dma_start3A_676 = tpu.memref_slice %arg6[%add3A_670] : memref<25600000xf32, #tpu.memory_space<hbm>> -> memref<128xf32, #tpu.memory_space<hbm>>
        tpu.enqueue_dma source(%dma_start3A_676 : memref<128xf32, #tpu.memory_space<hbm>>) target(%dma_start3A_675 : memref<128xf32, #tpu.memory_space<vmem>>) target_semaphore(%arg19 : memref<!tpu.dma_semaphore, #tpu.memory_space<semaphore_mem>>)
        %mul3A_677 = arith.constant 25 : i32
        %mul3A_678 = arith.muli %add3A_497, %mul3A_677 : i32
        %add3A_679 = arith.constant 13 : i32
        %add3A_680 = arith.addi %mul3A_678, %add3A_679 : i32
        %mul3A_681 = arith.constant 1024 : i32
        %mul3A_682 = arith.muli %add3A_680, %mul3A_681 : i32
        %add3A_683 = arith.addi %add3A_61, %mul3A_682 : i32
        %dma_start3A_684 = arith.constant 1664 : i32
        %dma_start3A_685 = tpu.memref_slice %arg17[%dma_start3A_684] : memref<3200xf32, #tpu.memory_space<vmem>> -> memref<128xf32, #tpu.memory_space<vmem>>
        %dma_start3A_686 = tpu.memref_slice %arg6[%add3A_683] : memref<25600000xf32, #tpu.memory_space<hbm>> -> memref<128xf32, #tpu.memory_space<hbm>>
        %dma_start3A_687 = arith.constant 1664 : i32
        %dma_start3A_688 = tpu.memref_slice %arg17[%dma_start3A_687] : memref<3200xf32, #tpu.memory_space<vmem>> -> memref<128xf32, #tpu.memory_space<vmem>>
        %dma_start3A_689 = tpu.memref_slice %arg6[%add3A_683] : memref<25600000xf32, #tpu.memory_space<hbm>> -> memref<128xf32, #tpu.memory_space<hbm>>
        tpu.enqueue_dma source(%dma_start3A_689 : memref<128xf32, #tpu.memory_space<hbm>>) target(%dma_start3A_688 : memref<128xf32, #tpu.memory_space<vmem>>) target_semaphore(%arg19 : memref<!tpu.dma_semaphore, #tpu.memory_space<semaphore_mem>>)
        %mul3A_690 = arith.constant 25 : i32
        %mul3A_691 = arith.muli %add3A_497, %mul3A_690 : i32
        %add3A_692 = arith.constant 14 : i32
        %add3A_693 = arith.addi %mul3A_691, %add3A_692 : i32
        %mul3A_694 = arith.constant 1024 : i32
        %mul3A_695 = arith.muli %add3A_693, %mul3A_694 : i32
        %add3A_696 = arith.addi %add3A_61, %mul3A_695 : i32
        %dma_start3A_697 = arith.constant 1792 : i32
        %dma_start3A_698 = tpu.memref_slice %arg17[%dma_start3A_697] : memref<3200xf32, #tpu.memory_space<vmem>> -> memref<128xf32, #tpu.memory_space<vmem>>
        %dma_start3A_699 = tpu.memref_slice %arg6[%add3A_696] : memref<25600000xf32, #tpu.memory_space<hbm>> -> memref<128xf32, #tpu.memory_space<hbm>>
        %dma_start3A_700 = arith.constant 1792 : i32
        %dma_start3A_701 = tpu.memref_slice %arg17[%dma_start3A_700] : memref<3200xf32, #tpu.memory_space<vmem>> -> memref<128xf32, #tpu.memory_space<vmem>>
        %dma_start3A_702 = tpu.memref_slice %arg6[%add3A_696] : memref<25600000xf32, #tpu.memory_space<hbm>> -> memref<128xf32, #tpu.memory_space<hbm>>
        tpu.enqueue_dma source(%dma_start3A_702 : memref<128xf32, #tpu.memory_space<hbm>>) target(%dma_start3A_701 : memref<128xf32, #tpu.memory_space<vmem>>) target_semaphore(%arg19 : memref<!tpu.dma_semaphore, #tpu.memory_space<semaphore_mem>>)
        %mul3A_703 = arith.constant 25 : i32
        %mul3A_704 = arith.muli %add3A_497, %mul3A_703 : i32
        %add3A_705 = arith.constant 15 : i32
        %add3A_706 = arith.addi %mul3A_704, %add3A_705 : i32
        %mul3A_707 = arith.constant 1024 : i32
        %mul3A_708 = arith.muli %add3A_706, %mul3A_707 : i32
        %add3A_709 = arith.addi %add3A_61, %mul3A_708 : i32
        %dma_start3A_710 = arith.constant 1920 : i32
        %dma_start3A_711 = tpu.memref_slice %arg17[%dma_start3A_710] : memref<3200xf32, #tpu.memory_space<vmem>> -> memref<128xf32, #tpu.memory_space<vmem>>
        %dma_start3A_712 = tpu.memref_slice %arg6[%add3A_709] : memref<25600000xf32, #tpu.memory_space<hbm>> -> memref<128xf32, #tpu.memory_space<hbm>>
        %dma_start3A_713 = arith.constant 1920 : i32
        %dma_start3A_714 = tpu.memref_slice %arg17[%dma_start3A_713] : memref<3200xf32, #tpu.memory_space<vmem>> -> memref<128xf32, #tpu.memory_space<vmem>>
        %dma_start3A_715 = tpu.memref_slice %arg6[%add3A_709] : memref<25600000xf32, #tpu.memory_space<hbm>> -> memref<128xf32, #tpu.memory_space<hbm>>
        tpu.enqueue_dma source(%dma_start3A_715 : memref<128xf32, #tpu.memory_space<hbm>>) target(%dma_start3A_714 : memref<128xf32, #tpu.memory_space<vmem>>) target_semaphore(%arg19 : memref<!tpu.dma_semaphore, #tpu.memory_space<semaphore_mem>>)
        %mul3A_716 = arith.constant 25 : i32
        %mul3A_717 = arith.muli %add3A_497, %mul3A_716 : i32
        %add3A_718 = arith.constant 16 : i32
        %add3A_719 = arith.addi %mul3A_717, %add3A_718 : i32
        %mul3A_720 = arith.constant 1024 : i32
        %mul3A_721 = arith.muli %add3A_719, %mul3A_720 : i32
        %add3A_722 = arith.addi %add3A_61, %mul3A_721 : i32
        %dma_start3A_723 = arith.constant 2048 : i32
        %dma_start3A_724 = tpu.memref_slice %arg17[%dma_start3A_723] : memref<3200xf32, #tpu.memory_space<vmem>> -> memref<128xf32, #tpu.memory_space<vmem>>
        %dma_start3A_725 = tpu.memref_slice %arg6[%add3A_722] : memref<25600000xf32, #tpu.memory_space<hbm>> -> memref<128xf32, #tpu.memory_space<hbm>>
        %dma_start3A_726 = arith.constant 2048 : i32
        %dma_start3A_727 = tpu.memref_slice %arg17[%dma_start3A_726] : memref<3200xf32, #tpu.memory_space<vmem>> -> memref<128xf32, #tpu.memory_space<vmem>>
        %dma_start3A_728 = tpu.memref_slice %arg6[%add3A_722] : memref<25600000xf32, #tpu.memory_space<hbm>> -> memref<128xf32, #tpu.memory_space<hbm>>
        tpu.enqueue_dma source(%dma_start3A_728 : memref<128xf32, #tpu.memory_space<hbm>>) target(%dma_start3A_727 : memref<128xf32, #tpu.memory_space<vmem>>) target_semaphore(%arg19 : memref<!tpu.dma_semaphore, #tpu.memory_space<semaphore_mem>>)
        %mul3A_729 = arith.constant 25 : i32
        %mul3A_730 = arith.muli %add3A_497, %mul3A_729 : i32
        %add3A_731 = arith.constant 17 : i32
        %add3A_732 = arith.addi %mul3A_730, %add3A_731 : i32
        %mul3A_733 = arith.constant 1024 : i32
        %mul3A_734 = arith.muli %add3A_732, %mul3A_733 : i32
        %add3A_735 = arith.addi %add3A_61, %mul3A_734 : i32
        %dma_start3A_736 = arith.constant 2176 : i32
        %dma_start3A_737 = tpu.memref_slice %arg17[%dma_start3A_736] : memref<3200xf32, #tpu.memory_space<vmem>> -> memref<128xf32, #tpu.memory_space<vmem>>
        %dma_start3A_738 = tpu.memref_slice %arg6[%add3A_735] : memref<25600000xf32, #tpu.memory_space<hbm>> -> memref<128xf32, #tpu.memory_space<hbm>>
        %dma_start3A_739 = arith.constant 2176 : i32
        %dma_start3A_740 = tpu.memref_slice %arg17[%dma_start3A_739] : memref<3200xf32, #tpu.memory_space<vmem>> -> memref<128xf32, #tpu.memory_space<vmem>>
        %dma_start3A_741 = tpu.memref_slice %arg6[%add3A_735] : memref<25600000xf32, #tpu.memory_space<hbm>> -> memref<128xf32, #tpu.memory_space<hbm>>
        tpu.enqueue_dma source(%dma_start3A_741 : memref<128xf32, #tpu.memory_space<hbm>>) target(%dma_start3A_740 : memref<128xf32, #tpu.memory_space<vmem>>) target_semaphore(%arg19 : memref<!tpu.dma_semaphore, #tpu.memory_space<semaphore_mem>>)
        %mul3A_742 = arith.constant 25 : i32
        %mul3A_743 = arith.muli %add3A_497, %mul3A_742 : i32
        %add3A_744 = arith.constant 18 : i32
        %add3A_745 = arith.addi %mul3A_743, %add3A_744 : i32
        %mul3A_746 = arith.constant 1024 : i32
        %mul3A_747 = arith.muli %add3A_745, %mul3A_746 : i32
        %add3A_748 = arith.addi %add3A_61, %mul3A_747 : i32
        %dma_start3A_749 = arith.constant 2304 : i32
        %dma_start3A_750 = tpu.memref_slice %arg17[%dma_start3A_749] : memref<3200xf32, #tpu.memory_space<vmem>> -> memref<128xf32, #tpu.memory_space<vmem>>
        %dma_start3A_751 = tpu.memref_slice %arg6[%add3A_748] : memref<25600000xf32, #tpu.memory_space<hbm>> -> memref<128xf32, #tpu.memory_space<hbm>>
        %dma_start3A_752 = arith.constant 2304 : i32
        %dma_start3A_753 = tpu.memref_slice %arg17[%dma_start3A_752] : memref<3200xf32, #tpu.memory_space<vmem>> -> memref<128xf32, #tpu.memory_space<vmem>>
        %dma_start3A_754 = tpu.memref_slice %arg6[%add3A_748] : memref<25600000xf32, #tpu.memory_space<hbm>> -> memref<128xf32, #tpu.memory_space<hbm>>
        tpu.enqueue_dma source(%dma_start3A_754 : memref<128xf32, #tpu.memory_space<hbm>>) target(%dma_start3A_753 : memref<128xf32, #tpu.memory_space<vmem>>) target_semaphore(%arg19 : memref<!tpu.dma_semaphore, #tpu.memory_space<semaphore_mem>>)
        %mul3A_755 = arith.constant 25 : i32
        %mul3A_756 = arith.muli %add3A_497, %mul3A_755 : i32
        %add3A_757 = arith.constant 19 : i32
        %add3A_758 = arith.addi %mul3A_756, %add3A_757 : i32
        %mul3A_759 = arith.constant 1024 : i32
        %mul3A_760 = arith.muli %add3A_758, %mul3A_759 : i32
        %add3A_761 = arith.addi %add3A_61, %mul3A_760 : i32
        %dma_start3A_762 = arith.constant 2432 : i32
        %dma_start3A_763 = tpu.memref_slice %arg17[%dma_start3A_762] : memref<3200xf32, #tpu.memory_space<vmem>> -> memref<128xf32, #tpu.memory_space<vmem>>
        %dma_start3A_764 = tpu.memref_slice %arg6[%add3A_761] : memref<25600000xf32, #tpu.memory_space<hbm>> -> memref<128xf32, #tpu.memory_space<hbm>>
        %dma_start3A_765 = arith.constant 2432 : i32
        %dma_start3A_766 = tpu.memref_slice %arg17[%dma_start3A_765] : memref<3200xf32, #tpu.memory_space<vmem>> -> memref<128xf32, #tpu.memory_space<vmem>>
        %dma_start3A_767 = tpu.memref_slice %arg6[%add3A_761] : memref<25600000xf32, #tpu.memory_space<hbm>> -> memref<128xf32, #tpu.memory_space<hbm>>
        tpu.enqueue_dma source(%dma_start3A_767 : memref<128xf32, #tpu.memory_space<hbm>>) target(%dma_start3A_766 : memref<128xf32, #tpu.memory_space<vmem>>) target_semaphore(%arg19 : memref<!tpu.dma_semaphore, #tpu.memory_space<semaphore_mem>>)
        %mul3A_768 = arith.constant 25 : i32
        %mul3A_769 = arith.muli %add3A_497, %mul3A_768 : i32
        %add3A_770 = arith.constant 20 : i32
        %add3A_771 = arith.addi %mul3A_769, %add3A_770 : i32
        %mul3A_772 = arith.constant 1024 : i32
        %mul3A_773 = arith.muli %add3A_771, %mul3A_772 : i32
        %add3A_774 = arith.addi %add3A_61, %mul3A_773 : i32
        %dma_start3A_775 = arith.constant 2560 : i32
        %dma_start3A_776 = tpu.memref_slice %arg17[%dma_start3A_775] : memref<3200xf32, #tpu.memory_space<vmem>> -> memref<128xf32, #tpu.memory_space<vmem>>
        %dma_start3A_777 = tpu.memref_slice %arg6[%add3A_774] : memref<25600000xf32, #tpu.memory_space<hbm>> -> memref<128xf32, #tpu.memory_space<hbm>>
        %dma_start3A_778 = arith.constant 2560 : i32
        %dma_start3A_779 = tpu.memref_slice %arg17[%dma_start3A_778] : memref<3200xf32, #tpu.memory_space<vmem>> -> memref<128xf32, #tpu.memory_space<vmem>>
        %dma_start3A_780 = tpu.memref_slice %arg6[%add3A_774] : memref<25600000xf32, #tpu.memory_space<hbm>> -> memref<128xf32, #tpu.memory_space<hbm>>
        tpu.enqueue_dma source(%dma_start3A_780 : memref<128xf32, #tpu.memory_space<hbm>>) target(%dma_start3A_779 : memref<128xf32, #tpu.memory_space<vmem>>) target_semaphore(%arg19 : memref<!tpu.dma_semaphore, #tpu.memory_space<semaphore_mem>>)
        %mul3A_781 = arith.constant 25 : i32
        %mul3A_782 = arith.muli %add3A_497, %mul3A_781 : i32
        %add3A_783 = arith.constant 21 : i32
        %add3A_784 = arith.addi %mul3A_782, %add3A_783 : i32
        %mul3A_785 = arith.constant 1024 : i32
        %mul3A_786 = arith.muli %add3A_784, %mul3A_785 : i32
        %add3A_787 = arith.addi %add3A_61, %mul3A_786 : i32
        %dma_start3A_788 = arith.constant 2688 : i32
        %dma_start3A_789 = tpu.memref_slice %arg17[%dma_start3A_788] : memref<3200xf32, #tpu.memory_space<vmem>> -> memref<128xf32, #tpu.memory_space<vmem>>
        %dma_start3A_790 = tpu.memref_slice %arg6[%add3A_787] : memref<25600000xf32, #tpu.memory_space<hbm>> -> memref<128xf32, #tpu.memory_space<hbm>>
        %dma_start3A_791 = arith.constant 2688 : i32
        %dma_start3A_792 = tpu.memref_slice %arg17[%dma_start3A_791] : memref<3200xf32, #tpu.memory_space<vmem>> -> memref<128xf32, #tpu.memory_space<vmem>>
        %dma_start3A_793 = tpu.memref_slice %arg6[%add3A_787] : memref<25600000xf32, #tpu.memory_space<hbm>> -> memref<128xf32, #tpu.memory_space<hbm>>
        tpu.enqueue_dma source(%dma_start3A_793 : memref<128xf32, #tpu.memory_space<hbm>>) target(%dma_start3A_792 : memref<128xf32, #tpu.memory_space<vmem>>) target_semaphore(%arg19 : memref<!tpu.dma_semaphore, #tpu.memory_space<semaphore_mem>>)
        %mul3A_794 = arith.constant 25 : i32
        %mul3A_795 = arith.muli %add3A_497, %mul3A_794 : i32
        %add3A_796 = arith.constant 22 : i32
        %add3A_797 = arith.addi %mul3A_795, %add3A_796 : i32
        %mul3A_798 = arith.constant 1024 : i32
        %mul3A_799 = arith.muli %add3A_797, %mul3A_798 : i32
        %add3A_800 = arith.addi %add3A_61, %mul3A_799 : i32
        %dma_start3A_801 = arith.constant 2816 : i32
        %dma_start3A_802 = tpu.memref_slice %arg17[%dma_start3A_801] : memref<3200xf32, #tpu.memory_space<vmem>> -> memref<128xf32, #tpu.memory_space<vmem>>
        %dma_start3A_803 = tpu.memref_slice %arg6[%add3A_800] : memref<25600000xf32, #tpu.memory_space<hbm>> -> memref<128xf32, #tpu.memory_space<hbm>>
        %dma_start3A_804 = arith.constant 2816 : i32
        %dma_start3A_805 = tpu.memref_slice %arg17[%dma_start3A_804] : memref<3200xf32, #tpu.memory_space<vmem>> -> memref<128xf32, #tpu.memory_space<vmem>>
        %dma_start3A_806 = tpu.memref_slice %arg6[%add3A_800] : memref<25600000xf32, #tpu.memory_space<hbm>> -> memref<128xf32, #tpu.memory_space<hbm>>
        tpu.enqueue_dma source(%dma_start3A_806 : memref<128xf32, #tpu.memory_space<hbm>>) target(%dma_start3A_805 : memref<128xf32, #tpu.memory_space<vmem>>) target_semaphore(%arg19 : memref<!tpu.dma_semaphore, #tpu.memory_space<semaphore_mem>>)
        %mul3A_807 = arith.constant 25 : i32
        %mul3A_808 = arith.muli %add3A_497, %mul3A_807 : i32
        %add3A_809 = arith.constant 23 : i32
        %add3A_810 = arith.addi %mul3A_808, %add3A_809 : i32
        %mul3A_811 = arith.constant 1024 : i32
        %mul3A_812 = arith.muli %add3A_810, %mul3A_811 : i32
        %add3A_813 = arith.addi %add3A_61, %mul3A_812 : i32
        %dma_start3A_814 = arith.constant 2944 : i32
        %dma_start3A_815 = tpu.memref_slice %arg17[%dma_start3A_814] : memref<3200xf32, #tpu.memory_space<vmem>> -> memref<128xf32, #tpu.memory_space<vmem>>
        %dma_start3A_816 = tpu.memref_slice %arg6[%add3A_813] : memref<25600000xf32, #tpu.memory_space<hbm>> -> memref<128xf32, #tpu.memory_space<hbm>>
        %dma_start3A_817 = arith.constant 2944 : i32
        %dma_start3A_818 = tpu.memref_slice %arg17[%dma_start3A_817] : memref<3200xf32, #tpu.memory_space<vmem>> -> memref<128xf32, #tpu.memory_space<vmem>>
        %dma_start3A_819 = tpu.memref_slice %arg6[%add3A_813] : memref<25600000xf32, #tpu.memory_space<hbm>> -> memref<128xf32, #tpu.memory_space<hbm>>
        tpu.enqueue_dma source(%dma_start3A_819 : memref<128xf32, #tpu.memory_space<hbm>>) target(%dma_start3A_818 : memref<128xf32, #tpu.memory_space<vmem>>) target_semaphore(%arg19 : memref<!tpu.dma_semaphore, #tpu.memory_space<semaphore_mem>>)
        %mul3A_820 = arith.constant 25 : i32
        %mul3A_821 = arith.muli %add3A_497, %mul3A_820 : i32
        %add3A_822 = arith.constant 24 : i32
        %add3A_823 = arith.addi %mul3A_821, %add3A_822 : i32
        %mul3A_824 = arith.constant 1024 : i32
        %mul3A_825 = arith.muli %add3A_823, %mul3A_824 : i32
        %add3A_826 = arith.addi %add3A_61, %mul3A_825 : i32
        %dma_start3A_827 = arith.constant 3072 : i32
        %dma_start3A_828 = tpu.memref_slice %arg17[%dma_start3A_827] : memref<3200xf32, #tpu.memory_space<vmem>> -> memref<128xf32, #tpu.memory_space<vmem>>
        %dma_start3A_829 = tpu.memref_slice %arg6[%add3A_826] : memref<25600000xf32, #tpu.memory_space<hbm>> -> memref<128xf32, #tpu.memory_space<hbm>>
        %dma_start3A_830 = arith.constant 3072 : i32
        %dma_start3A_831 = tpu.memref_slice %arg17[%dma_start3A_830] : memref<3200xf32, #tpu.memory_space<vmem>> -> memref<128xf32, #tpu.memory_space<vmem>>
        %dma_start3A_832 = tpu.memref_slice %arg6[%add3A_826] : memref<25600000xf32, #tpu.memory_space<hbm>> -> memref<128xf32, #tpu.memory_space<hbm>>
        tpu.enqueue_dma source(%dma_start3A_832 : memref<128xf32, #tpu.memory_space<hbm>>) target(%dma_start3A_831 : memref<128xf32, #tpu.memory_space<vmem>>) target_semaphore(%arg19 : memref<!tpu.dma_semaphore, #tpu.memory_space<semaphore_mem>>)
      } else {
      }
      %dma_wait3A_481 = arith.constant 0 : i32
      %dma_wait3A_482 = tpu.memref_slice %arg3[%dma_wait3A_481] : memref<6400000xi32, #tpu.memory_space<hbm>> -> memref<3200xi32, #tpu.memory_space<hbm>>
      %dma_wait3A_483 = arith.constant 0 : i32
      %dma_wait3A_484 = tpu.memref_slice %arg3[%dma_wait3A_483] : memref<6400000xi32, #tpu.memory_space<hbm>> -> memref<3200xi32, #tpu.memory_space<hbm>>
      tpu.wait_dma2 semaphore(%arg20 : memref<!tpu.dma_semaphore, #tpu.memory_space<semaphore_mem>>) src(%dma_wait3A_484 : memref<3200xi32, #tpu.memory_space<hbm>>) dst(%arg14 : memref<3200xi32, #tpu.memory_space<vmem>>)
      %dma_wait3A_485 = arith.constant 0 : i32
      %dma_wait3A_486 = tpu.memref_slice %arg3[%dma_wait3A_485] : memref<6400000xi32, #tpu.memory_space<hbm>> -> memref<3200xi32, #tpu.memory_space<hbm>>
      %dma_wait3A_487 = arith.constant 0 : i32
      %dma_wait3A_488 = tpu.memref_slice %arg3[%dma_wait3A_487] : memref<6400000xi32, #tpu.memory_space<hbm>> -> memref<3200xi32, #tpu.memory_space<hbm>>
      tpu.wait_dma2 semaphore(%arg20 : memref<!tpu.dma_semaphore, #tpu.memory_space<semaphore_mem>>) src(%dma_wait3A_488 : memref<3200xi32, #tpu.memory_space<hbm>>) dst(%arg16 : memref<3200xi32, #tpu.memory_space<vmem>>)
      %dma_wait3A_489 = arith.constant 0 : i32
      %dma_wait3A_490 = tpu.memref_slice %arg6[%dma_wait3A_489] : memref<25600000xf32, #tpu.memory_space<hbm>> -> memref<3200xf32, #tpu.memory_space<hbm>>
      %dma_wait3A_491 = arith.constant 0 : i32
      %dma_wait3A_492 = tpu.memref_slice %arg6[%dma_wait3A_491] : memref<25600000xf32, #tpu.memory_space<hbm>> -> memref<3200xf32, #tpu.memory_space<hbm>>
      tpu.wait_dma2 semaphore(%arg20 : memref<!tpu.dma_semaphore, #tpu.memory_space<semaphore_mem>>) src(%dma_wait3A_492 : memref<3200xf32, #tpu.memory_space<hbm>>) dst(%arg18 : memref<3200xf32, #tpu.memory_space<vmem>>)
      %parallel_loop3A_493 = arith.constant 0 : i32
      %parallel_loop3A_494 = arith.constant 3200 : i32
      %parallel_loop3A_495 = arith.constant 16 : i32
      scf.for %parallel_loop3A_496 = %parallel_loop3A_493 to %parallel_loop3A_494 step %parallel_loop3A_495  : i32 {
        %parallel_loop3A_497 = arith.index_cast %parallel_loop3A_496 : i32 to index
        %parallel_loop3A_498 = tpu.vector_load %arg18[%parallel_loop3A_497] {strides = array<i32>} : memref<3200xf32, #tpu.memory_space<vmem>>, vector<16xf32>,
        %parallel_loop3A_499 = arith.index_cast %parallel_loop3A_496 : i32 to index
        %parallel_loop3A_500 = tpu.vector_load %arg14[%parallel_loop3A_499] {strides = array<i32>} : memref<3200xi32, #tpu.memory_space<vmem>>, vector<16xi32>,
        tpu.vector_store_idx %arg10[%parallel_loop3A_500], %parallel_loop3A_498 {add = true} : memref<100000xf32, #tpu.memory_space<vmem>>[vector<16xi32>], vector<16xf32>,
        %parallel_loop3A_501 = arith.index_cast %parallel_loop3A_496 : i32 to index
        %parallel_loop3A_502 = tpu.vector_load %arg16[%parallel_loop3A_501] {strides = array<i32>} : memref<3200xi32, #tpu.memory_space<vmem>>, vector<16xi32>,
        %parallel_loop3A_503 = arith.constant 0.000000e+00 : f32
        %parallel_loop3A_504 = vector.broadcast %parallel_loop3A_503 : f32 to vector<16xf32>
        %parallel_loop3A_505 = arith.subf %parallel_loop3A_504, %parallel_loop3A_498 : vector<16xf32>
        tpu.vector_store_idx %arg10[%parallel_loop3A_502], %parallel_loop3A_505 {add = true} : memref<100000xf32, #tpu.memory_space<vmem>>[vector<16xi32>], vector<16xf32>,
      } {sc.loop_unroll_factor = 8 : i64, sc.parallel_access}
    }
    %scan3A_303 = arith.constant 125 : i32
    %mul3A_304 = arith.constant 16 : i32
    %mul3A_305 = arith.muli %arg0, %mul3A_304 : i32
    %mul3A_306 = arith.constant 4 : i32
    %mul3A_307 = arith.muli %select_n3A, %mul3A_306 : i32
    %add3A_308 = arith.addi %mul3A_305, %mul3A_307 : i32
    %add3A_309 = arith.addi %add3A_308, %select_n3A_30 : i32
    %mul3A_310 = arith.constant 100000 : i32
    %mul3A_311 = arith.muli %add3A_309, %mul3A_310 : i32
    "tpu.region"() ({
      %run_scoped3A = tpu.sem_alloc : memref<!tpu.dma_semaphore, #tpu.memory_space<semaphore_mem>>
      %dma_start3A_443 = tpu.memref_slice %arg9[%mul3A_311] : memref<3200000xf32, #tpu.memory_space<hbm>> -> memref<100000xf32, #tpu.memory_space<hbm>>
      %dma_start3A_444 = tpu.memref_slice %arg9[%mul3A_311] : memref<3200000xf32, #tpu.memory_space<hbm>> -> memref<100000xf32, #tpu.memory_space<hbm>>
      tpu.enqueue_dma source(%arg10 : memref<100000xf32, #tpu.memory_space<vmem>>) target(%dma_start3A_444 : memref<100000xf32, #tpu.memory_space<hbm>>) target_semaphore(%run_scoped3A : memref<!tpu.dma_semaphore, #tpu.memory_space<semaphore_mem>>)
      %dma_wait3A_445 = tpu.memref_slice %arg9[%mul3A_311] : memref<3200000xf32, #tpu.memory_space<hbm>> -> memref<100000xf32, #tpu.memory_space<hbm>>
      %dma_wait3A_446 = tpu.memref_slice %arg9[%mul3A_311] : memref<3200000xf32, #tpu.memory_space<hbm>> -> memref<100000xf32, #tpu.memory_space<hbm>>
      tpu.wait_dma2 semaphore(%run_scoped3A : memref<!tpu.dma_semaphore, #tpu.memory_space<semaphore_mem>>) src(%arg10 : memref<100000xf32, #tpu.memory_space<vmem>>) dst(%dma_wait3A_446 : memref<100000xf32, #tpu.memory_space<hbm>>)
      tpu.yield
    }) : () -> ()
    %barrier3A = arith.constant 0 : index
    tpu.barrier barrier_id(%barrier3A)
    %jit3A_312 = arith.constant 4 : i32
    %eq3A_313 = arith.constant 0 : i32
    %eq3A_314 = arith.cmpi eq, %jit3A_312, %eq3A_313 : i32
    %jit3A_315 = arith.constant 1 : i32
    %select_n3A_316 = arith.select %eq3A_314, %jit3A_315, %jit3A_312 : i32
    %rem3A_317 = arith.remsi %arg1, %select_n3A_316 : i32
    %ne3A_318 = arith.constant 0 : i32
    %ne3A_319 = arith.cmpi ne, %rem3A_317, %ne3A_318 : i32
    %lt3A_320 = arith.constant 0 : i32
    %lt3A_321 = arith.cmpi slt, %rem3A_317, %lt3A_320 : i32
    %lt3A_322 = arith.constant 0 : i32
    %lt3A_323 = arith.cmpi slt, %select_n3A_316, %lt3A_322 : i32
    %ne3A_324 = arith.xori %lt3A_321, %lt3A_323 : i1
    %and3A_325 = arith.andi %ne3A_324, %ne3A_319 : i1
    %add3A_326 = arith.addi %rem3A_317, %select_n3A_316 : i32
    %select_n3A_327 = arith.select %and3A_325, %add3A_326, %rem3A_317 : i32
    %mul3A_328 = arith.constant 25000 : i32
    %mul3A_329 = arith.muli %select_n3A_327, %mul3A_328 : i32
    %swap3A = arith.constant 992 : index
    %swap3A_330 = tpu.vector_load %arg10[%swap3A] {strides = array<i32>} : memref<100000xf32, #tpu.memory_space<vmem>>, vector<16xf32>,
    tpu.vector_store %arg10[%swap3A], %broadcast_in_dim3A_295 {strides = array<i32>} : memref<100000xf32, #tpu.memory_space<vmem>>, vector<16xf32>,
    %swap3A_331 = arith.constant 2000 : index
    %swap3A_332 = tpu.vector_load %arg10[%swap3A_331] {strides = array<i32>} : memref<100000xf32, #tpu.memory_space<vmem>>, vector<16xf32>,
    tpu.vector_store %arg10[%swap3A_331], %broadcast_in_dim3A_295 {strides = array<i32>} : memref<100000xf32, #tpu.memory_space<vmem>>, vector<16xf32>,
    %swap3A_333 = arith.constant 3008 : index
    %swap3A_334 = tpu.vector_load %arg10[%swap3A_333] {strides = array<i32>} : memref<100000xf32, #tpu.memory_space<vmem>>, vector<16xf32>,
    tpu.vector_store %arg10[%swap3A_333], %broadcast_in_dim3A_295 {strides = array<i32>} : memref<100000xf32, #tpu.memory_space<vmem>>, vector<16xf32>,
    %swap3A_335 = arith.constant 4016 : index
    %swap3A_336 = tpu.vector_load %arg10[%swap3A_335] {strides = array<i32>} : memref<100000xf32, #tpu.memory_space<vmem>>, vector<16xf32>,
    tpu.vector_store %arg10[%swap3A_335], %broadcast_in_dim3A_295 {strides = array<i32>} : memref<100000xf32, #tpu.memory_space<vmem>>, vector<16xf32>,
    %swap3A_337 = arith.constant 5024 : index
    %swap3A_338 = tpu.vector_load %arg10[%swap3A_337] {strides = array<i32>} : memref<100000xf32, #tpu.memory_space<vmem>>, vector<16xf32>,
    tpu.vector_store %arg10[%swap3A_337], %broadcast_in_dim3A_295 {strides = array<i32>} : memref<100000xf32, #tpu.memory_space<vmem>>, vector<16xf32>,
    %swap3A_339 = arith.constant 6032 : index
    %swap3A_340 = tpu.vector_load %arg10[%swap3A_339] {strides = array<i32>} : memref<100000xf32, #tpu.memory_space<vmem>>, vector<16xf32>,
    tpu.vector_store %arg10[%swap3A_339], %broadcast_in_dim3A_295 {strides = array<i32>} : memref<100000xf32, #tpu.memory_space<vmem>>, vector<16xf32>,
    %swap3A_341 = arith.constant 7040 : index
    %swap3A_342 = tpu.vector_load %arg10[%swap3A_341] {strides = array<i32>} : memref<100000xf32, #tpu.memory_space<vmem>>, vector<16xf32>,
    tpu.vector_store %arg10[%swap3A_341], %broadcast_in_dim3A_295 {strides = array<i32>} : memref<100000xf32, #tpu.memory_space<vmem>>, vector<16xf32>,
    %swap3A_343 = arith.constant 8048 : index
    %swap3A_344 = tpu.vector_load %arg10[%swap3A_343] {strides = array<i32>} : memref<100000xf32, #tpu.memory_space<vmem>>, vector<16xf32>,
    tpu.vector_store %arg10[%swap3A_343], %broadcast_in_dim3A_295 {strides = array<i32>} : memref<100000xf32, #tpu.memory_space<vmem>>, vector<16xf32>,
    %swap3A_345 = arith.constant 9056 : index
    %swap3A_346 = tpu.vector_load %arg10[%swap3A_345] {strides = array<i32>} : memref<100000xf32, #tpu.memory_space<vmem>>, vector<16xf32>,
    tpu.vector_store %arg10[%swap3A_345], %broadcast_in_dim3A_295 {strides = array<i32>} : memref<100000xf32, #tpu.memory_space<vmem>>, vector<16xf32>,
    %swap3A_347 = arith.constant 10064 : index
    %swap3A_348 = tpu.vector_load %arg10[%swap3A_347] {strides = array<i32>} : memref<100000xf32, #tpu.memory_space<vmem>>, vector<16xf32>,
    tpu.vector_store %arg10[%swap3A_347], %broadcast_in_dim3A_295 {strides = array<i32>} : memref<100000xf32, #tpu.memory_space<vmem>>, vector<16xf32>,
    %swap3A_349 = arith.constant 10080 : index
    %swap3A_350 = tpu.vector_load %arg10[%swap3A_349] {strides = array<i32>} : memref<100000xf32, #tpu.memory_space<vmem>>, vector<16xf32>,
    tpu.vector_store %arg10[%swap3A_349], %broadcast_in_dim3A_295 {strides = array<i32>} : memref<100000xf32, #tpu.memory_space<vmem>>, vector<16xf32>,
    %add3A_351 = arith.constant 0 : i32
    %add3A_352 = arith.addi %mul3A_329, %add3A_351 : i32
    %mul3A_353 = arith.constant 16 : i32
    %mul3A_354 = arith.muli %arg0, %mul3A_353 : i32
    %mul3A_355 = arith.constant 4 : i32
    %mul3A_356 = arith.muli %select_n3A, %mul3A_355 : i32
    %add3A_357 = arith.addi %mul3A_354, %mul3A_356 : i32
    %add3A_358 = arith.constant 0 : i32
    %add3A_359 = arith.addi %add3A_357, %add3A_358 : i32
    %mul3A_360 = arith.constant 100000 : i32
    %mul3A_361 = arith.muli %add3A_359, %mul3A_360 : i32
    %add3A_362 = arith.addi %mul3A_361, %add3A_352 : i32
    %dma_start3A_363 = arith.constant 0 : i32
    %dma_start3A_364 = tpu.memref_slice %arg10[%dma_start3A_363] : memref<100000xf32, #tpu.memory_space<vmem>> -> memref<1000xf32, #tpu.memory_space<vmem>>
    %dma_start3A_365 = tpu.memref_slice %arg9[%add3A_362] : memref<3200000xf32, #tpu.memory_space<hbm>> -> memref<1000xf32, #tpu.memory_space<hbm>>
    %dma_start3A_366 = arith.constant 0 : i32
    %dma_start3A_367 = tpu.memref_slice %arg10[%dma_start3A_366] : memref<100000xf32, #tpu.memory_space<vmem>> -> memref<1000xf32, #tpu.memory_space<vmem>>
    %dma_start3A_368 = tpu.memref_slice %arg9[%add3A_362] : memref<3200000xf32, #tpu.memory_space<hbm>> -> memref<1000xf32, #tpu.memory_space<hbm>>
    tpu.enqueue_dma source(%dma_start3A_368 : memref<1000xf32, #tpu.memory_space<hbm>>) target(%dma_start3A_367 : memref<1000xf32, #tpu.memory_space<vmem>>) target_semaphore(%arg19 : memref<!tpu.dma_semaphore, #tpu.memory_space<semaphore_mem>>)
    %mul3A_369 = arith.constant 16 : i32
    %mul3A_370 = arith.muli %arg0, %mul3A_369 : i32
    %mul3A_371 = arith.constant 4 : i32
    %mul3A_372 = arith.muli %select_n3A, %mul3A_371 : i32
    %add3A_373 = arith.addi %mul3A_370, %mul3A_372 : i32
    %add3A_374 = arith.constant 1 : i32
    %add3A_375 = arith.addi %add3A_373, %add3A_374 : i32
    %mul3A_376 = arith.constant 100000 : i32
    %mul3A_377 = arith.muli %add3A_375, %mul3A_376 : i32
    %add3A_378 = arith.addi %mul3A_377, %add3A_352 : i32
    %dma_start3A_379 = arith.constant 2016 : i32
    %dma_start3A_380 = tpu.memref_slice %arg10[%dma_start3A_379] : memref<100000xf32, #tpu.memory_space<vmem>> -> memref<1000xf32, #tpu.memory_space<vmem>>
    %dma_start3A_381 = tpu.memref_slice %arg9[%add3A_378] : memref<3200000xf32, #tpu.memory_space<hbm>> -> memref<1000xf32, #tpu.memory_space<hbm>>
    %dma_start3A_382 = arith.constant 2016 : i32
    %dma_start3A_383 = tpu.memref_slice %arg10[%dma_start3A_382] : memref<100000xf32, #tpu.memory_space<vmem>> -> memref<1000xf32, #tpu.memory_space<vmem>>
    %dma_start3A_384 = tpu.memref_slice %arg9[%add3A_378] : memref<3200000xf32, #tpu.memory_space<hbm>> -> memref<1000xf32, #tpu.memory_space<hbm>>
    tpu.enqueue_dma source(%dma_start3A_384 : memref<1000xf32, #tpu.memory_space<hbm>>) target(%dma_start3A_383 : memref<1000xf32, #tpu.memory_space<vmem>>) target_semaphore(%arg19 : memref<!tpu.dma_semaphore, #tpu.memory_space<semaphore_mem>>)
    %mul3A_385 = arith.constant 16 : i32
    %mul3A_386 = arith.muli %arg0, %mul3A_385 : i32
    %mul3A_387 = arith.constant 4 : i32
    %mul3A_388 = arith.muli %select_n3A, %mul3A_387 : i32
    %add3A_389 = arith.addi %mul3A_386, %mul3A_388 : i32
    %add3A_390 = arith.constant 2 : i32
    %add3A_391 = arith.addi %add3A_389, %add3A_390 : i32
    %mul3A_392 = arith.constant 100000 : i32
    %mul3A_393 = arith.muli %add3A_391, %mul3A_392 : i32
    %add3A_394 = arith.addi %mul3A_393, %add3A_352 : i32
    %dma_start3A_395 = arith.constant 4032 : i32
    %dma_start3A_396 = tpu.memref_slice %arg10[%dma_start3A_395] : memref<100000xf32, #tpu.memory_space<vmem>> -> memref<1000xf32, #tpu.memory_space<vmem>>
    %dma_start3A_397 = tpu.memref_slice %arg9[%add3A_394] : memref<3200000xf32, #tpu.memory_space<hbm>> -> memref<1000xf32, #tpu.memory_space<hbm>>
    %dma_start3A_398 = arith.constant 4032 : i32
    %dma_start3A_399 = tpu.memref_slice %arg10[%dma_start3A_398] : memref<100000xf32, #tpu.memory_space<vmem>> -> memref<1000xf32, #tpu.memory_space<vmem>>
    %dma_start3A_400 = tpu.memref_slice %arg9[%add3A_394] : memref<3200000xf32, #tpu.memory_space<hbm>> -> memref<1000xf32, #tpu.memory_space<hbm>>
    tpu.enqueue_dma source(%dma_start3A_400 : memref<1000xf32, #tpu.memory_space<hbm>>) target(%dma_start3A_399 : memref<1000xf32, #tpu.memory_space<vmem>>) target_semaphore(%arg19 : memref<!tpu.dma_semaphore, #tpu.memory_space<semaphore_mem>>)
    %mul3A_401 = arith.constant 16 : i32
    %mul3A_402 = arith.muli %arg0, %mul3A_401 : i32
    %mul3A_403 = arith.constant 4 : i32
    %mul3A_404 = arith.muli %select_n3A, %mul3A_403 : i32
    %add3A_405 = arith.addi %mul3A_402, %mul3A_404 : i32
    %add3A_406 = arith.constant 3 : i32
    %add3A_407 = arith.addi %add3A_405, %add3A_406 : i32
    %mul3A_408 = arith.constant 100000 : i32
    %mul3A_409 = arith.muli %add3A_407, %mul3A_408 : i32
    %add3A_410 = arith.addi %mul3A_409, %add3A_352 : i32
    %dma_start3A_411 = arith.constant 6048 : i32
    %dma_start3A_412 = tpu.memref_slice %arg10[%dma_start3A_411] : memref<100000xf32, #tpu.memory_space<vmem>> -> memref<1000xf32, #tpu.memory_space<vmem>>
    %dma_start3A_413 = tpu.memref_slice %arg9[%add3A_410] : memref<3200000xf32, #tpu.memory_space<hbm>> -> memref<1000xf32, #tpu.memory_space<hbm>>
    %dma_start3A_414 = arith.constant 6048 : i32
    %dma_start3A_415 = tpu.memref_slice %arg10[%dma_start3A_414] : memref<100000xf32, #tpu.memory_space<vmem>> -> memref<1000xf32, #tpu.memory_space<vmem>>
    %dma_start3A_416 = tpu.memref_slice %arg9[%add3A_410] : memref<3200000xf32, #tpu.memory_space<hbm>> -> memref<1000xf32, #tpu.memory_space<hbm>>
    tpu.enqueue_dma source(%dma_start3A_416 : memref<1000xf32, #tpu.memory_space<hbm>>) target(%dma_start3A_415 : memref<1000xf32, #tpu.memory_space<vmem>>) target_semaphore(%arg19 : memref<!tpu.dma_semaphore, #tpu.memory_space<semaphore_mem>>)
    %mul3A_417 = arith.constant 100000 : i32
    %mul3A_418 = arith.muli %add3A, %mul3A_417 : i32
    %add3A_419 = arith.addi %mul3A_418, %add3A_352 : i32
    %dma_start3A_420 = arith.constant 8064 : i32
    %dma_start3A_421 = tpu.memref_slice %arg10[%dma_start3A_420] : memref<100000xf32, #tpu.memory_space<vmem>> -> memref<1000xf32, #tpu.memory_space<vmem>>
    %dma_start3A_422 = tpu.memref_slice %arg5[%add3A_419] : memref<800000xf32, #tpu.memory_space<hbm>> -> memref<1000xf32, #tpu.memory_space<hbm>>
    %dma_start3A_423 = arith.constant 8064 : i32
    %dma_start3A_424 = tpu.memref_slice %arg10[%dma_start3A_423] : memref<100000xf32, #tpu.memory_space<vmem>> -> memref<1000xf32, #tpu.memory_space<vmem>>
    %dma_start3A_425 = tpu.memref_slice %arg5[%add3A_419] : memref<800000xf32, #tpu.memory_space<hbm>> -> memref<1000xf32, #tpu.memory_space<hbm>>
    tpu.enqueue_dma source(%dma_start3A_425 : memref<1000xf32, #tpu.memory_space<hbm>>) target(%dma_start3A_424 : memref<1000xf32, #tpu.memory_space<vmem>>) target_semaphore(%arg19 : memref<!tpu.dma_semaphore, #tpu.memory_space<semaphore_mem>>)
    %scan3A_426 = arith.constant 0 : i32
    %scan3A_427 = arith.constant 0 : i32
    %scan3A_428 = arith.constant 13 : i32
    %scan3A_429 = arith.addi %scan3A_427, %scan3A_428 : i32
    %scan3A_430 = arith.constant 1 : i32
    scf.for %scan3A_443 = %scan3A_427 to %scan3A_429 step %scan3A_430  : i32 {
      %mul3A_444 = arith.constant 2 : i32
      %mul3A_445 = arith.muli %mul3A_444, %scan3A_443 : i32
      %add3A_446 = arith.constant 0 : i32
      %add3A_447 = arith.addi %mul3A_445, %add3A_446 : i32
      %lt3A_448 = arith.constant 25 : i32
      %lt3A_449 = arith.cmpi slt, %add3A_447, %lt3A_448 : i32
      %convert_element_type3A_450 = arith.extui %lt3A_449 : i1 to i32
      %cond3A_451 = arith.constant 0 : i32
      %cond3A_452 = arith.cmpi ne, %convert_element_type3A_450, %cond3A_451 : i32
      scf.if %cond3A_452 {
        %add3A_462 = arith.constant 1 : i32
        %add3A_463 = arith.addi %add3A_447, %add3A_462 : i32
        %lt3A_464 = arith.constant 25 : i32
        %lt3A_465 = arith.cmpi slt, %add3A_463, %lt3A_464 : i32
        %convert_element_type3A_466 = arith.extui %lt3A_465 : i1 to i32
        %cond3A_467 = arith.constant 0 : i32
        %cond3A_468 = arith.cmpi ne, %convert_element_type3A_466, %cond3A_467 : i32
        scf.if %cond3A_468 {
          %add3A_518 = arith.constant 1 : i32
          %add3A_519 = arith.addi %add3A_447, %add3A_518 : i32
          %mul3A_520 = arith.constant 1000 : i32
          %mul3A_521 = arith.muli %add3A_519, %mul3A_520 : i32
          %add3A_522 = arith.addi %mul3A_329, %mul3A_521 : i32
          %mul3A_523 = arith.constant 16 : i32
          %mul3A_524 = arith.muli %arg0, %mul3A_523 : i32
          %mul3A_525 = arith.constant 4 : i32
          %mul3A_526 = arith.muli %select_n3A, %mul3A_525 : i32
          %add3A_527 = arith.addi %mul3A_524, %mul3A_526 : i32
          %add3A_528 = arith.constant 0 : i32
          %add3A_529 = arith.addi %add3A_527, %add3A_528 : i32
          %mul3A_530 = arith.constant 100000 : i32
          %mul3A_531 = arith.muli %add3A_529, %mul3A_530 : i32
          %add3A_532 = arith.addi %mul3A_531, %add3A_522 : i32
          %dma_start3A_533 = arith.constant 1008 : i32
          %dma_start3A_534 = tpu.memref_slice %arg10[%dma_start3A_533] : memref<100000xf32, #tpu.memory_space<vmem>> -> memref<1000xf32, #tpu.memory_space<vmem>>
          %dma_start3A_535 = tpu.memref_slice %arg9[%add3A_532] : memref<3200000xf32, #tpu.memory_space<hbm>> -> memref<1000xf32, #tpu.memory_space<hbm>>
          %dma_start3A_536 = arith.constant 1008 : i32
          %dma_start3A_537 = tpu.memref_slice %arg10[%dma_start3A_536] : memref<100000xf32, #tpu.memory_space<vmem>> -> memref<1000xf32, #tpu.memory_space<vmem>>
          %dma_start3A_538 = tpu.memref_slice %arg9[%add3A_532] : memref<3200000xf32, #tpu.memory_space<hbm>> -> memref<1000xf32, #tpu.memory_space<hbm>>
          tpu.enqueue_dma source(%dma_start3A_538 : memref<1000xf32, #tpu.memory_space<hbm>>) target(%dma_start3A_537 : memref<1000xf32, #tpu.memory_space<vmem>>) target_semaphore(%arg20 : memref<!tpu.dma_semaphore, #tpu.memory_space<semaphore_mem>>)
          %mul3A_539 = arith.constant 16 : i32
          %mul3A_540 = arith.muli %arg0, %mul3A_539 : i32
          %mul3A_541 = arith.constant 4 : i32
          %mul3A_542 = arith.muli %select_n3A, %mul3A_541 : i32
          %add3A_543 = arith.addi %mul3A_540, %mul3A_542 : i32
          %add3A_544 = arith.constant 1 : i32
          %add3A_545 = arith.addi %add3A_543, %add3A_544 : i32
          %mul3A_546 = arith.constant 100000 : i32
          %mul3A_547 = arith.muli %add3A_545, %mul3A_546 : i32
          %add3A_548 = arith.addi %mul3A_547, %add3A_522 : i32
          %dma_start3A_549 = arith.constant 3024 : i32
          %dma_start3A_550 = tpu.memref_slice %arg10[%dma_start3A_549] : memref<100000xf32, #tpu.memory_space<vmem>> -> memref<1000xf32, #tpu.memory_space<vmem>>
          %dma_start3A_551 = tpu.memref_slice %arg9[%add3A_548] : memref<3200000xf32, #tpu.memory_space<hbm>> -> memref<1000xf32, #tpu.memory_space<hbm>>
          %dma_start3A_552 = arith.constant 3024 : i32
          %dma_start3A_553 = tpu.memref_slice %arg10[%dma_start3A_552] : memref<100000xf32, #tpu.memory_space<vmem>> -> memref<1000xf32, #tpu.memory_space<vmem>>
          %dma_start3A_554 = tpu.memref_slice %arg9[%add3A_548] : memref<3200000xf32, #tpu.memory_space<hbm>> -> memref<1000xf32, #tpu.memory_space<hbm>>
          tpu.enqueue_dma source(%dma_start3A_554 : memref<1000xf32, #tpu.memory_space<hbm>>) target(%dma_start3A_553 : memref<1000xf32, #tpu.memory_space<vmem>>) target_semaphore(%arg20 : memref<!tpu.dma_semaphore, #tpu.memory_space<semaphore_mem>>)
          %mul3A_555 = arith.constant 16 : i32
          %mul3A_556 = arith.muli %arg0, %mul3A_555 : i32
          %mul3A_557 = arith.constant 4 : i32
          %mul3A_558 = arith.muli %select_n3A, %mul3A_557 : i32
          %add3A_559 = arith.addi %mul3A_556, %mul3A_558 : i32
          %add3A_560 = arith.constant 2 : i32
          %add3A_561 = arith.addi %add3A_559, %add3A_560 : i32
          %mul3A_562 = arith.constant 100000 : i32
          %mul3A_563 = arith.muli %add3A_561, %mul3A_562 : i32
          %add3A_564 = arith.addi %mul3A_563, %add3A_522 : i32
          %dma_start3A_565 = arith.constant 5040 : i32
          %dma_start3A_566 = tpu.memref_slice %arg10[%dma_start3A_565] : memref<100000xf32, #tpu.memory_space<vmem>> -> memref<1000xf32, #tpu.memory_space<vmem>>
          %dma_start3A_567 = tpu.memref_slice %arg9[%add3A_564] : memref<3200000xf32, #tpu.memory_space<hbm>> -> memref<1000xf32, #tpu.memory_space<hbm>>
          %dma_start3A_568 = arith.constant 5040 : i32
          %dma_start3A_569 = tpu.memref_slice %arg10[%dma_start3A_568] : memref<100000xf32, #tpu.memory_space<vmem>> -> memref<1000xf32, #tpu.memory_space<vmem>>
          %dma_start3A_570 = tpu.memref_slice %arg9[%add3A_564] : memref<3200000xf32, #tpu.memory_space<hbm>> -> memref<1000xf32, #tpu.memory_space<hbm>>
          tpu.enqueue_dma source(%dma_start3A_570 : memref<1000xf32, #tpu.memory_space<hbm>>) target(%dma_start3A_569 : memref<1000xf32, #tpu.memory_space<vmem>>) target_semaphore(%arg20 : memref<!tpu.dma_semaphore, #tpu.memory_space<semaphore_mem>>)
          %mul3A_571 = arith.constant 16 : i32
          %mul3A_572 = arith.muli %arg0, %mul3A_571 : i32
          %mul3A_573 = arith.constant 4 : i32
          %mul3A_574 = arith.muli %select_n3A, %mul3A_573 : i32
          %add3A_575 = arith.addi %mul3A_572, %mul3A_574 : i32
          %add3A_576 = arith.constant 3 : i32
          %add3A_577 = arith.addi %add3A_575, %add3A_576 : i32
          %mul3A_578 = arith.constant 100000 : i32
          %mul3A_579 = arith.muli %add3A_577, %mul3A_578 : i32
          %add3A_580 = arith.addi %mul3A_579, %add3A_522 : i32
          %dma_start3A_581 = arith.constant 7056 : i32
          %dma_start3A_582 = tpu.memref_slice %arg10[%dma_start3A_581] : memref<100000xf32, #tpu.memory_space<vmem>> -> memref<1000xf32, #tpu.memory_space<vmem>>
          %dma_start3A_583 = tpu.memref_slice %arg9[%add3A_580] : memref<3200000xf32, #tpu.memory_space<hbm>> -> memref<1000xf32, #tpu.memory_space<hbm>>
          %dma_start3A_584 = arith.constant 7056 : i32
          %dma_start3A_585 = tpu.memref_slice %arg10[%dma_start3A_584] : memref<100000xf32, #tpu.memory_space<vmem>> -> memref<1000xf32, #tpu.memory_space<vmem>>
          %dma_start3A_586 = tpu.memref_slice %arg9[%add3A_580] : memref<3200000xf32, #tpu.memory_space<hbm>> -> memref<1000xf32, #tpu.memory_space<hbm>>
          tpu.enqueue_dma source(%dma_start3A_586 : memref<1000xf32, #tpu.memory_space<hbm>>) target(%dma_start3A_585 : memref<1000xf32, #tpu.memory_space<vmem>>) target_semaphore(%arg20 : memref<!tpu.dma_semaphore, #tpu.memory_space<semaphore_mem>>)
          %mul3A_587 = arith.constant 100000 : i32
          %mul3A_588 = arith.muli %add3A, %mul3A_587 : i32
          %add3A_589 = arith.addi %mul3A_588, %add3A_522 : i32
          %dma_start3A_590 = arith.constant 9072 : i32
          %dma_start3A_591 = tpu.memref_slice %arg10[%dma_start3A_590] : memref<100000xf32, #tpu.memory_space<vmem>> -> memref<1000xf32, #tpu.memory_space<vmem>>
          %dma_start3A_592 = tpu.memref_slice %arg5[%add3A_589] : memref<800000xf32, #tpu.memory_space<hbm>> -> memref<1000xf32, #tpu.memory_space<hbm>>
          %dma_start3A_593 = arith.constant 9072 : i32
          %dma_start3A_594 = tpu.memref_slice %arg10[%dma_start3A_593] : memref<100000xf32, #tpu.memory_space<vmem>> -> memref<1000xf32, #tpu.memory_space<vmem>>
          %dma_start3A_595 = tpu.memref_slice %arg5[%add3A_589] : memref<800000xf32, #tpu.memory_space<hbm>> -> memref<1000xf32, #tpu.memory_space<hbm>>
          tpu.enqueue_dma source(%dma_start3A_595 : memref<1000xf32, #tpu.memory_space<hbm>>) target(%dma_start3A_594 : memref<1000xf32, #tpu.memory_space<vmem>>) target_semaphore(%arg20 : memref<!tpu.dma_semaphore, #tpu.memory_space<semaphore_mem>>)
        } else {
        }
        %dma_wait3A_469 = arith.constant 0 : i32
        %dma_wait3A_470 = tpu.memref_slice %arg10[%dma_wait3A_469] : memref<100000xf32, #tpu.memory_space<vmem>> -> memref<1000xf32, #tpu.memory_space<vmem>>
        %dma_wait3A_471 = arith.constant 0 : i32
        %dma_wait3A_472 = tpu.memref_slice %arg5[%dma_wait3A_471] : memref<800000xf32, #tpu.memory_space<hbm>> -> memref<1000xf32, #tpu.memory_space<hbm>>
        %dma_wait3A_473 = arith.constant 0 : i32
        %dma_wait3A_474 = tpu.memref_slice %arg10[%dma_wait3A_473] : memref<100000xf32, #tpu.memory_space<vmem>> -> memref<1000xf32, #tpu.memory_space<vmem>>
        %dma_wait3A_475 = arith.constant 0 : i32
        %dma_wait3A_476 = tpu.memref_slice %arg5[%dma_wait3A_475] : memref<800000xf32, #tpu.memory_space<hbm>> -> memref<1000xf32, #tpu.memory_space<hbm>>
        tpu.wait_dma2 semaphore(%arg19 : memref<!tpu.dma_semaphore, #tpu.memory_space<semaphore_mem>>) src(%dma_wait3A_476 : memref<1000xf32, #tpu.memory_space<hbm>>) dst(%dma_wait3A_474 : memref<1000xf32, #tpu.memory_space<vmem>>)
        %dma_wait3A_477 = arith.constant 2016 : i32
        %dma_wait3A_478 = tpu.memref_slice %arg10[%dma_wait3A_477] : memref<100000xf32, #tpu.memory_space<vmem>> -> memref<1000xf32, #tpu.memory_space<vmem>>
        %dma_wait3A_479 = arith.constant 0 : i32
        %dma_wait3A_480 = tpu.memref_slice %arg5[%dma_wait3A_479] : memref<800000xf32, #tpu.memory_space<hbm>> -> memref<1000xf32, #tpu.memory_space<hbm>>
        %dma_wait3A_481 = arith.constant 2016 : i32
        %dma_wait3A_482 = tpu.memref_slice %arg10[%dma_wait3A_481] : memref<100000xf32, #tpu.memory_space<vmem>> -> memref<1000xf32, #tpu.memory_space<vmem>>
        %dma_wait3A_483 = arith.constant 0 : i32
        %dma_wait3A_484 = tpu.memref_slice %arg5[%dma_wait3A_483] : memref<800000xf32, #tpu.memory_space<hbm>> -> memref<1000xf32, #tpu.memory_space<hbm>>
        tpu.wait_dma2 semaphore(%arg19 : memref<!tpu.dma_semaphore, #tpu.memory_space<semaphore_mem>>) src(%dma_wait3A_484 : memref<1000xf32, #tpu.memory_space<hbm>>) dst(%dma_wait3A_482 : memref<1000xf32, #tpu.memory_space<vmem>>)
        %dma_wait3A_485 = arith.constant 4032 : i32
        %dma_wait3A_486 = tpu.memref_slice %arg10[%dma_wait3A_485] : memref<100000xf32, #tpu.memory_space<vmem>> -> memref<1000xf32, #tpu.memory_space<vmem>>
        %dma_wait3A_487 = arith.constant 0 : i32
        %dma_wait3A_488 = tpu.memref_slice %arg5[%dma_wait3A_487] : memref<800000xf32, #tpu.memory_space<hbm>> -> memref<1000xf32, #tpu.memory_space<hbm>>
        %dma_wait3A_489 = arith.constant 4032 : i32
        %dma_wait3A_490 = tpu.memref_slice %arg10[%dma_wait3A_489] : memref<100000xf32, #tpu.memory_space<vmem>> -> memref<1000xf32, #tpu.memory_space<vmem>>
        %dma_wait3A_491 = arith.constant 0 : i32
        %dma_wait3A_492 = tpu.memref_slice %arg5[%dma_wait3A_491] : memref<800000xf32, #tpu.memory_space<hbm>> -> memref<1000xf32, #tpu.memory_space<hbm>>
        tpu.wait_dma2 semaphore(%arg19 : memref<!tpu.dma_semaphore, #tpu.memory_space<semaphore_mem>>) src(%dma_wait3A_492 : memref<1000xf32, #tpu.memory_space<hbm>>) dst(%dma_wait3A_490 : memref<1000xf32, #tpu.memory_space<vmem>>)
        %dma_wait3A_493 = arith.constant 6048 : i32
        %dma_wait3A_494 = tpu.memref_slice %arg10[%dma_wait3A_493] : memref<100000xf32, #tpu.memory_space<vmem>> -> memref<1000xf32, #tpu.memory_space<vmem>>
        %dma_wait3A_495 = arith.constant 0 : i32
        %dma_wait3A_496 = tpu.memref_slice %arg5[%dma_wait3A_495] : memref<800000xf32, #tpu.memory_space<hbm>> -> memref<1000xf32, #tpu.memory_space<hbm>>
        %dma_wait3A_497 = arith.constant 6048 : i32
        %dma_wait3A_498 = tpu.memref_slice %arg10[%dma_wait3A_497] : memref<100000xf32, #tpu.memory_space<vmem>> -> memref<1000xf32, #tpu.memory_space<vmem>>
        %dma_wait3A_499 = arith.constant 0 : i32
        %dma_wait3A_500 = tpu.memref_slice %arg5[%dma_wait3A_499] : memref<800000xf32, #tpu.memory_space<hbm>> -> memref<1000xf32, #tpu.memory_space<hbm>>
        tpu.wait_dma2 semaphore(%arg19 : memref<!tpu.dma_semaphore, #tpu.memory_space<semaphore_mem>>) src(%dma_wait3A_500 : memref<1000xf32, #tpu.memory_space<hbm>>) dst(%dma_wait3A_498 : memref<1000xf32, #tpu.memory_space<vmem>>)
        %dma_wait3A_501 = arith.constant 8064 : i32
        %dma_wait3A_502 = tpu.memref_slice %arg10[%dma_wait3A_501] : memref<100000xf32, #tpu.memory_space<vmem>> -> memref<1000xf32, #tpu.memory_space<vmem>>
        %dma_wait3A_503 = arith.constant 0 : i32
        %dma_wait3A_504 = tpu.memref_slice %arg5[%dma_wait3A_503] : memref<800000xf32, #tpu.memory_space<hbm>> -> memref<1000xf32, #tpu.memory_space<hbm>>
        %dma_wait3A_505 = arith.constant 8064 : i32
        %dma_wait3A_506 = tpu.memref_slice %arg10[%dma_wait3A_505] : memref<100000xf32, #tpu.memory_space<vmem>> -> memref<1000xf32, #tpu.memory_space<vmem>>
        %dma_wait3A_507 = arith.constant 0 : i32
        %dma_wait3A_508 = tpu.memref_slice %arg5[%dma_wait3A_507] : memref<800000xf32, #tpu.memory_space<hbm>> -> memref<1000xf32, #tpu.memory_space<hbm>>
        tpu.wait_dma2 semaphore(%arg19 : memref<!tpu.dma_semaphore, #tpu.memory_space<semaphore_mem>>) src(%dma_wait3A_508 : memref<1000xf32, #tpu.memory_space<hbm>>) dst(%dma_wait3A_506 : memref<1000xf32, #tpu.memory_space<vmem>>)
        %get3A = arith.constant 10080 : index
        %get3A_509 = tpu.vector_load %arg10[%get3A] {strides = array<i32>} : memref<100000xf32, #tpu.memory_space<vmem>>, vector<16xf32>,
        %scan3A_510 = arith.constant 0 : i32
        %scan3A_511 = arith.constant 63 : i32
        %scan3A_512 = arith.addi %scan3A_510, %scan3A_511 : i32
        %scan3A_513 = arith.constant 1 : i32
        %scan3A_514 = scf.for %scan3A_518 = %scan3A_510 to %scan3A_512 step %scan3A_513 iter_args(%scan3A_519 = %get3A_509) -> (vector<16xf32>)  : i32 {
          %mul3A_520 = arith.constant 16 : i32
          %mul3A_521 = arith.muli %scan3A_518, %mul3A_520 : i32
          %add3A_522 = arith.constant 0 : i32
          %add3A_523 = arith.addi %add3A_522, %mul3A_521 : i32
          %get3A_524 = arith.index_cast %add3A_523 : i32 to index
          %get3A_525 = tpu.vector_load %arg10[%get3A_524] {strides = array<i32>} : memref<100000xf32, #tpu.memory_space<vmem>>, vector<16xf32>,
          %add3A_526 = arith.constant 2016 : i32
          %add3A_527 = arith.addi %add3A_526, %mul3A_521 : i32
          %get3A_528 = arith.index_cast %add3A_527 : i32 to index
          %get3A_529 = tpu.vector_load %arg10[%get3A_528] {strides = array<i32>} : memref<100000xf32, #tpu.memory_space<vmem>>, vector<16xf32>,
          %add3A_530 = arith.addf %get3A_525, %get3A_529 : vector<16xf32>
          %add3A_531 = arith.constant 4032 : i32
          %add3A_532 = arith.addi %add3A_531, %mul3A_521 : i32
          %get3A_533 = arith.index_cast %add3A_532 : i32 to index
          %get3A_534 = tpu.vector_load %arg10[%get3A_533] {strides = array<i32>} : memref<100000xf32, #tpu.memory_space<vmem>>, vector<16xf32>,
          %add3A_535 = arith.constant 6048 : i32
          %add3A_536 = arith.addi %add3A_535, %mul3A_521 : i32
          %get3A_537 = arith.index_cast %add3A_536 : i32 to index
          %get3A_538 = tpu.vector_load %arg10[%get3A_537] {strides = array<i32>} : memref<100000xf32, #tpu.memory_space<vmem>>, vector<16xf32>,
          %add3A_539 = arith.addf %get3A_534, %get3A_538 : vector<16xf32>
          %add3A_540 = arith.addf %add3A_530, %add3A_539 : vector<16xf32>
          %add3A_541 = arith.constant 8064 : i32
          %add3A_542 = arith.addi %add3A_541, %mul3A_521 : i32
          %get3A_543 = arith.index_cast %add3A_542 : i32 to index
          %get3A_544 = tpu.vector_load %arg10[%get3A_543] {strides = array<i32>} : memref<100000xf32, #tpu.memory_space<vmem>>, vector<16xf32>,
          %sub3A_545 = arith.subf %add3A_540, %get3A_544 : vector<16xf32>
          %mul3A_546 = arith.mulf %sub3A_545, %sub3A_545 : vector<16xf32>
          %add3A_547 = arith.addf %scan3A_519, %mul3A_546 : vector<16xf32>
          scf.yield %add3A_547 : vector<16xf32>
        }
        %scan3A_515 = arith.constant 63 : i32
        %swap3A_516 = arith.constant 10080 : index
        %swap3A_517 = tpu.vector_load %arg10[%swap3A_516] {strides = array<i32>} : memref<100000xf32, #tpu.memory_space<vmem>>, vector<16xf32>,
        tpu.vector_store %arg10[%swap3A_516], %scan3A_514 {strides = array<i32>} : memref<100000xf32, #tpu.memory_space<vmem>>, vector<16xf32>,
      } else {
      }
      %mul3A_453 = arith.constant 2 : i32
      %mul3A_454 = arith.muli %mul3A_453, %scan3A_443 : i32
      %add3A_455 = arith.constant 1 : i32
      %add3A_456 = arith.addi %mul3A_454, %add3A_455 : i32
      %lt3A_457 = arith.constant 25 : i32
      %lt3A_458 = arith.cmpi slt, %add3A_456, %lt3A_457 : i32
      %convert_element_type3A_459 = arith.extui %lt3A_458 : i1 to i32
      %cond3A_460 = arith.constant 0 : i32
      %cond3A_461 = arith.cmpi ne, %convert_element_type3A_459, %cond3A_460 : i32
      scf.if %cond3A_461 {
        %add3A_462 = arith.constant 1 : i32
        %add3A_463 = arith.addi %add3A_456, %add3A_462 : i32
        %lt3A_464 = arith.constant 25 : i32
        %lt3A_465 = arith.cmpi slt, %add3A_463, %lt3A_464 : i32
        %convert_element_type3A_466 = arith.extui %lt3A_465 : i1 to i32
        %cond3A_467 = arith.constant 0 : i32
        %cond3A_468 = arith.cmpi ne, %convert_element_type3A_466, %cond3A_467 : i32
        scf.if %cond3A_468 {
          %add3A_518 = arith.constant 1 : i32
          %add3A_519 = arith.addi %add3A_456, %add3A_518 : i32
          %mul3A_520 = arith.constant 1000 : i32
          %mul3A_521 = arith.muli %add3A_519, %mul3A_520 : i32
          %add3A_522 = arith.addi %mul3A_329, %mul3A_521 : i32
          %mul3A_523 = arith.constant 16 : i32
          %mul3A_524 = arith.muli %arg0, %mul3A_523 : i32
          %mul3A_525 = arith.constant 4 : i32
          %mul3A_526 = arith.muli %select_n3A, %mul3A_525 : i32
          %add3A_527 = arith.addi %mul3A_524, %mul3A_526 : i32
          %add3A_528 = arith.constant 0 : i32
          %add3A_529 = arith.addi %add3A_527, %add3A_528 : i32
          %mul3A_530 = arith.constant 100000 : i32
          %mul3A_531 = arith.muli %add3A_529, %mul3A_530 : i32
          %add3A_532 = arith.addi %mul3A_531, %add3A_522 : i32
          %dma_start3A_533 = arith.constant 0 : i32
          %dma_start3A_534 = tpu.memref_slice %arg10[%dma_start3A_533] : memref<100000xf32, #tpu.memory_space<vmem>> -> memref<1000xf32, #tpu.memory_space<vmem>>
          %dma_start3A_535 = tpu.memref_slice %arg9[%add3A_532] : memref<3200000xf32, #tpu.memory_space<hbm>> -> memref<1000xf32, #tpu.memory_space<hbm>>
          %dma_start3A_536 = arith.constant 0 : i32
          %dma_start3A_537 = tpu.memref_slice %arg10[%dma_start3A_536] : memref<100000xf32, #tpu.memory_space<vmem>> -> memref<1000xf32, #tpu.memory_space<vmem>>
          %dma_start3A_538 = tpu.memref_slice %arg9[%add3A_532] : memref<3200000xf32, #tpu.memory_space<hbm>> -> memref<1000xf32, #tpu.memory_space<hbm>>
          tpu.enqueue_dma source(%dma_start3A_538 : memref<1000xf32, #tpu.memory_space<hbm>>) target(%dma_start3A_537 : memref<1000xf32, #tpu.memory_space<vmem>>) target_semaphore(%arg19 : memref<!tpu.dma_semaphore, #tpu.memory_space<semaphore_mem>>)
          %mul3A_539 = arith.constant 16 : i32
          %mul3A_540 = arith.muli %arg0, %mul3A_539 : i32
          %mul3A_541 = arith.constant 4 : i32
          %mul3A_542 = arith.muli %select_n3A, %mul3A_541 : i32
          %add3A_543 = arith.addi %mul3A_540, %mul3A_542 : i32
          %add3A_544 = arith.constant 1 : i32
          %add3A_545 = arith.addi %add3A_543, %add3A_544 : i32
          %mul3A_546 = arith.constant 100000 : i32
          %mul3A_547 = arith.muli %add3A_545, %mul3A_546 : i32
          %add3A_548 = arith.addi %mul3A_547, %add3A_522 : i32
          %dma_start3A_549 = arith.constant 2016 : i32
          %dma_start3A_550 = tpu.memref_slice %arg10[%dma_start3A_549] : memref<100000xf32, #tpu.memory_space<vmem>> -> memref<1000xf32, #tpu.memory_space<vmem>>
          %dma_start3A_551 = tpu.memref_slice %arg9[%add3A_548] : memref<3200000xf32, #tpu.memory_space<hbm>> -> memref<1000xf32, #tpu.memory_space<hbm>>
          %dma_start3A_552 = arith.constant 2016 : i32
          %dma_start3A_553 = tpu.memref_slice %arg10[%dma_start3A_552] : memref<100000xf32, #tpu.memory_space<vmem>> -> memref<1000xf32, #tpu.memory_space<vmem>>
          %dma_start3A_554 = tpu.memref_slice %arg9[%add3A_548] : memref<3200000xf32, #tpu.memory_space<hbm>> -> memref<1000xf32, #tpu.memory_space<hbm>>
          tpu.enqueue_dma source(%dma_start3A_554 : memref<1000xf32, #tpu.memory_space<hbm>>) target(%dma_start3A_553 : memref<1000xf32, #tpu.memory_space<vmem>>) target_semaphore(%arg19 : memref<!tpu.dma_semaphore, #tpu.memory_space<semaphore_mem>>)
          %mul3A_555 = arith.constant 16 : i32
          %mul3A_556 = arith.muli %arg0, %mul3A_555 : i32
          %mul3A_557 = arith.constant 4 : i32
          %mul3A_558 = arith.muli %select_n3A, %mul3A_557 : i32
          %add3A_559 = arith.addi %mul3A_556, %mul3A_558 : i32
          %add3A_560 = arith.constant 2 : i32
          %add3A_561 = arith.addi %add3A_559, %add3A_560 : i32
          %mul3A_562 = arith.constant 100000 : i32
          %mul3A_563 = arith.muli %add3A_561, %mul3A_562 : i32
          %add3A_564 = arith.addi %mul3A_563, %add3A_522 : i32
          %dma_start3A_565 = arith.constant 4032 : i32
          %dma_start3A_566 = tpu.memref_slice %arg10[%dma_start3A_565] : memref<100000xf32, #tpu.memory_space<vmem>> -> memref<1000xf32, #tpu.memory_space<vmem>>
          %dma_start3A_567 = tpu.memref_slice %arg9[%add3A_564] : memref<3200000xf32, #tpu.memory_space<hbm>> -> memref<1000xf32, #tpu.memory_space<hbm>>
          %dma_start3A_568 = arith.constant 4032 : i32
          %dma_start3A_569 = tpu.memref_slice %arg10[%dma_start3A_568] : memref<100000xf32, #tpu.memory_space<vmem>> -> memref<1000xf32, #tpu.memory_space<vmem>>
          %dma_start3A_570 = tpu.memref_slice %arg9[%add3A_564] : memref<3200000xf32, #tpu.memory_space<hbm>> -> memref<1000xf32, #tpu.memory_space<hbm>>
          tpu.enqueue_dma source(%dma_start3A_570 : memref<1000xf32, #tpu.memory_space<hbm>>) target(%dma_start3A_569 : memref<1000xf32, #tpu.memory_space<vmem>>) target_semaphore(%arg19 : memref<!tpu.dma_semaphore, #tpu.memory_space<semaphore_mem>>)
          %mul3A_571 = arith.constant 16 : i32
          %mul3A_572 = arith.muli %arg0, %mul3A_571 : i32
          %mul3A_573 = arith.constant 4 : i32
          %mul3A_574 = arith.muli %select_n3A, %mul3A_573 : i32
          %add3A_575 = arith.addi %mul3A_572, %mul3A_574 : i32
          %add3A_576 = arith.constant 3 : i32
          %add3A_577 = arith.addi %add3A_575, %add3A_576 : i32
          %mul3A_578 = arith.constant 100000 : i32
          %mul3A_579 = arith.muli %add3A_577, %mul3A_578 : i32
          %add3A_580 = arith.addi %mul3A_579, %add3A_522 : i32
          %dma_start3A_581 = arith.constant 6048 : i32
          %dma_start3A_582 = tpu.memref_slice %arg10[%dma_start3A_581] : memref<100000xf32, #tpu.memory_space<vmem>> -> memref<1000xf32, #tpu.memory_space<vmem>>
          %dma_start3A_583 = tpu.memref_slice %arg9[%add3A_580] : memref<3200000xf32, #tpu.memory_space<hbm>> -> memref<1000xf32, #tpu.memory_space<hbm>>
          %dma_start3A_584 = arith.constant 6048 : i32
          %dma_start3A_585 = tpu.memref_slice %arg10[%dma_start3A_584] : memref<100000xf32, #tpu.memory_space<vmem>> -> memref<1000xf32, #tpu.memory_space<vmem>>
          %dma_start3A_586 = tpu.memref_slice %arg9[%add3A_580] : memref<3200000xf32, #tpu.memory_space<hbm>> -> memref<1000xf32, #tpu.memory_space<hbm>>
          tpu.enqueue_dma source(%dma_start3A_586 : memref<1000xf32, #tpu.memory_space<hbm>>) target(%dma_start3A_585 : memref<1000xf32, #tpu.memory_space<vmem>>) target_semaphore(%arg19 : memref<!tpu.dma_semaphore, #tpu.memory_space<semaphore_mem>>)
          %mul3A_587 = arith.constant 100000 : i32
          %mul3A_588 = arith.muli %add3A, %mul3A_587 : i32
          %add3A_589 = arith.addi %mul3A_588, %add3A_522 : i32
          %dma_start3A_590 = arith.constant 8064 : i32
          %dma_start3A_591 = tpu.memref_slice %arg10[%dma_start3A_590] : memref<100000xf32, #tpu.memory_space<vmem>> -> memref<1000xf32, #tpu.memory_space<vmem>>
          %dma_start3A_592 = tpu.memref_slice %arg5[%add3A_589] : memref<800000xf32, #tpu.memory_space<hbm>> -> memref<1000xf32, #tpu.memory_space<hbm>>
          %dma_start3A_593 = arith.constant 8064 : i32
          %dma_start3A_594 = tpu.memref_slice %arg10[%dma_start3A_593] : memref<100000xf32, #tpu.memory_space<vmem>> -> memref<1000xf32, #tpu.memory_space<vmem>>
          %dma_start3A_595 = tpu.memref_slice %arg5[%add3A_589] : memref<800000xf32, #tpu.memory_space<hbm>> -> memref<1000xf32, #tpu.memory_space<hbm>>
          tpu.enqueue_dma source(%dma_start3A_595 : memref<1000xf32, #tpu.memory_space<hbm>>) target(%dma_start3A_594 : memref<1000xf32, #tpu.memory_space<vmem>>) target_semaphore(%arg19 : memref<!tpu.dma_semaphore, #tpu.memory_space<semaphore_mem>>)
        } else {
        }
        %dma_wait3A_469 = arith.constant 1008 : i32
        %dma_wait3A_470 = tpu.memref_slice %arg10[%dma_wait3A_469] : memref<100000xf32, #tpu.memory_space<vmem>> -> memref<1000xf32, #tpu.memory_space<vmem>>
        %dma_wait3A_471 = arith.constant 0 : i32
        %dma_wait3A_472 = tpu.memref_slice %arg5[%dma_wait3A_471] : memref<800000xf32, #tpu.memory_space<hbm>> -> memref<1000xf32, #tpu.memory_space<hbm>>
        %dma_wait3A_473 = arith.constant 1008 : i32
        %dma_wait3A_474 = tpu.memref_slice %arg10[%dma_wait3A_473] : memref<100000xf32, #tpu.memory_space<vmem>> -> memref<1000xf32, #tpu.memory_space<vmem>>
        %dma_wait3A_475 = arith.constant 0 : i32
        %dma_wait3A_476 = tpu.memref_slice %arg5[%dma_wait3A_475] : memref<800000xf32, #tpu.memory_space<hbm>> -> memref<1000xf32, #tpu.memory_space<hbm>>
        tpu.wait_dma2 semaphore(%arg20 : memref<!tpu.dma_semaphore, #tpu.memory_space<semaphore_mem>>) src(%dma_wait3A_476 : memref<1000xf32, #tpu.memory_space<hbm>>) dst(%dma_wait3A_474 : memref<1000xf32, #tpu.memory_space<vmem>>)
        %dma_wait3A_477 = arith.constant 3024 : i32
        %dma_wait3A_478 = tpu.memref_slice %arg10[%dma_wait3A_477] : memref<100000xf32, #tpu.memory_space<vmem>> -> memref<1000xf32, #tpu.memory_space<vmem>>
        %dma_wait3A_479 = arith.constant 0 : i32
        %dma_wait3A_480 = tpu.memref_slice %arg5[%dma_wait3A_479] : memref<800000xf32, #tpu.memory_space<hbm>> -> memref<1000xf32, #tpu.memory_space<hbm>>
        %dma_wait3A_481 = arith.constant 3024 : i32
        %dma_wait3A_482 = tpu.memref_slice %arg10[%dma_wait3A_481] : memref<100000xf32, #tpu.memory_space<vmem>> -> memref<1000xf32, #tpu.memory_space<vmem>>
        %dma_wait3A_483 = arith.constant 0 : i32
        %dma_wait3A_484 = tpu.memref_slice %arg5[%dma_wait3A_483] : memref<800000xf32, #tpu.memory_space<hbm>> -> memref<1000xf32, #tpu.memory_space<hbm>>
        tpu.wait_dma2 semaphore(%arg20 : memref<!tpu.dma_semaphore, #tpu.memory_space<semaphore_mem>>) src(%dma_wait3A_484 : memref<1000xf32, #tpu.memory_space<hbm>>) dst(%dma_wait3A_482 : memref<1000xf32, #tpu.memory_space<vmem>>)
        %dma_wait3A_485 = arith.constant 5040 : i32
        %dma_wait3A_486 = tpu.memref_slice %arg10[%dma_wait3A_485] : memref<100000xf32, #tpu.memory_space<vmem>> -> memref<1000xf32, #tpu.memory_space<vmem>>
        %dma_wait3A_487 = arith.constant 0 : i32
        %dma_wait3A_488 = tpu.memref_slice %arg5[%dma_wait3A_487] : memref<800000xf32, #tpu.memory_space<hbm>> -> memref<1000xf32, #tpu.memory_space<hbm>>
        %dma_wait3A_489 = arith.constant 5040 : i32
        %dma_wait3A_490 = tpu.memref_slice %arg10[%dma_wait3A_489] : memref<100000xf32, #tpu.memory_space<vmem>> -> memref<1000xf32, #tpu.memory_space<vmem>>
        %dma_wait3A_491 = arith.constant 0 : i32
        %dma_wait3A_492 = tpu.memref_slice %arg5[%dma_wait3A_491] : memref<800000xf32, #tpu.memory_space<hbm>> -> memref<1000xf32, #tpu.memory_space<hbm>>
        tpu.wait_dma2 semaphore(%arg20 : memref<!tpu.dma_semaphore, #tpu.memory_space<semaphore_mem>>) src(%dma_wait3A_492 : memref<1000xf32, #tpu.memory_space<hbm>>) dst(%dma_wait3A_490 : memref<1000xf32, #tpu.memory_space<vmem>>)
        %dma_wait3A_493 = arith.constant 7056 : i32
        %dma_wait3A_494 = tpu.memref_slice %arg10[%dma_wait3A_493] : memref<100000xf32, #tpu.memory_space<vmem>> -> memref<1000xf32, #tpu.memory_space<vmem>>
        %dma_wait3A_495 = arith.constant 0 : i32
        %dma_wait3A_496 = tpu.memref_slice %arg5[%dma_wait3A_495] : memref<800000xf32, #tpu.memory_space<hbm>> -> memref<1000xf32, #tpu.memory_space<hbm>>
        %dma_wait3A_497 = arith.constant 7056 : i32
        %dma_wait3A_498 = tpu.memref_slice %arg10[%dma_wait3A_497] : memref<100000xf32, #tpu.memory_space<vmem>> -> memref<1000xf32, #tpu.memory_space<vmem>>
        %dma_wait3A_499 = arith.constant 0 : i32
        %dma_wait3A_500 = tpu.memref_slice %arg5[%dma_wait3A_499] : memref<800000xf32, #tpu.memory_space<hbm>> -> memref<1000xf32, #tpu.memory_space<hbm>>
        tpu.wait_dma2 semaphore(%arg20 : memref<!tpu.dma_semaphore, #tpu.memory_space<semaphore_mem>>) src(%dma_wait3A_500 : memref<1000xf32, #tpu.memory_space<hbm>>) dst(%dma_wait3A_498 : memref<1000xf32, #tpu.memory_space<vmem>>)
        %dma_wait3A_501 = arith.constant 9072 : i32
        %dma_wait3A_502 = tpu.memref_slice %arg10[%dma_wait3A_501] : memref<100000xf32, #tpu.memory_space<vmem>> -> memref<1000xf32, #tpu.memory_space<vmem>>
        %dma_wait3A_503 = arith.constant 0 : i32
        %dma_wait3A_504 = tpu.memref_slice %arg5[%dma_wait3A_503] : memref<800000xf32, #tpu.memory_space<hbm>> -> memref<1000xf32, #tpu.memory_space<hbm>>
        %dma_wait3A_505 = arith.constant 9072 : i32
        %dma_wait3A_506 = tpu.memref_slice %arg10[%dma_wait3A_505] : memref<100000xf32, #tpu.memory_space<vmem>> -> memref<1000xf32, #tpu.memory_space<vmem>>
        %dma_wait3A_507 = arith.constant 0 : i32
        %dma_wait3A_508 = tpu.memref_slice %arg5[%dma_wait3A_507] : memref<800000xf32, #tpu.memory_space<hbm>> -> memref<1000xf32, #tpu.memory_space<hbm>>
        tpu.wait_dma2 semaphore(%arg20 : memref<!tpu.dma_semaphore, #tpu.memory_space<semaphore_mem>>) src(%dma_wait3A_508 : memref<1000xf32, #tpu.memory_space<hbm>>) dst(%dma_wait3A_506 : memref<1000xf32, #tpu.memory_space<vmem>>)
        %get3A = arith.constant 10080 : index
        %get3A_509 = tpu.vector_load %arg10[%get3A] {strides = array<i32>} : memref<100000xf32, #tpu.memory_space<vmem>>, vector<16xf32>,
        %scan3A_510 = arith.constant 0 : i32
        %scan3A_511 = arith.constant 63 : i32
        %scan3A_512 = arith.addi %scan3A_510, %scan3A_511 : i32
        %scan3A_513 = arith.constant 1 : i32
        %scan3A_514 = scf.for %scan3A_518 = %scan3A_510 to %scan3A_512 step %scan3A_513 iter_args(%scan3A_519 = %get3A_509) -> (vector<16xf32>)  : i32 {
          %mul3A_520 = arith.constant 16 : i32
          %mul3A_521 = arith.muli %scan3A_518, %mul3A_520 : i32
          %add3A_522 = arith.constant 1008 : i32
          %add3A_523 = arith.addi %add3A_522, %mul3A_521 : i32
          %get3A_524 = arith.index_cast %add3A_523 : i32 to index
          %get3A_525 = tpu.vector_load %arg10[%get3A_524] {strides = array<i32>} : memref<100000xf32, #tpu.memory_space<vmem>>, vector<16xf32>,
          %add3A_526 = arith.constant 3024 : i32
          %add3A_527 = arith.addi %add3A_526, %mul3A_521 : i32
          %get3A_528 = arith.index_cast %add3A_527 : i32 to index
          %get3A_529 = tpu.vector_load %arg10[%get3A_528] {strides = array<i32>} : memref<100000xf32, #tpu.memory_space<vmem>>, vector<16xf32>,
          %add3A_530 = arith.addf %get3A_525, %get3A_529 : vector<16xf32>
          %add3A_531 = arith.constant 5040 : i32
          %add3A_532 = arith.addi %add3A_531, %mul3A_521 : i32
          %get3A_533 = arith.index_cast %add3A_532 : i32 to index
          %get3A_534 = tpu.vector_load %arg10[%get3A_533] {strides = array<i32>} : memref<100000xf32, #tpu.memory_space<vmem>>, vector<16xf32>,
          %add3A_535 = arith.constant 7056 : i32
          %add3A_536 = arith.addi %add3A_535, %mul3A_521 : i32
          %get3A_537 = arith.index_cast %add3A_536 : i32 to index
          %get3A_538 = tpu.vector_load %arg10[%get3A_537] {strides = array<i32>} : memref<100000xf32, #tpu.memory_space<vmem>>, vector<16xf32>,
          %add3A_539 = arith.addf %get3A_534, %get3A_538 : vector<16xf32>
          %add3A_540 = arith.addf %add3A_530, %add3A_539 : vector<16xf32>
          %add3A_541 = arith.constant 9072 : i32
          %add3A_542 = arith.addi %add3A_541, %mul3A_521 : i32
          %get3A_543 = arith.index_cast %add3A_542 : i32 to index
          %get3A_544 = tpu.vector_load %arg10[%get3A_543] {strides = array<i32>} : memref<100000xf32, #tpu.memory_space<vmem>>, vector<16xf32>,
          %sub3A_545 = arith.subf %add3A_540, %get3A_544 : vector<16xf32>
          %mul3A_546 = arith.mulf %sub3A_545, %sub3A_545 : vector<16xf32>
          %add3A_547 = arith.addf %scan3A_519, %mul3A_546 : vector<16xf32>
          scf.yield %add3A_547 : vector<16xf32>
        }
        %scan3A_515 = arith.constant 63 : i32
        %swap3A_516 = arith.constant 10080 : index
        %swap3A_517 = tpu.vector_load %arg10[%swap3A_516] {strides = array<i32>} : memref<100000xf32, #tpu.memory_space<vmem>>, vector<16xf32>,
        tpu.vector_store %arg10[%swap3A_516], %scan3A_514 {strides = array<i32>} : memref<100000xf32, #tpu.memory_space<vmem>>, vector<16xf32>,
      } else {
      }
    }
    %scan3A_431 = arith.constant 13 : i32
    %mul3A_432 = arith.constant 16 : i32
    %mul3A_433 = arith.muli %arg0, %mul3A_432 : i32
    %add3A_434 = arith.addi %mul3A_433, %arg1 : i32
    %mul3A_435 = arith.constant 16 : i32
    %mul3A_436 = arith.muli %add3A_434, %mul3A_435 : i32
    "tpu.region"() ({
      %run_scoped3A = tpu.sem_alloc : memref<!tpu.dma_semaphore, #tpu.memory_space<semaphore_mem>>
      %dma_start3A_443 = arith.constant 10080 : i32
      %dma_start3A_444 = tpu.memref_slice %arg10[%dma_start3A_443] : memref<100000xf32, #tpu.memory_space<vmem>> -> memref<16xf32, #tpu.memory_space<vmem>>
      %dma_start3A_445 = tpu.memref_slice %arg7[%mul3A_436] : memref<512xf32, #tpu.memory_space<hbm>> -> memref<16xf32, #tpu.memory_space<hbm>>
      %dma_start3A_446 = tpu.memref_slice %arg7[%mul3A_436] : memref<512xf32, #tpu.memory_space<hbm>> -> memref<16xf32, #tpu.memory_space<hbm>>
      %dma_start3A_447 = arith.constant 10080 : i32
      %dma_start3A_448 = tpu.memref_slice %arg10[%dma_start3A_447] : memref<100000xf32, #tpu.memory_space<vmem>> -> memref<16xf32, #tpu.memory_space<vmem>>
      tpu.enqueue_dma source(%dma_start3A_448 : memref<16xf32, #tpu.memory_space<vmem>>) target(%dma_start3A_446 : memref<16xf32, #tpu.memory_space<hbm>>) target_semaphore(%run_scoped3A : memref<!tpu.dma_semaphore, #tpu.memory_space<semaphore_mem>>)
      %dma_wait3A_449 = arith.constant 10080 : i32
      %dma_wait3A_450 = tpu.memref_slice %arg10[%dma_wait3A_449] : memref<100000xf32, #tpu.memory_space<vmem>> -> memref<16xf32, #tpu.memory_space<vmem>>
      %dma_wait3A_451 = tpu.memref_slice %arg7[%mul3A_436] : memref<512xf32, #tpu.memory_space<hbm>> -> memref<16xf32, #tpu.memory_space<hbm>>
      %dma_wait3A_452 = tpu.memref_slice %arg7[%mul3A_436] : memref<512xf32, #tpu.memory_space<hbm>> -> memref<16xf32, #tpu.memory_space<hbm>>
      %dma_wait3A_453 = arith.constant 10080 : i32
      %dma_wait3A_454 = tpu.memref_slice %arg10[%dma_wait3A_453] : memref<100000xf32, #tpu.memory_space<vmem>> -> memref<16xf32, #tpu.memory_space<vmem>>
      tpu.wait_dma2 semaphore(%run_scoped3A : memref<!tpu.dma_semaphore, #tpu.memory_space<semaphore_mem>>) src(%dma_wait3A_454 : memref<16xf32, #tpu.memory_space<vmem>>) dst(%dma_wait3A_452 : memref<16xf32, #tpu.memory_space<hbm>>)
      tpu.yield
    }) : () -> ()
    %mul3A_437 = arith.constant 16 : i32
    %mul3A_438 = arith.muli %arg0, %mul3A_437 : i32
    %add3A_439 = arith.addi %mul3A_438, %arg1 : i32
    %eq3A_440 = arith.constant 0 : i32
    %eq3A_441 = arith.cmpi eq, %add3A_439, %eq3A_440 : i32
    %convert_element_type3A = arith.extui %eq3A_441 : i1 to i32
    %cond3A = arith.constant 0 : i32
    %cond3A_442 = arith.cmpi ne, %convert_element_type3A, %cond3A : i32
    scf.if %cond3A_442 {
      "tpu.region"() ({
        %run_scoped3A = tpu.sem_alloc : memref<!tpu.dma_semaphore, #tpu.memory_space<semaphore_mem>>
        %dma_start3A_527 = arith.constant 0 : i32
        %dma_start3A_528 = tpu.memref_slice %arg10[%dma_start3A_527] : memref<100000xf32, #tpu.memory_space<vmem>> -> memref<16xf32, #tpu.memory_space<vmem>>
        %dma_start3A_529 = arith.constant 0 : i32
        %dma_start3A_530 = tpu.memref_slice %arg2[%dma_start3A_529] : memref<800000xf32, #tpu.memory_space<hbm>> -> memref<16xf32, #tpu.memory_space<hbm>>
        %dma_start3A_531 = arith.constant 0 : i32
        %dma_start3A_532 = tpu.memref_slice %arg10[%dma_start3A_531] : memref<100000xf32, #tpu.memory_space<vmem>> -> memref<16xf32, #tpu.memory_space<vmem>>
        %dma_start3A_533 = arith.constant 0 : i32
        %dma_start3A_534 = tpu.memref_slice %arg2[%dma_start3A_533] : memref<800000xf32, #tpu.memory_space<hbm>> -> memref<16xf32, #tpu.memory_space<hbm>>
        tpu.enqueue_dma source(%dma_start3A_534 : memref<16xf32, #tpu.memory_space<hbm>>) target(%dma_start3A_532 : memref<16xf32, #tpu.memory_space<vmem>>) target_semaphore(%run_scoped3A : memref<!tpu.dma_semaphore, #tpu.memory_space<semaphore_mem>>)
        %dma_wait3A_535 = arith.constant 0 : i32
        %dma_wait3A_536 = tpu.memref_slice %arg10[%dma_wait3A_535] : memref<100000xf32, #tpu.memory_space<vmem>> -> memref<16xf32, #tpu.memory_space<vmem>>
        %dma_wait3A_537 = arith.constant 0 : i32
        %dma_wait3A_538 = tpu.memref_slice %arg2[%dma_wait3A_537] : memref<800000xf32, #tpu.memory_space<hbm>> -> memref<16xf32, #tpu.memory_space<hbm>>
        %dma_wait3A_539 = arith.constant 0 : i32
        %dma_wait3A_540 = tpu.memref_slice %arg10[%dma_wait3A_539] : memref<100000xf32, #tpu.memory_space<vmem>> -> memref<16xf32, #tpu.memory_space<vmem>>
        %dma_wait3A_541 = arith.constant 0 : i32
        %dma_wait3A_542 = tpu.memref_slice %arg2[%dma_wait3A_541] : memref<800000xf32, #tpu.memory_space<hbm>> -> memref<16xf32, #tpu.memory_space<hbm>>
        tpu.wait_dma2 semaphore(%run_scoped3A : memref<!tpu.dma_semaphore, #tpu.memory_space<semaphore_mem>>) src(%dma_wait3A_542 : memref<16xf32, #tpu.memory_space<hbm>>) dst(%dma_wait3A_540 : memref<16xf32, #tpu.memory_space<vmem>>)
        tpu.yield
      }) : () -> ()
      "tpu.region"() ({
        %run_scoped3A = tpu.sem_alloc : memref<!tpu.dma_semaphore, #tpu.memory_space<semaphore_mem>>
        %dma_start3A_527 = arith.constant 16 : i32
        %dma_start3A_528 = tpu.memref_slice %arg10[%dma_start3A_527] : memref<100000xf32, #tpu.memory_space<vmem>> -> memref<16xf32, #tpu.memory_space<vmem>>
        %dma_start3A_529 = arith.constant 100000 : i32
        %dma_start3A_530 = tpu.memref_slice %arg2[%dma_start3A_529] : memref<800000xf32, #tpu.memory_space<hbm>> -> memref<16xf32, #tpu.memory_space<hbm>>
        %dma_start3A_531 = arith.constant 16 : i32
        %dma_start3A_532 = tpu.memref_slice %arg10[%dma_start3A_531] : memref<100000xf32, #tpu.memory_space<vmem>> -> memref<16xf32, #tpu.memory_space<vmem>>
        %dma_start3A_533 = arith.constant 100000 : i32
        %dma_start3A_534 = tpu.memref_slice %arg2[%dma_start3A_533] : memref<800000xf32, #tpu.memory_space<hbm>> -> memref<16xf32, #tpu.memory_space<hbm>>
        tpu.enqueue_dma source(%dma_start3A_534 : memref<16xf32, #tpu.memory_space<hbm>>) target(%dma_start3A_532 : memref<16xf32, #tpu.memory_space<vmem>>) target_semaphore(%run_scoped3A : memref<!tpu.dma_semaphore, #tpu.memory_space<semaphore_mem>>)
        %dma_wait3A_535 = arith.constant 16 : i32
        %dma_wait3A_536 = tpu.memref_slice %arg10[%dma_wait3A_535] : memref<100000xf32, #tpu.memory_space<vmem>> -> memref<16xf32, #tpu.memory_space<vmem>>
        %dma_wait3A_537 = arith.constant 100000 : i32
        %dma_wait3A_538 = tpu.memref_slice %arg2[%dma_wait3A_537] : memref<800000xf32, #tpu.memory_space<hbm>> -> memref<16xf32, #tpu.memory_space<hbm>>
        %dma_wait3A_539 = arith.constant 16 : i32
        %dma_wait3A_540 = tpu.memref_slice %arg10[%dma_wait3A_539] : memref<100000xf32, #tpu.memory_space<vmem>> -> memref<16xf32, #tpu.memory_space<vmem>>
        %dma_wait3A_541 = arith.constant 100000 : i32
        %dma_wait3A_542 = tpu.memref_slice %arg2[%dma_wait3A_541] : memref<800000xf32, #tpu.memory_space<hbm>> -> memref<16xf32, #tpu.memory_space<hbm>>
        tpu.wait_dma2 semaphore(%run_scoped3A : memref<!tpu.dma_semaphore, #tpu.memory_space<semaphore_mem>>) src(%dma_wait3A_542 : memref<16xf32, #tpu.memory_space<hbm>>) dst(%dma_wait3A_540 : memref<16xf32, #tpu.memory_space<vmem>>)
        tpu.yield
      }) : () -> ()
      "tpu.region"() ({
        %run_scoped3A = tpu.sem_alloc : memref<!tpu.dma_semaphore, #tpu.memory_space<semaphore_mem>>
        %dma_start3A_527 = arith.constant 32 : i32
        %dma_start3A_528 = tpu.memref_slice %arg10[%dma_start3A_527] : memref<100000xf32, #tpu.memory_space<vmem>> -> memref<16xf32, #tpu.memory_space<vmem>>
        %dma_start3A_529 = arith.constant 200000 : i32
        %dma_start3A_530 = tpu.memref_slice %arg2[%dma_start3A_529] : memref<800000xf32, #tpu.memory_space<hbm>> -> memref<16xf32, #tpu.memory_space<hbm>>
        %dma_start3A_531 = arith.constant 32 : i32
        %dma_start3A_532 = tpu.memref_slice %arg10[%dma_start3A_531] : memref<100000xf32, #tpu.memory_space<vmem>> -> memref<16xf32, #tpu.memory_space<vmem>>
        %dma_start3A_533 = arith.constant 200000 : i32
        %dma_start3A_534 = tpu.memref_slice %arg2[%dma_start3A_533] : memref<800000xf32, #tpu.memory_space<hbm>> -> memref<16xf32, #tpu.memory_space<hbm>>
        tpu.enqueue_dma source(%dma_start3A_534 : memref<16xf32, #tpu.memory_space<hbm>>) target(%dma_start3A_532 : memref<16xf32, #tpu.memory_space<vmem>>) target_semaphore(%run_scoped3A : memref<!tpu.dma_semaphore, #tpu.memory_space<semaphore_mem>>)
        %dma_wait3A_535 = arith.constant 32 : i32
        %dma_wait3A_536 = tpu.memref_slice %arg10[%dma_wait3A_535] : memref<100000xf32, #tpu.memory_space<vmem>> -> memref<16xf32, #tpu.memory_space<vmem>>
        %dma_wait3A_537 = arith.constant 200000 : i32
        %dma_wait3A_538 = tpu.memref_slice %arg2[%dma_wait3A_537] : memref<800000xf32, #tpu.memory_space<hbm>> -> memref<16xf32, #tpu.memory_space<hbm>>
        %dma_wait3A_539 = arith.constant 32 : i32
        %dma_wait3A_540 = tpu.memref_slice %arg10[%dma_wait3A_539] : memref<100000xf32, #tpu.memory_space<vmem>> -> memref<16xf32, #tpu.memory_space<vmem>>
        %dma_wait3A_541 = arith.constant 200000 : i32
        %dma_wait3A_542 = tpu.memref_slice %arg2[%dma_wait3A_541] : memref<800000xf32, #tpu.memory_space<hbm>> -> memref<16xf32, #tpu.memory_space<hbm>>
        tpu.wait_dma2 semaphore(%run_scoped3A : memref<!tpu.dma_semaphore, #tpu.memory_space<semaphore_mem>>) src(%dma_wait3A_542 : memref<16xf32, #tpu.memory_space<hbm>>) dst(%dma_wait3A_540 : memref<16xf32, #tpu.memory_space<vmem>>)
        tpu.yield
      }) : () -> ()
      "tpu.region"() ({
        %run_scoped3A = tpu.sem_alloc : memref<!tpu.dma_semaphore, #tpu.memory_space<semaphore_mem>>
        %dma_start3A_527 = arith.constant 48 : i32
        %dma_start3A_528 = tpu.memref_slice %arg10[%dma_start3A_527] : memref<100000xf32, #tpu.memory_space<vmem>> -> memref<16xf32, #tpu.memory_space<vmem>>
        %dma_start3A_529 = arith.constant 300000 : i32
        %dma_start3A_530 = tpu.memref_slice %arg2[%dma_start3A_529] : memref<800000xf32, #tpu.memory_space<hbm>> -> memref<16xf32, #tpu.memory_space<hbm>>
        %dma_start3A_531 = arith.constant 48 : i32
        %dma_start3A_532 = tpu.memref_slice %arg10[%dma_start3A_531] : memref<100000xf32, #tpu.memory_space<vmem>> -> memref<16xf32, #tpu.memory_space<vmem>>
        %dma_start3A_533 = arith.constant 300000 : i32
        %dma_start3A_534 = tpu.memref_slice %arg2[%dma_start3A_533] : memref<800000xf32, #tpu.memory_space<hbm>> -> memref<16xf32, #tpu.memory_space<hbm>>
        tpu.enqueue_dma source(%dma_start3A_534 : memref<16xf32, #tpu.memory_space<hbm>>) target(%dma_start3A_532 : memref<16xf32, #tpu.memory_space<vmem>>) target_semaphore(%run_scoped3A : memref<!tpu.dma_semaphore, #tpu.memory_space<semaphore_mem>>)
        %dma_wait3A_535 = arith.constant 48 : i32
        %dma_wait3A_536 = tpu.memref_slice %arg10[%dma_wait3A_535] : memref<100000xf32, #tpu.memory_space<vmem>> -> memref<16xf32, #tpu.memory_space<vmem>>
        %dma_wait3A_537 = arith.constant 300000 : i32
        %dma_wait3A_538 = tpu.memref_slice %arg2[%dma_wait3A_537] : memref<800000xf32, #tpu.memory_space<hbm>> -> memref<16xf32, #tpu.memory_space<hbm>>
        %dma_wait3A_539 = arith.constant 48 : i32
        %dma_wait3A_540 = tpu.memref_slice %arg10[%dma_wait3A_539] : memref<100000xf32, #tpu.memory_space<vmem>> -> memref<16xf32, #tpu.memory_space<vmem>>
        %dma_wait3A_541 = arith.constant 300000 : i32
        %dma_wait3A_542 = tpu.memref_slice %arg2[%dma_wait3A_541] : memref<800000xf32, #tpu.memory_space<hbm>> -> memref<16xf32, #tpu.memory_space<hbm>>
        tpu.wait_dma2 semaphore(%run_scoped3A : memref<!tpu.dma_semaphore, #tpu.memory_space<semaphore_mem>>) src(%dma_wait3A_542 : memref<16xf32, #tpu.memory_space<hbm>>) dst(%dma_wait3A_540 : memref<16xf32, #tpu.memory_space<vmem>>)
        tpu.yield
      }) : () -> ()
      "tpu.region"() ({
        %run_scoped3A = tpu.sem_alloc : memref<!tpu.dma_semaphore, #tpu.memory_space<semaphore_mem>>
        %dma_start3A_527 = arith.constant 64 : i32
        %dma_start3A_528 = tpu.memref_slice %arg10[%dma_start3A_527] : memref<100000xf32, #tpu.memory_space<vmem>> -> memref<16xf32, #tpu.memory_space<vmem>>
        %dma_start3A_529 = arith.constant 400000 : i32
        %dma_start3A_530 = tpu.memref_slice %arg2[%dma_start3A_529] : memref<800000xf32, #tpu.memory_space<hbm>> -> memref<16xf32, #tpu.memory_space<hbm>>
        %dma_start3A_531 = arith.constant 64 : i32
        %dma_start3A_532 = tpu.memref_slice %arg10[%dma_start3A_531] : memref<100000xf32, #tpu.memory_space<vmem>> -> memref<16xf32, #tpu.memory_space<vmem>>
        %dma_start3A_533 = arith.constant 400000 : i32
        %dma_start3A_534 = tpu.memref_slice %arg2[%dma_start3A_533] : memref<800000xf32, #tpu.memory_space<hbm>> -> memref<16xf32, #tpu.memory_space<hbm>>
        tpu.enqueue_dma source(%dma_start3A_534 : memref<16xf32, #tpu.memory_space<hbm>>) target(%dma_start3A_532 : memref<16xf32, #tpu.memory_space<vmem>>) target_semaphore(%run_scoped3A : memref<!tpu.dma_semaphore, #tpu.memory_space<semaphore_mem>>)
        %dma_wait3A_535 = arith.constant 64 : i32
        %dma_wait3A_536 = tpu.memref_slice %arg10[%dma_wait3A_535] : memref<100000xf32, #tpu.memory_space<vmem>> -> memref<16xf32, #tpu.memory_space<vmem>>
        %dma_wait3A_537 = arith.constant 400000 : i32
        %dma_wait3A_538 = tpu.memref_slice %arg2[%dma_wait3A_537] : memref<800000xf32, #tpu.memory_space<hbm>> -> memref<16xf32, #tpu.memory_space<hbm>>
        %dma_wait3A_539 = arith.constant 64 : i32
        %dma_wait3A_540 = tpu.memref_slice %arg10[%dma_wait3A_539] : memref<100000xf32, #tpu.memory_space<vmem>> -> memref<16xf32, #tpu.memory_space<vmem>>
        %dma_wait3A_541 = arith.constant 400000 : i32
        %dma_wait3A_542 = tpu.memref_slice %arg2[%dma_wait3A_541] : memref<800000xf32, #tpu.memory_space<hbm>> -> memref<16xf32, #tpu.memory_space<hbm>>
        tpu.wait_dma2 semaphore(%run_scoped3A : memref<!tpu.dma_semaphore, #tpu.memory_space<semaphore_mem>>) src(%dma_wait3A_542 : memref<16xf32, #tpu.memory_space<hbm>>) dst(%dma_wait3A_540 : memref<16xf32, #tpu.memory_space<vmem>>)
        tpu.yield
      }) : () -> ()
      "tpu.region"() ({
        %run_scoped3A = tpu.sem_alloc : memref<!tpu.dma_semaphore, #tpu.memory_space<semaphore_mem>>
        %dma_start3A_527 = arith.constant 80 : i32
        %dma_start3A_528 = tpu.memref_slice %arg10[%dma_start3A_527] : memref<100000xf32, #tpu.memory_space<vmem>> -> memref<16xf32, #tpu.memory_space<vmem>>
        %dma_start3A_529 = arith.constant 500000 : i32
        %dma_start3A_530 = tpu.memref_slice %arg2[%dma_start3A_529] : memref<800000xf32, #tpu.memory_space<hbm>> -> memref<16xf32, #tpu.memory_space<hbm>>
        %dma_start3A_531 = arith.constant 80 : i32
        %dma_start3A_532 = tpu.memref_slice %arg10[%dma_start3A_531] : memref<100000xf32, #tpu.memory_space<vmem>> -> memref<16xf32, #tpu.memory_space<vmem>>
        %dma_start3A_533 = arith.constant 500000 : i32
        %dma_start3A_534 = tpu.memref_slice %arg2[%dma_start3A_533] : memref<800000xf32, #tpu.memory_space<hbm>> -> memref<16xf32, #tpu.memory_space<hbm>>
        tpu.enqueue_dma source(%dma_start3A_534 : memref<16xf32, #tpu.memory_space<hbm>>) target(%dma_start3A_532 : memref<16xf32, #tpu.memory_space<vmem>>) target_semaphore(%run_scoped3A : memref<!tpu.dma_semaphore, #tpu.memory_space<semaphore_mem>>)
        %dma_wait3A_535 = arith.constant 80 : i32
        %dma_wait3A_536 = tpu.memref_slice %arg10[%dma_wait3A_535] : memref<100000xf32, #tpu.memory_space<vmem>> -> memref<16xf32, #tpu.memory_space<vmem>>
        %dma_wait3A_537 = arith.constant 500000 : i32
        %dma_wait3A_538 = tpu.memref_slice %arg2[%dma_wait3A_537] : memref<800000xf32, #tpu.memory_space<hbm>> -> memref<16xf32, #tpu.memory_space<hbm>>
        %dma_wait3A_539 = arith.constant 80 : i32
        %dma_wait3A_540 = tpu.memref_slice %arg10[%dma_wait3A_539] : memref<100000xf32, #tpu.memory_space<vmem>> -> memref<16xf32, #tpu.memory_space<vmem>>
        %dma_wait3A_541 = arith.constant 500000 : i32
        %dma_wait3A_542 = tpu.memref_slice %arg2[%dma_wait3A_541] : memref<800000xf32, #tpu.memory_space<hbm>> -> memref<16xf32, #tpu.memory_space<hbm>>
        tpu.wait_dma2 semaphore(%run_scoped3A : memref<!tpu.dma_semaphore, #tpu.memory_space<semaphore_mem>>) src(%dma_wait3A_542 : memref<16xf32, #tpu.memory_space<hbm>>) dst(%dma_wait3A_540 : memref<16xf32, #tpu.memory_space<vmem>>)
        tpu.yield
      }) : () -> ()
      "tpu.region"() ({
        %run_scoped3A = tpu.sem_alloc : memref<!tpu.dma_semaphore, #tpu.memory_space<semaphore_mem>>
        %dma_start3A_527 = arith.constant 96 : i32
        %dma_start3A_528 = tpu.memref_slice %arg10[%dma_start3A_527] : memref<100000xf32, #tpu.memory_space<vmem>> -> memref<16xf32, #tpu.memory_space<vmem>>
        %dma_start3A_529 = arith.constant 600000 : i32
        %dma_start3A_530 = tpu.memref_slice %arg2[%dma_start3A_529] : memref<800000xf32, #tpu.memory_space<hbm>> -> memref<16xf32, #tpu.memory_space<hbm>>
        %dma_start3A_531 = arith.constant 96 : i32
        %dma_start3A_532 = tpu.memref_slice %arg10[%dma_start3A_531] : memref<100000xf32, #tpu.memory_space<vmem>> -> memref<16xf32, #tpu.memory_space<vmem>>
        %dma_start3A_533 = arith.constant 600000 : i32
        %dma_start3A_534 = tpu.memref_slice %arg2[%dma_start3A_533] : memref<800000xf32, #tpu.memory_space<hbm>> -> memref<16xf32, #tpu.memory_space<hbm>>
        tpu.enqueue_dma source(%dma_start3A_534 : memref<16xf32, #tpu.memory_space<hbm>>) target(%dma_start3A_532 : memref<16xf32, #tpu.memory_space<vmem>>) target_semaphore(%run_scoped3A : memref<!tpu.dma_semaphore, #tpu.memory_space<semaphore_mem>>)
        %dma_wait3A_535 = arith.constant 96 : i32
        %dma_wait3A_536 = tpu.memref_slice %arg10[%dma_wait3A_535] : memref<100000xf32, #tpu.memory_space<vmem>> -> memref<16xf32, #tpu.memory_space<vmem>>
        %dma_wait3A_537 = arith.constant 600000 : i32
        %dma_wait3A_538 = tpu.memref_slice %arg2[%dma_wait3A_537] : memref<800000xf32, #tpu.memory_space<hbm>> -> memref<16xf32, #tpu.memory_space<hbm>>
        %dma_wait3A_539 = arith.constant 96 : i32
        %dma_wait3A_540 = tpu.memref_slice %arg10[%dma_wait3A_539] : memref<100000xf32, #tpu.memory_space<vmem>> -> memref<16xf32, #tpu.memory_space<vmem>>
        %dma_wait3A_541 = arith.constant 600000 : i32
        %dma_wait3A_542 = tpu.memref_slice %arg2[%dma_wait3A_541] : memref<800000xf32, #tpu.memory_space<hbm>> -> memref<16xf32, #tpu.memory_space<hbm>>
        tpu.wait_dma2 semaphore(%run_scoped3A : memref<!tpu.dma_semaphore, #tpu.memory_space<semaphore_mem>>) src(%dma_wait3A_542 : memref<16xf32, #tpu.memory_space<hbm>>) dst(%dma_wait3A_540 : memref<16xf32, #tpu.memory_space<vmem>>)
        tpu.yield
      }) : () -> ()
      "tpu.region"() ({
        %run_scoped3A = tpu.sem_alloc : memref<!tpu.dma_semaphore, #tpu.memory_space<semaphore_mem>>
        %dma_start3A_527 = arith.constant 112 : i32
        %dma_start3A_528 = tpu.memref_slice %arg10[%dma_start3A_527] : memref<100000xf32, #tpu.memory_space<vmem>> -> memref<16xf32, #tpu.memory_space<vmem>>
        %dma_start3A_529 = arith.constant 700000 : i32
        %dma_start3A_530 = tpu.memref_slice %arg2[%dma_start3A_529] : memref<800000xf32, #tpu.memory_space<hbm>> -> memref<16xf32, #tpu.memory_space<hbm>>
        %dma_start3A_531 = arith.constant 112 : i32
        %dma_start3A_532 = tpu.memref_slice %arg10[%dma_start3A_531] : memref<100000xf32, #tpu.memory_space<vmem>> -> memref<16xf32, #tpu.memory_space<vmem>>
        %dma_start3A_533 = arith.constant 700000 : i32
        %dma_start3A_534 = tpu.memref_slice %arg2[%dma_start3A_533] : memref<800000xf32, #tpu.memory_space<hbm>> -> memref<16xf32, #tpu.memory_space<hbm>>
        tpu.enqueue_dma source(%dma_start3A_534 : memref<16xf32, #tpu.memory_space<hbm>>) target(%dma_start3A_532 : memref<16xf32, #tpu.memory_space<vmem>>) target_semaphore(%run_scoped3A : memref<!tpu.dma_semaphore, #tpu.memory_space<semaphore_mem>>)
        %dma_wait3A_535 = arith.constant 112 : i32
        %dma_wait3A_536 = tpu.memref_slice %arg10[%dma_wait3A_535] : memref<100000xf32, #tpu.memory_space<vmem>> -> memref<16xf32, #tpu.memory_space<vmem>>
        %dma_wait3A_537 = arith.constant 700000 : i32
        %dma_wait3A_538 = tpu.memref_slice %arg2[%dma_wait3A_537] : memref<800000xf32, #tpu.memory_space<hbm>> -> memref<16xf32, #tpu.memory_space<hbm>>
        %dma_wait3A_539 = arith.constant 112 : i32
        %dma_wait3A_540 = tpu.memref_slice %arg10[%dma_wait3A_539] : memref<100000xf32, #tpu.memory_space<vmem>> -> memref<16xf32, #tpu.memory_space<vmem>>
        %dma_wait3A_541 = arith.constant 700000 : i32
        %dma_wait3A_542 = tpu.memref_slice %arg2[%dma_wait3A_541] : memref<800000xf32, #tpu.memory_space<hbm>> -> memref<16xf32, #tpu.memory_space<hbm>>
        tpu.wait_dma2 semaphore(%run_scoped3A : memref<!tpu.dma_semaphore, #tpu.memory_space<semaphore_mem>>) src(%dma_wait3A_542 : memref<16xf32, #tpu.memory_space<hbm>>) dst(%dma_wait3A_540 : memref<16xf32, #tpu.memory_space<vmem>>)
        tpu.yield
      }) : () -> ()
      %iota3A = tpu.iota {dimensions = array<i32: 0>} : vector<16xi32>
      %lt3A_443 = arith.constant 4 : i32
      %lt3A_444 = vector.broadcast %lt3A_443 : i32 to vector<16xi32>
      %lt3A_445 = arith.cmpi slt, %iota3A, %lt3A_444 : vector<16xi32>
      %get3A = arith.constant 0 : index
      %get3A_446 = tpu.vector_load %arg10[%get3A] {strides = array<i32>} : memref<100000xf32, #tpu.memory_space<vmem>>, vector<16xf32>,
      %sub3A_447 = arith.constant 5.000000e+01 : f32
      %sub3A_448 = vector.broadcast %sub3A_447 : f32 to vector<16xf32>
      %sub3A_449 = arith.subf %get3A_446, %sub3A_448 : vector<16xf32>
      %mul3A_450 = arith.mulf %sub3A_449, %sub3A_449 : vector<16xf32>
      %jit3A_451 = arith.constant 0.000000e+00 : f32
      %broadcast_in_dim3A_452 = vector.broadcast %jit3A_451 : f32 to vector<16xf32>
      %select_n3A_453 = arith.select %lt3A_445, %mul3A_450, %broadcast_in_dim3A_452 : vector<16xi1>, vector<16xf32>
      %add3A_454 = arith.addf %broadcast_in_dim3A_295, %select_n3A_453 : vector<16xf32>
      %get3A_455 = arith.constant 16 : index
      %get3A_456 = tpu.vector_load %arg10[%get3A_455] {strides = array<i32>} : memref<100000xf32, #tpu.memory_space<vmem>>, vector<16xf32>,
      %sub3A_457 = arith.constant 5.000000e+01 : f32
      %sub3A_458 = vector.broadcast %sub3A_457 : f32 to vector<16xf32>
      %sub3A_459 = arith.subf %get3A_456, %sub3A_458 : vector<16xf32>
      %mul3A_460 = arith.mulf %sub3A_459, %sub3A_459 : vector<16xf32>
      %jit3A_461 = arith.constant 0.000000e+00 : f32
      %broadcast_in_dim3A_462 = vector.broadcast %jit3A_461 : f32 to vector<16xf32>
      %select_n3A_463 = arith.select %lt3A_445, %mul3A_460, %broadcast_in_dim3A_462 : vector<16xi1>, vector<16xf32>
      %add3A_464 = arith.addf %add3A_454, %select_n3A_463 : vector<16xf32>
      %get3A_465 = arith.constant 32 : index
      %get3A_466 = tpu.vector_load %arg10[%get3A_465] {strides = array<i32>} : memref<100000xf32, #tpu.memory_space<vmem>>, vector<16xf32>,
      %sub3A_467 = arith.constant 5.000000e+01 : f32
      %sub3A_468 = vector.broadcast %sub3A_467 : f32 to vector<16xf32>
      %sub3A_469 = arith.subf %get3A_466, %sub3A_468 : vector<16xf32>
      %mul3A_470 = arith.mulf %sub3A_469, %sub3A_469 : vector<16xf32>
      %jit3A_471 = arith.constant 0.000000e+00 : f32
      %broadcast_in_dim3A_472 = vector.broadcast %jit3A_471 : f32 to vector<16xf32>
      %select_n3A_473 = arith.select %lt3A_445, %mul3A_470, %broadcast_in_dim3A_472 : vector<16xi1>, vector<16xf32>
      %add3A_474 = arith.addf %add3A_464, %select_n3A_473 : vector<16xf32>
      %get3A_475 = arith.constant 48 : index
      %get3A_476 = tpu.vector_load %arg10[%get3A_475] {strides = array<i32>} : memref<100000xf32, #tpu.memory_space<vmem>>, vector<16xf32>,
      %sub3A_477 = arith.constant 5.000000e+01 : f32
      %sub3A_478 = vector.broadcast %sub3A_477 : f32 to vector<16xf32>
      %sub3A_479 = arith.subf %get3A_476, %sub3A_478 : vector<16xf32>
      %mul3A_480 = arith.mulf %sub3A_479, %sub3A_479 : vector<16xf32>
      %jit3A_481 = arith.constant 0.000000e+00 : f32
      %broadcast_in_dim3A_482 = vector.broadcast %jit3A_481 : f32 to vector<16xf32>
      %select_n3A_483 = arith.select %lt3A_445, %mul3A_480, %broadcast_in_dim3A_482 : vector<16xi1>, vector<16xf32>
      %add3A_484 = arith.addf %add3A_474, %select_n3A_483 : vector<16xf32>
      %get3A_485 = arith.constant 64 : index
      %get3A_486 = tpu.vector_load %arg10[%get3A_485] {strides = array<i32>} : memref<100000xf32, #tpu.memory_space<vmem>>, vector<16xf32>,
      %sub3A_487 = arith.constant 5.000000e+01 : f32
      %sub3A_488 = vector.broadcast %sub3A_487 : f32 to vector<16xf32>
      %sub3A_489 = arith.subf %get3A_486, %sub3A_488 : vector<16xf32>
      %mul3A_490 = arith.mulf %sub3A_489, %sub3A_489 : vector<16xf32>
      %jit3A_491 = arith.constant 0.000000e+00 : f32
      %broadcast_in_dim3A_492 = vector.broadcast %jit3A_491 : f32 to vector<16xf32>
      %select_n3A_493 = arith.select %lt3A_445, %mul3A_490, %broadcast_in_dim3A_492 : vector<16xi1>, vector<16xf32>
      %add3A_494 = arith.addf %add3A_484, %select_n3A_493 : vector<16xf32>
      %get3A_495 = arith.constant 80 : index
      %get3A_496 = tpu.vector_load %arg10[%get3A_495] {strides = array<i32>} : memref<100000xf32, #tpu.memory_space<vmem>>, vector<16xf32>,
      %sub3A_497 = arith.constant 5.000000e+01 : f32
      %sub3A_498 = vector.broadcast %sub3A_497 : f32 to vector<16xf32>
      %sub3A_499 = arith.subf %get3A_496, %sub3A_498 : vector<16xf32>
      %mul3A_500 = arith.mulf %sub3A_499, %sub3A_499 : vector<16xf32>
      %jit3A_501 = arith.constant 0.000000e+00 : f32
      %broadcast_in_dim3A_502 = vector.broadcast %jit3A_501 : f32 to vector<16xf32>
      %select_n3A_503 = arith.select %lt3A_445, %mul3A_500, %broadcast_in_dim3A_502 : vector<16xi1>, vector<16xf32>
      %add3A_504 = arith.addf %add3A_494, %select_n3A_503 : vector<16xf32>
      %get3A_505 = arith.constant 96 : index
      %get3A_506 = tpu.vector_load %arg10[%get3A_505] {strides = array<i32>} : memref<100000xf32, #tpu.memory_space<vmem>>, vector<16xf32>,
      %sub3A_507 = arith.constant 5.000000e+01 : f32
      %sub3A_508 = vector.broadcast %sub3A_507 : f32 to vector<16xf32>
      %sub3A_509 = arith.subf %get3A_506, %sub3A_508 : vector<16xf32>
      %mul3A_510 = arith.mulf %sub3A_509, %sub3A_509 : vector<16xf32>
      %jit3A_511 = arith.constant 0.000000e+00 : f32
      %broadcast_in_dim3A_512 = vector.broadcast %jit3A_511 : f32 to vector<16xf32>
      %select_n3A_513 = arith.select %lt3A_445, %mul3A_510, %broadcast_in_dim3A_512 : vector<16xi1>, vector<16xf32>
      %add3A_514 = arith.addf %add3A_504, %select_n3A_513 : vector<16xf32>
      %get3A_515 = arith.constant 112 : index
      %get3A_516 = tpu.vector_load %arg10[%get3A_515] {strides = array<i32>} : memref<100000xf32, #tpu.memory_space<vmem>>, vector<16xf32>,
      %sub3A_517 = arith.constant 5.000000e+01 : f32
      %sub3A_518 = vector.broadcast %sub3A_517 : f32 to vector<16xf32>
      %sub3A_519 = arith.subf %get3A_516, %sub3A_518 : vector<16xf32>
      %mul3A_520 = arith.mulf %sub3A_519, %sub3A_519 : vector<16xf32>
      %jit3A_521 = arith.constant 0.000000e+00 : f32
      %broadcast_in_dim3A_522 = vector.broadcast %jit3A_521 : f32 to vector<16xf32>
      %select_n3A_523 = arith.select %lt3A_445, %mul3A_520, %broadcast_in_dim3A_522 : vector<16xi1>, vector<16xf32>
      %add3A_524 = arith.addf %add3A_514, %select_n3A_523 : vector<16xf32>
      %swap3A_525 = arith.constant 10080 : index
      %swap3A_526 = tpu.vector_load %arg10[%swap3A_525] {strides = array<i32>} : memref<100000xf32, #tpu.memory_space<vmem>>, vector<16xf32>,
      tpu.vector_store %arg10[%swap3A_525], %add3A_524 {strides = array<i32>} : memref<100000xf32, #tpu.memory_space<vmem>>, vector<16xf32>,
      "tpu.region"() ({
        %run_scoped3A = tpu.sem_alloc : memref<!tpu.dma_semaphore, #tpu.memory_space<semaphore_mem>>
        %dma_start3A_527 = arith.constant 10080 : i32
        %dma_start3A_528 = tpu.memref_slice %arg10[%dma_start3A_527] : memref<100000xf32, #tpu.memory_space<vmem>> -> memref<16xf32, #tpu.memory_space<vmem>>
        %dma_start3A_529 = arith.constant 10080 : i32
        %dma_start3A_530 = tpu.memref_slice %arg10[%dma_start3A_529] : memref<100000xf32, #tpu.memory_space<vmem>> -> memref<16xf32, #tpu.memory_space<vmem>>
        tpu.enqueue_dma source(%dma_start3A_530 : memref<16xf32, #tpu.memory_space<vmem>>) target(%arg8 : memref<16xf32, #tpu.memory_space<hbm>>) target_semaphore(%run_scoped3A : memref<!tpu.dma_semaphore, #tpu.memory_space<semaphore_mem>>)
        %dma_wait3A_531 = arith.constant 10080 : i32
        %dma_wait3A_532 = tpu.memref_slice %arg10[%dma_wait3A_531] : memref<100000xf32, #tpu.memory_space<vmem>> -> memref<16xf32, #tpu.memory_space<vmem>>
        %dma_wait3A_533 = arith.constant 10080 : i32
        %dma_wait3A_534 = tpu.memref_slice %arg10[%dma_wait3A_533] : memref<100000xf32, #tpu.memory_space<vmem>> -> memref<16xf32, #tpu.memory_space<vmem>>
        tpu.wait_dma2 semaphore(%run_scoped3A : memref<!tpu.dma_semaphore, #tpu.memory_space<semaphore_mem>>) src(%dma_wait3A_534 : memref<16xf32, #tpu.memory_space<vmem>>) dst(%arg8 : memref<16xf32, #tpu.memory_space<hbm>>)
        tpu.yield
      }) : () -> ()
    } else {
    }
    return
  }
}

</mosaic_0001>

<sc_bundles>
// kernel: kernel.3.cloned.1.call-start
scs
__scs_entry_jumppad:
0x0: {  	(pc) =	sbr.rel $0x88, $3  }
0x1: {  	(tag) =	ssettag $0x0;
	lr =	simm.s32 $0x1  }
0x2: {  	[smem:$0x3F9D] =	sst lr;
	_ =	strace $0xD0000000  }
0x3: {  	_ = 	snop  }
0x4: {  	_ = 	snop  }
0x5: {  	_ = 	snop  }
0x6: {  	_ = 	snop  }
0x7: {  	_ = 	snop  }
__scs_overlays_trampoline_lowered:
0x8: {  	[smem:$0x3FAC] =	sst s0  }
0x9: {  	[smem:$0x3FAD] =	sst s1  }
0xa: {  	[smem:$0x3FAE] =	sst s2  }
0xb: {  	[smem:$0x3FAF] =	sst s3  }
0xc: {  	[smem:$0x3FB0] =	sst s4  }
0xd: {  	[smem:$0x3FB1] =	sst s5  }
0xe: {  	[smem:$0x3FB2] =	sst s6  }
0xf: {  	[smem:$0x3FB3] =	sst s7  }
0x10: {  	[smem:$0x3FB4] =	sst s8  }
0x11: {  	[smem:$0x3FB5] =	sst s9;
	s0 =	simm.s32 @!p0 $0x0  }
0x12: {  	s1 =	sld [smem:$0x3F9B];
	s0 =	simm.s32 @p0 $0x1  }
0x13: {  	[smem:$0x3FB6] =	sst s0;
	s0 =	simm.s32 @!p1 $0x0  }
0x14: {  	s2 =	sld [smem:$0x3F9A];
	s0 =	simm.s32 @p1 $0x1  }
0x15: {  	[smem:$0x3FB7] =	sst s0;
	s0 =	simm.s32 @!p2 $0x0  }
0x16: {  	s3 =	sld [smem:$0x3FDB];
	s0 =	simm.s32 @p2 $0x1  }
0x17: {  	s4 =	simm.s32 $0x1BF5;
	[smem:$0x3FB9] =	sst s0  }
0x18: {  	s0 =	sld [smem:$0x3F9C];
	_ =	swait.ge [sflag:s4], $0x0  }
0x19: {  	s7 =	sld [smem:$0x3F9D]  }
0x1a: {  	s8 =	sadd.s32 $0xFFFFE003, lr  }
0x1b: {  	s9 =	sadd.s32 $0xFFFFFEF7, lr;
	s5 =	simm.s32 $0xFFFFFFFF;
	p2 =	slt.u32 s8, $0xFFFFF086  }
0x1c: {  	p1 =	slt.u32 s9, $0xF7A;
	s5 =	simm.s32 @!p2 $0x0  }
0x1d: {  	s5 =	simm.s32 @p1 $0x1;
	p0 =	seq.s32 s7, s2  }
0x1e: {  	s7 =	smul.u32 @!p0 $0xF7A, s2;
	p2 =	seq.s32 @!p0 s5, $0x0  }
0x1f: {  	s9 =	smul.u32 $0xF7A, s1;
	s8 =	simm.s32 @!p0 $0x1BF5;
	p2 =	por !p2, p0  }
0x20: {  	[sflag:s8] =	ssyncset.s32 @!p0 $0xFFFFF086;
	s6 =	sadd.s32 @!p0 s3, s7;
	s7 =	simm.s32 @!p0 $0x108  }
0x21: {  	s3 =	sadd.s32 s3, s9;
	s6 =	sadd.s32 @!p0 $0x88, s6;
	s7 =	simm.s32 @p2 $0x1082  }
0x22: {  	[simem:s7], [sflag:s8] =	dma.local @!p0 [hbm:s6], $0xF7A  }
0x23: {  	s9 =	sor.u32 $0xD0000000, s2;
	s6 =	simm.s32 $0x108;
	_ =	swait.ge @!p0 [sflag:s8], $0x0  }
0x24: {  	s3 =	sadd.s32 $0x88, s3;
	s6 =	simm.s32 @!p1 $0x1082;
	[sflag:s4] =	ssyncset.s32 $0xFFFFF086  }
0x25: {  	[simem:s6], [sflag:s4] =	dma.local [hbm:s3], $0xF7A  }
0x26: {  	[smem:$0x3F9D] =	sst s1;
	(tag) =	ssettag s2;
	_ =	strace s9  }
0x27: {  	s1 =	sld [smem:$0x3FAD]  }
0x28: {  	s2 =	sld [smem:$0x3FAE]  }
0x29: {  	s4 =	sld [smem:$0x3FB0]  }
0x2a: {  	p0 =	seq.s32 s5, $0x0;
	s5 =	sld [smem:$0x3FB1]  }
0x2b: {  	s6 =	sld [smem:$0x3FB2]  }
0x2c: {  	s7 =	sld [smem:$0x3FB3]  }
0x2d: {  	s3 =	simm.s32 $0x108;
	s8 =	sld [smem:$0x3FB4]  }
0x2e: {  	s3 =	simm.s32 @!p0 $0x1082;
	s9 =	sld [smem:$0x3FB5]  }
0x2f: {  	lr =	sadd.s32 s0, s3;
	s0 =	sld [smem:$0x3FAC]  }
0x30: {  	s3 =	sld [smem:$0x3FAF]  }
0x31: {  	[smem:$0x3FB8] =	sst s10  }
0x32: {  	s10 =	sld [smem:$0x3FB6];
	_ =	sdelay $0x3  }
0x33: {  	p0 =	seq.s32 s10, $0x1;
	s10 =	sld [smem:$0x3FB8];
	_ =	sdelay $0x3  }
0x34: {  	[smem:$0x3FB8] =	sst s10  }
0x35: {  	s10 =	sld [smem:$0x3FB7];
	_ =	sdelay $0x3  }
0x36: {  	p1 =	seq.s32 s10, $0x1;
	s10 =	sld [smem:$0x3FB8];
	_ =	sdelay $0x3  }
0x37: {  	[smem:$0x3FB8] =	sst s10  }
0x38: {  	s10 =	sld [smem:$0x3FB9]  }
0x39: {  	_ = 	snop;
	(pc) =	sbr.ind lr, $3  }
0x3a: {  	_ = 	snop  }
0x3b: {  	_ = 	snop  }
0x3c: {  	p2 =	seq.s32 s10, $0x1;
	s10 =	sld [smem:$0x3FB8]  }
0x3d: {  	_ =	shalt  }
0x3e: {  	_ =	shalt  }
0x3f: {  	_ =	shalt  }
0x40: {  	_ =	shalt  }
0x41: {  	_ =	shalt  }
0x42: {  	_ =	shalt  }
0x43: {  	_ =	shalt  }
0x44: {  	_ =	shalt  }
0x45: {  	_ =	shalt  }
0x46: {  	_ =	shalt  }
0x47: {  	_ =	shalt  }
0x48: {  	_ =	shalt  }
0x49: {  	_ =	shalt  }
0x4a: {  	_ =	shalt  }
0x4b: {  	_ =	shalt  }
0x4c: {  	_ =	shalt  }
0x4d: {  	_ =	shalt  }
0x4e: {  	_ =	shalt  }
0x4f: {  	_ =	shalt  }
0x50: {  	_ =	shalt  }
0x51: {  	_ =	shalt  }
0x52: {  	_ =	shalt  }
0x53: {  	_ =	shalt  }
0x54: {  	_ =	shalt  }
0x55: {  	_ =	shalt  }
0x56: {  	_ =	shalt  }
0x57: {  	_ =	shalt  }
0x58: {  	_ =	shalt  }
0x59: {  	_ =	shalt  }
0x5a: {  	_ =	shalt  }
0x5b: {  	_ =	shalt  }
0x5c: {  	_ =	shalt  }
0x5d: {  	_ =	shalt  }
0x5e: {  	_ =	shalt  }
0x5f: {  	_ =	shalt  }
0x60: {  	_ =	shalt  }
0x61: {  	_ =	shalt  }
0x62: {  	_ =	shalt  }
0x63: {  	_ =	shalt  }
0x64: {  	_ =	shalt  }
0x65: {  	_ =	shalt  }
0x66: {  	_ =	shalt  }
0x67: {  	_ =	shalt  }
0x68: {  	_ =	shalt  }
0x69: {  	_ =	shalt  }
0x6a: {  	_ =	shalt  }
0x6b: {  	_ =	shalt  }
0x6c: {  	_ =	shalt  }
0x6d: {  	_ =	shalt  }
0x6e: {  	_ =	shalt  }
0x6f: {  	_ =	shalt  }
0x70: {  	_ =	shalt  }
0x71: {  	_ =	shalt  }
0x72: {  	_ =	shalt  }
0x73: {  	_ =	shalt  }
0x74: {  	_ =	shalt  }
0x75: {  	_ =	shalt  }
0x76: {  	_ =	shalt  }
0x77: {  	_ =	shalt  }
0x78: {  	_ =	shalt  }
0x79: {  	_ =	shalt  }
0x7a: {  	_ =	shalt  }
0x7b: {  	_ =	shalt  }
0x7c: {  	_ =	shalt  }
0x7d: {  	_ =	shalt  }
0x7e: {  	_ =	shalt  }
0x7f: {  	_ =	shalt  }
0x80: {  	_ =	shalt  }
0x81: {  	_ =	shalt  }
0x82: {  	_ =	shalt  }
0x83: {  	_ =	shalt  }
0x84: {  	_ =	shalt  }
0x85: {  	_ =	shalt  }
0x86: {  	_ =	shalt  }
0x87: {  	_ =	shalt  }
.Lfunc_end0:
.L_simem_size_0:
called_computation_lowered:
.L_overlay_start_0:
0x88: {  	s2 =	sld [smem:$0x3FD9]  }
0x89: {  	s3 =	sld [smem:$0x3FFE];
	_ =	sdelay $0x1  }
0x8a: {  	s1 =	srdreg.scid  }
0x8b: {  	s0 =	sand.u32 $0x1, s1  }
0x8c: {  	s14 =	sshll.u32 s0, $0xA;
	s2 =	sadd.s32 s3, s2  }
0x8d: {  	s2 =	sadd.s32 s2, s14  }
0x8e: {  	[smem:$0x3FC4] =	sst s2  }
0x8f: {  	_ = 	snop  }
0x90: {  	s2 =	sld [smem:$0x3FD0];
	_ =	sdelay $0x2  }
0x91: {  	s15 =	simm.s32 $0xA;
	s4 =	simm.s32 $0x10  }
0x92: {  	[smem:s4], [sflag:s15] =	dma.local [hbm:s2], $0x1  }
0x93: {  	_ =	swait.eq [sflag:s15], $0x1  }
0x94: {  	[sflag:s15] =	ssyncset.done $0x0  }
0x95: {  	s16 =	sld [smem:$0x12];
	[sflag:s15] =	ssyncadd.s32 $0xFFFFFFFF  }
0x96: {  	s17 =	sld [smem:$0x13];
	(tm) =	ssettm $0x1  }
0x97: {  	s18 =	sld [smem:$0x3FFB];
	_ =	sdelay $0x3  }
0x98: {  	_ =	strace s18  }
0x99: {  	s4 =	sld [smem:$0x3FFC];
	_ =	sdelay $0x3  }
0x9a: {  	_ =	strace s4  }
0x9b: {  	s4 =	sld [smem:$0x3FFD];
	_ =	sdelay $0x3  }
0x9c: {  	_ =	strace s4  }
0x9d: {  	_ =	strace $0x8FFFFFFF  }
0x9e: {  	s19 =	sld [smem:$0x3FDB];
	_ =	sdelay $0x1  }
0x9f: {  	s5 =	simm.s32 $_scs_section_size  }
0xa0: {  	s6 =	simm.s32 $_size__tile_overlayer_lowered;
	s7 =	simm.s32 $_tile_overlayer_lowered  }
0xa1: {  	s22 =	simm.s32 $0x1BFF;
	s21 =	sshll.u32 s7, $0x1;
	s4 =	sadd.s32 s5, s19  }
0xa2: {  	s8 =	simm.s32 $0x0;
	s20 =	sshll.u32 s6, $0x1;
	s6 =	sadd.s32 s21, s4  }
0xa3: {  	[timem:s8], [sflag:s22] =	dma.local [hbm:s6], s20  }
0xa4: {  	_ =	swait.ge [sflag:s22], s20  }
0xa5: {  	s5 =	ssub.s32 $0x0, s20;
	[sflag:s22] =	ssyncset.done $0x0  }
0xa6: {  	[sflag:s22] =	ssyncadd.s32 s5;
	_ =	sdelay $0x1  }
0xa7: {  	s23 =	simm.s32 $0x1B8B  }
0xa8: {  	_ =	swait.ge [sflag:s23], $0x1  }
0xa9: {  	[sflag:s23] =	ssyncset.done $0x0  }
0xaa: {  	s25 =	simm.s32 $0x1B8E;
	s24 =	sld [smem:$0x3FFE];
	[sflag:s23] =	ssyncadd.s32 $0xFFFFFFFF  }
0xab: {  	s26 =	simm.s32 $execute0_lowered;
	[smem:$0x3FD2] =	sst s25  }
0xac: {  	s6 =	sshll.u32 s26, $0x1;
	_ =	strace $0x80000046;
	[dreg:$0x1] =	wrdreg $0xFFFFFFFF  }
0xad: {  	s28 =	simm.s32 $_size_execute0_lowered;
	s4 =	sadd.s32 s4, s6;
	[dreg:$0x0] =	wrdreg $0x0  }
0xae: {  	s6 =	sshll.u32 s28, $0x1;
	[dreg:$0x2] =	wrdreg s4  }
0xaf: {  	[dreg:$0x3] =	wrdreg s6  }
0xb0: {  	[dreg:$0x4] =	wrdreg $0xC0  }
0xb1: {  	_ =	task [dreg:s8], $0x5FFFF  }
0xb2: {  	[dreg:$0x1] =	wrdreg $0xFFFFFFFF  }
0xb3: {  	[dreg:$0x0] =	wrdreg $0x60  }
0xb4: {  	[dreg:$0x2] =	wrdreg s24  }
0xb5: {  	[dreg:$0x3] =	wrdreg s17  }
0xb6: {  	[dreg:$0x4] =	wrdreg s16  }
0xb7: {  	[dreg:$0x5] =	wrdreg $0x9  }
0xb8: {  	_ =	task.clear_ibuf [dreg:s8], $0x6FFFF;
	_ =	strace $0x90000046  }
0xb9: {  	s29 =	simm.s32 $0x9;
	_ =	strace $0x80000048  }
0xba: {  	_ =	swait.ge [sflag:s29], $0x1  }
0xbb: {  	[sflag:s29] =	ssyncadd.s32 $0xFFFFFFFF  }
0xbc: {  	_ =	strace $0x90000048  }
0xbd: {  	_ =	sfence  }
0xbe: {  	s30 =	sld [smem:$0x0];
	_ =	sdelay $0x2  }
0xbf: {  	s31 =	sshll.u32 s1, $0xD;
	s1 =	sshrl.u32 s1, $0x2  }
0xc0: {  	s3 =	sand.u32 $0x4000, s31;
	s1 =	sadd.s32 s1, s30  }
0xc1: {  	s0 =	sor.u32 s3, s0;
	s1 =	sshll.u32 s1, $0x11  }
0xc2: {  	s0 =	sor.u32 s1, s0  }
0xc3: {  	s0 =	sadd.s32 $0x8F2B, s0  }
0xc4: {  	[sflag:s0] =	ssyncadd.remote.s32 $0x1  }
0xc5: {  	_ =	sfence.sel $0xFFFF  }
0xc6: {  	[dreg:$0x0] =	wrdreg $0xFFFFFFFF;
	(pc) =	sbr.abs _section_cstart, $3  }
0xc7: {  	[dreg:$0x1] =	wrdreg $0xFFFFFFFF  }
0xc8: {  	_ =	task.clear_ibuf [dreg:s8], $0x2FFFF;
	_ =	strace $0x9FFFFFFF  }
0xc9: {  	(tm) =	ssettm $0x7FFFFFFF  }
tec
execute0_lowered:
.L_overlay_start_1:
0x0: {  	(tag) =	ssettag $0x1  }
0x1: {  	s17 =	rddreg [dreg:$0x0]  }
0x2: {  	s2 =	rddreg [dreg:$0x1]  }
0x3: {  	s0 =	srdreg.scid;
	s5 =	simm.s32 $0x0;
	s13 =	stileid.u32  }
0x4: {  	s0 =	sand.u32 $0x1, s0;
	[smem:$0x7FF] =	sst s5;
	s6 =	sadd.s32 $0x92C00, s17  }
0x5: {  	s9 =	sand.u32 $0x3, s13;
	s14 =	sadd.s32 $0x31000, s17;
	s24 =	sshrl.u32 s13, $0x2  }
0x6: {  	s22 =	sand.u32 $0xC, s13;
	s1 =	sshll.u32 s0, $0x4;
	s25 =	smul.u32 $0xC3500, s9  }
0x7: {  	_ =	strace $0x80000047;
	s8 =	sshll.u32 s0, $0x2;
	s10 =	smul.u32 $0x61A800, s9  }
0x8: {  	s0 =	ssub.s32 $0x2, s0;
	s11 =	smul.u32 $0x186A0, s9;
	s3 =	sor.u32 s13, s1  }
0x9: {  	[dreg:$0x4] =	wrdreg s14;
	s26 =	sshrl.u32 s0, $0x1;
	s4 =	sshll.u32 s3, $0x1  }
0xa: {  	s15 =	sadd.s32 $0x30D400, s25;
	s16 =	sadd.s32 s6, s11;
	s20 =	sadd.s32 s14, s11  }
0xb: {  	s7 =	sadd.s32 s4, s17;
	s4 =	sor.u32 s24, s8;
	[dreg:$0x7] =	wrdreg s16  }
0xc: {  	s8 =	ssub.s32 s0, s26;
	[dreg:$0x6] =	wrdreg s15;
	s0 =	sshrl.u32 s15, $0x3  }
0xd: {  	[dreg:$0x9] =	wrdreg s20;
	s12 =	sshll.u32 s4, $0x7;
	s0 =	sadd.s32 s6, s0  }
0xe: {  	s30 =	smul.u32 $0x186A0, s4;
	s7 =	sadd.s32 $0x1B7E00, s7;
	[dreg:$0x8] =	wrdreg s0  }
0xf: {  	p0 =	sne.s32 s3, $0x0;
	s18 =	sor.u32 s10, s12;
	[smem:$0x7F1] =	sst s7  }
0x10: {  	s19 =	sshrl.u32 s30, $0x3;
	s10 =	sadd.s32 $0x800, s18;
	[dreg:$0x5] =	wrdreg s30  }
0x11: {  	s12 =	sadd.s32 $0xC00, s18;
	s23 =	sshrl.u32 s18, $0x3;
	[dreg:$0xb] =	wrdreg s10  }
0x12: {  	s26 =	sadd.s32 $0x1000, s18;
	s15 =	sadd.s32 $0x1400, s18;
	[dreg:$0xc] =	wrdreg s12  }
0x13: {  	s16 =	sadd.s32 $0x1800, s18;
	s21 =	sadd.s32 s17, s19;
	[dreg:$0xd] =	wrdreg s26  }
0x14: {  	s24 =	sshrl.u32 s10, $0x3;
	s10 =	sor.u32 s22, s1;
	[dreg:$0x15] =	wrdreg s15  }
0x15: {  	s23 =	sadd.s32 s2, s23;
	s13 =	sshrl.u32 s12, $0x3;
	[dreg:$0x16] =	wrdreg s16  }
0x16: {  	s1 =	sshrl.u32 s26, $0x3;
	s19 =	sadd.s32 $0x1C00, s18;
	[dreg:$0xa] =	wrdreg s21  }
0x17: {  	s20 =	sshrl.u32 s16, $0x3;
	s22 =	sadd.s32 $0x2000, s18;
	[dreg:$0x1a] =	wrdreg s19  }
0x18: {  	s26 =	sadd.s32 $0x2800, s18;
	s16 =	sadd.s32 $0x3400, s18;
	[dreg:$0x1e] =	wrdreg s22  }
0x19: {  	s11 =	sadd.s32 s2, s24;
	s0 =	sadd.s32 s2, s13;
	[dreg:$0xe] =	wrdreg s23  }
0x1a: {  	s14 =	sadd.s32 s2, s1;
	s21 =	sshrl.u32 s19, $0x3;
	[dreg:$0xf] =	wrdreg s11  }
0x1b: {  	s3 =	sadd.s32 s2, s20;
	s24 =	sadd.s32 $0x2400, s18;
	[dreg:$0x10] =	wrdreg s0  }
0x1c: {  	s13 =	sadd.s32 $0x2C00, s18;
	s29 =	smov.u32 s16;
	[dreg:$0x11] =	wrdreg s14  }
0x1d: {  	s20 =	sshrl.u32 s16, $0x3;
	s0 =	sshrl.u32 s15, $0x3;
	[dreg:$0x13] =	wrdreg s3  }
0x1e: {  	s1 =	sadd.s32 s2, s21;
	[dreg:$0x1f] =	wrdreg s24;
	s3 =	sshrl.u32 s24, $0x3  }
0x1f: {  	s11 =	sshrl.u32 s26, $0x3;
	s14 =	sadd.s32 $0x3000, s18;
	s15 =	smov.u32 s13  }
0x20: {  	s21 =	sadd.s32 s2, s20;
	s24 =	sadd.s32 $0x3C00, s18;
	s0 =	sadd.s32 s2, s0  }
0x21: {  	[dreg:$0x14] =	wrdreg s1;
	s1 =	sshrl.u32 s22, $0x3;
	s12 =	sadd.s32 s2, s11  }
0x22: {  	s28 =	smov.u32 s14;
	s19 =	sshrl.u32 s14, $0x3;
	[dreg:$0x1d] =	wrdreg s21  }
0x23: {  	s22 =	sadd.s32 $0x3800, s18;
	s4 =	smov.u32 s24;
	[dreg:$0x12] =	wrdreg s0  }
0x24: {  	s1 =	sadd.s32 s2, s1;
	s0 =	smov.u32 s26;
	[dreg:$0x19] =	wrdreg s12  }
0x25: {  	s26 =	sadd.s32 $0x4000, s18;
	s14 =	smov.u32 s22;
	s12 =	sshrl.u32 s24, $0x3  }
0x26: {  	[dreg:$0x17] =	wrdreg s1;
	s1 =	sadd.s32 s2, s3;
	s20 =	smov.u32 s26  }
0x27: {  	s3 =	sadd.s32 $0x4C00, s18;
	[dreg:$0x18] =	wrdreg s1;
	s1 =	sshrl.u32 s13, $0x3  }
0x28: {  	s13 =	sshrl.u32 s26, $0x3;
	s26 =	sadd.s32 $0x4800, s18;
	s1 =	sadd.s32 s2, s1  }
0x29: {  	s24 =	sshrl.u32 s3, $0x3;
	s16 =	sadd.s32 s2, s13;
	[dreg:$0x1b] =	wrdreg s1  }
0x2a: {  	s21 =	sshrl.u32 s26, $0x3;
	s1 =	sadd.s32 s2, s19;
	[smem:$0x7DD] =	sst s16  }
0x2b: {  	s11 =	sadd.s32 s2, s24;
	[dreg:$0x1c] =	wrdreg s1;
	s1 =	sshrl.u32 s22, $0x3  }
0x2c: {  	[smem:$0x7E0] =	sst s11;
	s22 =	sadd.s32 $0x4400, s18;
	s1 =	sadd.s32 s2, s1  }
0x2d: {  	s19 =	sshrl.u32 s22, $0x3;
	[smem:$0x7DB] =	sst s1;
	s1 =	sadd.s32 s2, s12  }
0x2e: {  	[smem:$0x7DC] =	sst s1;
	s1 =	sadd.s32 s2, s19;
	s19 =	sadd.s32 $0x5800, s18  }
0x2f: {  	[smem:$0x7DE] =	sst s1;
	s1 =	sadd.s32 s2, s21;
	s21 =	sadd.s32 $0x5000, s18  }
0x30: {  	s16 =	sshrl.u32 s19, $0x3;
	[smem:$0x7DF] =	sst s1;
	s1 =	sadd.s32 $0x5400, s18  }
0x31: {  	s12 =	sshrl.u32 s21, $0x3;
	s24 =	sadd.s32 s2, s16;
	s16 =	smul.u32 $0x186A0, s10  }
0x32: {  	s11 =	sadd.s32 s2, s12;
	s13 =	sshrl.u32 s1, $0x3;
	[smem:$0x7E3] =	sst s24  }
0x33: {  	s24 =	smul.u32 $0x61A8, s9;
	[smem:$0x7E1] =	sst s11;
	s11 =	sadd.s32 s2, s13  }
0x34: {  	s13 =	sadd.s32 $0x5C00, s18;
	s31 =	sadd.s32 $0x186A0, s16;
	[smem:$0x7EB] =	sst s16  }
0x35: {  	[smem:$0x7E2] =	sst s11;
	s11 =	sor.u32 s9, s10;
	s9 =	sshrl.u32 s13, $0x3  }
0x36: {  	s12 =	sadd.s32 $0x6000, s18;
	[smem:$0x7E7] =	sst s31;
	s9 =	sadd.s32 s2, s9  }
0x37: {  	s10 =	sshrl.u32 s12, $0x3;
	[smem:$0x7E4] =	sst s9;
	s9 =	smul.u32 $0x30D4, s11  }
0x38: {  	[smem:$0x7F5] =	sst s24;
	s10 =	sadd.s32 s2, s10;
	s11 =	sadd.s32 $0x156200, s17  }
0x39: {  	[smem:$0x7E5] =	sst s10;
	s9 =	sadd.s32 s11, s9  }
0x3a: {  	s10 =	sadd.s32 s24, s16;
	[smem:$0x7E6] =	sst s9  }
0x3b: {  	s9 =	sshrl.u32 s10, $0x3;
	s10 =	sadd.s32 s24, s31;
	s31 =	sadd.s32 $0x18800, s17  }
0x3c: {  	s9 =	sadd.s32 s11, s9;
	[smem:$0x7EF] =	sst s31  }
0x3d: {  	[smem:$0x7E8] =	sst s9;
	s9 =	sshrl.u32 s10, $0x3;
	s10 =	sadd.s32 $0x30D40, s16  }
0x3e: {  	s16 =	sadd.s32 $0x493E0, s16;
	[smem:$0x7EA] =	sst s10  }
0x3f: {  	s9 =	sadd.s32 s11, s9;
	s10 =	sadd.s32 s24, s10;
	[smem:$0x7EC] =	sst s16  }
0x40: {  	[smem:$0x7E9] =	sst s9;
	s9 =	sshrl.u32 s10, $0x3;
	s10 =	sadd.s32 s24, s16  }
0x41: {  	s16 =	sadd.s32 s24, s30;
	s10 =	sshrl.u32 s10, $0x3;
	s9 =	sadd.s32 s11, s9  }
0x42: {  	s16 =	sshrl.u32 s16, $0x3;
	[smem:$0x7ED] =	sst s9;
	s10 =	sadd.s32 s11, s10  }
0x43: {  	s16 =	sadd.s32 s31, s16;
	s31 =	smov.u32 s18;
	[smem:$0x7EE] =	sst s10  }
0x44: {  	s9 =	sor.u32 $0x400, s18;
	s18 =	sadd.s32 $0x80, s23;
	[smem:$0x7F0] =	sst s16  }
0x45: {  	s23 =	sadd.s32 $0x7D0, s24;
	[smem:$0x7F4] =	sst s18  }
0x46: {  	s24 =	sadd.s32 $0x30D4, s17;
	[smem:$0x7F6] =	sst s23  }
0x47: {  	s10 =	smax.u32 s8, $0x1;
	[smem:$0x7F7] =	sst s24  }
0x48: {  	s16 =	sadd.s32 $0x1900, s25;
	[smem:$0x7F2] =	sst s10  }
0x49: {  	s8 =	sadd.s32 $0x61A8, s17;
	[smem:$0x7F3] =	sst s16  }
0x4a: {  	s18 =	sadd.s32 $0xF424, s17;
	[smem:$0x7F8] =	sst s8  }
.Ltmp0:
0x4b: {  	s23 =	sadd.s32 $0x124F8, s17;
	[smem:$0x7FB] =	sst s18;
	(pc) =	sbr.rel .LBB2_1-.Ltmp0, $4  }
0x4c: {  	s24 =	sadd.s32 $0x155CC, s17;
	[smem:$0x7FC] =	sst s23  }
0x4d: {  	s10 =	sadd.s32 $0x927C, s17;
	[smem:$0x7FD] =	sst s24  }
0x4e: {  	s7 =	simm.s32 $0x1;
	s16 =	sadd.s32 $0xC350, s17;
	[smem:$0x7F9] =	sst s10  }
0x4f: {  	v0 =	vimm.f32 $0.0e+00;
	vm0 =	vmmov $0xf;
	s8 =	simm.s32 $0x2;
	s18 =	simm.s32 $0x0;
	[smem:$0x7FA] =	sst s16  }
.LBB2_26:
0x50: {  	s10 =	sld [smem:$0x7F1];
	_ =	sdelay $0x1  }
.Ltmp1:
0x51: {  	s16 =	simm.s32 $0x2760;
	s30 =	simm.s32 $0x5;
	(pc) =	sbr.rel @!p0 .LBB2_27-.Ltmp1, $4  }
0x52: {  	[hbm4b:s10+s5] =	stream.linear.scatter [tilespmem:s16], [sflag:$0x5], $0x10, $0x38;
	[tilespmem:$0x1EB00] =	vst v63  }
0x53: {  	_ =	swait.ge [sflag:s30], $0x10  }
0x54: {  	[sflag:s30] =	ssyncset.done $0x0  }
0x55: {  	s18 =	sld [smem:$0x7DA];
	[sflag:s30] =	ssyncadd.s32 $0xFFFFFFF0  }
.LBB2_28:
0x56: {  	s10 =	sld [smem:$0x7F2];
	_ =	sdelay $0x1  }
0x57: {  	s18 =	sadd.s32 $0x1, s18  }
0x58: {  	p1 =	sne.s32 s18, s10  }
.Ltmp2:
0x59: {  	_ = 	snop;
	(pc) =	sbr.rel @!p1 .LBB2_29-.Ltmp2, $1  }
0x5a: {  	_ =	sdelay $0x3  }
.LBB2_1:
0x5b: {  	[smem:$0x7DA] =	sst s18  }
0x5c: {  	s10 =	rddreg [dreg:$0x7];
	s16 =	simm.s32 $0x1A000  }
0x5d: {  	[tilespmem:s16], [sflag:$0x1] =	stream.linear.gather [hbm4b:s10+s5], $0xC80, $0x38;
	[tilespmem:$0x1EB00] =	vst v63  }
0x5e: {  	s17 =	simm.s32 $0x1B900;
	s16 =	rddreg [dreg:$0x8]  }
0x5f: {  	[tilespmem:s17], [sflag:$0x1] =	stream.linear.gather [hbm4b:s16+s5], $0xC80, $0x38;
	[tilespmem:$0x1EB00] =	vst v63  }
0x60: {  	s18 =	rddreg [dreg:$0x9];
	s23 =	simm.s32 $0x18700  }
0x61: {  	[tilespmem:s23], [sflag:$0x1] =	stream.linear.gather [hbm4b:s18+s5], $0xC80, $0x38;
	[tilespmem:$0x1EB00] =	vst v63  }
0x62: {  	s24 =	rddreg [dreg:$0xa];
	s30 =	simm.s32 $0x5  }
0x63: {  	[tilespmem:s5], [sflag:$0x5] =	stream.linear.gather [hbm4b:s24+s5], $0x186A0, $0x38;
	[tilespmem:$0x1EB00] =	vst v63  }
0x64: {  	_ =	swait.ge [sflag:s30], $0x186A0  }
0x65: {  	[sflag:s30] =	ssyncset.done $0x0  }
0x66: {  	s16 =	simm.s32 $0x0;
	[sflag:s30] =	ssyncadd.s32 $0xFFFE7960  }
.LBB2_2:
0x67: {  	s17 =	sshllo.u32 s16, $0x1  }
0x68: {  	s10 =	smul.u32 $0xC80, s17;
	_ =	sdelay $0x1  }
0x69: {  	s10 =	sadd.s32 s25, s10  }
0x6a: {  	s10 =	sshrl.u32 s10, $0x3  }
0x6b: {  	s30 =	smov.u32 s25;
	s23 =	simm.s32 $0x1AC80;
	s18 =	sadd.s32 s6, s10  }
0x6c: {  	[tilespmem:s23], [sflag:$0x2] =	stream.linear.gather [hbm4b:s18+s5], $0xC80, $0x38;
	[tilespmem:$0x1EB00] =	vst v63  }
0x6d: {  	s25 =	simm.s32 $0x1C580;
	s18 =	sadd.s32 $0x61A80, s18;
	s23 =	rddreg [dreg:$0x4]  }
0x6e: {  	[tilespmem:s25], [sflag:$0x2] =	stream.linear.gather [hbm4b:s18+s5], $0xC80, $0x38;
	[tilespmem:$0x1EB00] =	vst v63  }
0x6f: {  	s24 =	simm.s32 $0x19380;
	s10 =	sadd.s32 s23, s10  }
0x70: {  	[tilespmem:s24], [sflag:$0x2] =	stream.linear.gather [hbm4b:s10+s5], $0xC80, $0x38;
	[tilespmem:$0x1EB00] =	vst v63  }
0x71: {  	_ =	swait.ge [sflag:s7], $0xC80  }
0x72: {  	[sflag:s7] =	ssyncset.done $0x0  }
0x73: {  	[sflag:s7] =	ssyncadd.s32 $0xFFFFF380  }
0x74: {  	_ =	swait.ge [sflag:s7], $0xC80  }
0x75: {  	[sflag:s7] =	ssyncset.done $0x0  }
0x76: {  	[sflag:s7] =	ssyncadd.s32 $0xFFFFF380  }
0x77: {  	_ =	swait.ge [sflag:s7], $0xC80  }
0x78: {  	p1 =	seq.s32 s16, $0x0;
	[sflag:s7] =	ssyncset.done $0x0  }
0x79: {  	s10 =	simm.s32 @!p1 $0x3;
	[sflag:s7] =	ssyncadd.s32 $0xFFFFF380  }
0x7a: {  	_ =	swait.ge @!p1 [sflag:s10], $0xC80  }
0x7b: {  	[sflag:s10] =	ssyncset.done @!p1 $0x0  }
0x7c: {  	s25 =	simm.s32 $0x1A040;
	[sflag:s10] =	ssyncadd.s32 @!p1 $0xFFFFF380  }
0x7d: {  	s10 =	simm.s32 $0x1B940;
	v1 =	vld [tilespmem:s25+$0x30]  }
0x7e: {  	v2 =	vld [tilespmem:s10+$0x30]  }
0x7f: {  	v3 =	vld [tilespmem:s10+$0xFFFFFFC0]  }
0x80: {  	v4 =	vld [tilespmem:s25+$0xFFFFFFD0]  }
0x81: {  	v5 =	vld [tilespmem:s10+$0xFFFFFFD0]  }
0x82: {  	v6 =	vld [tilespmem:s25+$0xFFFFFFE0]  }
0x83: {  	v7 =	vld [tilespmem:s10+$0xFFFFFFE0]  }
0x84: {  	v8 =	vld [tilespmem:s25+$0xFFFFFFF0]  }
0x85: {  	v9 =	vld [tilespmem:s10+$0xFFFFFFF0]  }
0x86: {  	s18 =	simm.s32 $0x18740;
	v10 =	vld [tilespmem:s25+$0x0]  }
0x87: {  	v11 =	vld [tilespmem:s18+$0x30]  }
0x88: {  	v12 =	vld [tilespmem:s10+$0x0]  }
0x89: {  	v13 =	vld [tilespmem:s25+$0x10]  }
0x8a: {  	v14 =	vld [tilespmem:s10+$0x10]  }
0x8b: {  	v15 =	vld [tilespmem:s25+$0x20]  }
0x8c: {  	v16 =	vld [tilespmem:s10+$0x20]  }
0x8d: {  	v17 =	vld [tilespmem:s25+$0xFFFFFFC0]  }
0x8e: {  	v19 =	vld [tilespmem:s18+$0xFFFFFFC0]  }
0x8f: {  	v20 =	vld [tilespmem:s18+$0xFFFFFFD0]  }
0x90: {  	v1 =	vld.idx.msk [tilespmem:v1+s5+$0x0], $0xffff  }
0x91: {  	v2 =	vld.idx.msk [tilespmem:v2+s5+$0x0], $0xffff  }
0x92: {  	v3 =	vld.idx.msk [tilespmem:v3+s5+$0x0], $0xffff  }
0x93: {  	v4 =	vld.idx.msk [tilespmem:v4+s5+$0x0], $0xffff  }
0x94: {  	v5 =	vld.idx.msk [tilespmem:v5+s5+$0x0], $0xffff  }
0x95: {  	v6 =	vld.idx.msk [tilespmem:v6+s5+$0x0], $0xffff  }
0x96: {  	v7 =	vld.idx.msk [tilespmem:v7+s5+$0x0], $0xffff  }
0x97: {  	v8 =	vld.idx.msk [tilespmem:v8+s5+$0x0], $0xffff  }
0x98: {  	v18 =	vld.idx.msk [tilespmem:v9+s5+$0x0], $0xffff  }
0x99: {  	v17 =	vld.idx.msk [tilespmem:v17+s5+$0x0], $0xffff  }
0x9a: {  	v10 =	vld.idx.msk [tilespmem:v10+s5+$0x0], $0xffff  }
0x9b: {  	v12 =	vld.idx.msk [tilespmem:v12+s5+$0x0], $0xffff  }
0x9c: {  	v13 =	vld.idx.msk [tilespmem:v13+s5+$0x0], $0xffff  }
0x9d: {  	v14 =	vld.idx.msk [tilespmem:v14+s5+$0x0], $0xffff  }
0x9e: {  	v15 =	vld.idx.msk [tilespmem:v15+s5+$0x0], $0xffff  }
0x9f: {  	v16 =	vld.idx.msk [tilespmem:v16+s5+$0x0], $0xffff;
	v2 =	vsub.f32 v1, v2  }
0xa0: {  	v9 =	vld [tilespmem:s18+$0xFFFFFFE0];
	v21 =	vsub.f32 v4, v5  }
0xa1: {  	v1 =	vsub.f32 v6, v7;
	v6 =	vld [tilespmem:s18+$0xFFFFFFF0];
	v5 =	vmul.f32 v2, v11;
	v11 =	vsub.f32 v17, v3  }
0xa2: {  	v7 =	vld [tilespmem:s18+$0x0]  }
0xa3: {  	s23 =	simm.s32 $0x1D240;
	v2 =	vsub.f32 v8, v18;
	v3 =	vsub.f32 v10, v12;
	v8 =	vld [tilespmem:s18+$0x10];
	v12 =	vmul.f32 v11, v19  }
0xa4: {  	s24 =	simm.s32 $0x0;
	s25 =	simm.s32 $0x1A0C0;
	v4 =	vsub.f32 v13, v14;
	v10 =	vld [tilespmem:s18+$0x20];
	[tilespmem:s23+$0x30] =	vst v5;
	v5 =	vsub.f32 v15, v16;
	v11 =	vmul.f32 v21, v20  }
.LBB2_3:
0xa5: {  	v13 =	vld [tilespmem:s25+$0x30];
	[tilespmem:s23+$0xFFFFFFC0] =	vst v12;
	v1 =	vmul.f32 v1, v9;
	s10 =	sadd.s32 $0x80, s10  }
0xa6: {  	s24 =	sadd.s32 $0x80, s24;
	v9 =	vld [tilespmem:s10+$0x30];
	[tilespmem:s23+$0xFFFFFFD0] =	vst v11;
	v2 =	vmul.f32 v2, v6  }
0xa7: {  	p2 =	slt.u32 s24, $0xC00;
	v6 =	vld [tilespmem:s10+$0xFFFFFFC0];
	[tilespmem:s23+$0xFFFFFFE0] =	vst v1;
	v1 =	vmul.f32 v3, v7  }
0xa8: {  	v3 =	vld [tilespmem:s25+$0xFFFFFFD0];
	[tilespmem:s23+$0xFFFFFFF0] =	vst v2;
	v2 =	vmul.f32 v4, v8  }
0xa9: {  	v4 =	vld [tilespmem:s10+$0xFFFFFFD0];
	[tilespmem:s23+$0x0] =	vst v1;
	v1 =	vmul.f32 v5, v10  }
0xaa: {  	v5 =	vld [tilespmem:s25+$0xFFFFFFE0];
	[tilespmem:s23+$0x10] =	vst v2  }
0xab: {  	v2 =	vld [tilespmem:s10+$0xFFFFFFE0];
	[tilespmem:s23+$0x20] =	vst v1  }
0xac: {  	v1 =	vld [tilespmem:s25+$0xFFFFFFF0]  }
0xad: {  	v7 =	vld.idx.msk [tilespmem:v13+s5+$0x0], $0xffff  }
0xae: {  	v8 =	vld.idx.msk [tilespmem:v9+s5+$0x0], $0xffff  }
0xaf: {  	v9 =	vld [tilespmem:s10+$0xFFFFFFF0]  }
0xb0: {  	s18 =	sadd.s32 $0x80, s18;
	v10 =	vld [tilespmem:s25+$0x0]  }
0xb1: {  	v11 =	vld [tilespmem:s18+$0x30]  }
0xb2: {  	v12 =	vld [tilespmem:s10+$0x0]  }
0xb3: {  	v13 =	vld [tilespmem:s25+$0x10]  }
0xb4: {  	v7 =	vsub.f32 v7, v8;
	v14 =	vld [tilespmem:s10+$0x10]  }
0xb5: {  	v8 =	vld [tilespmem:s25+$0x20]  }
0xb6: {  	v15 =	vld [tilespmem:s10+$0x20];
	v7 =	vmul.f32 v7, v11  }
0xb7: {  	s23 =	sadd.s32 $0x80, s23;
	v11 =	vld [tilespmem:s25+$0xFFFFFFC0]  }
0xb8: {  	v6 =	vld.idx.msk [tilespmem:v6+s5+$0x0], $0xffff;
	[tilespmem:s23+$0x30] =	vst v7  }
0xb9: {  	v3 =	vld.idx.msk [tilespmem:v3+s5+$0x0], $0xffff  }
0xba: {  	v4 =	vld.idx.msk [tilespmem:v4+s5+$0x0], $0xffff  }
0xbb: {  	v5 =	vld.idx.msk [tilespmem:v5+s5+$0x0], $0xffff  }
0xbc: {  	v2 =	vld.idx.msk [tilespmem:v2+s5+$0x0], $0xffff  }
0xbd: {  	v7 =	vld.idx.msk [tilespmem:v1+s5+$0x0], $0xffff  }
0xbe: {  	v9 =	vld.idx.msk [tilespmem:v9+s5+$0x0], $0xffff  }
0xbf: {  	v11 =	vld.idx.msk [tilespmem:v11+s5+$0x0], $0xffff  }
0xc0: {  	v16 =	vsub.f32 v3, v4;
	v3 =	vld.idx.msk [tilespmem:v10+s5+$0x0], $0xffff  }
0xc1: {  	v4 =	vld.idx.msk [tilespmem:v12+s5+$0x0], $0xffff  }
0xc2: {  	v1 =	vsub.f32 v5, v2;
	v5 =	vld.idx.msk [tilespmem:v13+s5+$0x0], $0xffff  }
0xc3: {  	v10 =	vld.idx.msk [tilespmem:v14+s5+$0x0], $0xffff  }
0xc4: {  	v2 =	vsub.f32 v7, v9;
	v13 =	vld.idx.msk [tilespmem:v8+s5+$0x0], $0xffff  }
0xc5: {  	v8 =	vsub.f32 v11, v6;
	v11 =	vld.idx.msk [tilespmem:v15+s5+$0x0], $0xffff  }
0xc6: {  	v12 =	vld [tilespmem:s18+$0xFFFFFFC0]  }
0xc7: {  	v3 =	vsub.f32 v3, v4;
	v14 =	vld [tilespmem:s18+$0xFFFFFFD0]  }
.Ltmp3:
0xc8: {  	v9 =	vld [tilespmem:s18+$0xFFFFFFE0];
	(pc) =	sbr.rel @p2 .LBB2_3-.Ltmp3, $4  }
0xc9: {  	v4 =	vsub.f32 v5, v10;
	v6 =	vld [tilespmem:s18+$0xFFFFFFF0]  }
0xca: {  	v7 =	vld [tilespmem:s18+$0x0]  }
0xcb: {  	v5 =	vsub.f32 v13, v11;
	v12 =	vmul.f32 v8, v12;
	v8 =	vld [tilespmem:s18+$0x10]  }
0xcc: {  	s25 =	sadd.s32 $0x80, s25;
	v11 =	vmul.f32 v16, v14;
	v10 =	vld [tilespmem:s18+$0x20]  }
0xcd: {  	[tilespmem:s23+$0xFFFFFFC0] =	vst v12;
	v1 =	vmul.f32 v1, v9  }
0xce: {  	[tilespmem:s23+$0xFFFFFFD0] =	vst v11;
	v2 =	vmul.f32 v2, v6  }
0xcf: {  	s10 =	smul.u32 $0xC800, s16;
	[tilespmem:s23+$0xFFFFFFE0] =	vst v1;
	v1 =	vmul.f32 v3, v7  }
0xd0: {  	[tilespmem:s23+$0xFFFFFFF0] =	vst v2;
	v2 =	vmul.f32 v4, v8  }
0xd1: {  	s18 =	sadd.s32 s31, s10;
	[tilespmem:s23+$0x0] =	vst v1;
	v1 =	vmul.f32 v5, v10  }
0xd2: {  	s18 =	sshrl.u32 s18, $0x3;
	[tilespmem:s23+$0x10] =	vst v2  }
0xd3: {  	s25 =	simm.s32 $0x1D200;
	s24 =	sadd.s32 s10, s9;
	s18 =	sadd.s32 s2, s18;
	[tilespmem:s23+$0x20] =	vst v1  }
0xd4: {  	[hbm4b:s18+s5] =	stream.linear.scatter [tilespmem:s25], [sflag:$0x3], $0x80, $0x38;
	[tilespmem:$0x1EB00] =	vst v63  }
0xd5: {  	s18 =	sshrl.u32 s24, $0x3  }
0xd6: {  	s25 =	simm.s32 $0x1D280;
	s24 =	rddreg [dreg:$0xb];
	s18 =	sadd.s32 s2, s18  }
0xd7: {  	[hbm4b:s18+s5] =	stream.linear.scatter [tilespmem:s25], [sflag:$0x3], $0x80, $0x38;
	[tilespmem:$0x1EB00] =	vst v63  }
0xd8: {  	s18 =	sadd.s32 s10, s24  }
0xd9: {  	s18 =	sshrl.u32 s18, $0x3  }
0xda: {  	s25 =	simm.s32 $0x1D300;
	s24 =	rddreg [dreg:$0xc];
	s18 =	sadd.s32 s2, s18  }
0xdb: {  	[hbm4b:s18+s5] =	stream.linear.scatter [tilespmem:s25], [sflag:$0x3], $0x80, $0x38;
	[tilespmem:$0x1EB00] =	vst v63  }
0xdc: {  	s18 =	sadd.s32 s10, s24  }
0xdd: {  	s18 =	sshrl.u32 s18, $0x3  }
0xde: {  	s25 =	simm.s32 $0x1D380;
	s24 =	rddreg [dreg:$0xd];
	s18 =	sadd.s32 s2, s18  }
0xdf: {  	[hbm4b:s18+s5] =	stream.linear.scatter [tilespmem:s25], [sflag:$0x3], $0x80, $0x38;
	[tilespmem:$0x1EB00] =	vst v63  }
0xe0: {  	s18 =	sadd.s32 s10, s24  }
0xe1: {  	s18 =	sshrl.u32 s18, $0x3  }
0xe2: {  	s25 =	simm.s32 $0x1D400;
	s24 =	rddreg [dreg:$0x15];
	s18 =	sadd.s32 s2, s18  }
0xe3: {  	[hbm4b:s18+s5] =	stream.linear.scatter [tilespmem:s25], [sflag:$0x3], $0x80, $0x38;
	[tilespmem:$0x1EB00] =	vst v63  }
0xe4: {  	s18 =	sadd.s32 s10, s24  }
0xe5: {  	s18 =	sshrl.u32 s18, $0x3  }
0xe6: {  	s25 =	simm.s32 $0x1D480;
	s24 =	rddreg [dreg:$0x16];
	s18 =	sadd.s32 s2, s18  }
0xe7: {  	[hbm4b:s18+s5] =	stream.linear.scatter [tilespmem:s25], [sflag:$0x3], $0x80, $0x38;
	[tilespmem:$0x1EB00] =	vst v63  }
0xe8: {  	s18 =	sadd.s32 s10, s24  }
0xe9: {  	s18 =	sshrl.u32 s18, $0x3  }
0xea: {  	s25 =	simm.s32 $0x1D500;
	s24 =	rddreg [dreg:$0x1a];
	s18 =	sadd.s32 s2, s18  }
0xeb: {  	[hbm4b:s18+s5] =	stream.linear.scatter [tilespmem:s25], [sflag:$0x3], $0x80, $0x38;
	[tilespmem:$0x1EB00] =	vst v63  }
0xec: {  	s18 =	sadd.s32 s10, s24  }
0xed: {  	s18 =	sshrl.u32 s18, $0x3  }
0xee: {  	s25 =	simm.s32 $0x1D580;
	s24 =	rddreg [dreg:$0x1e];
	s18 =	sadd.s32 s2, s18  }
0xef: {  	[hbm4b:s18+s5] =	stream.linear.scatter [tilespmem:s25], [sflag:$0x3], $0x80, $0x38;
	[tilespmem:$0x1EB00] =	vst v63  }
0xf0: {  	s18 =	sadd.s32 s10, s24  }
0xf1: {  	s18 =	sshrl.u32 s18, $0x3  }
0xf2: {  	s25 =	simm.s32 $0x1D600;
	s24 =	rddreg [dreg:$0x1f];
	s18 =	sadd.s32 s2, s18  }
0xf3: {  	[hbm4b:s18+s5] =	stream.linear.scatter [tilespmem:s25], [sflag:$0x3], $0x80, $0x38;
	[tilespmem:$0x1EB00] =	vst v63  }
0xf4: {  	s18 =	sadd.s32 s10, s24  }
0xf5: {  	s18 =	sshrl.u32 s18, $0x3  }
0xf6: {  	s25 =	simm.s32 $0x1D680;
	s24 =	sadd.s32 s10, s0;
	s18 =	sadd.s32 s2, s18  }
0xf7: {  	[hbm4b:s18+s5] =	stream.linear.scatter [tilespmem:s25], [sflag:$0x3], $0x80, $0x38;
	[tilespmem:$0x1EB00] =	vst v63  }
0xf8: {  	s18 =	sshrl.u32 s24, $0x3  }
0xf9: {  	s25 =	simm.s32 $0x1D700;
	s24 =	sadd.s32 s10, s15;
	s18 =	sadd.s32 s2, s18  }
0xfa: {  	[hbm4b:s18+s5] =	stream.linear.scatter [tilespmem:s25], [sflag:$0x3], $0x80, $0x38;
	[tilespmem:$0x1EB00] =	vst v63  }
0xfb: {  	s18 =	sshrl.u32 s24, $0x3  }
0xfc: {  	s25 =	simm.s32 $0x1D780;
	s24 =	sadd.s32 s10, s28;
	s18 =	sadd.s32 s2, s18  }
0xfd: {  	[hbm4b:s18+s5] =	stream.linear.scatter [tilespmem:s25], [sflag:$0x3], $0x80, $0x38;
	[tilespmem:$0x1EB00] =	vst v63  }
0xfe: {  	s18 =	sshrl.u32 s24, $0x3  }
0xff: {  	s25 =	simm.s32 $0x1D800;
	s24 =	sadd.s32 s10, s29;
	s18 =	sadd.s32 s2, s18  }
0x100: {  	[hbm4b:s18+s5] =	stream.linear.scatter [tilespmem:s25], [sflag:$0x3], $0x80, $0x38;
	[tilespmem:$0x1EB00] =	vst v63  }
0x101: {  	s18 =	sshrl.u32 s24, $0x3  }
0x102: {  	s25 =	simm.s32 $0x1D880;
	s24 =	sadd.s32 s10, s14;
	s18 =	sadd.s32 s2, s18  }
0x103: {  	[hbm4b:s18+s5] =	stream.linear.scatter [tilespmem:s25], [sflag:$0x3], $0x80, $0x38;
	[tilespmem:$0x1EB00] =	vst v63  }
0x104: {  	s18 =	sshrl.u32 s24, $0x3  }
0x105: {  	s25 =	simm.s32 $0x1D900;
	s24 =	sadd.s32 s10, s4;
	s18 =	sadd.s32 s2, s18  }
0x106: {  	[hbm4b:s18+s5] =	stream.linear.scatter [tilespmem:s25], [sflag:$0x3], $0x80, $0x38;
	[tilespmem:$0x1EB00] =	vst v63  }
0x107: {  	s18 =	sshrl.u32 s24, $0x3  }
0x108: {  	s25 =	simm.s32 $0x1D980;
	s24 =	sadd.s32 s10, s20;
	s18 =	sadd.s32 s2, s18  }
0x109: {  	[hbm4b:s18+s5] =	stream.linear.scatter [tilespmem:s25], [sflag:$0x3], $0x80, $0x38;
	[tilespmem:$0x1EB00] =	vst v63  }
0x10a: {  	s18 =	sshrl.u32 s24, $0x3  }
0x10b: {  	s25 =	simm.s32 $0x1DA00;
	s24 =	sadd.s32 s10, s22;
	s18 =	sadd.s32 s2, s18  }
0x10c: {  	[hbm4b:s18+s5] =	stream.linear.scatter [tilespmem:s25], [sflag:$0x3], $0x80, $0x38;
	[tilespmem:$0x1EB00] =	vst v63  }
0x10d: {  	s18 =	sshrl.u32 s24, $0x3  }
0x10e: {  	s25 =	simm.s32 $0x1DA80;
	s24 =	sadd.s32 s10, s26;
	s18 =	sadd.s32 s2, s18  }
0x10f: {  	[hbm4b:s18+s5] =	stream.linear.scatter [tilespmem:s25], [sflag:$0x3], $0x80, $0x38;
	[tilespmem:$0x1EB00] =	vst v63  }
0x110: {  	s18 =	sshrl.u32 s24, $0x3  }
0x111: {  	s25 =	simm.s32 $0x1DB00;
	s24 =	sadd.s32 s10, s3;
	s18 =	sadd.s32 s2, s18  }
0x112: {  	[hbm4b:s18+s5] =	stream.linear.scatter [tilespmem:s25], [sflag:$0x3], $0x80, $0x38;
	[tilespmem:$0x1EB00] =	vst v63  }
0x113: {  	s18 =	sshrl.u32 s24, $0x3  }
0x114: {  	s25 =	simm.s32 $0x1DB80;
	s24 =	sadd.s32 s10, s21;
	s18 =	sadd.s32 s2, s18  }
0x115: {  	[hbm4b:s18+s5] =	stream.linear.scatter [tilespmem:s25], [sflag:$0x3], $0x80, $0x38;
	[tilespmem:$0x1EB00] =	vst v63  }
0x116: {  	s18 =	sshrl.u32 s24, $0x3  }
0x117: {  	s25 =	simm.s32 $0x1DC00;
	s24 =	sadd.s32 s10, s1;
	s18 =	sadd.s32 s2, s18  }
0x118: {  	[hbm4b:s18+s5] =	stream.linear.scatter [tilespmem:s25], [sflag:$0x3], $0x80, $0x38;
	[tilespmem:$0x1EB00] =	vst v63  }
0x119: {  	s18 =	sshrl.u32 s24, $0x3  }
0x11a: {  	s25 =	simm.s32 $0x1DC80;
	s24 =	sadd.s32 s10, s19;
	s18 =	sadd.s32 s2, s18  }
0x11b: {  	[hbm4b:s18+s5] =	stream.linear.scatter [tilespmem:s25], [sflag:$0x3], $0x80, $0x38;
	[tilespmem:$0x1EB00] =	vst v63  }
0x11c: {  	s18 =	sshrl.u32 s24, $0x3  }
0x11d: {  	s25 =	simm.s32 $0x1DD00;
	s24 =	sadd.s32 s10, s13;
	s18 =	sadd.s32 s2, s18  }
0x11e: {  	[hbm4b:s18+s5] =	stream.linear.scatter [tilespmem:s25], [sflag:$0x3], $0x80, $0x38;
	[tilespmem:$0x1EB00] =	vst v63  }
0x11f: {  	s10 =	sadd.s32 s10, s12;
	s18 =	sshrl.u32 s24, $0x3  }
0x120: {  	s10 =	sshrl.u32 s10, $0x3;
	s25 =	simm.s32 $0x1DD80;
	s18 =	sadd.s32 s2, s18  }
0x121: {  	[hbm4b:s18+s5] =	stream.linear.scatter [tilespmem:s25], [sflag:$0x3], $0x80, $0x38;
	[tilespmem:$0x1EB00] =	vst v63  }
0x122: {  	s10 =	sadd.s32 s2, s10;
	s24 =	simm.s32 $0x1DE00  }
0x123: {  	[hbm4b:s10+s5] =	stream.linear.scatter [tilespmem:s24], [sflag:$0x3], $0x80, $0x38;
	[tilespmem:$0x1EB00] =	vst v63  }
0x124: {  	p2 =	seq.s32 s16, $0x7C;
	s10 =	sld [smem:$0x7F3]  }
0x125: {  	s18 =	smul.u32 @!p2 $0x1900, s16;
	_ =	sdelay $0x1  }
0x126: {  	s10 =	sadd.s32 @!p2 s18, s10  }
0x127: {  	s10 =	sshrl.u32 @!p2 s10, $0x3  }
0x128: {  	s23 =	simm.s32 @!p2 $0x0;
	s24 =	simm.s32 @!p2 $0x1A000;
	s18 =	sadd.s32 @!p2 s6, s10  }
0x129: {  	[tilespmem:s24], [sflag:$0x1] =	stream.linear.gather @!p2 [hbm4b:s18+s23], $0xC80, $0x38;
	[tilespmem:$0x1EB00] =	vst v63  }
0x12a: {  	s18 =	sadd.s32 @!p2 $0x61A80, s18;
	s24 =	simm.s32 @!p2 $0x1B900  }
0x12b: {  	[tilespmem:s24], [sflag:$0x1] =	stream.linear.gather @!p2 [hbm4b:s18+s23], $0xC80, $0x38;
	[tilespmem:$0x1EB00] =	vst v63  }
0x12c: {  	s18 =	rddreg [dreg:$0x4]  }
0x12d: {  	s10 =	sadd.s32 @!p2 s18, s10;
	s18 =	simm.s32 @!p2 $0x18700  }
0x12e: {  	[tilespmem:s18], [sflag:$0x1] =	stream.linear.gather @!p2 [hbm4b:s10+s23], $0xC80, $0x38;
	[tilespmem:$0x1EB00] =	vst v63  }
0x12f: {  	_ =	swait.ge [sflag:s8], $0xC80  }
0x130: {  	[sflag:s8] =	ssyncset.done $0x0  }
0x131: {  	[sflag:s8] =	ssyncadd.s32 $0xFFFFF380  }
0x132: {  	_ =	swait.ge [sflag:s8], $0xC80  }
0x133: {  	[sflag:s8] =	ssyncset.done $0x0  }
0x134: {  	[sflag:s8] =	ssyncadd.s32 $0xFFFFF380  }
0x135: {  	_ =	swait.ge [sflag:s8], $0xC80  }
0x136: {  	[sflag:s8] =	ssyncset.done $0x0  }
0x137: {  	s10 =	simm.s32 @!p1 $0x4;
	[sflag:s8] =	ssyncadd.s32 $0xFFFFF380  }
0x138: {  	_ =	swait.ge @!p1 [sflag:s10], $0xC80  }
0x139: {  	[sflag:s10] =	ssyncset.done @!p1 $0x0  }
0x13a: {  	s25 =	simm.s32 $0x1ACC0;
	[sflag:s10] =	ssyncadd.s32 @!p1 $0xFFFFF380  }
0x13b: {  	s10 =	simm.s32 $0x1C5C0;
	v1 =	vld [tilespmem:s25+$0x30]  }
0x13c: {  	v2 =	vld [tilespmem:s10+$0x30]  }
0x13d: {  	v3 =	vld [tilespmem:s10+$0xFFFFFFC0]  }
0x13e: {  	v4 =	vld [tilespmem:s25+$0xFFFFFFD0]  }
0x13f: {  	v5 =	vld [tilespmem:s10+$0xFFFFFFD0]  }
0x140: {  	v6 =	vld [tilespmem:s25+$0xFFFFFFE0]  }
0x141: {  	v7 =	vld [tilespmem:s10+$0xFFFFFFE0]  }
0x142: {  	v8 =	vld [tilespmem:s25+$0xFFFFFFF0]  }
0x143: {  	v9 =	vld [tilespmem:s10+$0xFFFFFFF0]  }
0x144: {  	s18 =	simm.s32 $0x193C0;
	v10 =	vld [tilespmem:s25+$0x0]  }
0x145: {  	v11 =	vld [tilespmem:s18+$0x30]  }
0x146: {  	v12 =	vld [tilespmem:s10+$0x0]  }
0x147: {  	v13 =	vld [tilespmem:s25+$0x10]  }
0x148: {  	v14 =	vld [tilespmem:s10+$0x10]  }
0x149: {  	v15 =	vld [tilespmem:s25+$0x20]  }
0x14a: {  	v16 =	vld [tilespmem:s10+$0x20]  }
0x14b: {  	v17 =	vld [tilespmem:s25+$0xFFFFFFC0]  }
0x14c: {  	v19 =	vld [tilespmem:s18+$0xFFFFFFC0]  }
0x14d: {  	v20 =	vld [tilespmem:s18+$0xFFFFFFD0]  }
0x14e: {  	v1 =	vld.idx.msk [tilespmem:v1+s5+$0x0], $0xffff  }
0x14f: {  	v2 =	vld.idx.msk [tilespmem:v2+s5+$0x0], $0xffff  }
0x150: {  	v3 =	vld.idx.msk [tilespmem:v3+s5+$0x0], $0xffff  }
0x151: {  	v4 =	vld.idx.msk [tilespmem:v4+s5+$0x0], $0xffff  }
0x152: {  	v5 =	vld.idx.msk [tilespmem:v5+s5+$0x0], $0xffff  }
0x153: {  	v6 =	vld.idx.msk [tilespmem:v6+s5+$0x0], $0xffff  }
0x154: {  	v7 =	vld.idx.msk [tilespmem:v7+s5+$0x0], $0xffff  }
0x155: {  	v8 =	vld.idx.msk [tilespmem:v8+s5+$0x0], $0xffff  }
0x156: {  	v18 =	vld.idx.msk [tilespmem:v9+s5+$0x0], $0xffff  }
0x157: {  	v17 =	vld.idx.msk [tilespmem:v17+s5+$0x0], $0xffff  }
0x158: {  	v10 =	vld.idx.msk [tilespmem:v10+s5+$0x0], $0xffff  }
0x159: {  	v12 =	vld.idx.msk [tilespmem:v12+s5+$0x0], $0xffff  }
0x15a: {  	v13 =	vld.idx.msk [tilespmem:v13+s5+$0x0], $0xffff  }
0x15b: {  	v14 =	vld.idx.msk [tilespmem:v14+s5+$0x0], $0xffff  }
0x15c: {  	v15 =	vld.idx.msk [tilespmem:v15+s5+$0x0], $0xffff  }
0x15d: {  	v16 =	vld.idx.msk [tilespmem:v16+s5+$0x0], $0xffff;
	v2 =	vsub.f32 v1, v2  }
0x15e: {  	v9 =	vld [tilespmem:s18+$0xFFFFFFE0];
	v21 =	vsub.f32 v4, v5  }
0x15f: {  	v1 =	vsub.f32 v6, v7;
	v6 =	vld [tilespmem:s18+$0xFFFFFFF0];
	v5 =	vmul.f32 v2, v11;
	v11 =	vsub.f32 v17, v3  }
0x160: {  	v7 =	vld [tilespmem:s18+$0x0]  }
0x161: {  	s23 =	simm.s32 $0x1DEC0;
	v2 =	vsub.f32 v8, v18;
	v3 =	vsub.f32 v10, v12;
	v8 =	vld [tilespmem:s18+$0x10];
	v12 =	vmul.f32 v11, v19  }
0x162: {  	s24 =	simm.s32 $0x0;
	s25 =	simm.s32 $0x1AD40;
	v4 =	vsub.f32 v13, v14;
	v10 =	vld [tilespmem:s18+$0x20];
	[tilespmem:s23+$0x30] =	vst v5;
	v5 =	vsub.f32 v15, v16;
	v11 =	vmul.f32 v21, v20  }
.LBB2_5:
0x163: {  	v13 =	vld [tilespmem:s25+$0x30];
	[tilespmem:s23+$0xFFFFFFC0] =	vst v12;
	v1 =	vmul.f32 v1, v9;
	s10 =	sadd.s32 $0x80, s10  }
0x164: {  	s24 =	sadd.s32 $0x80, s24;
	v9 =	vld [tilespmem:s10+$0x30];
	[tilespmem:s23+$0xFFFFFFD0] =	vst v11;
	v2 =	vmul.f32 v2, v6  }
0x165: {  	p1 =	slt.u32 s24, $0xC00;
	v6 =	vld [tilespmem:s10+$0xFFFFFFC0];
	[tilespmem:s23+$0xFFFFFFE0] =	vst v1;
	v1 =	vmul.f32 v3, v7  }
0x166: {  	v3 =	vld [tilespmem:s25+$0xFFFFFFD0];
	[tilespmem:s23+$0xFFFFFFF0] =	vst v2;
	v2 =	vmul.f32 v4, v8  }
0x167: {  	v4 =	vld [tilespmem:s10+$0xFFFFFFD0];
	[tilespmem:s23+$0x0] =	vst v1;
	v1 =	vmul.f32 v5, v10  }
0x168: {  	v5 =	vld [tilespmem:s25+$0xFFFFFFE0];
	[tilespmem:s23+$0x10] =	vst v2  }
0x169: {  	v2 =	vld [tilespmem:s10+$0xFFFFFFE0];
	[tilespmem:s23+$0x20] =	vst v1  }
0x16a: {  	v1 =	vld [tilespmem:s25+$0xFFFFFFF0]  }
0x16b: {  	v7 =	vld.idx.msk [tilespmem:v13+s5+$0x0], $0xffff  }
0x16c: {  	v8 =	vld.idx.msk [tilespmem:v9+s5+$0x0], $0xffff  }
0x16d: {  	v9 =	vld [tilespmem:s10+$0xFFFFFFF0]  }
0x16e: {  	s18 =	sadd.s32 $0x80, s18;
	v10 =	vld [tilespmem:s25+$0x0]  }
0x16f: {  	v11 =	vld [tilespmem:s18+$0x30]  }
0x170: {  	v12 =	vld [tilespmem:s10+$0x0]  }
0x171: {  	v13 =	vld [tilespmem:s25+$0x10]  }
0x172: {  	v7 =	vsub.f32 v7, v8;
	v14 =	vld [tilespmem:s10+$0x10]  }
0x173: {  	v8 =	vld [tilespmem:s25+$0x20]  }
0x174: {  	v15 =	vld [tilespmem:s10+$0x20];
	v7 =	vmul.f32 v7, v11  }
0x175: {  	s23 =	sadd.s32 $0x80, s23;
	v11 =	vld [tilespmem:s25+$0xFFFFFFC0]  }
0x176: {  	v6 =	vld.idx.msk [tilespmem:v6+s5+$0x0], $0xffff;
	[tilespmem:s23+$0x30] =	vst v7  }
0x177: {  	v3 =	vld.idx.msk [tilespmem:v3+s5+$0x0], $0xffff  }
0x178: {  	v4 =	vld.idx.msk [tilespmem:v4+s5+$0x0], $0xffff  }
0x179: {  	v5 =	vld.idx.msk [tilespmem:v5+s5+$0x0], $0xffff  }
0x17a: {  	v2 =	vld.idx.msk [tilespmem:v2+s5+$0x0], $0xffff  }
0x17b: {  	v7 =	vld.idx.msk [tilespmem:v1+s5+$0x0], $0xffff  }
0x17c: {  	v9 =	vld.idx.msk [tilespmem:v9+s5+$0x0], $0xffff  }
0x17d: {  	v11 =	vld.idx.msk [tilespmem:v11+s5+$0x0], $0xffff  }
0x17e: {  	v16 =	vsub.f32 v3, v4;
	v3 =	vld.idx.msk [tilespmem:v10+s5+$0x0], $0xffff  }
0x17f: {  	v4 =	vld.idx.msk [tilespmem:v12+s5+$0x0], $0xffff  }
0x180: {  	v1 =	vsub.f32 v5, v2;
	v5 =	vld.idx.msk [tilespmem:v13+s5+$0x0], $0xffff  }
0x181: {  	v10 =	vld.idx.msk [tilespmem:v14+s5+$0x0], $0xffff  }
0x182: {  	v2 =	vsub.f32 v7, v9;
	v13 =	vld.idx.msk [tilespmem:v8+s5+$0x0], $0xffff  }
0x183: {  	v8 =	vsub.f32 v11, v6;
	v11 =	vld.idx.msk [tilespmem:v15+s5+$0x0], $0xffff  }
0x184: {  	v12 =	vld [tilespmem:s18+$0xFFFFFFC0]  }
0x185: {  	v3 =	vsub.f32 v3, v4;
	v14 =	vld [tilespmem:s18+$0xFFFFFFD0]  }
.Ltmp4:
0x186: {  	v9 =	vld [tilespmem:s18+$0xFFFFFFE0];
	(pc) =	sbr.rel @p1 .LBB2_5-.Ltmp4, $4  }
0x187: {  	v4 =	vsub.f32 v5, v10;
	v6 =	vld [tilespmem:s18+$0xFFFFFFF0]  }
0x188: {  	v7 =	vld [tilespmem:s18+$0x0]  }
0x189: {  	v5 =	vsub.f32 v13, v11;
	v12 =	vmul.f32 v8, v12;
	v8 =	vld [tilespmem:s18+$0x10]  }
0x18a: {  	s25 =	sadd.s32 $0x80, s25;
	v11 =	vmul.f32 v16, v14;
	v10 =	vld [tilespmem:s18+$0x20]  }
0x18b: {  	[tilespmem:s23+$0xFFFFFFC0] =	vst v12;
	v1 =	vmul.f32 v1, v9  }
0x18c: {  	[tilespmem:s23+$0xFFFFFFD0] =	vst v11;
	v2 =	vmul.f32 v2, v6  }
0x18d: {  	s10 =	smul.u32 $0x6400, s17;
	[tilespmem:s23+$0xFFFFFFE0] =	vst v1;
	v1 =	vmul.f32 v3, v7  }
0x18e: {  	[tilespmem:s23+$0xFFFFFFF0] =	vst v2;
	v2 =	vmul.f32 v4, v8  }
0x18f: {  	s17 =	sadd.s32 s31, s10;
	[tilespmem:s23+$0x0] =	vst v1;
	v1 =	vmul.f32 v5, v10  }
0x190: {  	s17 =	sshrl.u32 s17, $0x3;
	[tilespmem:s23+$0x10] =	vst v2  }
0x191: {  	s18 =	simm.s32 $0x1DE80;
	s17 =	sadd.s32 s2, s17;
	[tilespmem:s23+$0x20] =	vst v1  }
0x192: {  	[hbm4b:s17+s5] =	stream.linear.scatter [tilespmem:s18], [sflag:$0x4], $0x80, $0x38;
	[tilespmem:$0x1EB00] =	vst v63  }
0x193: {  	s18 =	sadd.s32 s10, s9  }
0x194: {  	s17 =	sshrl.u32 s18, $0x3  }
0x195: {  	s23 =	simm.s32 $0x1DF00;
	s24 =	rddreg [dreg:$0xb];
	s17 =	sadd.s32 s2, s17  }
0x196: {  	[hbm4b:s17+s5] =	stream.linear.scatter [tilespmem:s23], [sflag:$0x4], $0x80, $0x38;
	[tilespmem:$0x1EB00] =	vst v63  }
0x197: {  	s17 =	sadd.s32 s10, s24  }
0x198: {  	s17 =	sshrl.u32 s17, $0x3  }
0x199: {  	s25 =	simm.s32 $0x1DF80;
	s18 =	rddreg [dreg:$0xc];
	s17 =	sadd.s32 s2, s17  }
0x19a: {  	[hbm4b:s17+s5] =	stream.linear.scatter [tilespmem:s25], [sflag:$0x4], $0x80, $0x38;
	[tilespmem:$0x1EB00] =	vst v63  }
0x19b: {  	s17 =	sadd.s32 s10, s18  }
0x19c: {  	s17 =	sshrl.u32 s17, $0x3  }
0x19d: {  	s23 =	simm.s32 $0x1E000;
	s24 =	rddreg [dreg:$0xd];
	s17 =	sadd.s32 s2, s17  }
0x19e: {  	[hbm4b:s17+s5] =	stream.linear.scatter [tilespmem:s23], [sflag:$0x4], $0x80, $0x38;
	[tilespmem:$0x1EB00] =	vst v63  }
0x19f: {  	s17 =	sadd.s32 s10, s24  }
0x1a0: {  	s17 =	sshrl.u32 s17, $0x3  }
0x1a1: {  	s25 =	simm.s32 $0x1E080;
	s18 =	rddreg [dreg:$0x15];
	s17 =	sadd.s32 s2, s17  }
0x1a2: {  	[hbm4b:s17+s5] =	stream.linear.scatter [tilespmem:s25], [sflag:$0x4], $0x80, $0x38;
	[tilespmem:$0x1EB00] =	vst v63  }
0x1a3: {  	s17 =	sadd.s32 s10, s18  }
0x1a4: {  	s17 =	sshrl.u32 s17, $0x3  }
0x1a5: {  	s23 =	simm.s32 $0x1E100;
	s24 =	rddreg [dreg:$0x16];
	s17 =	sadd.s32 s2, s17  }
0x1a6: {  	[hbm4b:s17+s5] =	stream.linear.scatter [tilespmem:s23], [sflag:$0x4], $0x80, $0x38;
	[tilespmem:$0x1EB00] =	vst v63  }
0x1a7: {  	s17 =	sadd.s32 s10, s24  }
0x1a8: {  	s17 =	sshrl.u32 s17, $0x3  }
0x1a9: {  	s25 =	simm.s32 $0x1E180;
	s18 =	rddreg [dreg:$0x1a];
	s17 =	sadd.s32 s2, s17  }
0x1aa: {  	[hbm4b:s17+s5] =	stream.linear.scatter [tilespmem:s25], [sflag:$0x4], $0x80, $0x38;
	[tilespmem:$0x1EB00] =	vst v63  }
0x1ab: {  	s17 =	sadd.s32 s10, s18  }
0x1ac: {  	s17 =	sshrl.u32 s17, $0x3  }
0x1ad: {  	s23 =	simm.s32 $0x1E200;
	s24 =	rddreg [dreg:$0x1e];
	s17 =	sadd.s32 s2, s17  }
0x1ae: {  	[hbm4b:s17+s5] =	stream.linear.scatter [tilespmem:s23], [sflag:$0x4], $0x80, $0x38;
	[tilespmem:$0x1EB00] =	vst v63  }
0x1af: {  	s17 =	sadd.s32 s10, s24  }
0x1b0: {  	s17 =	sshrl.u32 s17, $0x3  }
0x1b1: {  	s25 =	simm.s32 $0x1E280;
	s18 =	rddreg [dreg:$0x1f];
	s17 =	sadd.s32 s2, s17  }
0x1b2: {  	[hbm4b:s17+s5] =	stream.linear.scatter [tilespmem:s25], [sflag:$0x4], $0x80, $0x38;
	[tilespmem:$0x1EB00] =	vst v63  }
0x1b3: {  	s17 =	sadd.s32 s10, s18  }
0x1b4: {  	s17 =	sshrl.u32 s17, $0x3  }
0x1b5: {  	s23 =	simm.s32 $0x1E300;
	s24 =	sadd.s32 s10, s0;
	s17 =	sadd.s32 s2, s17  }
0x1b6: {  	[hbm4b:s17+s5] =	stream.linear.scatter [tilespmem:s23], [sflag:$0x4], $0x80, $0x38;
	[tilespmem:$0x1EB00] =	vst v63  }
0x1b7: {  	s17 =	sshrl.u32 s24, $0x3  }
0x1b8: {  	s25 =	simm.s32 $0x1E380;
	s18 =	sadd.s32 s10, s15;
	s17 =	sadd.s32 s2, s17  }
0x1b9: {  	[hbm4b:s17+s5] =	stream.linear.scatter [tilespmem:s25], [sflag:$0x4], $0x80, $0x38;
	[tilespmem:$0x1EB00] =	vst v63  }
0x1ba: {  	s17 =	sshrl.u32 s18, $0x3  }
0x1bb: {  	s23 =	simm.s32 $0x1E400;
	s24 =	sadd.s32 s10, s28;
	s17 =	sadd.s32 s2, s17  }
0x1bc: {  	[hbm4b:s17+s5] =	stream.linear.scatter [tilespmem:s23], [sflag:$0x4], $0x80, $0x38;
	[tilespmem:$0x1EB00] =	vst v63  }
0x1bd: {  	s17 =	sshrl.u32 s24, $0x3  }
0x1be: {  	s25 =	simm.s32 $0x1E480;
	s18 =	sadd.s32 s10, s29;
	s17 =	sadd.s32 s2, s17  }
0x1bf: {  	[hbm4b:s17+s5] =	stream.linear.scatter [tilespmem:s25], [sflag:$0x4], $0x80, $0x38;
	[tilespmem:$0x1EB00] =	vst v63  }
0x1c0: {  	s17 =	sshrl.u32 s18, $0x3  }
0x1c1: {  	s23 =	simm.s32 $0x1E500;
	s24 =	sadd.s32 s10, s14;
	s17 =	sadd.s32 s2, s17  }
0x1c2: {  	[hbm4b:s17+s5] =	stream.linear.scatter [tilespmem:s23], [sflag:$0x4], $0x80, $0x38;
	[tilespmem:$0x1EB00] =	vst v63  }
0x1c3: {  	s17 =	sshrl.u32 s24, $0x3  }
0x1c4: {  	s25 =	simm.s32 $0x1E580;
	s18 =	sadd.s32 s10, s4;
	s17 =	sadd.s32 s2, s17  }
0x1c5: {  	[hbm4b:s17+s5] =	stream.linear.scatter [tilespmem:s25], [sflag:$0x4], $0x80, $0x38;
	[tilespmem:$0x1EB00] =	vst v63  }
0x1c6: {  	s17 =	sshrl.u32 s18, $0x3  }
0x1c7: {  	s23 =	simm.s32 $0x1E600;
	s24 =	sadd.s32 s10, s20;
	s17 =	sadd.s32 s2, s17  }
0x1c8: {  	[hbm4b:s17+s5] =	stream.linear.scatter [tilespmem:s23], [sflag:$0x4], $0x80, $0x38;
	[tilespmem:$0x1EB00] =	vst v63  }
0x1c9: {  	s17 =	sshrl.u32 s24, $0x3  }
0x1ca: {  	s25 =	simm.s32 $0x1E680;
	s18 =	sadd.s32 s10, s22;
	s17 =	sadd.s32 s2, s17  }
0x1cb: {  	[hbm4b:s17+s5] =	stream.linear.scatter [tilespmem:s25], [sflag:$0x4], $0x80, $0x38;
	[tilespmem:$0x1EB00] =	vst v63  }
0x1cc: {  	s17 =	sshrl.u32 s18, $0x3  }
0x1cd: {  	s23 =	simm.s32 $0x1E700;
	s24 =	sadd.s32 s10, s26;
	s17 =	sadd.s32 s2, s17  }
0x1ce: {  	[hbm4b:s17+s5] =	stream.linear.scatter [tilespmem:s23], [sflag:$0x4], $0x80, $0x38;
	[tilespmem:$0x1EB00] =	vst v63  }
0x1cf: {  	s17 =	sshrl.u32 s24, $0x3  }
0x1d0: {  	s25 =	simm.s32 $0x1E780;
	s18 =	sadd.s32 s10, s3;
	s17 =	sadd.s32 s2, s17  }
0x1d1: {  	[hbm4b:s17+s5] =	stream.linear.scatter [tilespmem:s25], [sflag:$0x4], $0x80, $0x38;
	[tilespmem:$0x1EB00] =	vst v63  }
0x1d2: {  	s17 =	sshrl.u32 s18, $0x3  }
0x1d3: {  	s23 =	simm.s32 $0x1E800;
	s24 =	sadd.s32 s10, s21;
	s17 =	sadd.s32 s2, s17  }
0x1d4: {  	[hbm4b:s17+s5] =	stream.linear.scatter [tilespmem:s23], [sflag:$0x4], $0x80, $0x38;
	[tilespmem:$0x1EB00] =	vst v63  }
0x1d5: {  	s17 =	sshrl.u32 s24, $0x3  }
0x1d6: {  	s25 =	simm.s32 $0x1E880;
	s18 =	sadd.s32 s10, s1;
	s17 =	sadd.s32 s2, s17  }
0x1d7: {  	[hbm4b:s17+s5] =	stream.linear.scatter [tilespmem:s25], [sflag:$0x4], $0x80, $0x38;
	[tilespmem:$0x1EB00] =	vst v63  }
0x1d8: {  	s16 =	sadd.s32 $0x1, s16;
	s17 =	sshrl.u32 s18, $0x3  }
0x1d9: {  	s23 =	simm.s32 $0x1E900;
	s24 =	sadd.s32 s10, s19;
	s17 =	sadd.s32 s2, s17  }
0x1da: {  	[hbm4b:s17+s5] =	stream.linear.scatter [tilespmem:s23], [sflag:$0x4], $0x80, $0x38;
	[tilespmem:$0x1EB00] =	vst v63  }
0x1db: {  	p1 =	sne.s32 s16, $0x7D;
	s17 =	sshrl.u32 s24, $0x3  }
0x1dc: {  	s25 =	simm.s32 $0x1E980;
	s23 =	sadd.s32 s10, s13;
	s17 =	sadd.s32 s2, s17  }
0x1dd: {  	[hbm4b:s17+s5] =	stream.linear.scatter [tilespmem:s25], [sflag:$0x4], $0x80, $0x38;
	[tilespmem:$0x1EB00] =	vst v63  }
0x1de: {  	s24 =	simm.s32 $0x1EA00;
	s10 =	sadd.s32 s10, s12;
	s17 =	sshrl.u32 s23, $0x3  }
.Ltmp5:
0x1df: {  	s10 =	sshrl.u32 s10, $0x3;
	s17 =	sadd.s32 s2, s17;
	(pc) =	sbr.rel @p1 .LBB2_2-.Ltmp5, $4  }
0x1e0: {  	[hbm4b:s17+s5] =	stream.linear.scatter [tilespmem:s24], [sflag:$0x4], $0x80, $0x38;
	[tilespmem:$0x1EB00] =	vst v63  }
0x1e1: {  	s10 =	sadd.s32 s2, s10;
	s25 =	simm.s32 $0x1EA80  }
0x1e2: {  	[hbm4b:s10+s5] =	stream.linear.scatter [tilespmem:s25], [sflag:$0x4], $0x80, $0x38;
	[tilespmem:$0x1EB00] =	vst v63  }
0x1e3: {  	s25 =	smov.u32 s30  }
0x1e4: {  	s10 =	simm.s32 $0x3  }
0x1e5: {  	_ =	swait.ge [sflag:s10], $0xC80  }
0x1e6: {  	[sflag:s10] =	ssyncset.done $0x0  }
0x1e7: {  	s16 =	simm.s32 $0x4;
	[sflag:s10] =	ssyncadd.s32 $0xFFFFF380  }
0x1e8: {  	_ =	swait.ge [sflag:s16], $0xC80  }
0x1e9: {  	[sflag:s16] =	ssyncset.done $0x0;
	s17 =	rddreg [dreg:$0x7]  }
0x1ea: {  	s18 =	rddreg [dreg:$0x8];
	[sflag:s16] =	ssyncadd.s32 $0xFFFFF380;
	s16 =	simm.s32 $0x1A000  }
0x1eb: {  	[tilespmem:s16], [sflag:$0x1] =	stream.linear.gather [hbm4b:s17+s5], $0xC80, $0x38;
	[tilespmem:$0x1EB00] =	vst v63  }
0x1ec: {  	s23 =	simm.s32 $0x1B900;
	s24 =	rddreg [dreg:$0xe]  }
0x1ed: {  	[tilespmem:s23], [sflag:$0x1] =	stream.linear.gather [hbm4b:s18+s5], $0xC80, $0x38;
	[tilespmem:$0x1EB00] =	vst v63  }
0x1ee: {  	s30 =	simm.s32 $0x1D200;
	s16 =	sld [smem:$0x7F4]  }
0x1ef: {  	[tilespmem:s30], [sflag:$0x1] =	stream.linear.gather [hbm4b:s24+s5], $0x80, $0x38;
	[tilespmem:$0x1EB00] =	vst v63  }
0x1f0: {  	s17 =	simm.s32 $0x1D280;
	s18 =	rddreg [dreg:$0xf]  }
0x1f1: {  	[tilespmem:s17], [sflag:$0x1] =	stream.linear.gather [hbm4b:s16+s5], $0x80, $0x38;
	[tilespmem:$0x1EB00] =	vst v63  }
0x1f2: {  	s23 =	simm.s32 $0x1D300;
	s24 =	rddreg [dreg:$0x10]  }
0x1f3: {  	[tilespmem:s23], [sflag:$0x1] =	stream.linear.gather [hbm4b:s18+s5], $0x80, $0x38;
	[tilespmem:$0x1EB00] =	vst v63  }
0x1f4: {  	s30 =	simm.s32 $0x1D380;
	s16 =	rddreg [dreg:$0x11]  }
0x1f5: {  	[tilespmem:s30], [sflag:$0x1] =	stream.linear.gather [hbm4b:s24+s5], $0x80, $0x38;
	[tilespmem:$0x1EB00] =	vst v63  }
0x1f6: {  	s17 =	simm.s32 $0x1D400;
	s18 =	rddreg [dreg:$0x12]  }
0x1f7: {  	[tilespmem:s17], [sflag:$0x1] =	stream.linear.gather [hbm4b:s16+s5], $0x80, $0x38;
	[tilespmem:$0x1EB00] =	vst v63  }
0x1f8: {  	s23 =	simm.s32 $0x1D480;
	s24 =	rddreg [dreg:$0x13]  }
0x1f9: {  	[tilespmem:s23], [sflag:$0x1] =	stream.linear.gather [hbm4b:s18+s5], $0x80, $0x38;
	[tilespmem:$0x1EB00] =	vst v63  }
0x1fa: {  	s30 =	simm.s32 $0x1D500;
	s16 =	rddreg [dreg:$0x14]  }
0x1fb: {  	[tilespmem:s30], [sflag:$0x1] =	stream.linear.gather [hbm4b:s24+s5], $0x80, $0x38;
	[tilespmem:$0x1EB00] =	vst v63  }
0x1fc: {  	s17 =	simm.s32 $0x1D580;
	s18 =	rddreg [dreg:$0x17]  }
0x1fd: {  	[tilespmem:s17], [sflag:$0x1] =	stream.linear.gather [hbm4b:s16+s5], $0x80, $0x38;
	[tilespmem:$0x1EB00] =	vst v63  }
0x1fe: {  	s23 =	simm.s32 $0x1D600;
	s24 =	rddreg [dreg:$0x18]  }
0x1ff: {  	[tilespmem:s23], [sflag:$0x1] =	stream.linear.gather [hbm4b:s18+s5], $0x80, $0x38;
	[tilespmem:$0x1EB00] =	vst v63  }
0x200: {  	s30 =	simm.s32 $0x1D680;
	s16 =	rddreg [dreg:$0x19]  }
0x201: {  	[tilespmem:s30], [sflag:$0x1] =	stream.linear.gather [hbm4b:s24+s5], $0x80, $0x38;
	[tilespmem:$0x1EB00] =	vst v63  }
0x202: {  	s17 =	simm.s32 $0x1D700;
	s18 =	rddreg [dreg:$0x1b]  }
0x203: {  	[tilespmem:s17], [sflag:$0x1] =	stream.linear.gather [hbm4b:s16+s5], $0x80, $0x38;
	[tilespmem:$0x1EB00] =	vst v63  }
0x204: {  	s23 =	simm.s32 $0x1D780;
	s24 =	rddreg [dreg:$0x1c]  }
0x205: {  	[tilespmem:s23], [sflag:$0x1] =	stream.linear.gather [hbm4b:s18+s5], $0x80, $0x38;
	[tilespmem:$0x1EB00] =	vst v63  }
0x206: {  	s30 =	simm.s32 $0x1D800;
	s16 =	rddreg [dreg:$0x1d]  }
0x207: {  	[tilespmem:s30], [sflag:$0x1] =	stream.linear.gather [hbm4b:s24+s5], $0x80, $0x38;
	[tilespmem:$0x1EB00] =	vst v63  }
0x208: {  	s17 =	simm.s32 $0x1D880;
	s18 =	sld [smem:$0x7DB]  }
0x209: {  	[tilespmem:s17], [sflag:$0x1] =	stream.linear.gather [hbm4b:s16+s5], $0x80, $0x38;
	[tilespmem:$0x1EB00] =	vst v63  }
0x20a: {  	s23 =	simm.s32 $0x1D900;
	s24 =	sld [smem:$0x7DC]  }
0x20b: {  	[tilespmem:s23], [sflag:$0x1] =	stream.linear.gather [hbm4b:s18+s5], $0x80, $0x38;
	[tilespmem:$0x1EB00] =	vst v63  }
0x20c: {  	s30 =	simm.s32 $0x1D980;
	s16 =	sld [smem:$0x7DD]  }
0x20d: {  	[tilespmem:s30], [sflag:$0x1] =	stream.linear.gather [hbm4b:s24+s5], $0x80, $0x38;
	[tilespmem:$0x1EB00] =	vst v63  }
0x20e: {  	s17 =	simm.s32 $0x1DA00;
	s18 =	sld [smem:$0x7DE]  }
0x20f: {  	[tilespmem:s17], [sflag:$0x1] =	stream.linear.gather [hbm4b:s16+s5], $0x80, $0x38;
	[tilespmem:$0x1EB00] =	vst v63  }
0x210: {  	s23 =	simm.s32 $0x1DA80;
	s24 =	sld [smem:$0x7DF]  }
0x211: {  	[tilespmem:s23], [sflag:$0x1] =	stream.linear.gather [hbm4b:s18+s5], $0x80, $0x38;
	[tilespmem:$0x1EB00] =	vst v63  }
0x212: {  	s30 =	simm.s32 $0x1DB00;
	s16 =	sld [smem:$0x7E0]  }
0x213: {  	[tilespmem:s30], [sflag:$0x1] =	stream.linear.gather [hbm4b:s24+s5], $0x80, $0x38;
	[tilespmem:$0x1EB00] =	vst v63  }
0x214: {  	s17 =	simm.s32 $0x1DB80;
	s18 =	sld [smem:$0x7E1]  }
0x215: {  	[tilespmem:s17], [sflag:$0x1] =	stream.linear.gather [hbm4b:s16+s5], $0x80, $0x38;
	[tilespmem:$0x1EB00] =	vst v63  }
0x216: {  	s23 =	simm.s32 $0x1DC00;
	s24 =	sld [smem:$0x7E2]  }
0x217: {  	[tilespmem:s23], [sflag:$0x1] =	stream.linear.gather [hbm4b:s18+s5], $0x80, $0x38;
	[tilespmem:$0x1EB00] =	vst v63  }
0x218: {  	s30 =	simm.s32 $0x1DC80;
	s16 =	sld [smem:$0x7E3]  }
0x219: {  	[tilespmem:s30], [sflag:$0x1] =	stream.linear.gather [hbm4b:s24+s5], $0x80, $0x38;
	[tilespmem:$0x1EB00] =	vst v63  }
0x21a: {  	s17 =	simm.s32 $0x1DD00;
	s18 =	sld [smem:$0x7E4]  }
0x21b: {  	[tilespmem:s17], [sflag:$0x1] =	stream.linear.gather [hbm4b:s16+s5], $0x80, $0x38;
	[tilespmem:$0x1EB00] =	vst v63  }
0x21c: {  	s23 =	simm.s32 $0x1DD80;
	s24 =	sld [smem:$0x7E5]  }
0x21d: {  	[tilespmem:s23], [sflag:$0x1] =	stream.linear.gather [hbm4b:s18+s5], $0x80, $0x38;
	[tilespmem:$0x1EB00] =	vst v63  }
0x21e: {  	s30 =	simm.s32 $0x1DE00;
	s16 =	simm.s32 $0x40  }
0x21f: {  	[tilespmem:s30], [sflag:$0x1] =	stream.linear.gather [hbm4b:s24+s5], $0x80, $0x38;
	[tilespmem:$0x1EB00] =	vst v63  }
0x220: {  	[tilespmem:s16+$0xFFFFFFC0] =	vst v0  }
0x221: {  	[tilespmem:s16+$0x30] =	vst v0  }
0x222: {  	[tilespmem:s16+$0x20] =	vst v0  }
0x223: {  	[tilespmem:s16+$0x10] =	vst v0  }
0x224: {  	[tilespmem:s16+$0x0] =	vst v0  }
0x225: {  	[tilespmem:s16+$0xFFFFFFF0] =	vst v0  }
0x226: {  	s10 =	simm.s32 $0x18680;
	s18 =	simm.s32 $0x0;
	[tilespmem:s16+$0xFFFFFFE0] =	vst v0  }
.LBB2_8:
0x227: {  	s18 =	sadd.s32 $0x80, s18;
	[tilespmem:s16+$0xFFFFFFD0] =	vst v0;
	s16 =	sadd.s32 $0x80, s16;
	s17 =	simm.s32 $0x18670  }
0x228: {  	[tilespmem:s16+$0xFFFFFFC0] =	vst v0;
	p1 =	slt.u32 s18, $0x18600  }
0x229: {  	[tilespmem:s16+$0x30] =	vst v0  }
.Ltmp6:
0x22a: {  	[tilespmem:s16+$0x20] =	vst v0;
	(pc) =	sbr.rel @p1 .LBB2_8-.Ltmp6, $4  }
0x22b: {  	[tilespmem:s16+$0x10] =	vst v0  }
0x22c: {  	[tilespmem:s16+$0x0] =	vst v0  }
0x22d: {  	[tilespmem:s16+$0xFFFFFFF0] =	vst v0  }
0x22e: {  	[tilespmem:s16+$0xFFFFFFE0] =	vst v0  }
0x22f: {  	[tilespmem:s16+$0xFFFFFFD0] =	vst v0  }
0x230: {  	s30 =	rddreg [dreg:$0x5]  }
.LBB2_10:
0x231: {  	s17 =	sadd.s32 $0x10, s17  }
0x232: {  	p1 =	slt.u32 s17, $0x18690  }
.Ltmp7:
0x233: {  	_ = 	snop;
	(pc) =	sbr.rel @p1 .LBB2_10-.Ltmp7, $2  }
0x234: {  	_ =	sdelay $0x2  }
0x235: {  	[tilespmem:s10+$0x0] =	vst v0;
	s10 =	sadd.s32 $0x10, s10;
	s16 =	simm.s32 $0x0  }
.LBB2_11:
0x236: {  	s10 =	sshllo.u32 s16, $0x1  }
0x237: {  	s17 =	smul.u32 $0xC80, s10;
	_ =	sdelay $0x1  }
0x238: {  	s18 =	sadd.s32 s25, s17  }
0x239: {  	s18 =	sshrl.u32 s18, $0x3  }
0x23a: {  	s23 =	simm.s32 $0x1AC80;
	s18 =	sadd.s32 s6, s18  }
0x23b: {  	[tilespmem:s23], [sflag:$0x2] =	stream.linear.gather [hbm4b:s18+s5], $0xC80, $0x38;
	[tilespmem:$0x1EB00] =	vst v63  }
0x23c: {  	s23 =	rddreg [dreg:$0x6]  }
0x23d: {  	s10 =	smul.u32 $0x6400, s10;
	s17 =	sadd.s32 s23, s17  }
0x23e: {  	s17 =	sshrl.u32 s17, $0x3  }
0x23f: {  	s24 =	simm.s32 $0x1C580;
	s23 =	sadd.s32 s31, s10;
	s17 =	sadd.s32 s6, s17  }
0x240: {  	[tilespmem:s24], [sflag:$0x2] =	stream.linear.gather [hbm4b:s17+s5], $0xC80, $0x38;
	[tilespmem:$0x1EB00] =	vst v63  }
0x241: {  	s17 =	sshrl.u32 s23, $0x3  }
0x242: {  	s24 =	simm.s32 $0x1DE80;
	s23 =	sadd.s32 s10, s9;
	s17 =	sadd.s32 s2, s17  }
0x243: {  	[tilespmem:s24], [sflag:$0x2] =	stream.linear.gather [hbm4b:s17+s5], $0x80, $0x38;
	[tilespmem:$0x1EB00] =	vst v63  }
0x244: {  	s17 =	sshrl.u32 s23, $0x3  }
0x245: {  	s24 =	simm.s32 $0x1DF00;
	s23 =	rddreg [dreg:$0xb];
	s17 =	sadd.s32 s2, s17  }
0x246: {  	[tilespmem:s24], [sflag:$0x2] =	stream.linear.gather [hbm4b:s17+s5], $0x80, $0x38;
	[tilespmem:$0x1EB00] =	vst v63  }
0x247: {  	s17 =	sadd.s32 s10, s23  }
0x248: {  	s17 =	sshrl.u32 s17, $0x3  }
0x249: {  	s24 =	simm.s32 $0x1DF80;
	s23 =	rddreg [dreg:$0xc];
	s17 =	sadd.s32 s2, s17  }
0x24a: {  	[tilespmem:s24], [sflag:$0x2] =	stream.linear.gather [hbm4b:s17+s5], $0x80, $0x38;
	[tilespmem:$0x1EB00] =	vst v63  }
0x24b: {  	s17 =	sadd.s32 s10, s23  }
0x24c: {  	s17 =	sshrl.u32 s17, $0x3  }
0x24d: {  	s24 =	simm.s32 $0x1E000;
	s23 =	rddreg [dreg:$0xd];
	s17 =	sadd.s32 s2, s17  }
0x24e: {  	[tilespmem:s24], [sflag:$0x2] =	stream.linear.gather [hbm4b:s17+s5], $0x80, $0x38;
	[tilespmem:$0x1EB00] =	vst v63  }
0x24f: {  	s17 =	sadd.s32 s10, s23  }
0x250: {  	s17 =	sshrl.u32 s17, $0x3  }
0x251: {  	s24 =	simm.s32 $0x1E080;
	s23 =	rddreg [dreg:$0x15];
	s17 =	sadd.s32 s2, s17  }
0x252: {  	[tilespmem:s24], [sflag:$0x2] =	stream.linear.gather [hbm4b:s17+s5], $0x80, $0x38;
	[tilespmem:$0x1EB00] =	vst v63  }
0x253: {  	s17 =	sadd.s32 s10, s23  }
0x254: {  	s17 =	sshrl.u32 s17, $0x3  }
0x255: {  	s24 =	simm.s32 $0x1E100;
	s23 =	rddreg [dreg:$0x16];
	s17 =	sadd.s32 s2, s17  }
0x256: {  	[tilespmem:s24], [sflag:$0x2] =	stream.linear.gather [hbm4b:s17+s5], $0x80, $0x38;
	[tilespmem:$0x1EB00] =	vst v63  }
0x257: {  	s17 =	sadd.s32 s10, s23  }
0x258: {  	s17 =	sshrl.u32 s17, $0x3  }
0x259: {  	s24 =	simm.s32 $0x1E180;
	s23 =	rddreg [dreg:$0x1a];
	s17 =	sadd.s32 s2, s17  }
0x25a: {  	[tilespmem:s24], [sflag:$0x2] =	stream.linear.gather [hbm4b:s17+s5], $0x80, $0x38;
	[tilespmem:$0x1EB00] =	vst v63  }
0x25b: {  	s17 =	sadd.s32 s10, s23  }
0x25c: {  	s17 =	sshrl.u32 s17, $0x3  }
0x25d: {  	s24 =	simm.s32 $0x1E200;
	s23 =	rddreg [dreg:$0x1e];
	s17 =	sadd.s32 s2, s17  }
0x25e: {  	[tilespmem:s24], [sflag:$0x2] =	stream.linear.gather [hbm4b:s17+s5], $0x80, $0x38;
	[tilespmem:$0x1EB00] =	vst v63  }
0x25f: {  	s17 =	sadd.s32 s10, s23  }
0x260: {  	s17 =	sshrl.u32 s17, $0x3  }
0x261: {  	s24 =	simm.s32 $0x1E280;
	s23 =	rddreg [dreg:$0x1f];
	s17 =	sadd.s32 s2, s17  }
0x262: {  	[tilespmem:s24], [sflag:$0x2] =	stream.linear.gather [hbm4b:s17+s5], $0x80, $0x38;
	[tilespmem:$0x1EB00] =	vst v63  }
0x263: {  	s17 =	sadd.s32 s10, s23  }
0x264: {  	s17 =	sshrl.u32 s17, $0x3  }
0x265: {  	s24 =	simm.s32 $0x1E300;
	s23 =	sadd.s32 s10, s0;
	s17 =	sadd.s32 s2, s17  }
0x266: {  	[tilespmem:s24], [sflag:$0x2] =	stream.linear.gather [hbm4b:s17+s5], $0x80, $0x38;
	[tilespmem:$0x1EB00] =	vst v63  }
0x267: {  	s17 =	sshrl.u32 s23, $0x3  }
0x268: {  	s24 =	simm.s32 $0x1E380;
	s23 =	sadd.s32 s10, s15;
	s17 =	sadd.s32 s2, s17  }
0x269: {  	[tilespmem:s24], [sflag:$0x2] =	stream.linear.gather [hbm4b:s17+s5], $0x80, $0x38;
	[tilespmem:$0x1EB00] =	vst v63  }
0x26a: {  	s17 =	sshrl.u32 s23, $0x3  }
0x26b: {  	s24 =	simm.s32 $0x1E400;
	s23 =	sadd.s32 s10, s28;
	s17 =	sadd.s32 s2, s17  }
0x26c: {  	[tilespmem:s24], [sflag:$0x2] =	stream.linear.gather [hbm4b:s17+s5], $0x80, $0x38;
	[tilespmem:$0x1EB00] =	vst v63  }
0x26d: {  	s17 =	sshrl.u32 s23, $0x3  }
0x26e: {  	s24 =	simm.s32 $0x1E480;
	s23 =	sadd.s32 s10, s29;
	s17 =	sadd.s32 s2, s17  }
0x26f: {  	[tilespmem:s24], [sflag:$0x2] =	stream.linear.gather [hbm4b:s17+s5], $0x80, $0x38;
	[tilespmem:$0x1EB00] =	vst v63  }
0x270: {  	s17 =	sshrl.u32 s23, $0x3  }
0x271: {  	s24 =	simm.s32 $0x1E500;
	s23 =	sadd.s32 s10, s14;
	s17 =	sadd.s32 s2, s17  }
0x272: {  	[tilespmem:s24], [sflag:$0x2] =	stream.linear.gather [hbm4b:s17+s5], $0x80, $0x38;
	[tilespmem:$0x1EB00] =	vst v63  }
0x273: {  	s17 =	sshrl.u32 s23, $0x3  }
0x274: {  	s24 =	simm.s32 $0x1E580;
	s23 =	sadd.s32 s10, s4;
	s17 =	sadd.s32 s2, s17  }
0x275: {  	[tilespmem:s24], [sflag:$0x2] =	stream.linear.gather [hbm4b:s17+s5], $0x80, $0x38;
	[tilespmem:$0x1EB00] =	vst v63  }
0x276: {  	s17 =	sshrl.u32 s23, $0x3  }
0x277: {  	s24 =	simm.s32 $0x1E600;
	s23 =	sadd.s32 s10, s20;
	s17 =	sadd.s32 s2, s17  }
0x278: {  	[tilespmem:s24], [sflag:$0x2] =	stream.linear.gather [hbm4b:s17+s5], $0x80, $0x38;
	[tilespmem:$0x1EB00] =	vst v63  }
0x279: {  	s17 =	sshrl.u32 s23, $0x3  }
0x27a: {  	s24 =	simm.s32 $0x1E680;
	s23 =	sadd.s32 s10, s22;
	s17 =	sadd.s32 s2, s17  }
0x27b: {  	[tilespmem:s24], [sflag:$0x2] =	stream.linear.gather [hbm4b:s17+s5], $0x80, $0x38;
	[tilespmem:$0x1EB00] =	vst v63  }
0x27c: {  	s17 =	sshrl.u32 s23, $0x3  }
0x27d: {  	s24 =	simm.s32 $0x1E700;
	s23 =	sadd.s32 s10, s26;
	s17 =	sadd.s32 s2, s17  }
0x27e: {  	[tilespmem:s24], [sflag:$0x2] =	stream.linear.gather [hbm4b:s17+s5], $0x80, $0x38;
	[tilespmem:$0x1EB00] =	vst v63  }
0x27f: {  	s17 =	sshrl.u32 s23, $0x3  }
0x280: {  	s24 =	simm.s32 $0x1E780;
	s23 =	sadd.s32 s10, s3;
	s17 =	sadd.s32 s2, s17  }
0x281: {  	[tilespmem:s24], [sflag:$0x2] =	stream.linear.gather [hbm4b:s17+s5], $0x80, $0x38;
	[tilespmem:$0x1EB00] =	vst v63  }
0x282: {  	s17 =	sshrl.u32 s23, $0x3  }
0x283: {  	s24 =	simm.s32 $0x1E800;
	s23 =	sadd.s32 s10, s21;
	s17 =	sadd.s32 s2, s17  }
0x284: {  	[tilespmem:s24], [sflag:$0x2] =	stream.linear.gather [hbm4b:s17+s5], $0x80, $0x38;
	[tilespmem:$0x1EB00] =	vst v63  }
0x285: {  	s17 =	sshrl.u32 s23, $0x3  }
0x286: {  	s24 =	simm.s32 $0x1E880;
	s23 =	sadd.s32 s10, s1;
	s17 =	sadd.s32 s2, s17  }
0x287: {  	[tilespmem:s24], [sflag:$0x2] =	stream.linear.gather [hbm4b:s17+s5], $0x80, $0x38;
	[tilespmem:$0x1EB00] =	vst v63  }
0x288: {  	s17 =	sshrl.u32 s23, $0x3  }
0x289: {  	s24 =	simm.s32 $0x1E900;
	s23 =	sadd.s32 s10, s19;
	s17 =	sadd.s32 s2, s17  }
0x28a: {  	[tilespmem:s24], [sflag:$0x2] =	stream.linear.gather [hbm4b:s17+s5], $0x80, $0x38;
	[tilespmem:$0x1EB00] =	vst v63  }
0x28b: {  	s17 =	sshrl.u32 s23, $0x3  }
0x28c: {  	s24 =	simm.s32 $0x1E980;
	s23 =	sadd.s32 s10, s13;
	s17 =	sadd.s32 s2, s17  }
0x28d: {  	[tilespmem:s24], [sflag:$0x2] =	stream.linear.gather [hbm4b:s17+s5], $0x80, $0x38;
	[tilespmem:$0x1EB00] =	vst v63  }
0x28e: {  	s10 =	sadd.s32 s10, s12;
	s17 =	sshrl.u32 s23, $0x3  }
0x28f: {  	s10 =	sshrl.u32 s10, $0x3;
	s24 =	simm.s32 $0x1EA00;
	s17 =	sadd.s32 s2, s17  }
0x290: {  	[tilespmem:s24], [sflag:$0x2] =	stream.linear.gather [hbm4b:s17+s5], $0x80, $0x38;
	[tilespmem:$0x1EB00] =	vst v63  }
0x291: {  	s10 =	sadd.s32 s2, s10;
	s23 =	simm.s32 $0x1EA80  }
0x292: {  	[tilespmem:s23], [sflag:$0x2] =	stream.linear.gather [hbm4b:s10+s5], $0x80, $0x38;
	[tilespmem:$0x1EB00] =	vst v63  }
0x293: {  	_ =	swait.ge [sflag:s7], $0xC80  }
0x294: {  	[sflag:s7] =	ssyncset.done $0x0  }
0x295: {  	[sflag:s7] =	ssyncadd.s32 $0xFFFFF380  }
0x296: {  	_ =	swait.ge [sflag:s7], $0xC80  }
0x297: {  	[sflag:s7] =	ssyncset.done $0x0  }
0x298: {  	[sflag:s7] =	ssyncadd.s32 $0xFFFFF380  }
0x299: {  	_ =	swait.ge [sflag:s7], $0xC80  }
0x29a: {  	[sflag:s7] =	ssyncset.done $0x0  }
0x29b: {  	s24 =	simm.s32 $0x1A040;
	[sflag:s7] =	ssyncadd.s32 $0xFFFFF380  }
0x29c: {  	v1 =	vld [tilespmem:s24+$0x30]  }
0x29d: {  	v2 =	vld [tilespmem:s24+$0xFFFFFFC0]  }
0x29e: {  	s10 =	simm.s32 $0x1D240;
	v3 =	vld [tilespmem:s24+$0xFFFFFFD0]  }
0x29f: {  	v4 =	vld [tilespmem:s10+$0x30]  }
0x2a0: {  	v5 =	vld [tilespmem:s24+$0xFFFFFFE0]  }
0x2a1: {  	v6 =	vld [tilespmem:s24+$0xFFFFFFF0]  }
0x2a2: {  	v7 =	vld [tilespmem:s24+$0x0]  }
0x2a3: {  	v8 =	vld [tilespmem:s24+$0x10]  }
0x2a4: {  	v9 =	vld [tilespmem:s24+$0x20]  }
0x2a5: {  	v10 =	vld [tilespmem:s10+$0xFFFFFFD0]  }
0x2a6: {  	v11 =	vld [tilespmem:s10+$0xFFFFFFE0]  }
0x2a7: {  	v12 =	vld [tilespmem:s10+$0xFFFFFFF0]  }
0x2a8: {  	s17 =	simm.s32 $0x1B940;
	[tilespmem:v1+s5+$0x0] =	vst.idx.add.f32.msk $0xffff, v4  }
0x2a9: {  	v1 =	vld [tilespmem:s17+$0x30]  }
0x2aa: {  	v13 =	vld [tilespmem:s10+$0x0]  }
0x2ab: {  	v14 =	vld [tilespmem:s10+$0x10]  }
0x2ac: {  	v15 =	vld [tilespmem:s10+$0x20]  }
0x2ad: {  	[tilespmem:v3+s5+$0x0] =	vst.idx.add.f32.msk $0xffff, v10  }
0x2ae: {  	[tilespmem:v5+s5+$0x0] =	vst.idx.add.f32.msk $0xffff, v11  }
0x2af: {  	v4 =	vsub.f32 $0.0e+00, v4;
	[tilespmem:v7+s5+$0x0] =	vst.idx.add.f32.msk $0xffff, v13  }
0x2b0: {  	[tilespmem:v8+s5+$0x0] =	vst.idx.add.f32.msk $0xffff, v14  }
0x2b1: {  	[tilespmem:v1+s5+$0x0] =	vst.idx.add.f32.msk $0xffff, v4  }
0x2b2: {  	v1 =	vld [tilespmem:s10+$0xFFFFFFC0]  }
0x2b3: {  	v3 =	vld [tilespmem:s17+$0xFFFFFFD0]  }
0x2b4: {  	v56 =	vld [tilespmem:s17+$0xFFFFFFE0]  }
0x2b5: {  	v58 =	vld [tilespmem:s17+$0x0]  }
0x2b6: {  	v59 =	vld [tilespmem:s17+$0x10]  }
0x2b7: {  	[tilespmem:v2+s5+$0x0] =	vst.idx.add.f32.msk $0xffff, v1  }
0x2b8: {  	v2 =	vld [tilespmem:s17+$0xFFFFFFC0]  }
0x2b9: {  	[tilespmem:v6+s5+$0x0] =	vst.idx.add.f32.msk $0xffff, v12  }
0x2ba: {  	v61 =	vsub.f32 $0.0e+00, v10;
	v57 =	vld [tilespmem:s17+$0xFFFFFFF0]  }
0x2bb: {  	v62 =	vsub.f32 $0.0e+00, v11;
	[tilespmem:v9+s5+$0x0] =	vst.idx.add.f32.msk $0xffff, v15  }
0x2bc: {  	v63 =	vsub.f32 $0.0e+00, v14;
	[tilespmem:v3+s5+$0x0] =	vst.idx.add.f32.msk $0xffff, v61  }
0x2bd: {  	v3 =	vsub.f32 $0.0e+00, v13;
	[tilespmem:v56+s5+$0x0] =	vst.idx.add.f32.msk $0xffff, v62  }
0x2be: {  	[tilespmem:v59+s5+$0x0] =	vst.idx.add.f32.msk $0xffff, v63;
	v60 =	vsub.f32 $0.0e+00, v1  }
0x2bf: {  	[tilespmem:v58+s5+$0x0] =	vst.idx.add.f32.msk $0xffff, v3  }
0x2c0: {  	[tilespmem:v2+s5+$0x0] =	vst.idx.add.f32.msk $0xffff, v60;
	v2 =	vsub.f32 $0.0e+00, v12  }
0x2c1: {  	v1 =	vld [tilespmem:s17+$0x20]  }
0x2c2: {  	s18 =	sshll.u32 s16, $0x1;
	s23 =	simm.s32 $0x0;
	s24 =	simm.s32 $0x1A0C0;
	[tilespmem:v57+s5+$0x0] =	vst.idx.add.f32.msk $0xffff, v2;
	v2 =	vsub.f32 $0.0e+00, v15  }
.LBB2_12:
0x2c3: {  	v3 =	vld [tilespmem:s24+$0x30];
	s23 =	sadd.s32 $0x80, s23  }
0x2c4: {  	v4 =	vld [tilespmem:s24+$0xFFFFFFC0];
	p1 =	slt.u32 s23, $0xC00  }
0x2c5: {  	s10 =	sadd.s32 $0x80, s10;
	v5 =	vld [tilespmem:s24+$0xFFFFFFD0]  }
0x2c6: {  	v6 =	vld [tilespmem:s10+$0x30]  }
0x2c7: {  	v7 =	vld [tilespmem:s24+$0xFFFFFFE0]  }
0x2c8: {  	v8 =	vld [tilespmem:s24+$0xFFFFFFF0]  }
0x2c9: {  	v9 =	vld [tilespmem:s24+$0x0]  }
0x2ca: {  	v10 =	vld [tilespmem:s24+$0x10]  }
0x2cb: {  	s17 =	sadd.s32 $0x80, s17;
	[tilespmem:v3+s5+$0x0] =	vst.idx.add.f32.msk $0xffff, v6  }
0x2cc: {  	v3 =	vld [tilespmem:s17+$0x30]  }
0x2cd: {  	v11 =	vld [tilespmem:s24+$0x20]  }
0x2ce: {  	v12 =	vld [tilespmem:s10+$0xFFFFFFD0]  }
0x2cf: {  	v13 =	vld [tilespmem:s10+$0xFFFFFFE0]  }
0x2d0: {  	v14 =	vld [tilespmem:s10+$0xFFFFFFF0]  }
0x2d1: {  	v15 =	vld [tilespmem:s10+$0x0]  }
0x2d2: {  	v6 =	vsub.f32 $0.0e+00, v6;
	v16 =	vld [tilespmem:s10+$0x10]  }
0x2d3: {  	v17 =	vsub.f32 $0.0e+00, v12;
	v18 =	vld [tilespmem:s10+$0x20]  }
0x2d4: {  	v19 =	vsub.f32 $0.0e+00, v13;
	[tilespmem:v3+s5+$0x0] =	vst.idx.add.f32.msk $0xffff, v6  }
0x2d5: {  	v3 =	vld [tilespmem:s10+$0xFFFFFFC0];
	v6 =	vsub.f32 $0.0e+00, v14  }
0x2d6: {  	[tilespmem:v5+s5+$0x0] =	vst.idx.add.f32.msk $0xffff, v12;
	v5 =	vsub.f32 $0.0e+00, v15  }
0x2d7: {  	[tilespmem:v7+s5+$0x0] =	vst.idx.add.f32.msk $0xffff, v13;
	v7 =	vsub.f32 $0.0e+00, v16  }
0x2d8: {  	[tilespmem:v8+s5+$0x0] =	vst.idx.add.f32.msk $0xffff, v14;
	v8 =	vsub.f32 $0.0e+00, v18  }
0x2d9: {  	[tilespmem:v9+s5+$0x0] =	vst.idx.add.f32.msk $0xffff, v15  }
0x2da: {  	[tilespmem:v4+s5+$0x0] =	vst.idx.add.f32.msk $0xffff, v3;
	v3 =	vsub.f32 $0.0e+00, v3  }
0x2db: {  	[tilespmem:v10+s5+$0x0] =	vst.idx.add.f32.msk $0xffff, v16  }
0x2dc: {  	[tilespmem:v11+s5+$0x0] =	vst.idx.add.f32.msk $0xffff, v18  }
0x2dd: {  	v4 =	vld [tilespmem:s17+$0xFFFFFFC0]  }
0x2de: {  	v9 =	vld [tilespmem:s17+$0xFFFFFFD0]  }
0x2df: {  	v10 =	vld [tilespmem:s17+$0xFFFFFFE0]  }
0x2e0: {  	v11 =	vld [tilespmem:s17+$0xFFFFFFF0]  }
0x2e1: {  	v12 =	vld [tilespmem:s17+$0x0]  }
0x2e2: {  	v13 =	vld [tilespmem:s17+$0x10]  }
0x2e3: {  	v14 =	vld [tilespmem:s17+$0x20]  }
0x2e4: {  	[tilespmem:v1+s5+$0x0] =	vst.idx.add.f32.msk $0xffff, v2;
	v2 =	vmov v8  }
0x2e5: {  	[tilespmem:v4+s5+$0x0] =	vst.idx.add.f32.msk $0xffff, v3  }
.Ltmp8:
0x2e6: {  	[tilespmem:v9+s5+$0x0] =	vst.idx.add.f32.msk $0xffff, v17;
	(pc) =	sbr.rel @p1 .LBB2_12-.Ltmp8, $4  }
0x2e7: {  	[tilespmem:v10+s5+$0x0] =	vst.idx.add.f32.msk $0xffff, v19  }
0x2e8: {  	[tilespmem:v11+s5+$0x0] =	vst.idx.add.f32.msk $0xffff, v6;
	v1 =	vmov v14  }
0x2e9: {  	[tilespmem:v12+s5+$0x0] =	vst.idx.add.f32.msk $0xffff, v5  }
0x2ea: {  	s24 =	sadd.s32 $0x80, s24;
	[tilespmem:v13+s5+$0x0] =	vst.idx.add.f32.msk $0xffff, v7  }
0x2eb: {  	p1 =	seq.s32 s16, $0x7C  }
.Ltmp9:
0x2ec: {  	_ = 	snop;
	(pc) =	sbr.rel @p1 .LBB2_15-.Ltmp9, $2  }
0x2ed: {  	_ =	sdelay $0x2  }
0x2ee: {  	[tilespmem:v1+s5+$0x0] =	vst.idx.add.f32.msk $0xffff, v2  }
0x2ef: {  	s10 =	sadd.s32 $0x2, s18  }
0x2f0: {  	s17 =	smul.u32 $0xC80, s10;
	_ =	sdelay $0x1  }
0x2f1: {  	s24 =	sadd.s32 s25, s17  }
0x2f2: {  	s18 =	sshrl.u32 s24, $0x3  }
0x2f3: {  	s23 =	simm.s32 $0x1A000;
	s18 =	sadd.s32 s6, s18  }
0x2f4: {  	[tilespmem:s23], [sflag:$0x1] =	stream.linear.gather [hbm4b:s18+s5], $0xC80, $0x38;
	[tilespmem:$0x1EB00] =	vst v63  }
0x2f5: {  	s23 =	rddreg [dreg:$0x6]  }
0x2f6: {  	s10 =	smul.u32 $0x6400, s10;
	s17 =	sadd.s32 s23, s17  }
0x2f7: {  	s17 =	sshrl.u32 s17, $0x3  }
0x2f8: {  	s24 =	simm.s32 $0x1B900;
	s23 =	sadd.s32 s31, s10;
	s17 =	sadd.s32 s6, s17  }
0x2f9: {  	[tilespmem:s24], [sflag:$0x1] =	stream.linear.gather [hbm4b:s17+s5], $0xC80, $0x38;
	[tilespmem:$0x1EB00] =	vst v63  }
0x2fa: {  	s17 =	sshrl.u32 s23, $0x3  }
0x2fb: {  	s24 =	simm.s32 $0x1D200;
	s23 =	sadd.s32 s10, s9;
	s17 =	sadd.s32 s2, s17  }
0x2fc: {  	[tilespmem:s24], [sflag:$0x1] =	stream.linear.gather [hbm4b:s17+s5], $0x80, $0x38;
	[tilespmem:$0x1EB00] =	vst v63  }
0x2fd: {  	s17 =	sshrl.u32 s23, $0x3  }
0x2fe: {  	s24 =	simm.s32 $0x1D280;
	s23 =	rddreg [dreg:$0xb];
	s17 =	sadd.s32 s2, s17  }
0x2ff: {  	[tilespmem:s24], [sflag:$0x1] =	stream.linear.gather [hbm4b:s17+s5], $0x80, $0x38;
	[tilespmem:$0x1EB00] =	vst v63  }
0x300: {  	s17 =	sadd.s32 s10, s23  }
0x301: {  	s17 =	sshrl.u32 s17, $0x3  }
0x302: {  	s24 =	simm.s32 $0x1D300;
	s23 =	rddreg [dreg:$0xc];
	s17 =	sadd.s32 s2, s17  }
0x303: {  	[tilespmem:s24], [sflag:$0x1] =	stream.linear.gather [hbm4b:s17+s5], $0x80, $0x38;
	[tilespmem:$0x1EB00] =	vst v63  }
0x304: {  	s17 =	sadd.s32 s10, s23  }
0x305: {  	s17 =	sshrl.u32 s17, $0x3  }
0x306: {  	s24 =	simm.s32 $0x1D380;
	s23 =	rddreg [dreg:$0xd];
	s17 =	sadd.s32 s2, s17  }
0x307: {  	[tilespmem:s24], [sflag:$0x1] =	stream.linear.gather [hbm4b:s17+s5], $0x80, $0x38;
	[tilespmem:$0x1EB00] =	vst v63  }
0x308: {  	s17 =	sadd.s32 s10, s23  }
0x309: {  	s17 =	sshrl.u32 s17, $0x3  }
0x30a: {  	s24 =	simm.s32 $0x1D400;
	s23 =	rddreg [dreg:$0x15];
	s17 =	sadd.s32 s2, s17  }
0x30b: {  	[tilespmem:s24], [sflag:$0x1] =	stream.linear.gather [hbm4b:s17+s5], $0x80, $0x38;
	[tilespmem:$0x1EB00] =	vst v63  }
0x30c: {  	s17 =	sadd.s32 s10, s23  }
0x30d: {  	s17 =	sshrl.u32 s17, $0x3  }
0x30e: {  	s24 =	simm.s32 $0x1D480;
	s23 =	rddreg [dreg:$0x16];
	s17 =	sadd.s32 s2, s17  }
0x30f: {  	[tilespmem:s24], [sflag:$0x1] =	stream.linear.gather [hbm4b:s17+s5], $0x80, $0x38;
	[tilespmem:$0x1EB00] =	vst v63  }
0x310: {  	s17 =	sadd.s32 s10, s23  }
0x311: {  	s17 =	sshrl.u32 s17, $0x3  }
0x312: {  	s24 =	simm.s32 $0x1D500;
	s23 =	rddreg [dreg:$0x1a];
	s17 =	sadd.s32 s2, s17  }
0x313: {  	[tilespmem:s24], [sflag:$0x1] =	stream.linear.gather [hbm4b:s17+s5], $0x80, $0x38;
	[tilespmem:$0x1EB00] =	vst v63  }
0x314: {  	s17 =	sadd.s32 s10, s23  }
0x315: {  	s17 =	sshrl.u32 s17, $0x3  }
0x316: {  	s24 =	simm.s32 $0x1D580;
	s23 =	rddreg [dreg:$0x1e];
	s17 =	sadd.s32 s2, s17  }
0x317: {  	[tilespmem:s24], [sflag:$0x1] =	stream.linear.gather [hbm4b:s17+s5], $0x80, $0x38;
	[tilespmem:$0x1EB00] =	vst v63  }
0x318: {  	s17 =	sadd.s32 s10, s23  }
0x319: {  	s17 =	sshrl.u32 s17, $0x3  }
0x31a: {  	s24 =	simm.s32 $0x1D600;
	s23 =	rddreg [dreg:$0x1f];
	s17 =	sadd.s32 s2, s17  }
0x31b: {  	[tilespmem:s24], [sflag:$0x1] =	stream.linear.gather [hbm4b:s17+s5], $0x80, $0x38;
	[tilespmem:$0x1EB00] =	vst v63  }
0x31c: {  	s17 =	sadd.s32 s10, s23  }
0x31d: {  	s17 =	sshrl.u32 s17, $0x3  }
0x31e: {  	s24 =	simm.s32 $0x1D680;
	s23 =	sadd.s32 s10, s0;
	s17 =	sadd.s32 s2, s17  }
0x31f: {  	[tilespmem:s24], [sflag:$0x1] =	stream.linear.gather [hbm4b:s17+s5], $0x80, $0x38;
	[tilespmem:$0x1EB00] =	vst v63  }
0x320: {  	s17 =	sshrl.u32 s23, $0x3  }
0x321: {  	s24 =	simm.s32 $0x1D700;
	s23 =	sadd.s32 s10, s15;
	s17 =	sadd.s32 s2, s17  }
0x322: {  	[tilespmem:s24], [sflag:$0x1] =	stream.linear.gather [hbm4b:s17+s5], $0x80, $0x38;
	[tilespmem:$0x1EB00] =	vst v63  }
0x323: {  	s17 =	sshrl.u32 s23, $0x3  }
0x324: {  	s24 =	simm.s32 $0x1D780;
	s23 =	sadd.s32 s10, s28;
	s17 =	sadd.s32 s2, s17  }
0x325: {  	[tilespmem:s24], [sflag:$0x1] =	stream.linear.gather [hbm4b:s17+s5], $0x80, $0x38;
	[tilespmem:$0x1EB00] =	vst v63  }
0x326: {  	s17 =	sshrl.u32 s23, $0x3  }
0x327: {  	s24 =	simm.s32 $0x1D800;
	s23 =	sadd.s32 s10, s29;
	s17 =	sadd.s32 s2, s17  }
0x328: {  	[tilespmem:s24], [sflag:$0x1] =	stream.linear.gather [hbm4b:s17+s5], $0x80, $0x38;
	[tilespmem:$0x1EB00] =	vst v63  }
0x329: {  	s17 =	sshrl.u32 s23, $0x3  }
0x32a: {  	s24 =	simm.s32 $0x1D880;
	s23 =	sadd.s32 s10, s14;
	s17 =	sadd.s32 s2, s17  }
0x32b: {  	[tilespmem:s24], [sflag:$0x1] =	stream.linear.gather [hbm4b:s17+s5], $0x80, $0x38;
	[tilespmem:$0x1EB00] =	vst v63  }
0x32c: {  	s17 =	sshrl.u32 s23, $0x3  }
0x32d: {  	s24 =	simm.s32 $0x1D900;
	s23 =	sadd.s32 s10, s4;
	s17 =	sadd.s32 s2, s17  }
0x32e: {  	[tilespmem:s24], [sflag:$0x1] =	stream.linear.gather [hbm4b:s17+s5], $0x80, $0x38;
	[tilespmem:$0x1EB00] =	vst v63  }
0x32f: {  	s17 =	sshrl.u32 s23, $0x3  }
0x330: {  	s24 =	simm.s32 $0x1D980;
	s23 =	sadd.s32 s10, s20;
	s17 =	sadd.s32 s2, s17  }
0x331: {  	[tilespmem:s24], [sflag:$0x1] =	stream.linear.gather [hbm4b:s17+s5], $0x80, $0x38;
	[tilespmem:$0x1EB00] =	vst v63  }
0x332: {  	s17 =	sshrl.u32 s23, $0x3  }
0x333: {  	s24 =	simm.s32 $0x1DA00;
	s23 =	sadd.s32 s10, s22;
	s17 =	sadd.s32 s2, s17  }
0x334: {  	[tilespmem:s24], [sflag:$0x1] =	stream.linear.gather [hbm4b:s17+s5], $0x80, $0x38;
	[tilespmem:$0x1EB00] =	vst v63  }
0x335: {  	s17 =	sshrl.u32 s23, $0x3  }
0x336: {  	s24 =	simm.s32 $0x1DA80;
	s23 =	sadd.s32 s10, s26;
	s17 =	sadd.s32 s2, s17  }
0x337: {  	[tilespmem:s24], [sflag:$0x1] =	stream.linear.gather [hbm4b:s17+s5], $0x80, $0x38;
	[tilespmem:$0x1EB00] =	vst v63  }
0x338: {  	s17 =	sshrl.u32 s23, $0x3  }
0x339: {  	s24 =	simm.s32 $0x1DB00;
	s23 =	sadd.s32 s10, s3;
	s17 =	sadd.s32 s2, s17  }
0x33a: {  	[tilespmem:s24], [sflag:$0x1] =	stream.linear.gather [hbm4b:s17+s5], $0x80, $0x38;
	[tilespmem:$0x1EB00] =	vst v63  }
0x33b: {  	s17 =	sshrl.u32 s23, $0x3  }
0x33c: {  	s24 =	simm.s32 $0x1DB80;
	s23 =	sadd.s32 s10, s21;
	s17 =	sadd.s32 s2, s17  }
0x33d: {  	[tilespmem:s24], [sflag:$0x1] =	stream.linear.gather [hbm4b:s17+s5], $0x80, $0x38;
	[tilespmem:$0x1EB00] =	vst v63  }
0x33e: {  	s17 =	sshrl.u32 s23, $0x3  }
0x33f: {  	s24 =	simm.s32 $0x1DC00;
	s23 =	sadd.s32 s10, s1;
	s17 =	sadd.s32 s2, s17  }
0x340: {  	[tilespmem:s24], [sflag:$0x1] =	stream.linear.gather [hbm4b:s17+s5], $0x80, $0x38;
	[tilespmem:$0x1EB00] =	vst v63  }
0x341: {  	s17 =	sshrl.u32 s23, $0x3  }
0x342: {  	s24 =	simm.s32 $0x1DC80;
	s23 =	sadd.s32 s10, s19;
	s17 =	sadd.s32 s2, s17  }
0x343: {  	[tilespmem:s24], [sflag:$0x1] =	stream.linear.gather [hbm4b:s17+s5], $0x80, $0x38;
	[tilespmem:$0x1EB00] =	vst v63  }
0x344: {  	s17 =	sshrl.u32 s23, $0x3  }
0x345: {  	s18 =	sadd.s32 s10, s13;
	s24 =	simm.s32 $0x1DD00;
	s17 =	sadd.s32 s2, s17  }
0x346: {  	[tilespmem:s24], [sflag:$0x1] =	stream.linear.gather [hbm4b:s17+s5], $0x80, $0x38;
	[tilespmem:$0x1EB00] =	vst v63  }
0x347: {  	s10 =	sadd.s32 s10, s12;
	s17 =	sshrl.u32 s18, $0x3  }
0x348: {  	s10 =	sshrl.u32 s10, $0x3;
	s23 =	simm.s32 $0x1DD80;
	s17 =	sadd.s32 s2, s17  }
0x349: {  	[tilespmem:s23], [sflag:$0x1] =	stream.linear.gather [hbm4b:s17+s5], $0x80, $0x38;
	[tilespmem:$0x1EB00] =	vst v63  }
0x34a: {  	s10 =	sadd.s32 s2, s10;
	s24 =	simm.s32 $0x1DE00  }
0x34b: {  	[tilespmem:s24], [sflag:$0x1] =	stream.linear.gather [hbm4b:s10+s5], $0x80, $0x38;
	[tilespmem:$0x1EB00] =	vst v63  }
.LBB2_15:
0x34c: {  	_ =	swait.ge [sflag:s8], $0xC80  }
0x34d: {  	[sflag:s8] =	ssyncset.done $0x0  }
0x34e: {  	[sflag:s8] =	ssyncadd.s32 $0xFFFFF380  }
0x34f: {  	_ =	swait.ge [sflag:s8], $0xC80  }
0x350: {  	[sflag:s8] =	ssyncset.done $0x0  }
0x351: {  	[sflag:s8] =	ssyncadd.s32 $0xFFFFF380  }
0x352: {  	_ =	swait.ge [sflag:s8], $0xC80  }
0x353: {  	[sflag:s8] =	ssyncset.done $0x0  }
0x354: {  	s18 =	simm.s32 $0x1ACC0;
	[sflag:s8] =	ssyncadd.s32 $0xFFFFF380  }
0x355: {  	v1 =	vld [tilespmem:s18+$0x30]  }
0x356: {  	v2 =	vld [tilespmem:s18+$0xFFFFFFC0]  }
0x357: {  	s10 =	simm.s32 $0x1DEC0;
	v3 =	vld [tilespmem:s18+$0xFFFFFFD0]  }
0x358: {  	v4 =	vld [tilespmem:s10+$0x30]  }
0x359: {  	v5 =	vld [tilespmem:s18+$0xFFFFFFE0]  }
0x35a: {  	v6 =	vld [tilespmem:s18+$0xFFFFFFF0]  }
0x35b: {  	v7 =	vld [tilespmem:s18+$0x0]  }
0x35c: {  	v8 =	vld [tilespmem:s18+$0x10]  }
0x35d: {  	v9 =	vld [tilespmem:s18+$0x20]  }
0x35e: {  	v10 =	vld [tilespmem:s10+$0xFFFFFFD0]  }
0x35f: {  	v11 =	vld [tilespmem:s10+$0xFFFFFFE0]  }
0x360: {  	v12 =	vld [tilespmem:s10+$0xFFFFFFF0]  }
0x361: {  	s17 =	simm.s32 $0x1C5C0;
	[tilespmem:v1+s5+$0x0] =	vst.idx.add.f32.msk $0xffff, v4  }
0x362: {  	v1 =	vld [tilespmem:s17+$0x30]  }
0x363: {  	v13 =	vld [tilespmem:s10+$0x0]  }
0x364: {  	v14 =	vld [tilespmem:s10+$0x10]  }
0x365: {  	v15 =	vld [tilespmem:s10+$0x20]  }
0x366: {  	[tilespmem:v3+s5+$0x0] =	vst.idx.add.f32.msk $0xffff, v10  }
0x367: {  	[tilespmem:v5+s5+$0x0] =	vst.idx.add.f32.msk $0xffff, v11  }
0x368: {  	v4 =	vsub.f32 $0.0e+00, v4;
	[tilespmem:v7+s5+$0x0] =	vst.idx.add.f32.msk $0xffff, v13  }
0x369: {  	[tilespmem:v8+s5+$0x0] =	vst.idx.add.f32.msk $0xffff, v14  }
0x36a: {  	[tilespmem:v1+s5+$0x0] =	vst.idx.add.f32.msk $0xffff, v4  }
0x36b: {  	v1 =	vld [tilespmem:s10+$0xFFFFFFC0]  }
0x36c: {  	v3 =	vld [tilespmem:s17+$0xFFFFFFD0]  }
0x36d: {  	v56 =	vld [tilespmem:s17+$0xFFFFFFE0]  }
0x36e: {  	v58 =	vld [tilespmem:s17+$0x0]  }
0x36f: {  	v59 =	vld [tilespmem:s17+$0x10]  }
0x370: {  	[tilespmem:v2+s5+$0x0] =	vst.idx.add.f32.msk $0xffff, v1  }
0x371: {  	v2 =	vld [tilespmem:s17+$0xFFFFFFC0]  }
0x372: {  	[tilespmem:v6+s5+$0x0] =	vst.idx.add.f32.msk $0xffff, v12  }
0x373: {  	v61 =	vsub.f32 $0.0e+00, v10;
	v57 =	vld [tilespmem:s17+$0xFFFFFFF0]  }
0x374: {  	v62 =	vsub.f32 $0.0e+00, v11;
	[tilespmem:v9+s5+$0x0] =	vst.idx.add.f32.msk $0xffff, v15  }
0x375: {  	v63 =	vsub.f32 $0.0e+00, v14;
	[tilespmem:v3+s5+$0x0] =	vst.idx.add.f32.msk $0xffff, v61  }
0x376: {  	v3 =	vsub.f32 $0.0e+00, v13;
	[tilespmem:v56+s5+$0x0] =	vst.idx.add.f32.msk $0xffff, v62  }
0x377: {  	[tilespmem:v59+s5+$0x0] =	vst.idx.add.f32.msk $0xffff, v63;
	v60 =	vsub.f32 $0.0e+00, v1  }
0x378: {  	[tilespmem:v58+s5+$0x0] =	vst.idx.add.f32.msk $0xffff, v3  }
0x379: {  	[tilespmem:v2+s5+$0x0] =	vst.idx.add.f32.msk $0xffff, v60;
	v2 =	vsub.f32 $0.0e+00, v12  }
0x37a: {  	v1 =	vld [tilespmem:s17+$0x20]  }
0x37b: {  	s23 =	simm.s32 $0x1AD40;
	s18 =	simm.s32 $0x0;
	[tilespmem:v57+s5+$0x0] =	vst.idx.add.f32.msk $0xffff, v2;
	v2 =	vsub.f32 $0.0e+00, v15  }
.LBB2_16:
0x37c: {  	v3 =	vld [tilespmem:s23+$0x30];
	s18 =	sadd.s32 $0x80, s18  }
0x37d: {  	v4 =	vld [tilespmem:s23+$0xFFFFFFC0];
	p1 =	slt.u32 s18, $0xC00  }
0x37e: {  	s10 =	sadd.s32 $0x80, s10;
	v5 =	vld [tilespmem:s23+$0xFFFFFFD0]  }
0x37f: {  	v6 =	vld [tilespmem:s10+$0x30]  }
0x380: {  	v7 =	vld [tilespmem:s23+$0xFFFFFFE0]  }
0x381: {  	v8 =	vld [tilespmem:s23+$0xFFFFFFF0]  }
0x382: {  	v9 =	vld [tilespmem:s23+$0x0]  }
0x383: {  	v10 =	vld [tilespmem:s23+$0x10]  }
0x384: {  	s17 =	sadd.s32 $0x80, s17;
	[tilespmem:v3+s5+$0x0] =	vst.idx.add.f32.msk $0xffff, v6  }
0x385: {  	v3 =	vld [tilespmem:s17+$0x30]  }
0x386: {  	v11 =	vld [tilespmem:s23+$0x20]  }
0x387: {  	v12 =	vld [tilespmem:s10+$0xFFFFFFD0]  }
0x388: {  	v13 =	vld [tilespmem:s10+$0xFFFFFFE0]  }
0x389: {  	v14 =	vld [tilespmem:s10+$0xFFFFFFF0]  }
0x38a: {  	v15 =	vld [tilespmem:s10+$0x0]  }
0x38b: {  	v6 =	vsub.f32 $0.0e+00, v6;
	v16 =	vld [tilespmem:s10+$0x10]  }
0x38c: {  	v17 =	vsub.f32 $0.0e+00, v12;
	v18 =	vld [tilespmem:s10+$0x20]  }
0x38d: {  	v19 =	vsub.f32 $0.0e+00, v13;
	[tilespmem:v3+s5+$0x0] =	vst.idx.add.f32.msk $0xffff, v6  }
0x38e: {  	v3 =	vld [tilespmem:s10+$0xFFFFFFC0];
	v6 =	vsub.f32 $0.0e+00, v14  }
0x38f: {  	[tilespmem:v5+s5+$0x0] =	vst.idx.add.f32.msk $0xffff, v12;
	v5 =	vsub.f32 $0.0e+00, v15  }
0x390: {  	[tilespmem:v7+s5+$0x0] =	vst.idx.add.f32.msk $0xffff, v13;
	v7 =	vsub.f32 $0.0e+00, v16  }
0x391: {  	[tilespmem:v8+s5+$0x0] =	vst.idx.add.f32.msk $0xffff, v14;
	v8 =	vsub.f32 $0.0e+00, v18  }
0x392: {  	[tilespmem:v9+s5+$0x0] =	vst.idx.add.f32.msk $0xffff, v15  }
0x393: {  	[tilespmem:v4+s5+$0x0] =	vst.idx.add.f32.msk $0xffff, v3;
	v3 =	vsub.f32 $0.0e+00, v3  }
0x394: {  	[tilespmem:v10+s5+$0x0] =	vst.idx.add.f32.msk $0xffff, v16  }
0x395: {  	[tilespmem:v11+s5+$0x0] =	vst.idx.add.f32.msk $0xffff, v18  }
0x396: {  	v4 =	vld [tilespmem:s17+$0xFFFFFFC0]  }
0x397: {  	v9 =	vld [tilespmem:s17+$0xFFFFFFD0]  }
0x398: {  	v10 =	vld [tilespmem:s17+$0xFFFFFFE0]  }
0x399: {  	v11 =	vld [tilespmem:s17+$0xFFFFFFF0]  }
0x39a: {  	v12 =	vld [tilespmem:s17+$0x0]  }
0x39b: {  	v13 =	vld [tilespmem:s17+$0x10]  }
0x39c: {  	v14 =	vld [tilespmem:s17+$0x20]  }
0x39d: {  	[tilespmem:v1+s5+$0x0] =	vst.idx.add.f32.msk $0xffff, v2;
	v2 =	vmov v8  }
0x39e: {  	[tilespmem:v4+s5+$0x0] =	vst.idx.add.f32.msk $0xffff, v3  }
.Ltmp10:
0x39f: {  	[tilespmem:v9+s5+$0x0] =	vst.idx.add.f32.msk $0xffff, v17;
	(pc) =	sbr.rel @p1 .LBB2_16-.Ltmp10, $4  }
0x3a0: {  	[tilespmem:v10+s5+$0x0] =	vst.idx.add.f32.msk $0xffff, v19  }
0x3a1: {  	[tilespmem:v11+s5+$0x0] =	vst.idx.add.f32.msk $0xffff, v6;
	v1 =	vmov v14  }
0x3a2: {  	[tilespmem:v12+s5+$0x0] =	vst.idx.add.f32.msk $0xffff, v5  }
0x3a3: {  	s23 =	sadd.s32 $0x80, s23;
	[tilespmem:v13+s5+$0x0] =	vst.idx.add.f32.msk $0xffff, v7  }
0x3a4: {  	s16 =	sadd.s32 $0x1, s16  }
0x3a5: {  	p1 =	sne.s32 s16, $0x7D  }
.Ltmp11:
0x3a6: {  	_ = 	snop;
	(pc) =	sbr.rel @p1 .LBB2_11-.Ltmp11, $2  }
0x3a7: {  	_ =	sdelay $0x2  }
0x3a8: {  	[tilespmem:v1+s5+$0x0] =	vst.idx.add.f32.msk $0xffff, v2  }
0x3a9: {  	s10 =	sld [smem:$0x7E6];
	_ =	sdelay $0x1  }
0x3aa: {  	s16 =	simm.s32 $0x0;
	s24 =	simm.s32 $0x5  }
0x3ab: {  	[hbm4b:s10+s16] =	stream.linear.scatter [tilespmem:s16], [sflag:$0x5], $0x186A0, $0x38;
	[tilespmem:$0x1EB00] =	vst v63  }
0x3ac: {  	_ =	swait.ge [sflag:s24], $0x186A0  }
0x3ad: {  	[sflag:s24] =	ssyncset.done $0x0  }
0x3ae: {  	[sflag:s24] =	ssyncadd.s32 $0xFFFE7960  }
0x3af: {  	[bflag:$0x0] =	sbarrier.arrive $0xFFFF  }
0x3b0: {  	[tilespmem:$0x3E0] =	vst v0  }
0x3b1: {  	[tilespmem:$0x7D0] =	vst v0  }
0x3b2: {  	[tilespmem:$0xBC0] =	vst v0  }
0x3b3: {  	[tilespmem:$0xFB0] =	vst v0  }
0x3b4: {  	[tilespmem:$0x13A0] =	vst v0  }
0x3b5: {  	[tilespmem:$0x1790] =	vst v0  }
0x3b6: {  	[tilespmem:$0x1B80] =	vst v0  }
0x3b7: {  	[tilespmem:$0x1F70] =	vst v0  }
0x3b8: {  	[tilespmem:$0x2360] =	vst v0;
	s17 =	sld [smem:$0x7E8]  }
0x3b9: {  	[tilespmem:$0x2750] =	vst v0  }
0x3ba: {  	[tilespmem:$0x2760] =	vst v0;
	s18 =	sld [smem:$0x7E9]  }
0x3bb: {  	[tilespmem:s16], [sflag:$0x1] =	stream.linear.gather [hbm4b:s17+s16], $0x3E8, $0x38;
	[tilespmem:$0x1EB00] =	vst v63  }
0x3bc: {  	s23 =	sld [smem:$0x7ED];
	s17 =	simm.s32 $0x7E0  }
0x3bd: {  	[tilespmem:s17], [sflag:$0x1] =	stream.linear.gather [hbm4b:s18+s16], $0x3E8, $0x38;
	[tilespmem:$0x1EB00] =	vst v63  }
0x3be: {  	s24 =	simm.s32 $0xFC0;
	s17 =	sld [smem:$0x7EE]  }
0x3bf: {  	[tilespmem:s24], [sflag:$0x1] =	stream.linear.gather [hbm4b:s23+s16], $0x3E8, $0x38;
	[tilespmem:$0x1EB00] =	vst v63  }
.Ltmp12:
0x3c0: {  	_ = 	snop;
	(pc) =	sbr.rel .LBB2_19-.Ltmp12, $4  }
0x3c1: {  	s18 =	simm.s32 $0x17A0;
	s23 =	sld [smem:$0x7F0]  }
0x3c2: {  	[tilespmem:s18], [sflag:$0x1] =	stream.linear.gather [hbm4b:s17+s16], $0x3E8, $0x38;
	[tilespmem:$0x1EB00] =	vst v63  }
0x3c3: {  	s24 =	simm.s32 $0x1F80;
	s17 =	simm.s32 $0x0  }
0x3c4: {  	[tilespmem:s24], [sflag:$0x1] =	stream.linear.gather [hbm4b:s23+s16], $0x3E8, $0x38;
	[tilespmem:$0x1EB00] =	vst v63  }
.LBB2_25:
0x3c5: {  	s17 =	sadd.s32 $0x1, s17  }
0x3c6: {  	p1 =	sne.s32 s17, $0xD  }
.Ltmp13:
0x3c7: {  	_ = 	snop;
	(pc) =	sbr.rel @!p1 .LBB2_26-.Ltmp13, $1  }
0x3c8: {  	_ =	sdelay $0x3  }
.LBB2_19:
0x3c9: {  	s10 =	sshllo.u32 s17, $0x1  }
0x3ca: {  	s18 =	sld [smem:$0x7F5];
	p1 =	sgt.u32 s10, $0x18  }
0x3cb: {  	s10 =	smul.u32 @!p1 $0x3E8, s10;
	_ =	sdelay $0x1  }
0x3cc: {  	s10 =	sadd.s32 @!p1 s18, s10;
	s18 =	sld [smem:$0x7EB];
	_ =	sdelay $0x2  }
0x3cd: {  	s18 =	sadd.s32 @!p1 s18, s10  }
0x3ce: {  	s18 =	sshrl.u32 @!p1 s18, $0x3  }
0x3cf: {  	s23 =	simm.s32 @!p1 $0x0;
	s24 =	simm.s32 @!p1 $0x3F0;
	s18 =	sadd.s32 @!p1 s11, s18  }
0x3d0: {  	[tilespmem:s24], [sflag:$0x2] =	stream.linear.gather @!p1 [hbm4b:s18+s23], $0x3E8, $0x38;
	[tilespmem:$0x1EB00] =	vst v63  }
0x3d1: {  	s18 =	sld [smem:$0x7E7];
	_ =	sdelay $0x2  }
0x3d2: {  	s18 =	sadd.s32 @!p1 s18, s10  }
0x3d3: {  	s18 =	sshrl.u32 @!p1 s18, $0x3  }
0x3d4: {  	s24 =	simm.s32 @!p1 $0xBD0;
	s18 =	sadd.s32 @!p1 s11, s18  }
0x3d5: {  	[tilespmem:s24], [sflag:$0x2] =	stream.linear.gather @!p1 [hbm4b:s18+s23], $0x3E8, $0x38;
	[tilespmem:$0x1EB00] =	vst v63  }
0x3d6: {  	s18 =	sld [smem:$0x7EA];
	_ =	sdelay $0x2  }
0x3d7: {  	s18 =	sadd.s32 @!p1 s18, s10  }
0x3d8: {  	s18 =	sshrl.u32 @!p1 s18, $0x3  }
0x3d9: {  	s24 =	simm.s32 @!p1 $0x13B0;
	s18 =	sadd.s32 @!p1 s11, s18  }
0x3da: {  	[tilespmem:s24], [sflag:$0x2] =	stream.linear.gather @!p1 [hbm4b:s18+s23], $0x3E8, $0x38;
	[tilespmem:$0x1EB00] =	vst v63  }
0x3db: {  	s18 =	sld [smem:$0x7EC];
	_ =	sdelay $0x2  }
0x3dc: {  	s18 =	sadd.s32 @!p1 s18, s10  }
0x3dd: {  	s18 =	sshrl.u32 @!p1 s18, $0x3  }
0x3de: {  	s24 =	simm.s32 @!p1 $0x1B90;
	s18 =	sadd.s32 @!p1 s11, s18  }
0x3df: {  	[tilespmem:s24], [sflag:$0x2] =	stream.linear.gather @!p1 [hbm4b:s18+s23], $0x3E8, $0x38;
	[tilespmem:$0x1EB00] =	vst v63  }
0x3e0: {  	s18 =	sld [smem:$0x7EF]  }
0x3e1: {  	s10 =	sadd.s32 @!p1 s30, s10  }
0x3e2: {  	s10 =	sshrl.u32 @!p1 s10, $0x3  }
0x3e3: {  	s10 =	sadd.s32 @!p1 s18, s10;
	s18 =	simm.s32 @!p1 $0x2370  }
0x3e4: {  	[tilespmem:s18], [sflag:$0x2] =	stream.linear.gather @!p1 [hbm4b:s10+s23], $0x3E8, $0x38;
	[tilespmem:$0x1EB00] =	vst v63  }
0x3e5: {  	_ =	swait.ge [sflag:s7], $0x3E8  }
0x3e6: {  	[sflag:s7] =	ssyncset.done $0x0  }
0x3e7: {  	[sflag:s7] =	ssyncadd.s32 $0xFFFFFC18  }
0x3e8: {  	_ =	swait.ge [sflag:s7], $0x3E8  }
0x3e9: {  	[sflag:s7] =	ssyncset.done $0x0  }
0x3ea: {  	[sflag:s7] =	ssyncadd.s32 $0xFFFFFC18  }
0x3eb: {  	_ =	swait.ge [sflag:s7], $0x3E8  }
0x3ec: {  	[sflag:s7] =	ssyncset.done $0x0  }
0x3ed: {  	[sflag:s7] =	ssyncadd.s32 $0xFFFFFC18  }
0x3ee: {  	_ =	swait.ge [sflag:s7], $0x3E8  }
0x3ef: {  	[sflag:s7] =	ssyncset.done $0x0  }
0x3f0: {  	[sflag:s7] =	ssyncadd.s32 $0xFFFFFC18  }
0x3f1: {  	_ =	swait.ge [sflag:s7], $0x3E8  }
0x3f2: {  	[sflag:s7] =	ssyncset.done $0x0  }
0x3f3: {  	s24 =	simm.s32 $0xFC0;
	[sflag:s7] =	ssyncadd.s32 $0xFFFFFC18  }
0x3f4: {  	v4 =	vld [tilespmem:s24+$0xFFFFF040]  }
0x3f5: {  	v5 =	vld [tilespmem:s24+$0xFFFFF820]  }
0x3f6: {  	v8 =	vld [tilespmem:s24+$0x0]  }
0x3f7: {  	v9 =	vld [tilespmem:s24+$0x7E0]  }
0x3f8: {  	s18 =	sand.u32 $0x3F0, s16  }
0x3f9: {  	s23 =	simm.s32 $0xFD0;
	v6 =	vld [tilespmem:s18+$0x1F80]  }
0x3fa: {  	v7 =	vld [tilespmem:s23+$0xFFFFF040]  }
0x3fb: {  	v3 =	vld [tilespmem:s23+$0xFFFFF820]  }
0x3fc: {  	v2 =	vld [tilespmem:s23+$0x0];
	v4 =	vadd.f32 v5, v4;
	v8 =	vadd.f32 v9, v8  }
0x3fd: {  	s24 =	simm.s32 $0x10;
	v5 =	vld [tilespmem:s23+$0x7E0]  }
0x3fe: {  	v1 =	vld [tilespmem:$0x2760];
	s18 =	sand.u32 $0x3F0, s24;
	v8 =	vadd.f32 v8, v4  }
0x3ff: {  	s10 =	simm.s32 $0x20;
	v4 =	vld [tilespmem:s18+$0x1F80];
	s18 =	simm.s32 $0xFE0  }
.LBB2_20:
0x400: {  	v9 =	vld [tilespmem:s18+$0xFFFFF040];
	v6 =	vsub.f32 v8, v6;
	v8 =	vmov v3;
	s23 =	smov.u32 s10;
	p2 =	sne.s32 s10, $0x3E0  }
.Ltmp14:
0x401: {  	v3 =	vld [tilespmem:s18+$0xFFFFF820];
	(pc) =	sbr.rel @p2 .LBB2_20-.Ltmp14, $4  }
0x402: {  	v11 =	vadd.f32 v8, v7;
	v8 =	vadd.f32 v5, v2;
	v2 =	vld [tilespmem:s18+$0x0];
	v10 =	vmul.f32 v6, v6  }
0x403: {  	s10 =	sadd.s32 $0x10, s10;
	v5 =	vld [tilespmem:s18+$0x7E0]  }
0x404: {  	s23 =	sand.u32 $0x3F0, s23;
	v8 =	vadd.f32 v8, v11;
	v1 =	vadd.f32 v10, v1;
	v6 =	vmov v4  }
0x405: {  	s18 =	sadd.s32 $0x10, s18;
	v4 =	vld [tilespmem:s23+$0x1F80];
	v7 =	vmov v9  }
0x406: {  	_ =	sdelay $0x1  }
0x407: {  	v3 =	vadd.f32 v3, v7;
	v2 =	vadd.f32 v5, v2;
	_ =	sdelay $0x1  }
0x408: {  	v63 =	vsub.f32 v8, v6;
	v2 =	vadd.f32 v2, v3;
	_ =	sdelay $0x1  }
0x409: {  	v3 =	vmul.f32 v63, v63;
	v2 =	vsub.f32 v2, v4;
	_ =	sdelay $0x1  }
.Ltmp15:
0x40a: {  	v1 =	vadd.f32 v3, v1;
	v2 =	vmul.f32 v2, v2;
	(pc) =	sbr.rel @p1 .LBB2_25-.Ltmp15, $3  }
0x40b: {  	_ = 	snop  }
0x40c: {  	v1 =	vadd.f32 v2, v1;
	_ =	sdelay $0x1  }
0x40d: {  	[tilespmem:$0x2760] =	vst v1  }
0x40e: {  	s18 =	sld [smem:$0x7F6]  }
0x40f: {  	s10 =	smul.u32 $0x7D0, s17;
	s23 =	sld [smem:$0x7EB]  }
0x410: {  	_ = 	snop  }
0x411: {  	s10 =	sadd.s32 s10, s18  }
0x412: {  	s18 =	sadd.s32 s23, s10  }
0x413: {  	s24 =	sld [smem:$0x7E7];
	s18 =	sshrl.u32 s18, $0x3  }
0x414: {  	s23 =	simm.s32 $0x0;
	s18 =	sadd.s32 s11, s18  }
0x415: {  	[tilespmem:s23], [sflag:$0x1] =	stream.linear.gather [hbm4b:s18+s23], $0x3E8, $0x38;
	[tilespmem:$0x1EB00] =	vst v63  }
0x416: {  	s18 =	sadd.s32 s24, s10  }
0x417: {  	s18 =	sshrl.u32 s18, $0x3  }
0x418: {  	s24 =	simm.s32 $0x7E0;
	s18 =	sadd.s32 s11, s18  }
0x419: {  	[tilespmem:s24], [sflag:$0x1] =	stream.linear.gather [hbm4b:s18+s23], $0x3E8, $0x38;
	[tilespmem:$0x1EB00] =	vst v63  }
0x41a: {  	s24 =	sld [smem:$0x7EA];
	_ =	sdelay $0x2  }
0x41b: {  	s18 =	sadd.s32 s24, s10  }
0x41c: {  	s18 =	sshrl.u32 s18, $0x3  }
0x41d: {  	s24 =	simm.s32 $0xFC0;
	s18 =	sadd.s32 s11, s18  }
0x41e: {  	[tilespmem:s24], [sflag:$0x1] =	stream.linear.gather [hbm4b:s18+s23], $0x3E8, $0x38;
	[tilespmem:$0x1EB00] =	vst v63  }
0x41f: {  	s24 =	sld [smem:$0x7EC];
	_ =	sdelay $0x2  }
0x420: {  	s18 =	sadd.s32 s24, s10  }
0x421: {  	s18 =	sshrl.u32 s18, $0x3  }
0x422: {  	s24 =	simm.s32 $0x17A0;
	s18 =	sadd.s32 s11, s18  }
0x423: {  	[tilespmem:s24], [sflag:$0x1] =	stream.linear.gather [hbm4b:s18+s23], $0x3E8, $0x38;
	[tilespmem:$0x1EB00] =	vst v63  }
0x424: {  	s24 =	sld [smem:$0x7EF]  }
0x425: {  	s10 =	sadd.s32 s30, s10  }
0x426: {  	s10 =	sshrl.u32 s10, $0x3  }
0x427: {  	s10 =	sadd.s32 s24, s10;
	s24 =	simm.s32 $0x1F80  }
0x428: {  	[tilespmem:s24], [sflag:$0x1] =	stream.linear.gather [hbm4b:s10+s23], $0x3E8, $0x38;
	[tilespmem:$0x1EB00] =	vst v63  }
0x429: {  	_ =	swait.ge [sflag:s8], $0x3E8  }
0x42a: {  	[sflag:s8] =	ssyncset.done $0x0  }
0x42b: {  	[sflag:s8] =	ssyncadd.s32 $0xFFFFFC18  }
0x42c: {  	_ =	swait.ge [sflag:s8], $0x3E8  }
0x42d: {  	[sflag:s8] =	ssyncset.done $0x0  }
0x42e: {  	[sflag:s8] =	ssyncadd.s32 $0xFFFFFC18  }
0x42f: {  	_ =	swait.ge [sflag:s8], $0x3E8  }
0x430: {  	[sflag:s8] =	ssyncset.done $0x0  }
0x431: {  	[sflag:s8] =	ssyncadd.s32 $0xFFFFFC18  }
0x432: {  	_ =	swait.ge [sflag:s8], $0x3E8  }
0x433: {  	[sflag:s8] =	ssyncset.done $0x0  }
0x434: {  	[sflag:s8] =	ssyncadd.s32 $0xFFFFFC18  }
0x435: {  	_ =	swait.ge [sflag:s8], $0x3E8  }
0x436: {  	[sflag:s8] =	ssyncset.done $0x0  }
0x437: {  	s24 =	simm.s32 $0x0;
	[sflag:s8] =	ssyncadd.s32 $0xFFFFFC18  }
0x438: {  	v4 =	vld [tilespmem:s24+$0x3F0]  }
0x439: {  	v5 =	vld [tilespmem:s24+$0xBD0]  }
0x43a: {  	v7 =	vld [tilespmem:s24+$0x13B0]  }
0x43b: {  	v8 =	vld [tilespmem:s24+$0x1B90];
	_ =	sdelay $0x1  }
0x43c: {  	s10 =	simm.s32 $0x10;
	v6 =	vld [tilespmem:s24+$0x2370]  }
0x43d: {  	v2 =	vld [tilespmem:s10+$0x3F0]  }
0x43e: {  	v3 =	vld [tilespmem:s10+$0xBD0]  }
0x43f: {  	v9 =	vadd.f32 v5, v4;
	v7 =	vadd.f32 v8, v7;
	v4 =	vld [tilespmem:s10+$0x13B0]  }
0x440: {  	v5 =	vld [tilespmem:s10+$0x1B90]  }
0x441: {  	s18 =	simm.s32 $0x80;
	v1 =	vld [tilespmem:$0x2760];
	v7 =	vadd.f32 v7, v9  }
.LBB2_23:
0x442: {  	v8 =	vld [tilespmem:s10+$0x2370];
	s10 =	sshra.s32 s18, $0x2;
	v9 =	vmov v2;
	p1 =	sne.s32 s18, $0xF80  }
.Ltmp16:
0x443: {  	v2 =	vld [tilespmem:s10+$0x3F0];
	v6 =	vsub.f32 v7, v6;
	v7 =	vmov v3;
	(pc) =	sbr.rel @p1 .LBB2_23-.Ltmp16, $4  }
0x444: {  	v3 =	vld [tilespmem:s10+$0xBD0]  }
0x445: {  	s18 =	sadd.s32 $0x40, s18;
	v7 =	vadd.f32 v7, v9;
	v9 =	vadd.f32 v5, v4;
	v4 =	vld [tilespmem:s10+$0x13B0];
	v10 =	vmul.f32 v6, v6  }
0x446: {  	v5 =	vld [tilespmem:s10+$0x1B90]  }
0x447: {  	v7 =	vadd.f32 v9, v7;
	v1 =	vadd.f32 v10, v1;
	v6 =	vmov v8  }
0x448: {  	_ =	sdelay $0x1  }
0x449: {  	v8 =	vld [tilespmem:s10+$0x2370]  }
0x44a: {  	v2 =	vadd.f32 v3, v2;
	v3 =	vadd.f32 v5, v4;
	_ =	sdelay $0x1  }
0x44b: {  	v63 =	vsub.f32 v7, v6;
	v2 =	vadd.f32 v3, v2;
	_ =	sdelay $0x1  }
0x44c: {  	v3 =	vmul.f32 v63, v63;
	v2 =	vsub.f32 v2, v8;
	_ =	sdelay $0x1  }
.Ltmp17:
0x44d: {  	v1 =	vadd.f32 v3, v1;
	v2 =	vmul.f32 v2, v2;
	(pc) =	sbr.rel .LBB2_25-.Ltmp17, $3  }
0x44e: {  	_ = 	snop  }
0x44f: {  	v1 =	vadd.f32 v2, v1;
	_ =	sdelay $0x1  }
0x450: {  	[tilespmem:$0x2760] =	vst v1  }
.LBB2_27:
0x451: {  	s10 =	rddreg [dreg:$0x0];
	s16 =	simm.s32 $0x5  }
0x452: {  	[tilespmem:s5], [sflag:$0x5] =	stream.linear.gather [hbm4b:s10+s5], $0x10, $0x38;
	[tilespmem:$0x1EB00] =	vst v63  }
0x453: {  	_ =	swait.ge [sflag:s16], $0x10  }
0x454: {  	s23 =	sld [smem:$0x7F7]  }
0x455: {  	[sflag:s16] =	ssyncset.done $0x0  }
0x456: {  	s17 =	simm.s32 $0x10;
	[sflag:s16] =	ssyncadd.s32 $0xFFFFFFF0  }
0x457: {  	[tilespmem:s17], [sflag:$0x5] =	stream.linear.gather [hbm4b:s23+s5], $0x10, $0x38;
	[tilespmem:$0x1EB00] =	vst v63  }
0x458: {  	_ =	swait.ge [sflag:s16], $0x10  }
0x459: {  	s24 =	sld [smem:$0x7F8]  }
0x45a: {  	[sflag:s16] =	ssyncset.done $0x0  }
0x45b: {  	s30 =	simm.s32 $0x20;
	[sflag:s16] =	ssyncadd.s32 $0xFFFFFFF0  }
0x45c: {  	[tilespmem:s30], [sflag:$0x5] =	stream.linear.gather [hbm4b:s24+s5], $0x10, $0x38;
	[tilespmem:$0x1EB00] =	vst v63  }
0x45d: {  	_ =	swait.ge [sflag:s16], $0x10  }
0x45e: {  	s17 =	sld [smem:$0x7F9]  }
0x45f: {  	[sflag:s16] =	ssyncset.done $0x0  }
0x460: {  	s23 =	simm.s32 $0x30;
	[sflag:s16] =	ssyncadd.s32 $0xFFFFFFF0  }
0x461: {  	[tilespmem:s23], [sflag:$0x5] =	stream.linear.gather [hbm4b:s17+s5], $0x10, $0x38;
	[tilespmem:$0x1EB00] =	vst v63  }
0x462: {  	_ =	swait.ge [sflag:s16], $0x10  }
0x463: {  	s24 =	sld [smem:$0x7FA]  }
0x464: {  	[sflag:s16] =	ssyncset.done $0x0  }
0x465: {  	s30 =	simm.s32 $0x40;
	[sflag:s16] =	ssyncadd.s32 $0xFFFFFFF0  }
0x466: {  	[tilespmem:s30], [sflag:$0x5] =	stream.linear.gather [hbm4b:s24+s5], $0x10, $0x38;
	[tilespmem:$0x1EB00] =	vst v63  }
0x467: {  	_ =	swait.ge [sflag:s16], $0x10  }
0x468: {  	s17 =	sld [smem:$0x7FB]  }
0x469: {  	[sflag:s16] =	ssyncset.done $0x0  }
0x46a: {  	s23 =	simm.s32 $0x50;
	[sflag:s16] =	ssyncadd.s32 $0xFFFFFFF0  }
0x46b: {  	[tilespmem:s23], [sflag:$0x5] =	stream.linear.gather [hbm4b:s17+s5], $0x10, $0x38;
	[tilespmem:$0x1EB00] =	vst v63  }
0x46c: {  	_ =	swait.ge [sflag:s16], $0x10  }
0x46d: {  	s24 =	sld [smem:$0x7FC]  }
0x46e: {  	[sflag:s16] =	ssyncset.done $0x0  }
0x46f: {  	s30 =	simm.s32 $0x60;
	[sflag:s16] =	ssyncadd.s32 $0xFFFFFFF0  }
0x470: {  	[tilespmem:s30], [sflag:$0x5] =	stream.linear.gather [hbm4b:s24+s5], $0x10, $0x38;
	[tilespmem:$0x1EB00] =	vst v63  }
0x471: {  	_ =	swait.ge [sflag:s16], $0x10  }
0x472: {  	s17 =	sld [smem:$0x7FD]  }
0x473: {  	[sflag:s16] =	ssyncset.done $0x0  }
0x474: {  	s23 =	simm.s32 $0x70;
	[sflag:s16] =	ssyncadd.s32 $0xFFFFFFF0  }
0x475: {  	[tilespmem:s23], [sflag:$0x5] =	stream.linear.gather [hbm4b:s17+s5], $0x10, $0x38;
	[tilespmem:$0x1EB00] =	vst v63  }
0x476: {  	_ =	swait.ge [sflag:s16], $0x10  }
0x477: {  	[sflag:s16] =	ssyncset.done $0x0  }
0x478: {  	[sflag:s16] =	ssyncadd.s32 $0xFFFFFFF0  }
0x479: {  	v1 =	vld [tilespmem:$0x0]  }
0x47a: {  	v2 =	vld [tilespmem:$0x10];
	_ =	sdelay $0x1  }
0x47b: {  	v3 =	vld [tilespmem:$0x20]  }
0x47c: {  	v4 =	vld [tilespmem:$0x30];
	_ =	sdelay $0x1  }
0x47d: {  	v1 =	vadd.f32 $-5.000000000e+01, v1;
	v2 =	vadd.f32 $-5.000000000e+01, v2  }
0x47e: {  	v5 =	vld [tilespmem:$0x40]  }
0x47f: {  	v3 =	vadd.f32 $-5.000000000e+01, v3;
	v1 =	vmul.f32 v1, v1;
	v2 =	vmul.f32 v2, v2  }
0x480: {  	v6 =	vld [tilespmem:$0x50];
	v4 =	vadd.f32 $-5.000000000e+01, v4  }
0x481: {  	v3 =	vmul.f32 v3, v3;
	v1 =	vnsel vm0, $0x0, v1;
	v2 =	vnsel vm0, $0x0, v2  }
0x482: {  	v1 =	vadd.f32 v2, v1;
	v2 =	vld [tilespmem:$0x60]  }
0x483: {  	v5 =	vadd.f32 $-5.000000000e+01, v5;
	v4 =	vmul.f32 v4, v4;
	v3 =	vnsel vm0, $0x0, v3  }
0x484: {  	v1 =	vadd.f32 v3, v1;
	v3 =	vld [tilespmem:$0x70]  }
0x485: {  	v6 =	vadd.f32 $-5.000000000e+01, v6;
	v5 =	vmul.f32 v5, v5;
	v4 =	vnsel vm0, $0x0, v4  }
0x486: {  	v1 =	vadd.f32 v4, v1  }
0x487: {  	v62 =	vmul.f32 v6, v6;
	v61 =	vnsel vm0, $0x0, v5;
	v2 =	vadd.f32 $-5.000000000e+01, v2  }
0x488: {  	v1 =	vadd.f32 v61, v1  }
0x489: {  	v63 =	vnsel vm0, $0x0, v62;
	v2 =	vmul.f32 v2, v2;
	v3 =	vadd.f32 $-5.000000000e+01, v3  }
0x48a: {  	v1 =	vadd.f32 v63, v1  }
0x48b: {  	v2 =	vnsel vm0, $0x0, v2;
	v3 =	vmul.f32 v3, v3  }
0x48c: {  	v1 =	vadd.f32 v2, v1  }
0x48d: {  	v2 =	vnsel vm0, $0x0, v3  }
0x48e: {  	v1 =	vadd.f32 v2, v1;
	_ =	sdelay $0x1  }
.Ltmp18:
0x48f: {  	s30 =	simm.s32 $0x2760;
	s24 =	rddreg [dreg:$0x2];
	[tilespmem:$0x2760] =	vst v1;
	(pc) =	sbr.rel .LBB2_28-.Ltmp18, $4  }
0x490: {  	[hbm4b:s24+s5] =	stream.linear.scatter [tilespmem:s30], [sflag:$0x5], $0x10, $0x38;
	[tilespmem:$0x1EB00] =	vst v63  }
0x491: {  	_ =	swait.ge [sflag:s16], $0x10  }
0x492: {  	[sflag:s16] =	ssyncset.done $0x0  }
0x493: {  	[sflag:s16] =	ssyncadd.s32 $0xFFFFFFF0  }
.LBB2_29:
0x494: {  	_ =	sfence.sel $0x180000  }
0x495: {  	[bflag:$0x0] =	sbarrier.arrive $0xFFFF  }
0x496: {  	_ =	strace $0x90000047  }
0x497: {  	s0 =	stileid.u32;
	[bflag:$0x2] =	sbarrier.arrive $0xFFFF  }
0x498: {  	p0 =	sne.s32 s0, $0x0;
	s0 =	rddreg [dreg:$0x3]  }
0x499: {  	s0 =	sadd.s32 @!p0 $0x100000, s0  }
0x49a: {  	[sflag:s0] =	ssyncadd.tile.s32 @!p0 $0x1;
	_ =	shalt  }
.Lfunc_end2:
_tile_overlayer_lowered:
.L_overlay_start_2:
0x49b: {  	(tag) =	ssettag $0x2  }
0x49c: {  	s0 =	rddreg [dreg:$0x0];
	s2 =	stileid.u32  }
0x49d: {  	s1 =	rddreg [dreg:$0x1];
	p0 =	sne.s32 s2, $0x0  }
0x49e: {  	s3 =	rddreg [dreg:$0x2];
	[bflag:$0x3] =	sbarrier.arrive $0xFFFF;
	s2 =	simm.s32 @!p0 $0x1C05  }
0x49f: {  	[timem:s3], [sflag:s2] =	dma.local @!p0 [hbm:s0], s1  }
0x4a0: {  	s0 =	simm.s32 @!p0 $0x5  }
0x4a1: {  	_ =	swait.ge @!p0 [sflag:s0], s1  }
0x4a2: {  	s1 =	ssub.s32 @!p0 $0x0, s1;
	[sflag:s0] =	ssyncset.done @!p0 $0x0  }
0x4a3: {  	[sflag:s0] =	ssyncadd.s32 @!p0 s1  }
0x4a4: {  	[bflag:$0x3] =	sbarrier.arrive $0xFFFF  }
0x4a5: {  	_ =	shalt  }

</sc_bundles>
